<compile_context>
chip_gen: v7x
topology: tpu7x:2x2x1
jax: 0.10.2.dev20260603
libtpu: 0.0.44.dev20260713+nightly
codegen_flags: <defaults>
</compile_context>

<pallas_src>
import functools

import jax
import jax.numpy as jnp
from jax import lax
from jax.experimental import pallas as pl
from jax.experimental.pallas import tpu as pltpu
from jax.experimental.pallas import tpu_sc as plsc

NC = 2
NS = 16
CK = 128
SPLIT = 104
GG = 16
NG = 10
NR = 4


def _sc_segment_accumulate(tbl, idx, zro, *, r_acc, d_t):
    rows_main = 8 * (-(-r_acc // (NS * 8)))
    rows_last = r_acc - (NS - 1) * rows_main
    assert rows_last > 0
    mesh = plsc.VectorSubcoreMesh(core_axis_name="c", subcore_axis_name="s")

    @functools.partial(
        pl.kernel,
        out_type=jax.ShapeDtypeStruct((NC, r_acc, d_t), jnp.float32),
        mesh=mesh,
        scratch_types=[
            pltpu.VMEM((GG, 2, CK), jnp.int32),
            pltpu.VMEM((GG, 2, CK), jnp.int32),
            pltpu.VMEM((CK, d_t), jnp.float32),
            pltpu.VMEM((CK, d_t), jnp.float32),
            pltpu.VMEM((CK, d_t), jnp.float32),
            pltpu.VMEM((CK, d_t), jnp.float32),
            pltpu.VMEM_SHARED((r_acc, d_t), jnp.float32),
            pltpu.SemaphoreType.DMA,
            pltpu.SemaphoreType.DMA,
            pltpu.SemaphoreType.DMA,
            pltpu.SemaphoreType.DMA,
            pltpu.SemaphoreType.DMA,
            pltpu.SemaphoreType.DMA,
        ],
        compiler_params=pltpu.CompilerParams(use_tc_tiling_on_sc=False),
    )
    def body(tbl_hbm, idx_hbm, zro_hbm, acc_out, idx_a, idx_b,
             rows0, rows1, rows2, rows3, acc_sh, semi_a, semi_b,
             sem0, sem1, sem2, sem3):
        cid = lax.axis_index("c")
        sid = lax.axis_index("s")
        rbase = pl.multiple_of(sid * rows_main, 8)

        @pl.when(sid < NS - 1)
        def _init_main():
            pltpu.sync_copy(zro_hbm.at[pl.ds(rbase, rows_main)],
                            acc_sh.at[pl.ds(rbase, rows_main)])

        @pl.when(sid == NS - 1)
        def _init_last():
            pltpu.sync_copy(zro_hbm.at[pl.ds((NS - 1) * rows_main, rows_last)],
                            acc_sh.at[pl.ds((NS - 1) * rows_main, rows_last)])

        plsc.subcore_barrier()

        rows = (rows0, rows1, rows2, rows3)
        gsems = (sem0, sem1, sem2, sem3)
        idxs = (idx_a, idx_b)
        isems = (semi_a, semi_b)

        def start_gather(idx_v, j, b):
            pltpu.async_copy(tbl_hbm.at[cid].at[idx_v.at[j, 0]],
                             rows[b], gsems[b])

        def wait_gather(b):
            pltpu.make_async_copy(tbl_hbm.at[cid, pl.ds(0, CK)],
                                  rows[b], gsems[b]).wait()

        def scatter(idx_v, j, b):
            pltpu.sync_copy(rows[b], acc_sh.at[idx_v.at[j, 1]], add=True)

        pltpu.sync_copy(idx_hbm.at[sid, 0], idx_a)

        for p in range(NG):
            cur, nxt = idxs[p % 2], idxs[(p + 1) % 2]
            if p + 1 < NG:
                pltpu.async_copy(idx_hbm.at[sid, p + 1], nxt,
                                 isems[(p + 1) % 2])
            for b in range(NR - 1):
                start_gather(cur, b, b)

            @pl.loop(0, GG, step=NR)
            def _step(j, cur=cur):
                start_gather(cur, j + NR - 1, NR - 1)
                for k in range(NR):
                    wait_gather(k)
                    scatter(cur, j + k, k)
                    if k < NR - 1:
                        @pl.when(j + k + NR < GG)
                        def _refill(cur=cur, j=j, k=k):
                            start_gather(cur, j + k + NR, k)

            if p + 1 < NG:
                pltpu.make_async_copy(idx_hbm.at[sid, 0], nxt,
                                      isems[(p + 1) % 2]).wait()

        plsc.subcore_barrier()

        @pl.when(sid < NS - 1)
        def _wb_main():
            pltpu.sync_copy(acc_sh.at[pl.ds(rbase, rows_main)],
                            acc_out.at[cid, pl.ds(rbase, rows_main)])

        @pl.when(sid == NS - 1)
        def _wb_last():
            pltpu.sync_copy(acc_sh.at[pl.ds((NS - 1) * rows_main, rows_last)],
                            acc_out.at[cid, pl.ds((NS - 1) * rows_main,
                                                  rows_last)])

    return body(tbl, idx, zro)


def _tc_gates(acc, x, h, c, wx, wxr, wh, whr, bias, fcw, fcb, *, n, d_in, d_h):
    d_t = acc.shape[-1]
    blk = 2000
    grid = (n // blk,)

    def body(acc_ref, x_ref, h_ref, c_ref, wx_ref, wxr_ref, wh_ref, whr_ref,
             b_ref, fcw_ref, fcb_ref, out_ref, hn_ref, cn_ref):
        s = jnp.concatenate([acc_ref[0, :, :SPLIT], acc_ref[1]], axis=-1)
        deg = jnp.maximum(s[:, d_in + d_h:d_in + d_h + 1], 1.0)
        inv = 1.0 / deg
        zx = s[:, :d_in] * inv
        zh = s[:, d_in:d_in + d_h] * inv
        pre = (jnp.dot(zx, wx_ref[...], preferred_element_type=jnp.float32)
               + jnp.dot(x_ref[...], wxr_ref[...],
                         preferred_element_type=jnp.float32)
               + jnp.dot(zh, wh_ref[...], preferred_element_type=jnp.float32)
               + jnp.dot(h_ref[...], whr_ref[...],
                         preferred_element_type=jnp.float32)
               + b_ref[...])
        ig = jax.nn.sigmoid(pre[:, :d_h])
        fg = jax.nn.sigmoid(pre[:, d_h:2 * d_h])
        tg = jnp.tanh(pre[:, 2 * d_h:3 * d_h])
        og = jax.nn.sigmoid(pre[:, 3 * d_h:])
        cn = fg * c_ref[...] + ig * tg
        hn = og * jnp.tanh(cn)
        r = jnp.maximum(hn, 0.0)
        out_ref[...] = (jnp.sum(r * fcw_ref[...], axis=1, keepdims=True)
                        + fcb_ref[0, 0])
        hn_ref[...] = hn
        cn_ref[...] = cn

    full = lambda shape: pl.BlockSpec(shape, lambda i: tuple(0 for _ in shape))
    return pl.pallas_call(
        body,
        grid=grid,
        in_specs=[
            pl.BlockSpec((NC, blk, d_t), lambda i: (0, i, 0)),
            pl.BlockSpec((blk, d_in), lambda i: (i, 0)),
            pl.BlockSpec((blk, d_h), lambda i: (i, 0)),
            pl.BlockSpec((blk, d_h), lambda i: (i, 0)),
            full((d_in, 4 * d_h)),
            full((d_in, 4 * d_h)),
            full((d_h, 4 * d_h)),
            full((d_h, 4 * d_h)),
            full((1, 4 * d_h)),
            full((1, d_h)),
            full((1, 1)),
        ],
        out_specs=[
            pl.BlockSpec((blk, 1), lambda i: (i, 0)),
            pl.BlockSpec((blk, d_h), lambda i: (i, 0)),
            pl.BlockSpec((blk, d_h), lambda i: (i, 0)),
        ],
        out_shape=[
            jax.ShapeDtypeStruct((n, 1), jnp.float32),
            jax.ShapeDtypeStruct((n, d_h), jnp.float32),
            jax.ShapeDtypeStruct((n, d_h), jnp.float32),
        ],
    )(acc, x, h, c, wx, wxr, wh, whr, bias, fcw, fcb)


def kernel(x, edge_index, edge_weight, h, c,
           Wxi, Wxi_root, bxi, Whi, Whi_root, bhi,
           Wxf, Wxf_root, bxf, Whf, Whf_root, bhf,
           Wxc, Wxc_root, bxc, Whc, Whc_root, bhc,
           Wxo, Wxo_root, bxo, Who, Who_root, bho,
           fc_w, fc_b):
    n, d_in = x.shape
    d_h = h.shape[1]
    e = edge_index.shape[1]

    e_pad = NS * NG * GG * CK
    r_acc = 8 * (-(-(n + 1) // 8))
    d_full = 16 * (-(-(d_in + d_h + 1) // 16))
    d_t = d_full - SPLIT

    src = jnp.concatenate(
        [edge_index[0], jnp.full((e_pad - e,), n, jnp.int32)])
    dst = jnp.concatenate(
        [edge_index[1], jnp.full((e_pad - e,), n, jnp.int32)])
    idx = jnp.stack([src.reshape(NS, NG, GG, CK),
                     dst.reshape(NS, NG, GG, CK)], axis=3)

    tbl = jnp.zeros((NC, r_acc, d_t), jnp.float32)
    tbl = tbl.at[0, :n, :SPLIT].set(x[:, :SPLIT])
    tbl = tbl.at[1, :n, :d_in - SPLIT].set(x[:, SPLIT:])
    tbl = tbl.at[1, :n, d_in - SPLIT:d_in - SPLIT + d_h].set(h)
    tbl = tbl.at[1, :n, d_in - SPLIT + d_h].set(1.0)
    zro = jnp.zeros((r_acc, d_t), jnp.float32)

    acc = _sc_segment_accumulate(tbl, idx, zro, r_acc=r_acc, d_t=d_t)

    wx = jnp.concatenate([Wxi, Wxf, Wxc, Wxo], axis=1)
    wxr = jnp.concatenate([Wxi_root, Wxf_root, Wxc_root, Wxo_root], axis=1)
    wh = jnp.concatenate([Whi, Whf, Whc, Who], axis=1)
    whr = jnp.concatenate([Whi_root, Whf_root, Whc_root, Who_root], axis=1)
    bias = jnp.concatenate(
        [bxi + bhi, bxf + bhf, bxc + bhc, bxo + bho])[None, :]

    out, h_new, c_new = _tc_gates(acc, x, h, c, wx, wxr, wh, whr, bias,
                                  fc_w, fc_b.reshape(1, 1),
                                  n=n, d_in=d_in, d_h=d_h)
    return (out, h_new, c_new)

# --- scband reference (transcript-rebuilt; emitter-appended) ---
"""Pipeline reference for scband-lrgcnmodel-49529562857562 (READ-ONLY COPY).

The authoritative reference and input builder live on the scoring server;
editing this copy changes nothing except your own understanding.
"""

import jax, jax.numpy as jnp
import numpy as np

N = 10000
E = 320000
D_IN = 128
D_H = 64


def setup_inputs(seed: int = 0):
    key = jax.random.key(seed)
    k = iter(jax.random.split(key, 64))
    inp = {}
    inp['x'] = jax.random.normal(next(k), (N, D_IN), dtype=jnp.float32)
    inp['edge_index'] = jax.random.randint(next(k), (2, E), 0, N)
    inp['edge_weight'] = jnp.zeros((E,), dtype=jnp.int32)  # edge_type; num_relations=1 -> all zeros
    inp['h'] = jax.random.normal(next(k), (N, D_H), dtype=jnp.float32)
    inp['c'] = jax.random.normal(next(k), (N, D_H), dtype=jnp.float32)
    for g in ['i', 'f', 'c', 'o']:
        din = D_IN
        inp['Wx' + g] = 0.1 * jax.random.normal(next(k), (din, D_H), dtype=jnp.float32)
        inp['Wx' + g + '_root'] = 0.1 * jax.random.normal(next(k), (din, D_H), dtype=jnp.float32)
        inp['bx' + g] = jnp.zeros((D_H,), dtype=jnp.float32)
        inp['Wh' + g] = 0.1 * jax.random.normal(next(k), (D_H, D_H), dtype=jnp.float32)
        inp['Wh' + g + '_root'] = 0.1 * jax.random.normal(next(k), (D_H, D_H), dtype=jnp.float32)
        inp['bh' + g] = jnp.zeros((D_H,), dtype=jnp.float32)
    inp['fc_w'] = 0.1 * jax.random.normal(next(k), (1, D_H), dtype=jnp.float32)
    inp['fc_b'] = jnp.zeros((1,), dtype=jnp.float32)
    return inp


def _rgcn(x, src, dst, W, Wroot, b):
    # RGCNConv with num_relations=1, num_bases=1: mean-aggregated relation message + root transform + bias
    msg = x[src] @ W
    agg = jax.ops.segment_sum(msg, dst, num_segments=N)
    deg = jax.ops.segment_sum(jnp.ones((src.shape[0],), x.dtype), dst, num_segments=N)
    deg = jnp.clip(deg, 1.0, None)[:, None]
    return agg / deg + x @ Wroot + b


def reference(x, edge_index, edge_weight, h, c,
              Wxi, Wxi_root, bxi, Whi, Whi_root, bhi,
              Wxf, Wxf_root, bxf, Whf, Whf_root, bhf,
              Wxc, Wxc_root, bxc, Whc, Whc_root, bhc,
              Wxo, Wxo_root, bxo, Who, Who_root, bho,
              fc_w, fc_b):
    src = edge_index[0]
    dst = edge_index[1]
    # edge_weight is used as edge_type by LRGCN; with num_relations=1 every edge is relation 0,
    # so all edges participate in the single relation's propagation.
    i_g = jax.nn.sigmoid(_rgcn(x, src, dst, Wxi, Wxi_root, bxi) + _rgcn(h, src, dst, Whi, Whi_root, bhi))
    f_g = jax.nn.sigmoid(_rgcn(x, src, dst, Wxf, Wxf_root, bxf) + _rgcn(h, src, dst, Whf, Whf_root, bhf))
    t_g = jnp.tanh(_rgcn(x, src, dst, Wxc, Wxc_root, bxc) + _rgcn(h, src, dst, Whc, Whc_root, bhc))
    c_new = f_g * c + i_g * t_g
    o_g = jax.nn.sigmoid(_rgcn(x, src, dst, Wxo, Wxo_root, bxo) + _rgcn(h, src, dst, Who, Who_root, bho))
    h_new = o_g * jnp.tanh(c_new)
    out = jax.nn.relu(h_new) @ fc_w.T + fc_b
    return (out, h_new, c_new)

if __name__ == "__main__":
    import jax
    _d = setup_inputs()
    print(jax.jit(kernel)(*tuple(_d.values())))

</pallas_src>

<mosaic_0001>
#map = affine_map<(d0, d1) -> (0, 0, 0)>
#map1 = affine_map<(d0, d1) -> (0, 0, 0, 0, 0)>
#map2 = affine_map<(d0, d1) -> (0, 0)>
module attributes {stable_mosaic.version = 14 : i64} {
  func.func @body(%arg0: i32, %arg1: i32, %arg2: memref<2x10008x104xf32, #tpu.memory_space<hbm>>, %arg3: memref<16x10x16x2x128xi32, #tpu.memory_space<hbm>>, %arg4: memref<10008x104xf32, #tpu.memory_space<hbm>>, %arg5: memref<2x10008x104xf32, #tpu.memory_space<hbm>>, %arg6: memref<16x2x128xi32, #tpu.memory_space<vmem>>, %arg7: memref<16x2x128xi32, #tpu.memory_space<vmem>>, %arg8: memref<128x104xf32, #tpu.memory_space<vmem>>, %arg9: memref<128x104xf32, #tpu.memory_space<vmem>>, %arg10: memref<128x104xf32, #tpu.memory_space<vmem>>, %arg11: memref<128x104xf32, #tpu.memory_space<vmem>>, %arg12: memref<10008x104xf32, #tpu.memory_space<vmem_shared>>, %arg13: memref<!tpu.dma_semaphore, #tpu.memory_space<semaphore_mem>>, %arg14: memref<!tpu.dma_semaphore, #tpu.memory_space<semaphore_mem>>, %arg15: memref<!tpu.dma_semaphore, #tpu.memory_space<semaphore_mem>>, %arg16: memref<!tpu.dma_semaphore, #tpu.memory_space<semaphore_mem>>, %arg17: memref<!tpu.dma_semaphore, #tpu.memory_space<semaphore_mem>>, %arg18: memref<!tpu.dma_semaphore, #tpu.memory_space<semaphore_mem>>) attributes {dimension_semantics = [#tpu.dimension_semantics<core_parallel>, #tpu.dimension_semantics<subcore_parallel>], iteration_bounds = array<i64: 2, 16>, scalar_prefetch = 0 : i64, scratch_operands = 13 : i64, tpu.core_type = #tpu.core_type<sc_vector_subcore>, window_params = [{transform_indices = #map}, {transform_indices = #map1}, {transform_indices = #map2}, {transform_indices = #map}]} {
    %mul3A = arith.constant 632 : i32
    %mul3A_0 = arith.muli %arg1, %mul3A : i32
    %multiple_of3A = tpu.assume_multiple %mul3A_0, 8 : i32
    %lt3A = arith.constant 15 : i32
    %lt3A_1 = arith.cmpi slt, %arg1, %lt3A : i32
    %convert_element_type3A = arith.extui %lt3A_1 : i1 to i32
    %cond3A = arith.constant 0 : i32
    %cond3A_2 = arith.cmpi ne, %convert_element_type3A, %cond3A : i32
    scf.if %cond3A_2 {
      "tpu.region"() ({
        %run_scoped3A_623 = tpu.sem_alloc : memref<!tpu.dma_semaphore, #tpu.memory_space<semaphore_mem>>
        %dma_start3A_624 = arith.constant 0 : i32
        %dma_start3A_625 = tpu.memref_slice %arg12[%multiple_of3A, %dma_start3A_624] : memref<10008x104xf32, #tpu.memory_space<vmem_shared>> -> memref<632x104xf32, #tpu.memory_space<vmem_shared>>
        %dma_start3A_626 = arith.constant 0 : i32
        %dma_start3A_627 = tpu.memref_slice %arg4[%multiple_of3A, %dma_start3A_626] : memref<10008x104xf32, #tpu.memory_space<hbm>> -> memref<632x104xf32, #tpu.memory_space<hbm>>
        tpu.enqueue_dma source(%dma_start3A_627 : memref<632x104xf32, #tpu.memory_space<hbm>>) target(%dma_start3A_625 : memref<632x104xf32, #tpu.memory_space<vmem_shared>>) target_semaphore(%run_scoped3A_623 : memref<!tpu.dma_semaphore, #tpu.memory_space<semaphore_mem>>)
        %dma_wait3A_628 = arith.constant 0 : i32
        %dma_wait3A_629 = tpu.memref_slice %arg12[%multiple_of3A, %dma_wait3A_628] : memref<10008x104xf32, #tpu.memory_space<vmem_shared>> -> memref<632x104xf32, #tpu.memory_space<vmem_shared>>
        %dma_wait3A_630 = arith.constant 0 : i32
        %dma_wait3A_631 = tpu.memref_slice %arg4[%multiple_of3A, %dma_wait3A_630] : memref<10008x104xf32, #tpu.memory_space<hbm>> -> memref<632x104xf32, #tpu.memory_space<hbm>>
        tpu.wait_dma2 semaphore(%run_scoped3A_623 : memref<!tpu.dma_semaphore, #tpu.memory_space<semaphore_mem>>) src(%dma_wait3A_631 : memref<632x104xf32, #tpu.memory_space<hbm>>) dst(%dma_wait3A_629 : memref<632x104xf32, #tpu.memory_space<vmem_shared>>)
        tpu.yield
      }) : () -> ()
    } else {
    }
    %eq3A = arith.constant 15 : i32
    %eq3A_3 = arith.cmpi eq, %arg1, %eq3A : i32
    %convert_element_type3A_4 = arith.extui %eq3A_3 : i1 to i32
    %cond3A_5 = arith.constant 0 : i32
    %cond3A_6 = arith.cmpi ne, %convert_element_type3A_4, %cond3A_5 : i32
    scf.if %cond3A_6 {
      "tpu.region"() ({
        %run_scoped3A_623 = tpu.sem_alloc : memref<!tpu.dma_semaphore, #tpu.memory_space<semaphore_mem>>
        %dma_start3A_624 = arith.constant 9480 : i32
        %dma_start3A_625 = arith.constant 0 : i32
        %dma_start3A_626 = tpu.memref_slice %arg12[%dma_start3A_624, %dma_start3A_625] : memref<10008x104xf32, #tpu.memory_space<vmem_shared>> -> memref<528x104xf32, #tpu.memory_space<vmem_shared>>
        %dma_start3A_627 = arith.constant 9480 : i32
        %dma_start3A_628 = arith.constant 0 : i32
        %dma_start3A_629 = tpu.memref_slice %arg4[%dma_start3A_627, %dma_start3A_628] : memref<10008x104xf32, #tpu.memory_space<hbm>> -> memref<528x104xf32, #tpu.memory_space<hbm>>
        tpu.enqueue_dma source(%dma_start3A_629 : memref<528x104xf32, #tpu.memory_space<hbm>>) target(%dma_start3A_626 : memref<528x104xf32, #tpu.memory_space<vmem_shared>>) target_semaphore(%run_scoped3A_623 : memref<!tpu.dma_semaphore, #tpu.memory_space<semaphore_mem>>)
        %dma_wait3A_630 = arith.constant 9480 : i32
        %dma_wait3A_631 = arith.constant 0 : i32
        %dma_wait3A_632 = tpu.memref_slice %arg12[%dma_wait3A_630, %dma_wait3A_631] : memref<10008x104xf32, #tpu.memory_space<vmem_shared>> -> memref<528x104xf32, #tpu.memory_space<vmem_shared>>
        %dma_wait3A_633 = arith.constant 9480 : i32
        %dma_wait3A_634 = arith.constant 0 : i32
        %dma_wait3A_635 = tpu.memref_slice %arg4[%dma_wait3A_633, %dma_wait3A_634] : memref<10008x104xf32, #tpu.memory_space<hbm>> -> memref<528x104xf32, #tpu.memory_space<hbm>>
        tpu.wait_dma2 semaphore(%run_scoped3A_623 : memref<!tpu.dma_semaphore, #tpu.memory_space<semaphore_mem>>) src(%dma_wait3A_635 : memref<528x104xf32, #tpu.memory_space<hbm>>) dst(%dma_wait3A_632 : memref<528x104xf32, #tpu.memory_space<vmem_shared>>)
        tpu.yield
      }) : () -> ()
    } else {
    }
    %barrier3A = arith.constant 0 : index
    tpu.barrier barrier_id(%barrier3A)
    %run_scoped3A = arith.constant 0 : i32
    "tpu.region"() ({
      %run_scoped3A_623 = tpu.sem_alloc : memref<!tpu.dma_semaphore, #tpu.memory_space<semaphore_mem>>
      %dma_start3A_624 = arith.constant 0 : i32
      %dma_start3A_625 = arith.constant 0 : i32
      %dma_start3A_626 = arith.constant 0 : i32
      %dma_start3A_627 = tpu.memref_slice %arg3[%arg1, %run_scoped3A, %dma_start3A_624, %dma_start3A_625, %dma_start3A_626] : memref<16x10x16x2x128xi32, #tpu.memory_space<hbm>> -> memref<1x1x16x2x128xi32, #tpu.memory_space<hbm>>
      %dma_start3A_628 = tpu.memref_squeeze %dma_start3A_627 : memref<1x1x16x2x128xi32, #tpu.memory_space<hbm>> -> memref<16x2x128xi32, #tpu.memory_space<hbm>>
      %dma_start3A_629 = arith.constant 0 : i32
      %dma_start3A_630 = arith.constant 0 : i32
      %dma_start3A_631 = arith.constant 0 : i32
      %dma_start3A_632 = tpu.memref_slice %arg3[%arg1, %run_scoped3A, %dma_start3A_629, %dma_start3A_630, %dma_start3A_631] : memref<16x10x16x2x128xi32, #tpu.memory_space<hbm>> -> memref<1x1x16x2x128xi32, #tpu.memory_space<hbm>>
      %dma_start3A_633 = tpu.memref_squeeze %dma_start3A_632 : memref<1x1x16x2x128xi32, #tpu.memory_space<hbm>> -> memref<16x2x128xi32, #tpu.memory_space<hbm>>
      tpu.enqueue_dma source(%dma_start3A_633 : memref<16x2x128xi32, #tpu.memory_space<hbm>>) target(%arg6 : memref<16x2x128xi32, #tpu.memory_space<vmem>>) target_semaphore(%run_scoped3A_623 : memref<!tpu.dma_semaphore, #tpu.memory_space<semaphore_mem>>)
      %dma_wait3A_634 = arith.constant 0 : i32
      %dma_wait3A_635 = arith.constant 0 : i32
      %dma_wait3A_636 = arith.constant 0 : i32
      %dma_wait3A_637 = tpu.memref_slice %arg3[%arg1, %run_scoped3A, %dma_wait3A_634, %dma_wait3A_635, %dma_wait3A_636] : memref<16x10x16x2x128xi32, #tpu.memory_space<hbm>> -> memref<1x1x16x2x128xi32, #tpu.memory_space<hbm>>
      %dma_wait3A_638 = tpu.memref_squeeze %dma_wait3A_637 : memref<1x1x16x2x128xi32, #tpu.memory_space<hbm>> -> memref<16x2x128xi32, #tpu.memory_space<hbm>>
      %dma_wait3A_639 = arith.constant 0 : i32
      %dma_wait3A_640 = arith.constant 0 : i32
      %dma_wait3A_641 = arith.constant 0 : i32
      %dma_wait3A_642 = tpu.memref_slice %arg3[%arg1, %run_scoped3A, %dma_wait3A_639, %dma_wait3A_640, %dma_wait3A_641] : memref<16x10x16x2x128xi32, #tpu.memory_space<hbm>> -> memref<1x1x16x2x128xi32, #tpu.memory_space<hbm>>
      %dma_wait3A_643 = tpu.memref_squeeze %dma_wait3A_642 : memref<1x1x16x2x128xi32, #tpu.memory_space<hbm>> -> memref<16x2x128xi32, #tpu.memory_space<hbm>>
      tpu.wait_dma2 semaphore(%run_scoped3A_623 : memref<!tpu.dma_semaphore, #tpu.memory_space<semaphore_mem>>) src(%dma_wait3A_643 : memref<16x2x128xi32, #tpu.memory_space<hbm>>) dst(%arg6 : memref<16x2x128xi32, #tpu.memory_space<vmem>>)
      tpu.yield
    }) : () -> ()
    %dma_start3A = arith.constant 1 : i32
    %dma_start3A_7 = arith.constant 0 : i32
    %dma_start3A_8 = arith.constant 0 : i32
    %dma_start3A_9 = arith.constant 0 : i32
    %dma_start3A_10 = tpu.memref_slice %arg3[%arg1, %dma_start3A, %dma_start3A_7, %dma_start3A_8, %dma_start3A_9] : memref<16x10x16x2x128xi32, #tpu.memory_space<hbm>> -> memref<1x1x16x2x128xi32, #tpu.memory_space<hbm>>
    %dma_start3A_11 = tpu.memref_squeeze %dma_start3A_10 : memref<1x1x16x2x128xi32, #tpu.memory_space<hbm>> -> memref<16x2x128xi32, #tpu.memory_space<hbm>>
    %dma_start3A_12 = arith.constant 0 : i32
    %dma_start3A_13 = arith.constant 0 : i32
    %dma_start3A_14 = arith.constant 0 : i32
    %dma_start3A_15 = tpu.memref_slice %arg3[%arg1, %dma_start3A, %dma_start3A_12, %dma_start3A_13, %dma_start3A_14] : memref<16x10x16x2x128xi32, #tpu.memory_space<hbm>> -> memref<1x1x16x2x128xi32, #tpu.memory_space<hbm>>
    %dma_start3A_16 = tpu.memref_squeeze %dma_start3A_15 : memref<1x1x16x2x128xi32, #tpu.memory_space<hbm>> -> memref<16x2x128xi32, #tpu.memory_space<hbm>>
    tpu.enqueue_dma source(%dma_start3A_16 : memref<16x2x128xi32, #tpu.memory_space<hbm>>) target(%arg7 : memref<16x2x128xi32, #tpu.memory_space<vmem>>) target_semaphore(%arg14 : memref<!tpu.dma_semaphore, #tpu.memory_space<semaphore_mem>>)
    %dma_start3A_17 = arith.constant 0 : i32
    %dma_start3A_18 = arith.constant 0 : i32
    %dma_start3A_19 = arith.constant 0 : i32
    %dma_start3A_20 = tpu.memref_slice %arg6[%dma_start3A_17, %dma_start3A_18, %dma_start3A_19] : memref<16x2x128xi32, #tpu.memory_space<vmem>> -> memref<1x1x128xi32, #tpu.memory_space<vmem>>
    %dma_start3A_21 = tpu.memref_squeeze %dma_start3A_20 : memref<1x1x128xi32, #tpu.memory_space<vmem>> -> memref<128xi32, #tpu.memory_space<vmem>>
    %dma_start3A_22 = arith.constant 0 : i32
    %dma_start3A_23 = arith.constant 0 : i32
    %dma_start3A_24 = tpu.memref_slice %arg2[%arg0, %dma_start3A_22, %dma_start3A_23] : memref<2x10008x104xf32, #tpu.memory_space<hbm>> -> memref<1x10008x104xf32, #tpu.memory_space<hbm>>
    %dma_start3A_25 = tpu.memref_squeeze %dma_start3A_24 : memref<1x10008x104xf32, #tpu.memory_space<hbm>> -> memref<10008x104xf32, #tpu.memory_space<hbm>>
    %dma_start3A_26 = arith.constant 0 : i32
    %dma_start3A_27 = arith.constant 0 : i32
    %dma_start3A_28 = tpu.memref_slice %dma_start3A_25[%dma_start3A_26, %dma_start3A_27] : memref<10008x104xf32, #tpu.memory_space<hbm>> -> memref<10008x104xf32, #tpu.memory_space<hbm>>
    tpu.enqueue_indirect_dma source(%dma_start3A_28 : memref<10008x104xf32, #tpu.memory_space<hbm>>) target(%arg8 : memref<128x104xf32, #tpu.memory_space<vmem>>) offsets(%dma_start3A_21 : memref<128xi32, #tpu.memory_space<vmem>>) semaphore(%arg15 : memref<!tpu.dma_semaphore, #tpu.memory_space<semaphore_mem>>)
    %dma_start3A_29 = arith.constant 1 : i32
    %dma_start3A_30 = arith.constant 0 : i32
    %dma_start3A_31 = arith.constant 0 : i32
    %dma_start3A_32 = tpu.memref_slice %arg6[%dma_start3A_29, %dma_start3A_30, %dma_start3A_31] : memref<16x2x128xi32, #tpu.memory_space<vmem>> -> memref<1x1x128xi32, #tpu.memory_space<vmem>>
    %dma_start3A_33 = tpu.memref_squeeze %dma_start3A_32 : memref<1x1x128xi32, #tpu.memory_space<vmem>> -> memref<128xi32, #tpu.memory_space<vmem>>
    %dma_start3A_34 = arith.constant 0 : i32
    %dma_start3A_35 = arith.constant 0 : i32
    %dma_start3A_36 = tpu.memref_slice %arg2[%arg0, %dma_start3A_34, %dma_start3A_35] : memref<2x10008x104xf32, #tpu.memory_space<hbm>> -> memref<1x10008x104xf32, #tpu.memory_space<hbm>>
    %dma_start3A_37 = tpu.memref_squeeze %dma_start3A_36 : memref<1x10008x104xf32, #tpu.memory_space<hbm>> -> memref<10008x104xf32, #tpu.memory_space<hbm>>
    %dma_start3A_38 = arith.constant 0 : i32
    %dma_start3A_39 = arith.constant 0 : i32
    %dma_start3A_40 = tpu.memref_slice %dma_start3A_37[%dma_start3A_38, %dma_start3A_39] : memref<10008x104xf32, #tpu.memory_space<hbm>> -> memref<10008x104xf32, #tpu.memory_space<hbm>>
    tpu.enqueue_indirect_dma source(%dma_start3A_40 : memref<10008x104xf32, #tpu.memory_space<hbm>>) target(%arg9 : memref<128x104xf32, #tpu.memory_space<vmem>>) offsets(%dma_start3A_33 : memref<128xi32, #tpu.memory_space<vmem>>) semaphore(%arg16 : memref<!tpu.dma_semaphore, #tpu.memory_space<semaphore_mem>>)
    %dma_start3A_41 = arith.constant 2 : i32
    %dma_start3A_42 = arith.constant 0 : i32
    %dma_start3A_43 = arith.constant 0 : i32
    %dma_start3A_44 = tpu.memref_slice %arg6[%dma_start3A_41, %dma_start3A_42, %dma_start3A_43] : memref<16x2x128xi32, #tpu.memory_space<vmem>> -> memref<1x1x128xi32, #tpu.memory_space<vmem>>
    %dma_start3A_45 = tpu.memref_squeeze %dma_start3A_44 : memref<1x1x128xi32, #tpu.memory_space<vmem>> -> memref<128xi32, #tpu.memory_space<vmem>>
    %dma_start3A_46 = arith.constant 0 : i32
    %dma_start3A_47 = arith.constant 0 : i32
    %dma_start3A_48 = tpu.memref_slice %arg2[%arg0, %dma_start3A_46, %dma_start3A_47] : memref<2x10008x104xf32, #tpu.memory_space<hbm>> -> memref<1x10008x104xf32, #tpu.memory_space<hbm>>
    %dma_start3A_49 = tpu.memref_squeeze %dma_start3A_48 : memref<1x10008x104xf32, #tpu.memory_space<hbm>> -> memref<10008x104xf32, #tpu.memory_space<hbm>>
    %dma_start3A_50 = arith.constant 0 : i32
    %dma_start3A_51 = arith.constant 0 : i32
    %dma_start3A_52 = tpu.memref_slice %dma_start3A_49[%dma_start3A_50, %dma_start3A_51] : memref<10008x104xf32, #tpu.memory_space<hbm>> -> memref<10008x104xf32, #tpu.memory_space<hbm>>
    tpu.enqueue_indirect_dma source(%dma_start3A_52 : memref<10008x104xf32, #tpu.memory_space<hbm>>) target(%arg10 : memref<128x104xf32, #tpu.memory_space<vmem>>) offsets(%dma_start3A_45 : memref<128xi32, #tpu.memory_space<vmem>>) semaphore(%arg17 : memref<!tpu.dma_semaphore, #tpu.memory_space<semaphore_mem>>)
    %scan3A = arith.constant 0 : i32
    %scan3A_53 = arith.constant 4 : i32
    %scan3A_54 = arith.addi %scan3A, %scan3A_53 : i32
    %scan3A_55 = arith.constant 1 : i32
    scf.for %scan3A_623 = %scan3A to %scan3A_54 step %scan3A_55  : i32 {
      %mul3A_624 = arith.constant 4 : i32
      %mul3A_625 = arith.muli %scan3A_623, %mul3A_624 : i32
      %add3A = arith.constant 0 : i32
      %add3A_626 = arith.addi %add3A, %mul3A_625 : i32
      %add3A_627 = arith.constant 4 : i32
      %add3A_628 = arith.addi %add3A_626, %add3A_627 : i32
      %sub3A = arith.constant 1 : i32
      %sub3A_629 = arith.subi %add3A_628, %sub3A : i32
      %dma_start3A_630 = arith.constant 0 : i32
      %dma_start3A_631 = arith.constant 0 : i32
      %dma_start3A_632 = tpu.memref_slice %arg6[%sub3A_629, %dma_start3A_630, %dma_start3A_631] : memref<16x2x128xi32, #tpu.memory_space<vmem>> -> memref<1x1x128xi32, #tpu.memory_space<vmem>>
      %dma_start3A_633 = tpu.memref_squeeze %dma_start3A_632 : memref<1x1x128xi32, #tpu.memory_space<vmem>> -> memref<128xi32, #tpu.memory_space<vmem>>
      %dma_start3A_634 = arith.constant 0 : i32
      %dma_start3A_635 = arith.constant 0 : i32
      %dma_start3A_636 = tpu.memref_slice %arg2[%arg0, %dma_start3A_634, %dma_start3A_635] : memref<2x10008x104xf32, #tpu.memory_space<hbm>> -> memref<1x10008x104xf32, #tpu.memory_space<hbm>>
      %dma_start3A_637 = tpu.memref_squeeze %dma_start3A_636 : memref<1x10008x104xf32, #tpu.memory_space<hbm>> -> memref<10008x104xf32, #tpu.memory_space<hbm>>
      %dma_start3A_638 = arith.constant 0 : i32
      %dma_start3A_639 = arith.constant 0 : i32
      %dma_start3A_640 = tpu.memref_slice %dma_start3A_637[%dma_start3A_638, %dma_start3A_639] : memref<10008x104xf32, #tpu.memory_space<hbm>> -> memref<10008x104xf32, #tpu.memory_space<hbm>>
      tpu.enqueue_indirect_dma source(%dma_start3A_640 : memref<10008x104xf32, #tpu.memory_space<hbm>>) target(%arg11 : memref<128x104xf32, #tpu.memory_space<vmem>>) offsets(%dma_start3A_633 : memref<128xi32, #tpu.memory_space<vmem>>) semaphore(%arg18 : memref<!tpu.dma_semaphore, #tpu.memory_space<semaphore_mem>>)
      %dma_wait3A_641 = arith.constant 0 : i32
      %dma_wait3A_642 = arith.constant 0 : i32
      %dma_wait3A_643 = tpu.memref_slice %arg2[%arg0, %dma_wait3A_641, %dma_wait3A_642] : memref<2x10008x104xf32, #tpu.memory_space<hbm>> -> memref<1x128x104xf32, #tpu.memory_space<hbm>>
      %dma_wait3A_644 = tpu.memref_squeeze %dma_wait3A_643 : memref<1x128x104xf32, #tpu.memory_space<hbm>> -> memref<128x104xf32, #tpu.memory_space<hbm>>
      %dma_wait3A_645 = arith.constant 0 : i32
      %dma_wait3A_646 = arith.constant 0 : i32
      %dma_wait3A_647 = tpu.memref_slice %arg2[%arg0, %dma_wait3A_645, %dma_wait3A_646] : memref<2x10008x104xf32, #tpu.memory_space<hbm>> -> memref<1x128x104xf32, #tpu.memory_space<hbm>>
      %dma_wait3A_648 = tpu.memref_squeeze %dma_wait3A_647 : memref<1x128x104xf32, #tpu.memory_space<hbm>> -> memref<128x104xf32, #tpu.memory_space<hbm>>
      tpu.wait_dma2 semaphore(%arg15 : memref<!tpu.dma_semaphore, #tpu.memory_space<semaphore_mem>>) src(%dma_wait3A_648 : memref<128x104xf32, #tpu.memory_space<hbm>>) dst(%arg8 : memref<128x104xf32, #tpu.memory_space<vmem>>)
      %add3A_649 = arith.constant 0 : i32
      %add3A_650 = arith.addi %add3A_626, %add3A_649 : i32
      %run_scoped3A_651 = arith.constant 1 : i32
      "tpu.region"() ({
        %run_scoped3A_712 = tpu.sem_alloc : memref<!tpu.dma_semaphore, #tpu.memory_space<semaphore_mem>>
        %dma_start3A_713 = arith.constant 0 : i32
        %dma_start3A_714 = tpu.memref_slice %arg6[%add3A_650, %run_scoped3A_651, %dma_start3A_713] : memref<16x2x128xi32, #tpu.memory_space<vmem>> -> memref<1x1x128xi32, #tpu.memory_space<vmem>>
        %dma_start3A_715 = tpu.memref_squeeze %dma_start3A_714 : memref<1x1x128xi32, #tpu.memory_space<vmem>> -> memref<128xi32, #tpu.memory_space<vmem>>
        %dma_start3A_716 = arith.constant 0 : i32
        %dma_start3A_717 = arith.constant 0 : i32
        %dma_start3A_718 = tpu.memref_slice %arg12[%dma_start3A_716, %dma_start3A_717] : memref<10008x104xf32, #tpu.memory_space<vmem_shared>> -> memref<10008x104xf32, #tpu.memory_space<vmem_shared>>
        tpu.enqueue_indirect_dma source(%arg8 : memref<128x104xf32, #tpu.memory_space<vmem>>) target(%dma_start3A_718 : memref<10008x104xf32, #tpu.memory_space<vmem_shared>>) offsets(%dma_start3A_715 : memref<128xi32, #tpu.memory_space<vmem>>) semaphore(%run_scoped3A_712 : memref<!tpu.dma_semaphore, #tpu.memory_space<semaphore_mem>>) {add = true}
        %dma_wait3A_719 = arith.constant 0 : i32
        %dma_wait3A_720 = tpu.memref_slice %arg6[%add3A_650, %run_scoped3A_651, %dma_wait3A_719] : memref<16x2x128xi32, #tpu.memory_space<vmem>> -> memref<1x1x128xi32, #tpu.memory_space<vmem>>
        %dma_wait3A_721 = tpu.memref_squeeze %dma_wait3A_720 : memref<1x1x128xi32, #tpu.memory_space<vmem>> -> memref<128xi32, #tpu.memory_space<vmem>>
        %dma_wait3A_722 = arith.constant 0 : i32
        %dma_wait3A_723 = arith.constant 0 : i32
        %dma_wait3A_724 = tpu.memref_slice %arg12[%dma_wait3A_722, %dma_wait3A_723] : memref<10008x104xf32, #tpu.memory_space<vmem_shared>> -> memref<10008x104xf32, #tpu.memory_space<vmem_shared>>
        tpu.wait_indirect_dma semaphore(%run_scoped3A_712 : memref<!tpu.dma_semaphore, #tpu.memory_space<semaphore_mem>>) src(%arg8 : memref<128x104xf32, #tpu.memory_space<vmem>>) dst(%dma_wait3A_724 : memref<10008x104xf32, #tpu.memory_space<vmem_shared>>)
        tpu.yield
      }) : () -> ()
      %add3A_652 = arith.constant 0 : i32
      %add3A_653 = arith.addi %add3A_626, %add3A_652 : i32
      %add3A_654 = arith.constant 4 : i32
      %add3A_655 = arith.addi %add3A_653, %add3A_654 : i32
      %lt3A_656 = arith.constant 16 : i32
      %lt3A_657 = arith.cmpi slt, %add3A_655, %lt3A_656 : i32
      %convert_element_type3A_658 = arith.extui %lt3A_657 : i1 to i32
      %cond3A_659 = arith.constant 0 : i32
      %cond3A_660 = arith.cmpi ne, %convert_element_type3A_658, %cond3A_659 : i32
      scf.if %cond3A_660 {
        %add3A_712 = arith.constant 0 : i32
        %add3A_713 = arith.addi %add3A_626, %add3A_712 : i32
        %add3A_714 = arith.constant 4 : i32
        %add3A_715 = arith.addi %add3A_713, %add3A_714 : i32
        %dma_start3A_716 = arith.constant 0 : i32
        %dma_start3A_717 = arith.constant 0 : i32
        %dma_start3A_718 = tpu.memref_slice %arg6[%add3A_715, %dma_start3A_716, %dma_start3A_717] : memref<16x2x128xi32, #tpu.memory_space<vmem>> -> memref<1x1x128xi32, #tpu.memory_space<vmem>>
        %dma_start3A_719 = tpu.memref_squeeze %dma_start3A_718 : memref<1x1x128xi32, #tpu.memory_space<vmem>> -> memref<128xi32, #tpu.memory_space<vmem>>
        %dma_start3A_720 = arith.constant 0 : i32
        %dma_start3A_721 = arith.constant 0 : i32
        %dma_start3A_722 = tpu.memref_slice %arg2[%arg0, %dma_start3A_720, %dma_start3A_721] : memref<2x10008x104xf32, #tpu.memory_space<hbm>> -> memref<1x10008x104xf32, #tpu.memory_space<hbm>>
        %dma_start3A_723 = tpu.memref_squeeze %dma_start3A_722 : memref<1x10008x104xf32, #tpu.memory_space<hbm>> -> memref<10008x104xf32, #tpu.memory_space<hbm>>
        %dma_start3A_724 = arith.constant 0 : i32
        %dma_start3A_725 = arith.constant 0 : i32
        %dma_start3A_726 = tpu.memref_slice %dma_start3A_723[%dma_start3A_724, %dma_start3A_725] : memref<10008x104xf32, #tpu.memory_space<hbm>> -> memref<10008x104xf32, #tpu.memory_space<hbm>>
        tpu.enqueue_indirect_dma source(%dma_start3A_726 : memref<10008x104xf32, #tpu.memory_space<hbm>>) target(%arg8 : memref<128x104xf32, #tpu.memory_space<vmem>>) offsets(%dma_start3A_719 : memref<128xi32, #tpu.memory_space<vmem>>) semaphore(%arg15 : memref<!tpu.dma_semaphore, #tpu.memory_space<semaphore_mem>>)
      } else {
      }
      %dma_wait3A_661 = arith.constant 0 : i32
      %dma_wait3A_662 = arith.constant 0 : i32
      %dma_wait3A_663 = tpu.memref_slice %arg2[%arg0, %dma_wait3A_661, %dma_wait3A_662] : memref<2x10008x104xf32, #tpu.memory_space<hbm>> -> memref<1x128x104xf32, #tpu.memory_space<hbm>>
      %dma_wait3A_664 = tpu.memref_squeeze %dma_wait3A_663 : memref<1x128x104xf32, #tpu.memory_space<hbm>> -> memref<128x104xf32, #tpu.memory_space<hbm>>
      %dma_wait3A_665 = arith.constant 0 : i32
      %dma_wait3A_666 = arith.constant 0 : i32
      %dma_wait3A_667 = tpu.memref_slice %arg2[%arg0, %dma_wait3A_665, %dma_wait3A_666] : memref<2x10008x104xf32, #tpu.memory_space<hbm>> -> memref<1x128x104xf32, #tpu.memory_space<hbm>>
      %dma_wait3A_668 = tpu.memref_squeeze %dma_wait3A_667 : memref<1x128x104xf32, #tpu.memory_space<hbm>> -> memref<128x104xf32, #tpu.memory_space<hbm>>
      tpu.wait_dma2 semaphore(%arg16 : memref<!tpu.dma_semaphore, #tpu.memory_space<semaphore_mem>>) src(%dma_wait3A_668 : memref<128x104xf32, #tpu.memory_space<hbm>>) dst(%arg9 : memref<128x104xf32, #tpu.memory_space<vmem>>)
      %add3A_669 = arith.constant 1 : i32
      %add3A_670 = arith.addi %add3A_626, %add3A_669 : i32
      %run_scoped3A_671 = arith.constant 1 : i32
      "tpu.region"() ({
        %run_scoped3A_712 = tpu.sem_alloc : memref<!tpu.dma_semaphore, #tpu.memory_space<semaphore_mem>>
        %dma_start3A_713 = arith.constant 0 : i32
        %dma_start3A_714 = tpu.memref_slice %arg6[%add3A_670, %run_scoped3A_671, %dma_start3A_713] : memref<16x2x128xi32, #tpu.memory_space<vmem>> -> memref<1x1x128xi32, #tpu.memory_space<vmem>>
        %dma_start3A_715 = tpu.memref_squeeze %dma_start3A_714 : memref<1x1x128xi32, #tpu.memory_space<vmem>> -> memref<128xi32, #tpu.memory_space<vmem>>
        %dma_start3A_716 = arith.constant 0 : i32
        %dma_start3A_717 = arith.constant 0 : i32
        %dma_start3A_718 = tpu.memref_slice %arg12[%dma_start3A_716, %dma_start3A_717] : memref<10008x104xf32, #tpu.memory_space<vmem_shared>> -> memref<10008x104xf32, #tpu.memory_space<vmem_shared>>
        tpu.enqueue_indirect_dma source(%arg9 : memref<128x104xf32, #tpu.memory_space<vmem>>) target(%dma_start3A_718 : memref<10008x104xf32, #tpu.memory_space<vmem_shared>>) offsets(%dma_start3A_715 : memref<128xi32, #tpu.memory_space<vmem>>) semaphore(%run_scoped3A_712 : memref<!tpu.dma_semaphore, #tpu.memory_space<semaphore_mem>>) {add = true}
        %dma_wait3A_719 = arith.constant 0 : i32
        %dma_wait3A_720 = tpu.memref_slice %arg6[%add3A_670, %run_scoped3A_671, %dma_wait3A_719] : memref<16x2x128xi32, #tpu.memory_space<vmem>> -> memref<1x1x128xi32, #tpu.memory_space<vmem>>
        %dma_wait3A_721 = tpu.memref_squeeze %dma_wait3A_720 : memref<1x1x128xi32, #tpu.memory_space<vmem>> -> memref<128xi32, #tpu.memory_space<vmem>>
        %dma_wait3A_722 = arith.constant 0 : i32
        %dma_wait3A_723 = arith.constant 0 : i32
        %dma_wait3A_724 = tpu.memref_slice %arg12[%dma_wait3A_722, %dma_wait3A_723] : memref<10008x104xf32, #tpu.memory_space<vmem_shared>> -> memref<10008x104xf32, #tpu.memory_space<vmem_shared>>
        tpu.wait_indirect_dma semaphore(%run_scoped3A_712 : memref<!tpu.dma_semaphore, #tpu.memory_space<semaphore_mem>>) src(%arg9 : memref<128x104xf32, #tpu.memory_space<vmem>>) dst(%dma_wait3A_724 : memref<10008x104xf32, #tpu.memory_space<vmem_shared>>)
        tpu.yield
      }) : () -> ()
      %add3A_672 = arith.constant 1 : i32
      %add3A_673 = arith.addi %add3A_626, %add3A_672 : i32
      %add3A_674 = arith.constant 4 : i32
      %add3A_675 = arith.addi %add3A_673, %add3A_674 : i32
      %lt3A_676 = arith.constant 16 : i32
      %lt3A_677 = arith.cmpi slt, %add3A_675, %lt3A_676 : i32
      %convert_element_type3A_678 = arith.extui %lt3A_677 : i1 to i32
      %cond3A_679 = arith.constant 0 : i32
      %cond3A_680 = arith.cmpi ne, %convert_element_type3A_678, %cond3A_679 : i32
      scf.if %cond3A_680 {
        %add3A_712 = arith.constant 1 : i32
        %add3A_713 = arith.addi %add3A_626, %add3A_712 : i32
        %add3A_714 = arith.constant 4 : i32
        %add3A_715 = arith.addi %add3A_713, %add3A_714 : i32
        %dma_start3A_716 = arith.constant 0 : i32
        %dma_start3A_717 = arith.constant 0 : i32
        %dma_start3A_718 = tpu.memref_slice %arg6[%add3A_715, %dma_start3A_716, %dma_start3A_717] : memref<16x2x128xi32, #tpu.memory_space<vmem>> -> memref<1x1x128xi32, #tpu.memory_space<vmem>>
        %dma_start3A_719 = tpu.memref_squeeze %dma_start3A_718 : memref<1x1x128xi32, #tpu.memory_space<vmem>> -> memref<128xi32, #tpu.memory_space<vmem>>
        %dma_start3A_720 = arith.constant 0 : i32
        %dma_start3A_721 = arith.constant 0 : i32
        %dma_start3A_722 = tpu.memref_slice %arg2[%arg0, %dma_start3A_720, %dma_start3A_721] : memref<2x10008x104xf32, #tpu.memory_space<hbm>> -> memref<1x10008x104xf32, #tpu.memory_space<hbm>>
        %dma_start3A_723 = tpu.memref_squeeze %dma_start3A_722 : memref<1x10008x104xf32, #tpu.memory_space<hbm>> -> memref<10008x104xf32, #tpu.memory_space<hbm>>
        %dma_start3A_724 = arith.constant 0 : i32
        %dma_start3A_725 = arith.constant 0 : i32
        %dma_start3A_726 = tpu.memref_slice %dma_start3A_723[%dma_start3A_724, %dma_start3A_725] : memref<10008x104xf32, #tpu.memory_space<hbm>> -> memref<10008x104xf32, #tpu.memory_space<hbm>>
        tpu.enqueue_indirect_dma source(%dma_start3A_726 : memref<10008x104xf32, #tpu.memory_space<hbm>>) target(%arg9 : memref<128x104xf32, #tpu.memory_space<vmem>>) offsets(%dma_start3A_719 : memref<128xi32, #tpu.memory_space<vmem>>) semaphore(%arg16 : memref<!tpu.dma_semaphore, #tpu.memory_space<semaphore_mem>>)
      } else {
      }
      %dma_wait3A_681 = arith.constant 0 : i32
      %dma_wait3A_682 = arith.constant 0 : i32
      %dma_wait3A_683 = tpu.memref_slice %arg2[%arg0, %dma_wait3A_681, %dma_wait3A_682] : memref<2x10008x104xf32, #tpu.memory_space<hbm>> -> memref<1x128x104xf32, #tpu.memory_space<hbm>>
      %dma_wait3A_684 = tpu.memref_squeeze %dma_wait3A_683 : memref<1x128x104xf32, #tpu.memory_space<hbm>> -> memref<128x104xf32, #tpu.memory_space<hbm>>
      %dma_wait3A_685 = arith.constant 0 : i32
      %dma_wait3A_686 = arith.constant 0 : i32
      %dma_wait3A_687 = tpu.memref_slice %arg2[%arg0, %dma_wait3A_685, %dma_wait3A_686] : memref<2x10008x104xf32, #tpu.memory_space<hbm>> -> memref<1x128x104xf32, #tpu.memory_space<hbm>>
      %dma_wait3A_688 = tpu.memref_squeeze %dma_wait3A_687 : memref<1x128x104xf32, #tpu.memory_space<hbm>> -> memref<128x104xf32, #tpu.memory_space<hbm>>
      tpu.wait_dma2 semaphore(%arg17 : memref<!tpu.dma_semaphore, #tpu.memory_space<semaphore_mem>>) src(%dma_wait3A_688 : memref<128x104xf32, #tpu.memory_space<hbm>>) dst(%arg10 : memref<128x104xf32, #tpu.memory_space<vmem>>)
      %add3A_689 = arith.constant 2 : i32
      %add3A_690 = arith.addi %add3A_626, %add3A_689 : i32
      %run_scoped3A_691 = arith.constant 1 : i32
      "tpu.region"() ({
        %run_scoped3A_712 = tpu.sem_alloc : memref<!tpu.dma_semaphore, #tpu.memory_space<semaphore_mem>>
        %dma_start3A_713 = arith.constant 0 : i32
        %dma_start3A_714 = tpu.memref_slice %arg6[%add3A_690, %run_scoped3A_691, %dma_start3A_713] : memref<16x2x128xi32, #tpu.memory_space<vmem>> -> memref<1x1x128xi32, #tpu.memory_space<vmem>>
        %dma_start3A_715 = tpu.memref_squeeze %dma_start3A_714 : memref<1x1x128xi32, #tpu.memory_space<vmem>> -> memref<128xi32, #tpu.memory_space<vmem>>
        %dma_start3A_716 = arith.constant 0 : i32
        %dma_start3A_717 = arith.constant 0 : i32
        %dma_start3A_718 = tpu.memref_slice %arg12[%dma_start3A_716, %dma_start3A_717] : memref<10008x104xf32, #tpu.memory_space<vmem_shared>> -> memref<10008x104xf32, #tpu.memory_space<vmem_shared>>
        tpu.enqueue_indirect_dma source(%arg10 : memref<128x104xf32, #tpu.memory_space<vmem>>) target(%dma_start3A_718 : memref<10008x104xf32, #tpu.memory_space<vmem_shared>>) offsets(%dma_start3A_715 : memref<128xi32, #tpu.memory_space<vmem>>) semaphore(%run_scoped3A_712 : memref<!tpu.dma_semaphore, #tpu.memory_space<semaphore_mem>>) {add = true}
        %dma_wait3A_719 = arith.constant 0 : i32
        %dma_wait3A_720 = tpu.memref_slice %arg6[%add3A_690, %run_scoped3A_691, %dma_wait3A_719] : memref<16x2x128xi32, #tpu.memory_space<vmem>> -> memref<1x1x128xi32, #tpu.memory_space<vmem>>
        %dma_wait3A_721 = tpu.memref_squeeze %dma_wait3A_720 : memref<1x1x128xi32, #tpu.memory_space<vmem>> -> memref<128xi32, #tpu.memory_space<vmem>>
        %dma_wait3A_722 = arith.constant 0 : i32
        %dma_wait3A_723 = arith.constant 0 : i32
        %dma_wait3A_724 = tpu.memref_slice %arg12[%dma_wait3A_722, %dma_wait3A_723] : memref<10008x104xf32, #tpu.memory_space<vmem_shared>> -> memref<10008x104xf32, #tpu.memory_space<vmem_shared>>
        tpu.wait_indirect_dma semaphore(%run_scoped3A_712 : memref<!tpu.dma_semaphore, #tpu.memory_space<semaphore_mem>>) src(%arg10 : memref<128x104xf32, #tpu.memory_space<vmem>>) dst(%dma_wait3A_724 : memref<10008x104xf32, #tpu.memory_space<vmem_shared>>)
        tpu.yield
      }) : () -> ()
      %add3A_692 = arith.constant 2 : i32
      %add3A_693 = arith.addi %add3A_626, %add3A_692 : i32
      %add3A_694 = arith.constant 4 : i32
      %add3A_695 = arith.addi %add3A_693, %add3A_694 : i32
      %lt3A_696 = arith.constant 16 : i32
      %lt3A_697 = arith.cmpi slt, %add3A_695, %lt3A_696 : i32
      %convert_element_type3A_698 = arith.extui %lt3A_697 : i1 to i32
      %cond3A_699 = arith.constant 0 : i32
      %cond3A_700 = arith.cmpi ne, %convert_element_type3A_698, %cond3A_699 : i32
      scf.if %cond3A_700 {
        %add3A_712 = arith.constant 2 : i32
        %add3A_713 = arith.addi %add3A_626, %add3A_712 : i32
        %add3A_714 = arith.constant 4 : i32
        %add3A_715 = arith.addi %add3A_713, %add3A_714 : i32
        %dma_start3A_716 = arith.constant 0 : i32
        %dma_start3A_717 = arith.constant 0 : i32
        %dma_start3A_718 = tpu.memref_slice %arg6[%add3A_715, %dma_start3A_716, %dma_start3A_717] : memref<16x2x128xi32, #tpu.memory_space<vmem>> -> memref<1x1x128xi32, #tpu.memory_space<vmem>>
        %dma_start3A_719 = tpu.memref_squeeze %dma_start3A_718 : memref<1x1x128xi32, #tpu.memory_space<vmem>> -> memref<128xi32, #tpu.memory_space<vmem>>
        %dma_start3A_720 = arith.constant 0 : i32
        %dma_start3A_721 = arith.constant 0 : i32
        %dma_start3A_722 = tpu.memref_slice %arg2[%arg0, %dma_start3A_720, %dma_start3A_721] : memref<2x10008x104xf32, #tpu.memory_space<hbm>> -> memref<1x10008x104xf32, #tpu.memory_space<hbm>>
        %dma_start3A_723 = tpu.memref_squeeze %dma_start3A_722 : memref<1x10008x104xf32, #tpu.memory_space<hbm>> -> memref<10008x104xf32, #tpu.memory_space<hbm>>
        %dma_start3A_724 = arith.constant 0 : i32
        %dma_start3A_725 = arith.constant 0 : i32
        %dma_start3A_726 = tpu.memref_slice %dma_start3A_723[%dma_start3A_724, %dma_start3A_725] : memref<10008x104xf32, #tpu.memory_space<hbm>> -> memref<10008x104xf32, #tpu.memory_space<hbm>>
        tpu.enqueue_indirect_dma source(%dma_start3A_726 : memref<10008x104xf32, #tpu.memory_space<hbm>>) target(%arg10 : memref<128x104xf32, #tpu.memory_space<vmem>>) offsets(%dma_start3A_719 : memref<128xi32, #tpu.memory_space<vmem>>) semaphore(%arg17 : memref<!tpu.dma_semaphore, #tpu.memory_space<semaphore_mem>>)
      } else {
      }
      %dma_wait3A_701 = arith.constant 0 : i32
      %dma_wait3A_702 = arith.constant 0 : i32
      %dma_wait3A_703 = tpu.memref_slice %arg2[%arg0, %dma_wait3A_701, %dma_wait3A_702] : memref<2x10008x104xf32, #tpu.memory_space<hbm>> -> memref<1x128x104xf32, #tpu.memory_space<hbm>>
      %dma_wait3A_704 = tpu.memref_squeeze %dma_wait3A_703 : memref<1x128x104xf32, #tpu.memory_space<hbm>> -> memref<128x104xf32, #tpu.memory_space<hbm>>
      %dma_wait3A_705 = arith.constant 0 : i32
      %dma_wait3A_706 = arith.constant 0 : i32
      %dma_wait3A_707 = tpu.memref_slice %arg2[%arg0, %dma_wait3A_705, %dma_wait3A_706] : memref<2x10008x104xf32, #tpu.memory_space<hbm>> -> memref<1x128x104xf32, #tpu.memory_space<hbm>>
      %dma_wait3A_708 = tpu.memref_squeeze %dma_wait3A_707 : memref<1x128x104xf32, #tpu.memory_space<hbm>> -> memref<128x104xf32, #tpu.memory_space<hbm>>
      tpu.wait_dma2 semaphore(%arg18 : memref<!tpu.dma_semaphore, #tpu.memory_space<semaphore_mem>>) src(%dma_wait3A_708 : memref<128x104xf32, #tpu.memory_space<hbm>>) dst(%arg11 : memref<128x104xf32, #tpu.memory_space<vmem>>)
      %add3A_709 = arith.constant 3 : i32
      %add3A_710 = arith.addi %add3A_626, %add3A_709 : i32
      %run_scoped3A_711 = arith.constant 1 : i32
      "tpu.region"() ({
        %run_scoped3A_712 = tpu.sem_alloc : memref<!tpu.dma_semaphore, #tpu.memory_space<semaphore_mem>>
        %dma_start3A_713 = arith.constant 0 : i32
        %dma_start3A_714 = tpu.memref_slice %arg6[%add3A_710, %run_scoped3A_711, %dma_start3A_713] : memref<16x2x128xi32, #tpu.memory_space<vmem>> -> memref<1x1x128xi32, #tpu.memory_space<vmem>>
        %dma_start3A_715 = tpu.memref_squeeze %dma_start3A_714 : memref<1x1x128xi32, #tpu.memory_space<vmem>> -> memref<128xi32, #tpu.memory_space<vmem>>
        %dma_start3A_716 = arith.constant 0 : i32
        %dma_start3A_717 = arith.constant 0 : i32
        %dma_start3A_718 = tpu.memref_slice %arg12[%dma_start3A_716, %dma_start3A_717] : memref<10008x104xf32, #tpu.memory_space<vmem_shared>> -> memref<10008x104xf32, #tpu.memory_space<vmem_shared>>
        tpu.enqueue_indirect_dma source(%arg11 : memref<128x104xf32, #tpu.memory_space<vmem>>) target(%dma_start3A_718 : memref<10008x104xf32, #tpu.memory_space<vmem_shared>>) offsets(%dma_start3A_715 : memref<128xi32, #tpu.memory_space<vmem>>) semaphore(%run_scoped3A_712 : memref<!tpu.dma_semaphore, #tpu.memory_space<semaphore_mem>>) {add = true}
        %dma_wait3A_719 = arith.constant 0 : i32
        %dma_wait3A_720 = tpu.memref_slice %arg6[%add3A_710, %run_scoped3A_711, %dma_wait3A_719] : memref<16x2x128xi32, #tpu.memory_space<vmem>> -> memref<1x1x128xi32, #tpu.memory_space<vmem>>
        %dma_wait3A_721 = tpu.memref_squeeze %dma_wait3A_720 : memref<1x1x128xi32, #tpu.memory_space<vmem>> -> memref<128xi32, #tpu.memory_space<vmem>>
        %dma_wait3A_722 = arith.constant 0 : i32
        %dma_wait3A_723 = arith.constant 0 : i32
        %dma_wait3A_724 = tpu.memref_slice %arg12[%dma_wait3A_722, %dma_wait3A_723] : memref<10008x104xf32, #tpu.memory_space<vmem_shared>> -> memref<10008x104xf32, #tpu.memory_space<vmem_shared>>
        tpu.wait_indirect_dma semaphore(%run_scoped3A_712 : memref<!tpu.dma_semaphore, #tpu.memory_space<semaphore_mem>>) src(%arg11 : memref<128x104xf32, #tpu.memory_space<vmem>>) dst(%dma_wait3A_724 : memref<10008x104xf32, #tpu.memory_space<vmem_shared>>)
        tpu.yield
      }) : () -> ()
    }
    %scan3A_56 = arith.constant 4 : i32
    %dma_wait3A = arith.constant 0 : i32
    %dma_wait3A_57 = arith.constant 0 : i32
    %dma_wait3A_58 = arith.constant 0 : i32
    %dma_wait3A_59 = arith.constant 0 : i32
    %dma_wait3A_60 = tpu.memref_slice %arg3[%arg1, %dma_wait3A, %dma_wait3A_57, %dma_wait3A_58, %dma_wait3A_59] : memref<16x10x16x2x128xi32, #tpu.memory_space<hbm>> -> memref<1x1x16x2x128xi32, #tpu.memory_space<hbm>>
    %dma_wait3A_61 = tpu.memref_squeeze %dma_wait3A_60 : memref<1x1x16x2x128xi32, #tpu.memory_space<hbm>> -> memref<16x2x128xi32, #tpu.memory_space<hbm>>
    %dma_wait3A_62 = arith.constant 0 : i32
    %dma_wait3A_63 = arith.constant 0 : i32
    %dma_wait3A_64 = arith.constant 0 : i32
    %dma_wait3A_65 = tpu.memref_slice %arg3[%arg1, %dma_wait3A, %dma_wait3A_62, %dma_wait3A_63, %dma_wait3A_64] : memref<16x10x16x2x128xi32, #tpu.memory_space<hbm>> -> memref<1x1x16x2x128xi32, #tpu.memory_space<hbm>>
    %dma_wait3A_66 = tpu.memref_squeeze %dma_wait3A_65 : memref<1x1x16x2x128xi32, #tpu.memory_space<hbm>> -> memref<16x2x128xi32, #tpu.memory_space<hbm>>
    tpu.wait_dma2 semaphore(%arg14 : memref<!tpu.dma_semaphore, #tpu.memory_space<semaphore_mem>>) src(%dma_wait3A_66 : memref<16x2x128xi32, #tpu.memory_space<hbm>>) dst(%arg7 : memref<16x2x128xi32, #tpu.memory_space<vmem>>)
    %dma_start3A_67 = arith.constant 2 : i32
    %dma_start3A_68 = arith.constant 0 : i32
    %dma_start3A_69 = arith.constant 0 : i32
    %dma_start3A_70 = arith.constant 0 : i32
    %dma_start3A_71 = tpu.memref_slice %arg3[%arg1, %dma_start3A_67, %dma_start3A_68, %dma_start3A_69, %dma_start3A_70] : memref<16x10x16x2x128xi32, #tpu.memory_space<hbm>> -> memref<1x1x16x2x128xi32, #tpu.memory_space<hbm>>
    %dma_start3A_72 = tpu.memref_squeeze %dma_start3A_71 : memref<1x1x16x2x128xi32, #tpu.memory_space<hbm>> -> memref<16x2x128xi32, #tpu.memory_space<hbm>>
    %dma_start3A_73 = arith.constant 0 : i32
    %dma_start3A_74 = arith.constant 0 : i32
    %dma_start3A_75 = arith.constant 0 : i32
    %dma_start3A_76 = tpu.memref_slice %arg3[%arg1, %dma_start3A_67, %dma_start3A_73, %dma_start3A_74, %dma_start3A_75] : memref<16x10x16x2x128xi32, #tpu.memory_space<hbm>> -> memref<1x1x16x2x128xi32, #tpu.memory_space<hbm>>
    %dma_start3A_77 = tpu.memref_squeeze %dma_start3A_76 : memref<1x1x16x2x128xi32, #tpu.memory_space<hbm>> -> memref<16x2x128xi32, #tpu.memory_space<hbm>>
    tpu.enqueue_dma source(%dma_start3A_77 : memref<16x2x128xi32, #tpu.memory_space<hbm>>) target(%arg6 : memref<16x2x128xi32, #tpu.memory_space<vmem>>) target_semaphore(%arg13 : memref<!tpu.dma_semaphore, #tpu.memory_space<semaphore_mem>>)
    %dma_start3A_78 = arith.constant 0 : i32
    %dma_start3A_79 = arith.constant 0 : i32
    %dma_start3A_80 = arith.constant 0 : i32
    %dma_start3A_81 = tpu.memref_slice %arg7[%dma_start3A_78, %dma_start3A_79, %dma_start3A_80] : memref<16x2x128xi32, #tpu.memory_space<vmem>> -> memref<1x1x128xi32, #tpu.memory_space<vmem>>
    %dma_start3A_82 = tpu.memref_squeeze %dma_start3A_81 : memref<1x1x128xi32, #tpu.memory_space<vmem>> -> memref<128xi32, #tpu.memory_space<vmem>>
    %dma_start3A_83 = arith.constant 0 : i32
    %dma_start3A_84 = arith.constant 0 : i32
    %dma_start3A_85 = tpu.memref_slice %arg2[%arg0, %dma_start3A_83, %dma_start3A_84] : memref<2x10008x104xf32, #tpu.memory_space<hbm>> -> memref<1x10008x104xf32, #tpu.memory_space<hbm>>
    %dma_start3A_86 = tpu.memref_squeeze %dma_start3A_85 : memref<1x10008x104xf32, #tpu.memory_space<hbm>> -> memref<10008x104xf32, #tpu.memory_space<hbm>>
    %dma_start3A_87 = arith.constant 0 : i32
    %dma_start3A_88 = arith.constant 0 : i32
    %dma_start3A_89 = tpu.memref_slice %dma_start3A_86[%dma_start3A_87, %dma_start3A_88] : memref<10008x104xf32, #tpu.memory_space<hbm>> -> memref<10008x104xf32, #tpu.memory_space<hbm>>
    tpu.enqueue_indirect_dma source(%dma_start3A_89 : memref<10008x104xf32, #tpu.memory_space<hbm>>) target(%arg8 : memref<128x104xf32, #tpu.memory_space<vmem>>) offsets(%dma_start3A_82 : memref<128xi32, #tpu.memory_space<vmem>>) semaphore(%arg15 : memref<!tpu.dma_semaphore, #tpu.memory_space<semaphore_mem>>)
    %dma_start3A_90 = arith.constant 1 : i32
    %dma_start3A_91 = arith.constant 0 : i32
    %dma_start3A_92 = arith.constant 0 : i32
    %dma_start3A_93 = tpu.memref_slice %arg7[%dma_start3A_90, %dma_start3A_91, %dma_start3A_92] : memref<16x2x128xi32, #tpu.memory_space<vmem>> -> memref<1x1x128xi32, #tpu.memory_space<vmem>>
    %dma_start3A_94 = tpu.memref_squeeze %dma_start3A_93 : memref<1x1x128xi32, #tpu.memory_space<vmem>> -> memref<128xi32, #tpu.memory_space<vmem>>
    %dma_start3A_95 = arith.constant 0 : i32
    %dma_start3A_96 = arith.constant 0 : i32
    %dma_start3A_97 = tpu.memref_slice %arg2[%arg0, %dma_start3A_95, %dma_start3A_96] : memref<2x10008x104xf32, #tpu.memory_space<hbm>> -> memref<1x10008x104xf32, #tpu.memory_space<hbm>>
    %dma_start3A_98 = tpu.memref_squeeze %dma_start3A_97 : memref<1x10008x104xf32, #tpu.memory_space<hbm>> -> memref<10008x104xf32, #tpu.memory_space<hbm>>
    %dma_start3A_99 = arith.constant 0 : i32
    %dma_start3A_100 = arith.constant 0 : i32
    %dma_start3A_101 = tpu.memref_slice %dma_start3A_98[%dma_start3A_99, %dma_start3A_100] : memref<10008x104xf32, #tpu.memory_space<hbm>> -> memref<10008x104xf32, #tpu.memory_space<hbm>>
    tpu.enqueue_indirect_dma source(%dma_start3A_101 : memref<10008x104xf32, #tpu.memory_space<hbm>>) target(%arg9 : memref<128x104xf32, #tpu.memory_space<vmem>>) offsets(%dma_start3A_94 : memref<128xi32, #tpu.memory_space<vmem>>) semaphore(%arg16 : memref<!tpu.dma_semaphore, #tpu.memory_space<semaphore_mem>>)
    %dma_start3A_102 = arith.constant 2 : i32
    %dma_start3A_103 = arith.constant 0 : i32
    %dma_start3A_104 = arith.constant 0 : i32
    %dma_start3A_105 = tpu.memref_slice %arg7[%dma_start3A_102, %dma_start3A_103, %dma_start3A_104] : memref<16x2x128xi32, #tpu.memory_space<vmem>> -> memref<1x1x128xi32, #tpu.memory_space<vmem>>
    %dma_start3A_106 = tpu.memref_squeeze %dma_start3A_105 : memref<1x1x128xi32, #tpu.memory_space<vmem>> -> memref<128xi32, #tpu.memory_space<vmem>>
    %dma_start3A_107 = arith.constant 0 : i32
    %dma_start3A_108 = arith.constant 0 : i32
    %dma_start3A_109 = tpu.memref_slice %arg2[%arg0, %dma_start3A_107, %dma_start3A_108] : memref<2x10008x104xf32, #tpu.memory_space<hbm>> -> memref<1x10008x104xf32, #tpu.memory_space<hbm>>
    %dma_start3A_110 = tpu.memref_squeeze %dma_start3A_109 : memref<1x10008x104xf32, #tpu.memory_space<hbm>> -> memref<10008x104xf32, #tpu.memory_space<hbm>>
    %dma_start3A_111 = arith.constant 0 : i32
    %dma_start3A_112 = arith.constant 0 : i32
    %dma_start3A_113 = tpu.memref_slice %dma_start3A_110[%dma_start3A_111, %dma_start3A_112] : memref<10008x104xf32, #tpu.memory_space<hbm>> -> memref<10008x104xf32, #tpu.memory_space<hbm>>
    tpu.enqueue_indirect_dma source(%dma_start3A_113 : memref<10008x104xf32, #tpu.memory_space<hbm>>) target(%arg10 : memref<128x104xf32, #tpu.memory_space<vmem>>) offsets(%dma_start3A_106 : memref<128xi32, #tpu.memory_space<vmem>>) semaphore(%arg17 : memref<!tpu.dma_semaphore, #tpu.memory_space<semaphore_mem>>)
    %scan3A_114 = arith.constant 0 : i32
    %scan3A_115 = arith.constant 4 : i32
    %scan3A_116 = arith.addi %scan3A_114, %scan3A_115 : i32
    %scan3A_117 = arith.constant 1 : i32
    scf.for %scan3A_623 = %scan3A_114 to %scan3A_116 step %scan3A_117  : i32 {
      %mul3A_624 = arith.constant 4 : i32
      %mul3A_625 = arith.muli %scan3A_623, %mul3A_624 : i32
      %add3A = arith.constant 0 : i32
      %add3A_626 = arith.addi %add3A, %mul3A_625 : i32
      %add3A_627 = arith.constant 4 : i32
      %add3A_628 = arith.addi %add3A_626, %add3A_627 : i32
      %sub3A = arith.constant 1 : i32
      %sub3A_629 = arith.subi %add3A_628, %sub3A : i32
      %dma_start3A_630 = arith.constant 0 : i32
      %dma_start3A_631 = arith.constant 0 : i32
      %dma_start3A_632 = tpu.memref_slice %arg7[%sub3A_629, %dma_start3A_630, %dma_start3A_631] : memref<16x2x128xi32, #tpu.memory_space<vmem>> -> memref<1x1x128xi32, #tpu.memory_space<vmem>>
      %dma_start3A_633 = tpu.memref_squeeze %dma_start3A_632 : memref<1x1x128xi32, #tpu.memory_space<vmem>> -> memref<128xi32, #tpu.memory_space<vmem>>
      %dma_start3A_634 = arith.constant 0 : i32
      %dma_start3A_635 = arith.constant 0 : i32
      %dma_start3A_636 = tpu.memref_slice %arg2[%arg0, %dma_start3A_634, %dma_start3A_635] : memref<2x10008x104xf32, #tpu.memory_space<hbm>> -> memref<1x10008x104xf32, #tpu.memory_space<hbm>>
      %dma_start3A_637 = tpu.memref_squeeze %dma_start3A_636 : memref<1x10008x104xf32, #tpu.memory_space<hbm>> -> memref<10008x104xf32, #tpu.memory_space<hbm>>
      %dma_start3A_638 = arith.constant 0 : i32
      %dma_start3A_639 = arith.constant 0 : i32
      %dma_start3A_640 = tpu.memref_slice %dma_start3A_637[%dma_start3A_638, %dma_start3A_639] : memref<10008x104xf32, #tpu.memory_space<hbm>> -> memref<10008x104xf32, #tpu.memory_space<hbm>>
      tpu.enqueue_indirect_dma source(%dma_start3A_640 : memref<10008x104xf32, #tpu.memory_space<hbm>>) target(%arg11 : memref<128x104xf32, #tpu.memory_space<vmem>>) offsets(%dma_start3A_633 : memref<128xi32, #tpu.memory_space<vmem>>) semaphore(%arg18 : memref<!tpu.dma_semaphore, #tpu.memory_space<semaphore_mem>>)
      %dma_wait3A_641 = arith.constant 0 : i32
      %dma_wait3A_642 = arith.constant 0 : i32
      %dma_wait3A_643 = tpu.memref_slice %arg2[%arg0, %dma_wait3A_641, %dma_wait3A_642] : memref<2x10008x104xf32, #tpu.memory_space<hbm>> -> memref<1x128x104xf32, #tpu.memory_space<hbm>>
      %dma_wait3A_644 = tpu.memref_squeeze %dma_wait3A_643 : memref<1x128x104xf32, #tpu.memory_space<hbm>> -> memref<128x104xf32, #tpu.memory_space<hbm>>
      %dma_wait3A_645 = arith.constant 0 : i32
      %dma_wait3A_646 = arith.constant 0 : i32
      %dma_wait3A_647 = tpu.memref_slice %arg2[%arg0, %dma_wait3A_645, %dma_wait3A_646] : memref<2x10008x104xf32, #tpu.memory_space<hbm>> -> memref<1x128x104xf32, #tpu.memory_space<hbm>>
      %dma_wait3A_648 = tpu.memref_squeeze %dma_wait3A_647 : memref<1x128x104xf32, #tpu.memory_space<hbm>> -> memref<128x104xf32, #tpu.memory_space<hbm>>
      tpu.wait_dma2 semaphore(%arg15 : memref<!tpu.dma_semaphore, #tpu.memory_space<semaphore_mem>>) src(%dma_wait3A_648 : memref<128x104xf32, #tpu.memory_space<hbm>>) dst(%arg8 : memref<128x104xf32, #tpu.memory_space<vmem>>)
      %add3A_649 = arith.constant 0 : i32
      %add3A_650 = arith.addi %add3A_626, %add3A_649 : i32
      %run_scoped3A_651 = arith.constant 1 : i32
      "tpu.region"() ({
        %run_scoped3A_712 = tpu.sem_alloc : memref<!tpu.dma_semaphore, #tpu.memory_space<semaphore_mem>>
        %dma_start3A_713 = arith.constant 0 : i32
        %dma_start3A_714 = tpu.memref_slice %arg7[%add3A_650, %run_scoped3A_651, %dma_start3A_713] : memref<16x2x128xi32, #tpu.memory_space<vmem>> -> memref<1x1x128xi32, #tpu.memory_space<vmem>>
        %dma_start3A_715 = tpu.memref_squeeze %dma_start3A_714 : memref<1x1x128xi32, #tpu.memory_space<vmem>> -> memref<128xi32, #tpu.memory_space<vmem>>
        %dma_start3A_716 = arith.constant 0 : i32
        %dma_start3A_717 = arith.constant 0 : i32
        %dma_start3A_718 = tpu.memref_slice %arg12[%dma_start3A_716, %dma_start3A_717] : memref<10008x104xf32, #tpu.memory_space<vmem_shared>> -> memref<10008x104xf32, #tpu.memory_space<vmem_shared>>
        tpu.enqueue_indirect_dma source(%arg8 : memref<128x104xf32, #tpu.memory_space<vmem>>) target(%dma_start3A_718 : memref<10008x104xf32, #tpu.memory_space<vmem_shared>>) offsets(%dma_start3A_715 : memref<128xi32, #tpu.memory_space<vmem>>) semaphore(%run_scoped3A_712 : memref<!tpu.dma_semaphore, #tpu.memory_space<semaphore_mem>>) {add = true}
        %dma_wait3A_719 = arith.constant 0 : i32
        %dma_wait3A_720 = tpu.memref_slice %arg7[%add3A_650, %run_scoped3A_651, %dma_wait3A_719] : memref<16x2x128xi32, #tpu.memory_space<vmem>> -> memref<1x1x128xi32, #tpu.memory_space<vmem>>
        %dma_wait3A_721 = tpu.memref_squeeze %dma_wait3A_720 : memref<1x1x128xi32, #tpu.memory_space<vmem>> -> memref<128xi32, #tpu.memory_space<vmem>>
        %dma_wait3A_722 = arith.constant 0 : i32
        %dma_wait3A_723 = arith.constant 0 : i32
        %dma_wait3A_724 = tpu.memref_slice %arg12[%dma_wait3A_722, %dma_wait3A_723] : memref<10008x104xf32, #tpu.memory_space<vmem_shared>> -> memref<10008x104xf32, #tpu.memory_space<vmem_shared>>
        tpu.wait_indirect_dma semaphore(%run_scoped3A_712 : memref<!tpu.dma_semaphore, #tpu.memory_space<semaphore_mem>>) src(%arg8 : memref<128x104xf32, #tpu.memory_space<vmem>>) dst(%dma_wait3A_724 : memref<10008x104xf32, #tpu.memory_space<vmem_shared>>)
        tpu.yield
      }) : () -> ()
      %add3A_652 = arith.constant 0 : i32
      %add3A_653 = arith.addi %add3A_626, %add3A_652 : i32
      %add3A_654 = arith.constant 4 : i32
      %add3A_655 = arith.addi %add3A_653, %add3A_654 : i32
      %lt3A_656 = arith.constant 16 : i32
      %lt3A_657 = arith.cmpi slt, %add3A_655, %lt3A_656 : i32
      %convert_element_type3A_658 = arith.extui %lt3A_657 : i1 to i32
      %cond3A_659 = arith.constant 0 : i32
      %cond3A_660 = arith.cmpi ne, %convert_element_type3A_658, %cond3A_659 : i32
      scf.if %cond3A_660 {
        %add3A_712 = arith.constant 0 : i32
        %add3A_713 = arith.addi %add3A_626, %add3A_712 : i32
        %add3A_714 = arith.constant 4 : i32
        %add3A_715 = arith.addi %add3A_713, %add3A_714 : i32
        %dma_start3A_716 = arith.constant 0 : i32
        %dma_start3A_717 = arith.constant 0 : i32
        %dma_start3A_718 = tpu.memref_slice %arg7[%add3A_715, %dma_start3A_716, %dma_start3A_717] : memref<16x2x128xi32, #tpu.memory_space<vmem>> -> memref<1x1x128xi32, #tpu.memory_space<vmem>>
        %dma_start3A_719 = tpu.memref_squeeze %dma_start3A_718 : memref<1x1x128xi32, #tpu.memory_space<vmem>> -> memref<128xi32, #tpu.memory_space<vmem>>
        %dma_start3A_720 = arith.constant 0 : i32
        %dma_start3A_721 = arith.constant 0 : i32
        %dma_start3A_722 = tpu.memref_slice %arg2[%arg0, %dma_start3A_720, %dma_start3A_721] : memref<2x10008x104xf32, #tpu.memory_space<hbm>> -> memref<1x10008x104xf32, #tpu.memory_space<hbm>>
        %dma_start3A_723 = tpu.memref_squeeze %dma_start3A_722 : memref<1x10008x104xf32, #tpu.memory_space<hbm>> -> memref<10008x104xf32, #tpu.memory_space<hbm>>
        %dma_start3A_724 = arith.constant 0 : i32
        %dma_start3A_725 = arith.constant 0 : i32
        %dma_start3A_726 = tpu.memref_slice %dma_start3A_723[%dma_start3A_724, %dma_start3A_725] : memref<10008x104xf32, #tpu.memory_space<hbm>> -> memref<10008x104xf32, #tpu.memory_space<hbm>>
        tpu.enqueue_indirect_dma source(%dma_start3A_726 : memref<10008x104xf32, #tpu.memory_space<hbm>>) target(%arg8 : memref<128x104xf32, #tpu.memory_space<vmem>>) offsets(%dma_start3A_719 : memref<128xi32, #tpu.memory_space<vmem>>) semaphore(%arg15 : memref<!tpu.dma_semaphore, #tpu.memory_space<semaphore_mem>>)
      } else {
      }
      %dma_wait3A_661 = arith.constant 0 : i32
      %dma_wait3A_662 = arith.constant 0 : i32
      %dma_wait3A_663 = tpu.memref_slice %arg2[%arg0, %dma_wait3A_661, %dma_wait3A_662] : memref<2x10008x104xf32, #tpu.memory_space<hbm>> -> memref<1x128x104xf32, #tpu.memory_space<hbm>>
      %dma_wait3A_664 = tpu.memref_squeeze %dma_wait3A_663 : memref<1x128x104xf32, #tpu.memory_space<hbm>> -> memref<128x104xf32, #tpu.memory_space<hbm>>
      %dma_wait3A_665 = arith.constant 0 : i32
      %dma_wait3A_666 = arith.constant 0 : i32
      %dma_wait3A_667 = tpu.memref_slice %arg2[%arg0, %dma_wait3A_665, %dma_wait3A_666] : memref<2x10008x104xf32, #tpu.memory_space<hbm>> -> memref<1x128x104xf32, #tpu.memory_space<hbm>>
      %dma_wait3A_668 = tpu.memref_squeeze %dma_wait3A_667 : memref<1x128x104xf32, #tpu.memory_space<hbm>> -> memref<128x104xf32, #tpu.memory_space<hbm>>
      tpu.wait_dma2 semaphore(%arg16 : memref<!tpu.dma_semaphore, #tpu.memory_space<semaphore_mem>>) src(%dma_wait3A_668 : memref<128x104xf32, #tpu.memory_space<hbm>>) dst(%arg9 : memref<128x104xf32, #tpu.memory_space<vmem>>)
      %add3A_669 = arith.constant 1 : i32
      %add3A_670 = arith.addi %add3A_626, %add3A_669 : i32
      %run_scoped3A_671 = arith.constant 1 : i32
      "tpu.region"() ({
        %run_scoped3A_712 = tpu.sem_alloc : memref<!tpu.dma_semaphore, #tpu.memory_space<semaphore_mem>>
        %dma_start3A_713 = arith.constant 0 : i32
        %dma_start3A_714 = tpu.memref_slice %arg7[%add3A_670, %run_scoped3A_671, %dma_start3A_713] : memref<16x2x128xi32, #tpu.memory_space<vmem>> -> memref<1x1x128xi32, #tpu.memory_space<vmem>>
        %dma_start3A_715 = tpu.memref_squeeze %dma_start3A_714 : memref<1x1x128xi32, #tpu.memory_space<vmem>> -> memref<128xi32, #tpu.memory_space<vmem>>
        %dma_start3A_716 = arith.constant 0 : i32
        %dma_start3A_717 = arith.constant 0 : i32
        %dma_start3A_718 = tpu.memref_slice %arg12[%dma_start3A_716, %dma_start3A_717] : memref<10008x104xf32, #tpu.memory_space<vmem_shared>> -> memref<10008x104xf32, #tpu.memory_space<vmem_shared>>
        tpu.enqueue_indirect_dma source(%arg9 : memref<128x104xf32, #tpu.memory_space<vmem>>) target(%dma_start3A_718 : memref<10008x104xf32, #tpu.memory_space<vmem_shared>>) offsets(%dma_start3A_715 : memref<128xi32, #tpu.memory_space<vmem>>) semaphore(%run_scoped3A_712 : memref<!tpu.dma_semaphore, #tpu.memory_space<semaphore_mem>>) {add = true}
        %dma_wait3A_719 = arith.constant 0 : i32
        %dma_wait3A_720 = tpu.memref_slice %arg7[%add3A_670, %run_scoped3A_671, %dma_wait3A_719] : memref<16x2x128xi32, #tpu.memory_space<vmem>> -> memref<1x1x128xi32, #tpu.memory_space<vmem>>
        %dma_wait3A_721 = tpu.memref_squeeze %dma_wait3A_720 : memref<1x1x128xi32, #tpu.memory_space<vmem>> -> memref<128xi32, #tpu.memory_space<vmem>>
        %dma_wait3A_722 = arith.constant 0 : i32
        %dma_wait3A_723 = arith.constant 0 : i32
        %dma_wait3A_724 = tpu.memref_slice %arg12[%dma_wait3A_722, %dma_wait3A_723] : memref<10008x104xf32, #tpu.memory_space<vmem_shared>> -> memref<10008x104xf32, #tpu.memory_space<vmem_shared>>
        tpu.wait_indirect_dma semaphore(%run_scoped3A_712 : memref<!tpu.dma_semaphore, #tpu.memory_space<semaphore_mem>>) src(%arg9 : memref<128x104xf32, #tpu.memory_space<vmem>>) dst(%dma_wait3A_724 : memref<10008x104xf32, #tpu.memory_space<vmem_shared>>)
        tpu.yield
      }) : () -> ()
      %add3A_672 = arith.constant 1 : i32
      %add3A_673 = arith.addi %add3A_626, %add3A_672 : i32
      %add3A_674 = arith.constant 4 : i32
      %add3A_675 = arith.addi %add3A_673, %add3A_674 : i32
      %lt3A_676 = arith.constant 16 : i32
      %lt3A_677 = arith.cmpi slt, %add3A_675, %lt3A_676 : i32
      %convert_element_type3A_678 = arith.extui %lt3A_677 : i1 to i32
      %cond3A_679 = arith.constant 0 : i32
      %cond3A_680 = arith.cmpi ne, %convert_element_type3A_678, %cond3A_679 : i32
      scf.if %cond3A_680 {
        %add3A_712 = arith.constant 1 : i32
        %add3A_713 = arith.addi %add3A_626, %add3A_712 : i32
        %add3A_714 = arith.constant 4 : i32
        %add3A_715 = arith.addi %add3A_713, %add3A_714 : i32
        %dma_start3A_716 = arith.constant 0 : i32
        %dma_start3A_717 = arith.constant 0 : i32
        %dma_start3A_718 = tpu.memref_slice %arg7[%add3A_715, %dma_start3A_716, %dma_start3A_717] : memref<16x2x128xi32, #tpu.memory_space<vmem>> -> memref<1x1x128xi32, #tpu.memory_space<vmem>>
        %dma_start3A_719 = tpu.memref_squeeze %dma_start3A_718 : memref<1x1x128xi32, #tpu.memory_space<vmem>> -> memref<128xi32, #tpu.memory_space<vmem>>
        %dma_start3A_720 = arith.constant 0 : i32
        %dma_start3A_721 = arith.constant 0 : i32
        %dma_start3A_722 = tpu.memref_slice %arg2[%arg0, %dma_start3A_720, %dma_start3A_721] : memref<2x10008x104xf32, #tpu.memory_space<hbm>> -> memref<1x10008x104xf32, #tpu.memory_space<hbm>>
        %dma_start3A_723 = tpu.memref_squeeze %dma_start3A_722 : memref<1x10008x104xf32, #tpu.memory_space<hbm>> -> memref<10008x104xf32, #tpu.memory_space<hbm>>
        %dma_start3A_724 = arith.constant 0 : i32
        %dma_start3A_725 = arith.constant 0 : i32
        %dma_start3A_726 = tpu.memref_slice %dma_start3A_723[%dma_start3A_724, %dma_start3A_725] : memref<10008x104xf32, #tpu.memory_space<hbm>> -> memref<10008x104xf32, #tpu.memory_space<hbm>>
        tpu.enqueue_indirect_dma source(%dma_start3A_726 : memref<10008x104xf32, #tpu.memory_space<hbm>>) target(%arg9 : memref<128x104xf32, #tpu.memory_space<vmem>>) offsets(%dma_start3A_719 : memref<128xi32, #tpu.memory_space<vmem>>) semaphore(%arg16 : memref<!tpu.dma_semaphore, #tpu.memory_space<semaphore_mem>>)
      } else {
      }
      %dma_wait3A_681 = arith.constant 0 : i32
      %dma_wait3A_682 = arith.constant 0 : i32
      %dma_wait3A_683 = tpu.memref_slice %arg2[%arg0, %dma_wait3A_681, %dma_wait3A_682] : memref<2x10008x104xf32, #tpu.memory_space<hbm>> -> memref<1x128x104xf32, #tpu.memory_space<hbm>>
      %dma_wait3A_684 = tpu.memref_squeeze %dma_wait3A_683 : memref<1x128x104xf32, #tpu.memory_space<hbm>> -> memref<128x104xf32, #tpu.memory_space<hbm>>
      %dma_wait3A_685 = arith.constant 0 : i32
      %dma_wait3A_686 = arith.constant 0 : i32
      %dma_wait3A_687 = tpu.memref_slice %arg2[%arg0, %dma_wait3A_685, %dma_wait3A_686] : memref<2x10008x104xf32, #tpu.memory_space<hbm>> -> memref<1x128x104xf32, #tpu.memory_space<hbm>>
      %dma_wait3A_688 = tpu.memref_squeeze %dma_wait3A_687 : memref<1x128x104xf32, #tpu.memory_space<hbm>> -> memref<128x104xf32, #tpu.memory_space<hbm>>
      tpu.wait_dma2 semaphore(%arg17 : memref<!tpu.dma_semaphore, #tpu.memory_space<semaphore_mem>>) src(%dma_wait3A_688 : memref<128x104xf32, #tpu.memory_space<hbm>>) dst(%arg10 : memref<128x104xf32, #tpu.memory_space<vmem>>)
      %add3A_689 = arith.constant 2 : i32
      %add3A_690 = arith.addi %add3A_626, %add3A_689 : i32
      %run_scoped3A_691 = arith.constant 1 : i32
      "tpu.region"() ({
        %run_scoped3A_712 = tpu.sem_alloc : memref<!tpu.dma_semaphore, #tpu.memory_space<semaphore_mem>>
        %dma_start3A_713 = arith.constant 0 : i32
        %dma_start3A_714 = tpu.memref_slice %arg7[%add3A_690, %run_scoped3A_691, %dma_start3A_713] : memref<16x2x128xi32, #tpu.memory_space<vmem>> -> memref<1x1x128xi32, #tpu.memory_space<vmem>>
        %dma_start3A_715 = tpu.memref_squeeze %dma_start3A_714 : memref<1x1x128xi32, #tpu.memory_space<vmem>> -> memref<128xi32, #tpu.memory_space<vmem>>
        %dma_start3A_716 = arith.constant 0 : i32
        %dma_start3A_717 = arith.constant 0 : i32
        %dma_start3A_718 = tpu.memref_slice %arg12[%dma_start3A_716, %dma_start3A_717] : memref<10008x104xf32, #tpu.memory_space<vmem_shared>> -> memref<10008x104xf32, #tpu.memory_space<vmem_shared>>
        tpu.enqueue_indirect_dma source(%arg10 : memref<128x104xf32, #tpu.memory_space<vmem>>) target(%dma_start3A_718 : memref<10008x104xf32, #tpu.memory_space<vmem_shared>>) offsets(%dma_start3A_715 : memref<128xi32, #tpu.memory_space<vmem>>) semaphore(%run_scoped3A_712 : memref<!tpu.dma_semaphore, #tpu.memory_space<semaphore_mem>>) {add = true}
        %dma_wait3A_719 = arith.constant 0 : i32
        %dma_wait3A_720 = tpu.memref_slice %arg7[%add3A_690, %run_scoped3A_691, %dma_wait3A_719] : memref<16x2x128xi32, #tpu.memory_space<vmem>> -> memref<1x1x128xi32, #tpu.memory_space<vmem>>
        %dma_wait3A_721 = tpu.memref_squeeze %dma_wait3A_720 : memref<1x1x128xi32, #tpu.memory_space<vmem>> -> memref<128xi32, #tpu.memory_space<vmem>>
        %dma_wait3A_722 = arith.constant 0 : i32
        %dma_wait3A_723 = arith.constant 0 : i32
        %dma_wait3A_724 = tpu.memref_slice %arg12[%dma_wait3A_722, %dma_wait3A_723] : memref<10008x104xf32, #tpu.memory_space<vmem_shared>> -> memref<10008x104xf32, #tpu.memory_space<vmem_shared>>
        tpu.wait_indirect_dma semaphore(%run_scoped3A_712 : memref<!tpu.dma_semaphore, #tpu.memory_space<semaphore_mem>>) src(%arg10 : memref<128x104xf32, #tpu.memory_space<vmem>>) dst(%dma_wait3A_724 : memref<10008x104xf32, #tpu.memory_space<vmem_shared>>)
        tpu.yield
      }) : () -> ()
      %add3A_692 = arith.constant 2 : i32
      %add3A_693 = arith.addi %add3A_626, %add3A_692 : i32
      %add3A_694 = arith.constant 4 : i32
      %add3A_695 = arith.addi %add3A_693, %add3A_694 : i32
      %lt3A_696 = arith.constant 16 : i32
      %lt3A_697 = arith.cmpi slt, %add3A_695, %lt3A_696 : i32
      %convert_element_type3A_698 = arith.extui %lt3A_697 : i1 to i32
      %cond3A_699 = arith.constant 0 : i32
      %cond3A_700 = arith.cmpi ne, %convert_element_type3A_698, %cond3A_699 : i32
      scf.if %cond3A_700 {
        %add3A_712 = arith.constant 2 : i32
        %add3A_713 = arith.addi %add3A_626, %add3A_712 : i32
        %add3A_714 = arith.constant 4 : i32
        %add3A_715 = arith.addi %add3A_713, %add3A_714 : i32
        %dma_start3A_716 = arith.constant 0 : i32
        %dma_start3A_717 = arith.constant 0 : i32
        %dma_start3A_718 = tpu.memref_slice %arg7[%add3A_715, %dma_start3A_716, %dma_start3A_717] : memref<16x2x128xi32, #tpu.memory_space<vmem>> -> memref<1x1x128xi32, #tpu.memory_space<vmem>>
        %dma_start3A_719 = tpu.memref_squeeze %dma_start3A_718 : memref<1x1x128xi32, #tpu.memory_space<vmem>> -> memref<128xi32, #tpu.memory_space<vmem>>
        %dma_start3A_720 = arith.constant 0 : i32
        %dma_start3A_721 = arith.constant 0 : i32
        %dma_start3A_722 = tpu.memref_slice %arg2[%arg0, %dma_start3A_720, %dma_start3A_721] : memref<2x10008x104xf32, #tpu.memory_space<hbm>> -> memref<1x10008x104xf32, #tpu.memory_space<hbm>>
        %dma_start3A_723 = tpu.memref_squeeze %dma_start3A_722 : memref<1x10008x104xf32, #tpu.memory_space<hbm>> -> memref<10008x104xf32, #tpu.memory_space<hbm>>
        %dma_start3A_724 = arith.constant 0 : i32
        %dma_start3A_725 = arith.constant 0 : i32
        %dma_start3A_726 = tpu.memref_slice %dma_start3A_723[%dma_start3A_724, %dma_start3A_725] : memref<10008x104xf32, #tpu.memory_space<hbm>> -> memref<10008x104xf32, #tpu.memory_space<hbm>>
        tpu.enqueue_indirect_dma source(%dma_start3A_726 : memref<10008x104xf32, #tpu.memory_space<hbm>>) target(%arg10 : memref<128x104xf32, #tpu.memory_space<vmem>>) offsets(%dma_start3A_719 : memref<128xi32, #tpu.memory_space<vmem>>) semaphore(%arg17 : memref<!tpu.dma_semaphore, #tpu.memory_space<semaphore_mem>>)
      } else {
      }
      %dma_wait3A_701 = arith.constant 0 : i32
      %dma_wait3A_702 = arith.constant 0 : i32
      %dma_wait3A_703 = tpu.memref_slice %arg2[%arg0, %dma_wait3A_701, %dma_wait3A_702] : memref<2x10008x104xf32, #tpu.memory_space<hbm>> -> memref<1x128x104xf32, #tpu.memory_space<hbm>>
      %dma_wait3A_704 = tpu.memref_squeeze %dma_wait3A_703 : memref<1x128x104xf32, #tpu.memory_space<hbm>> -> memref<128x104xf32, #tpu.memory_space<hbm>>
      %dma_wait3A_705 = arith.constant 0 : i32
      %dma_wait3A_706 = arith.constant 0 : i32
      %dma_wait3A_707 = tpu.memref_slice %arg2[%arg0, %dma_wait3A_705, %dma_wait3A_706] : memref<2x10008x104xf32, #tpu.memory_space<hbm>> -> memref<1x128x104xf32, #tpu.memory_space<hbm>>
      %dma_wait3A_708 = tpu.memref_squeeze %dma_wait3A_707 : memref<1x128x104xf32, #tpu.memory_space<hbm>> -> memref<128x104xf32, #tpu.memory_space<hbm>>
      tpu.wait_dma2 semaphore(%arg18 : memref<!tpu.dma_semaphore, #tpu.memory_space<semaphore_mem>>) src(%dma_wait3A_708 : memref<128x104xf32, #tpu.memory_space<hbm>>) dst(%arg11 : memref<128x104xf32, #tpu.memory_space<vmem>>)
      %add3A_709 = arith.constant 3 : i32
      %add3A_710 = arith.addi %add3A_626, %add3A_709 : i32
      %run_scoped3A_711 = arith.constant 1 : i32
      "tpu.region"() ({
        %run_scoped3A_712 = tpu.sem_alloc : memref<!tpu.dma_semaphore, #tpu.memory_space<semaphore_mem>>
        %dma_start3A_713 = arith.constant 0 : i32
        %dma_start3A_714 = tpu.memref_slice %arg7[%add3A_710, %run_scoped3A_711, %dma_start3A_713] : memref<16x2x128xi32, #tpu.memory_space<vmem>> -> memref<1x1x128xi32, #tpu.memory_space<vmem>>
        %dma_start3A_715 = tpu.memref_squeeze %dma_start3A_714 : memref<1x1x128xi32, #tpu.memory_space<vmem>> -> memref<128xi32, #tpu.memory_space<vmem>>
        %dma_start3A_716 = arith.constant 0 : i32
        %dma_start3A_717 = arith.constant 0 : i32
        %dma_start3A_718 = tpu.memref_slice %arg12[%dma_start3A_716, %dma_start3A_717] : memref<10008x104xf32, #tpu.memory_space<vmem_shared>> -> memref<10008x104xf32, #tpu.memory_space<vmem_shared>>
        tpu.enqueue_indirect_dma source(%arg11 : memref<128x104xf32, #tpu.memory_space<vmem>>) target(%dma_start3A_718 : memref<10008x104xf32, #tpu.memory_space<vmem_shared>>) offsets(%dma_start3A_715 : memref<128xi32, #tpu.memory_space<vmem>>) semaphore(%run_scoped3A_712 : memref<!tpu.dma_semaphore, #tpu.memory_space<semaphore_mem>>) {add = true}
        %dma_wait3A_719 = arith.constant 0 : i32
        %dma_wait3A_720 = tpu.memref_slice %arg7[%add3A_710, %run_scoped3A_711, %dma_wait3A_719] : memref<16x2x128xi32, #tpu.memory_space<vmem>> -> memref<1x1x128xi32, #tpu.memory_space<vmem>>
        %dma_wait3A_721 = tpu.memref_squeeze %dma_wait3A_720 : memref<1x1x128xi32, #tpu.memory_space<vmem>> -> memref<128xi32, #tpu.memory_space<vmem>>
        %dma_wait3A_722 = arith.constant 0 : i32
        %dma_wait3A_723 = arith.constant 0 : i32
        %dma_wait3A_724 = tpu.memref_slice %arg12[%dma_wait3A_722, %dma_wait3A_723] : memref<10008x104xf32, #tpu.memory_space<vmem_shared>> -> memref<10008x104xf32, #tpu.memory_space<vmem_shared>>
        tpu.wait_indirect_dma semaphore(%run_scoped3A_712 : memref<!tpu.dma_semaphore, #tpu.memory_space<semaphore_mem>>) src(%arg11 : memref<128x104xf32, #tpu.memory_space<vmem>>) dst(%dma_wait3A_724 : memref<10008x104xf32, #tpu.memory_space<vmem_shared>>)
        tpu.yield
      }) : () -> ()
    }
    %scan3A_118 = arith.constant 4 : i32
    %dma_wait3A_119 = arith.constant 0 : i32
    %dma_wait3A_120 = arith.constant 0 : i32
    %dma_wait3A_121 = arith.constant 0 : i32
    %dma_wait3A_122 = arith.constant 0 : i32
    %dma_wait3A_123 = tpu.memref_slice %arg3[%arg1, %dma_wait3A_119, %dma_wait3A_120, %dma_wait3A_121, %dma_wait3A_122] : memref<16x10x16x2x128xi32, #tpu.memory_space<hbm>> -> memref<1x1x16x2x128xi32, #tpu.memory_space<hbm>>
    %dma_wait3A_124 = tpu.memref_squeeze %dma_wait3A_123 : memref<1x1x16x2x128xi32, #tpu.memory_space<hbm>> -> memref<16x2x128xi32, #tpu.memory_space<hbm>>
    %dma_wait3A_125 = arith.constant 0 : i32
    %dma_wait3A_126 = arith.constant 0 : i32
    %dma_wait3A_127 = arith.constant 0 : i32
    %dma_wait3A_128 = tpu.memref_slice %arg3[%arg1, %dma_wait3A_119, %dma_wait3A_125, %dma_wait3A_126, %dma_wait3A_127] : memref<16x10x16x2x128xi32, #tpu.memory_space<hbm>> -> memref<1x1x16x2x128xi32, #tpu.memory_space<hbm>>
    %dma_wait3A_129 = tpu.memref_squeeze %dma_wait3A_128 : memref<1x1x16x2x128xi32, #tpu.memory_space<hbm>> -> memref<16x2x128xi32, #tpu.memory_space<hbm>>
    tpu.wait_dma2 semaphore(%arg13 : memref<!tpu.dma_semaphore, #tpu.memory_space<semaphore_mem>>) src(%dma_wait3A_129 : memref<16x2x128xi32, #tpu.memory_space<hbm>>) dst(%arg6 : memref<16x2x128xi32, #tpu.memory_space<vmem>>)
    %dma_start3A_130 = arith.constant 3 : i32
    %dma_start3A_131 = arith.constant 0 : i32
    %dma_start3A_132 = arith.constant 0 : i32
    %dma_start3A_133 = arith.constant 0 : i32
    %dma_start3A_134 = tpu.memref_slice %arg3[%arg1, %dma_start3A_130, %dma_start3A_131, %dma_start3A_132, %dma_start3A_133] : memref<16x10x16x2x128xi32, #tpu.memory_space<hbm>> -> memref<1x1x16x2x128xi32, #tpu.memory_space<hbm>>
    %dma_start3A_135 = tpu.memref_squeeze %dma_start3A_134 : memref<1x1x16x2x128xi32, #tpu.memory_space<hbm>> -> memref<16x2x128xi32, #tpu.memory_space<hbm>>
    %dma_start3A_136 = arith.constant 0 : i32
    %dma_start3A_137 = arith.constant 0 : i32
    %dma_start3A_138 = arith.constant 0 : i32
    %dma_start3A_139 = tpu.memref_slice %arg3[%arg1, %dma_start3A_130, %dma_start3A_136, %dma_start3A_137, %dma_start3A_138] : memref<16x10x16x2x128xi32, #tpu.memory_space<hbm>> -> memref<1x1x16x2x128xi32, #tpu.memory_space<hbm>>
    %dma_start3A_140 = tpu.memref_squeeze %dma_start3A_139 : memref<1x1x16x2x128xi32, #tpu.memory_space<hbm>> -> memref<16x2x128xi32, #tpu.memory_space<hbm>>
    tpu.enqueue_dma source(%dma_start3A_140 : memref<16x2x128xi32, #tpu.memory_space<hbm>>) target(%arg7 : memref<16x2x128xi32, #tpu.memory_space<vmem>>) target_semaphore(%arg14 : memref<!tpu.dma_semaphore, #tpu.memory_space<semaphore_mem>>)
    %dma_start3A_141 = arith.constant 0 : i32
    %dma_start3A_142 = arith.constant 0 : i32
    %dma_start3A_143 = arith.constant 0 : i32
    %dma_start3A_144 = tpu.memref_slice %arg6[%dma_start3A_141, %dma_start3A_142, %dma_start3A_143] : memref<16x2x128xi32, #tpu.memory_space<vmem>> -> memref<1x1x128xi32, #tpu.memory_space<vmem>>
    %dma_start3A_145 = tpu.memref_squeeze %dma_start3A_144 : memref<1x1x128xi32, #tpu.memory_space<vmem>> -> memref<128xi32, #tpu.memory_space<vmem>>
    %dma_start3A_146 = arith.constant 0 : i32
    %dma_start3A_147 = arith.constant 0 : i32
    %dma_start3A_148 = tpu.memref_slice %arg2[%arg0, %dma_start3A_146, %dma_start3A_147] : memref<2x10008x104xf32, #tpu.memory_space<hbm>> -> memref<1x10008x104xf32, #tpu.memory_space<hbm>>
    %dma_start3A_149 = tpu.memref_squeeze %dma_start3A_148 : memref<1x10008x104xf32, #tpu.memory_space<hbm>> -> memref<10008x104xf32, #tpu.memory_space<hbm>>
    %dma_start3A_150 = arith.constant 0 : i32
    %dma_start3A_151 = arith.constant 0 : i32
    %dma_start3A_152 = tpu.memref_slice %dma_start3A_149[%dma_start3A_150, %dma_start3A_151] : memref<10008x104xf32, #tpu.memory_space<hbm>> -> memref<10008x104xf32, #tpu.memory_space<hbm>>
    tpu.enqueue_indirect_dma source(%dma_start3A_152 : memref<10008x104xf32, #tpu.memory_space<hbm>>) target(%arg8 : memref<128x104xf32, #tpu.memory_space<vmem>>) offsets(%dma_start3A_145 : memref<128xi32, #tpu.memory_space<vmem>>) semaphore(%arg15 : memref<!tpu.dma_semaphore, #tpu.memory_space<semaphore_mem>>)
    %dma_start3A_153 = arith.constant 1 : i32
    %dma_start3A_154 = arith.constant 0 : i32
    %dma_start3A_155 = arith.constant 0 : i32
    %dma_start3A_156 = tpu.memref_slice %arg6[%dma_start3A_153, %dma_start3A_154, %dma_start3A_155] : memref<16x2x128xi32, #tpu.memory_space<vmem>> -> memref<1x1x128xi32, #tpu.memory_space<vmem>>
    %dma_start3A_157 = tpu.memref_squeeze %dma_start3A_156 : memref<1x1x128xi32, #tpu.memory_space<vmem>> -> memref<128xi32, #tpu.memory_space<vmem>>
    %dma_start3A_158 = arith.constant 0 : i32
    %dma_start3A_159 = arith.constant 0 : i32
    %dma_start3A_160 = tpu.memref_slice %arg2[%arg0, %dma_start3A_158, %dma_start3A_159] : memref<2x10008x104xf32, #tpu.memory_space<hbm>> -> memref<1x10008x104xf32, #tpu.memory_space<hbm>>
    %dma_start3A_161 = tpu.memref_squeeze %dma_start3A_160 : memref<1x10008x104xf32, #tpu.memory_space<hbm>> -> memref<10008x104xf32, #tpu.memory_space<hbm>>
    %dma_start3A_162 = arith.constant 0 : i32
    %dma_start3A_163 = arith.constant 0 : i32
    %dma_start3A_164 = tpu.memref_slice %dma_start3A_161[%dma_start3A_162, %dma_start3A_163] : memref<10008x104xf32, #tpu.memory_space<hbm>> -> memref<10008x104xf32, #tpu.memory_space<hbm>>
    tpu.enqueue_indirect_dma source(%dma_start3A_164 : memref<10008x104xf32, #tpu.memory_space<hbm>>) target(%arg9 : memref<128x104xf32, #tpu.memory_space<vmem>>) offsets(%dma_start3A_157 : memref<128xi32, #tpu.memory_space<vmem>>) semaphore(%arg16 : memref<!tpu.dma_semaphore, #tpu.memory_space<semaphore_mem>>)
    %dma_start3A_165 = arith.constant 2 : i32
    %dma_start3A_166 = arith.constant 0 : i32
    %dma_start3A_167 = arith.constant 0 : i32
    %dma_start3A_168 = tpu.memref_slice %arg6[%dma_start3A_165, %dma_start3A_166, %dma_start3A_167] : memref<16x2x128xi32, #tpu.memory_space<vmem>> -> memref<1x1x128xi32, #tpu.memory_space<vmem>>
    %dma_start3A_169 = tpu.memref_squeeze %dma_start3A_168 : memref<1x1x128xi32, #tpu.memory_space<vmem>> -> memref<128xi32, #tpu.memory_space<vmem>>
    %dma_start3A_170 = arith.constant 0 : i32
    %dma_start3A_171 = arith.constant 0 : i32
    %dma_start3A_172 = tpu.memref_slice %arg2[%arg0, %dma_start3A_170, %dma_start3A_171] : memref<2x10008x104xf32, #tpu.memory_space<hbm>> -> memref<1x10008x104xf32, #tpu.memory_space<hbm>>
    %dma_start3A_173 = tpu.memref_squeeze %dma_start3A_172 : memref<1x10008x104xf32, #tpu.memory_space<hbm>> -> memref<10008x104xf32, #tpu.memory_space<hbm>>
    %dma_start3A_174 = arith.constant 0 : i32
    %dma_start3A_175 = arith.constant 0 : i32
    %dma_start3A_176 = tpu.memref_slice %dma_start3A_173[%dma_start3A_174, %dma_start3A_175] : memref<10008x104xf32, #tpu.memory_space<hbm>> -> memref<10008x104xf32, #tpu.memory_space<hbm>>
    tpu.enqueue_indirect_dma source(%dma_start3A_176 : memref<10008x104xf32, #tpu.memory_space<hbm>>) target(%arg10 : memref<128x104xf32, #tpu.memory_space<vmem>>) offsets(%dma_start3A_169 : memref<128xi32, #tpu.memory_space<vmem>>) semaphore(%arg17 : memref<!tpu.dma_semaphore, #tpu.memory_space<semaphore_mem>>)
    %scan3A_177 = arith.constant 0 : i32
    %scan3A_178 = arith.constant 4 : i32
    %scan3A_179 = arith.addi %scan3A_177, %scan3A_178 : i32
    %scan3A_180 = arith.constant 1 : i32
    scf.for %scan3A_623 = %scan3A_177 to %scan3A_179 step %scan3A_180  : i32 {
      %mul3A_624 = arith.constant 4 : i32
      %mul3A_625 = arith.muli %scan3A_623, %mul3A_624 : i32
      %add3A = arith.constant 0 : i32
      %add3A_626 = arith.addi %add3A, %mul3A_625 : i32
      %add3A_627 = arith.constant 4 : i32
      %add3A_628 = arith.addi %add3A_626, %add3A_627 : i32
      %sub3A = arith.constant 1 : i32
      %sub3A_629 = arith.subi %add3A_628, %sub3A : i32
      %dma_start3A_630 = arith.constant 0 : i32
      %dma_start3A_631 = arith.constant 0 : i32
      %dma_start3A_632 = tpu.memref_slice %arg6[%sub3A_629, %dma_start3A_630, %dma_start3A_631] : memref<16x2x128xi32, #tpu.memory_space<vmem>> -> memref<1x1x128xi32, #tpu.memory_space<vmem>>
      %dma_start3A_633 = tpu.memref_squeeze %dma_start3A_632 : memref<1x1x128xi32, #tpu.memory_space<vmem>> -> memref<128xi32, #tpu.memory_space<vmem>>
      %dma_start3A_634 = arith.constant 0 : i32
      %dma_start3A_635 = arith.constant 0 : i32
      %dma_start3A_636 = tpu.memref_slice %arg2[%arg0, %dma_start3A_634, %dma_start3A_635] : memref<2x10008x104xf32, #tpu.memory_space<hbm>> -> memref<1x10008x104xf32, #tpu.memory_space<hbm>>
      %dma_start3A_637 = tpu.memref_squeeze %dma_start3A_636 : memref<1x10008x104xf32, #tpu.memory_space<hbm>> -> memref<10008x104xf32, #tpu.memory_space<hbm>>
      %dma_start3A_638 = arith.constant 0 : i32
      %dma_start3A_639 = arith.constant 0 : i32
      %dma_start3A_640 = tpu.memref_slice %dma_start3A_637[%dma_start3A_638, %dma_start3A_639] : memref<10008x104xf32, #tpu.memory_space<hbm>> -> memref<10008x104xf32, #tpu.memory_space<hbm>>
      tpu.enqueue_indirect_dma source(%dma_start3A_640 : memref<10008x104xf32, #tpu.memory_space<hbm>>) target(%arg11 : memref<128x104xf32, #tpu.memory_space<vmem>>) offsets(%dma_start3A_633 : memref<128xi32, #tpu.memory_space<vmem>>) semaphore(%arg18 : memref<!tpu.dma_semaphore, #tpu.memory_space<semaphore_mem>>)
      %dma_wait3A_641 = arith.constant 0 : i32
      %dma_wait3A_642 = arith.constant 0 : i32
      %dma_wait3A_643 = tpu.memref_slice %arg2[%arg0, %dma_wait3A_641, %dma_wait3A_642] : memref<2x10008x104xf32, #tpu.memory_space<hbm>> -> memref<1x128x104xf32, #tpu.memory_space<hbm>>
      %dma_wait3A_644 = tpu.memref_squeeze %dma_wait3A_643 : memref<1x128x104xf32, #tpu.memory_space<hbm>> -> memref<128x104xf32, #tpu.memory_space<hbm>>
      %dma_wait3A_645 = arith.constant 0 : i32
      %dma_wait3A_646 = arith.constant 0 : i32
      %dma_wait3A_647 = tpu.memref_slice %arg2[%arg0, %dma_wait3A_645, %dma_wait3A_646] : memref<2x10008x104xf32, #tpu.memory_space<hbm>> -> memref<1x128x104xf32, #tpu.memory_space<hbm>>
      %dma_wait3A_648 = tpu.memref_squeeze %dma_wait3A_647 : memref<1x128x104xf32, #tpu.memory_space<hbm>> -> memref<128x104xf32, #tpu.memory_space<hbm>>
      tpu.wait_dma2 semaphore(%arg15 : memref<!tpu.dma_semaphore, #tpu.memory_space<semaphore_mem>>) src(%dma_wait3A_648 : memref<128x104xf32, #tpu.memory_space<hbm>>) dst(%arg8 : memref<128x104xf32, #tpu.memory_space<vmem>>)
      %add3A_649 = arith.constant 0 : i32
      %add3A_650 = arith.addi %add3A_626, %add3A_649 : i32
      %run_scoped3A_651 = arith.constant 1 : i32
      "tpu.region"() ({
        %run_scoped3A_712 = tpu.sem_alloc : memref<!tpu.dma_semaphore, #tpu.memory_space<semaphore_mem>>
        %dma_start3A_713 = arith.constant 0 : i32
        %dma_start3A_714 = tpu.memref_slice %arg6[%add3A_650, %run_scoped3A_651, %dma_start3A_713] : memref<16x2x128xi32, #tpu.memory_space<vmem>> -> memref<1x1x128xi32, #tpu.memory_space<vmem>>
        %dma_start3A_715 = tpu.memref_squeeze %dma_start3A_714 : memref<1x1x128xi32, #tpu.memory_space<vmem>> -> memref<128xi32, #tpu.memory_space<vmem>>
        %dma_start3A_716 = arith.constant 0 : i32
        %dma_start3A_717 = arith.constant 0 : i32
        %dma_start3A_718 = tpu.memref_slice %arg12[%dma_start3A_716, %dma_start3A_717] : memref<10008x104xf32, #tpu.memory_space<vmem_shared>> -> memref<10008x104xf32, #tpu.memory_space<vmem_shared>>
        tpu.enqueue_indirect_dma source(%arg8 : memref<128x104xf32, #tpu.memory_space<vmem>>) target(%dma_start3A_718 : memref<10008x104xf32, #tpu.memory_space<vmem_shared>>) offsets(%dma_start3A_715 : memref<128xi32, #tpu.memory_space<vmem>>) semaphore(%run_scoped3A_712 : memref<!tpu.dma_semaphore, #tpu.memory_space<semaphore_mem>>) {add = true}
        %dma_wait3A_719 = arith.constant 0 : i32
        %dma_wait3A_720 = tpu.memref_slice %arg6[%add3A_650, %run_scoped3A_651, %dma_wait3A_719] : memref<16x2x128xi32, #tpu.memory_space<vmem>> -> memref<1x1x128xi32, #tpu.memory_space<vmem>>
        %dma_wait3A_721 = tpu.memref_squeeze %dma_wait3A_720 : memref<1x1x128xi32, #tpu.memory_space<vmem>> -> memref<128xi32, #tpu.memory_space<vmem>>
        %dma_wait3A_722 = arith.constant 0 : i32
        %dma_wait3A_723 = arith.constant 0 : i32
        %dma_wait3A_724 = tpu.memref_slice %arg12[%dma_wait3A_722, %dma_wait3A_723] : memref<10008x104xf32, #tpu.memory_space<vmem_shared>> -> memref<10008x104xf32, #tpu.memory_space<vmem_shared>>
        tpu.wait_indirect_dma semaphore(%run_scoped3A_712 : memref<!tpu.dma_semaphore, #tpu.memory_space<semaphore_mem>>) src(%arg8 : memref<128x104xf32, #tpu.memory_space<vmem>>) dst(%dma_wait3A_724 : memref<10008x104xf32, #tpu.memory_space<vmem_shared>>)
        tpu.yield
      }) : () -> ()
      %add3A_652 = arith.constant 0 : i32
      %add3A_653 = arith.addi %add3A_626, %add3A_652 : i32
      %add3A_654 = arith.constant 4 : i32
      %add3A_655 = arith.addi %add3A_653, %add3A_654 : i32
      %lt3A_656 = arith.constant 16 : i32
      %lt3A_657 = arith.cmpi slt, %add3A_655, %lt3A_656 : i32
      %convert_element_type3A_658 = arith.extui %lt3A_657 : i1 to i32
      %cond3A_659 = arith.constant 0 : i32
      %cond3A_660 = arith.cmpi ne, %convert_element_type3A_658, %cond3A_659 : i32
      scf.if %cond3A_660 {
        %add3A_712 = arith.constant 0 : i32
        %add3A_713 = arith.addi %add3A_626, %add3A_712 : i32
        %add3A_714 = arith.constant 4 : i32
        %add3A_715 = arith.addi %add3A_713, %add3A_714 : i32
        %dma_start3A_716 = arith.constant 0 : i32
        %dma_start3A_717 = arith.constant 0 : i32
        %dma_start3A_718 = tpu.memref_slice %arg6[%add3A_715, %dma_start3A_716, %dma_start3A_717] : memref<16x2x128xi32, #tpu.memory_space<vmem>> -> memref<1x1x128xi32, #tpu.memory_space<vmem>>
        %dma_start3A_719 = tpu.memref_squeeze %dma_start3A_718 : memref<1x1x128xi32, #tpu.memory_space<vmem>> -> memref<128xi32, #tpu.memory_space<vmem>>
        %dma_start3A_720 = arith.constant 0 : i32
        %dma_start3A_721 = arith.constant 0 : i32
        %dma_start3A_722 = tpu.memref_slice %arg2[%arg0, %dma_start3A_720, %dma_start3A_721] : memref<2x10008x104xf32, #tpu.memory_space<hbm>> -> memref<1x10008x104xf32, #tpu.memory_space<hbm>>
        %dma_start3A_723 = tpu.memref_squeeze %dma_start3A_722 : memref<1x10008x104xf32, #tpu.memory_space<hbm>> -> memref<10008x104xf32, #tpu.memory_space<hbm>>
        %dma_start3A_724 = arith.constant 0 : i32
        %dma_start3A_725 = arith.constant 0 : i32
        %dma_start3A_726 = tpu.memref_slice %dma_start3A_723[%dma_start3A_724, %dma_start3A_725] : memref<10008x104xf32, #tpu.memory_space<hbm>> -> memref<10008x104xf32, #tpu.memory_space<hbm>>
        tpu.enqueue_indirect_dma source(%dma_start3A_726 : memref<10008x104xf32, #tpu.memory_space<hbm>>) target(%arg8 : memref<128x104xf32, #tpu.memory_space<vmem>>) offsets(%dma_start3A_719 : memref<128xi32, #tpu.memory_space<vmem>>) semaphore(%arg15 : memref<!tpu.dma_semaphore, #tpu.memory_space<semaphore_mem>>)
      } else {
      }
      %dma_wait3A_661 = arith.constant 0 : i32
      %dma_wait3A_662 = arith.constant 0 : i32
      %dma_wait3A_663 = tpu.memref_slice %arg2[%arg0, %dma_wait3A_661, %dma_wait3A_662] : memref<2x10008x104xf32, #tpu.memory_space<hbm>> -> memref<1x128x104xf32, #tpu.memory_space<hbm>>
      %dma_wait3A_664 = tpu.memref_squeeze %dma_wait3A_663 : memref<1x128x104xf32, #tpu.memory_space<hbm>> -> memref<128x104xf32, #tpu.memory_space<hbm>>
      %dma_wait3A_665 = arith.constant 0 : i32
      %dma_wait3A_666 = arith.constant 0 : i32
      %dma_wait3A_667 = tpu.memref_slice %arg2[%arg0, %dma_wait3A_665, %dma_wait3A_666] : memref<2x10008x104xf32, #tpu.memory_space<hbm>> -> memref<1x128x104xf32, #tpu.memory_space<hbm>>
      %dma_wait3A_668 = tpu.memref_squeeze %dma_wait3A_667 : memref<1x128x104xf32, #tpu.memory_space<hbm>> -> memref<128x104xf32, #tpu.memory_space<hbm>>
      tpu.wait_dma2 semaphore(%arg16 : memref<!tpu.dma_semaphore, #tpu.memory_space<semaphore_mem>>) src(%dma_wait3A_668 : memref<128x104xf32, #tpu.memory_space<hbm>>) dst(%arg9 : memref<128x104xf32, #tpu.memory_space<vmem>>)
      %add3A_669 = arith.constant 1 : i32
      %add3A_670 = arith.addi %add3A_626, %add3A_669 : i32
      %run_scoped3A_671 = arith.constant 1 : i32
      "tpu.region"() ({
        %run_scoped3A_712 = tpu.sem_alloc : memref<!tpu.dma_semaphore, #tpu.memory_space<semaphore_mem>>
        %dma_start3A_713 = arith.constant 0 : i32
        %dma_start3A_714 = tpu.memref_slice %arg6[%add3A_670, %run_scoped3A_671, %dma_start3A_713] : memref<16x2x128xi32, #tpu.memory_space<vmem>> -> memref<1x1x128xi32, #tpu.memory_space<vmem>>
        %dma_start3A_715 = tpu.memref_squeeze %dma_start3A_714 : memref<1x1x128xi32, #tpu.memory_space<vmem>> -> memref<128xi32, #tpu.memory_space<vmem>>
        %dma_start3A_716 = arith.constant 0 : i32
        %dma_start3A_717 = arith.constant 0 : i32
        %dma_start3A_718 = tpu.memref_slice %arg12[%dma_start3A_716, %dma_start3A_717] : memref<10008x104xf32, #tpu.memory_space<vmem_shared>> -> memref<10008x104xf32, #tpu.memory_space<vmem_shared>>
        tpu.enqueue_indirect_dma source(%arg9 : memref<128x104xf32, #tpu.memory_space<vmem>>) target(%dma_start3A_718 : memref<10008x104xf32, #tpu.memory_space<vmem_shared>>) offsets(%dma_start3A_715 : memref<128xi32, #tpu.memory_space<vmem>>) semaphore(%run_scoped3A_712 : memref<!tpu.dma_semaphore, #tpu.memory_space<semaphore_mem>>) {add = true}
        %dma_wait3A_719 = arith.constant 0 : i32
        %dma_wait3A_720 = tpu.memref_slice %arg6[%add3A_670, %run_scoped3A_671, %dma_wait3A_719] : memref<16x2x128xi32, #tpu.memory_space<vmem>> -> memref<1x1x128xi32, #tpu.memory_space<vmem>>
        %dma_wait3A_721 = tpu.memref_squeeze %dma_wait3A_720 : memref<1x1x128xi32, #tpu.memory_space<vmem>> -> memref<128xi32, #tpu.memory_space<vmem>>
        %dma_wait3A_722 = arith.constant 0 : i32
        %dma_wait3A_723 = arith.constant 0 : i32
        %dma_wait3A_724 = tpu.memref_slice %arg12[%dma_wait3A_722, %dma_wait3A_723] : memref<10008x104xf32, #tpu.memory_space<vmem_shared>> -> memref<10008x104xf32, #tpu.memory_space<vmem_shared>>
        tpu.wait_indirect_dma semaphore(%run_scoped3A_712 : memref<!tpu.dma_semaphore, #tpu.memory_space<semaphore_mem>>) src(%arg9 : memref<128x104xf32, #tpu.memory_space<vmem>>) dst(%dma_wait3A_724 : memref<10008x104xf32, #tpu.memory_space<vmem_shared>>)
        tpu.yield
      }) : () -> ()
      %add3A_672 = arith.constant 1 : i32
      %add3A_673 = arith.addi %add3A_626, %add3A_672 : i32
      %add3A_674 = arith.constant 4 : i32
      %add3A_675 = arith.addi %add3A_673, %add3A_674 : i32
      %lt3A_676 = arith.constant 16 : i32
      %lt3A_677 = arith.cmpi slt, %add3A_675, %lt3A_676 : i32
      %convert_element_type3A_678 = arith.extui %lt3A_677 : i1 to i32
      %cond3A_679 = arith.constant 0 : i32
      %cond3A_680 = arith.cmpi ne, %convert_element_type3A_678, %cond3A_679 : i32
      scf.if %cond3A_680 {
        %add3A_712 = arith.constant 1 : i32
        %add3A_713 = arith.addi %add3A_626, %add3A_712 : i32
        %add3A_714 = arith.constant 4 : i32
        %add3A_715 = arith.addi %add3A_713, %add3A_714 : i32
        %dma_start3A_716 = arith.constant 0 : i32
        %dma_start3A_717 = arith.constant 0 : i32
        %dma_start3A_718 = tpu.memref_slice %arg6[%add3A_715, %dma_start3A_716, %dma_start3A_717] : memref<16x2x128xi32, #tpu.memory_space<vmem>> -> memref<1x1x128xi32, #tpu.memory_space<vmem>>
        %dma_start3A_719 = tpu.memref_squeeze %dma_start3A_718 : memref<1x1x128xi32, #tpu.memory_space<vmem>> -> memref<128xi32, #tpu.memory_space<vmem>>
        %dma_start3A_720 = arith.constant 0 : i32
        %dma_start3A_721 = arith.constant 0 : i32
        %dma_start3A_722 = tpu.memref_slice %arg2[%arg0, %dma_start3A_720, %dma_start3A_721] : memref<2x10008x104xf32, #tpu.memory_space<hbm>> -> memref<1x10008x104xf32, #tpu.memory_space<hbm>>
        %dma_start3A_723 = tpu.memref_squeeze %dma_start3A_722 : memref<1x10008x104xf32, #tpu.memory_space<hbm>> -> memref<10008x104xf32, #tpu.memory_space<hbm>>
        %dma_start3A_724 = arith.constant 0 : i32
        %dma_start3A_725 = arith.constant 0 : i32
        %dma_start3A_726 = tpu.memref_slice %dma_start3A_723[%dma_start3A_724, %dma_start3A_725] : memref<10008x104xf32, #tpu.memory_space<hbm>> -> memref<10008x104xf32, #tpu.memory_space<hbm>>
        tpu.enqueue_indirect_dma source(%dma_start3A_726 : memref<10008x104xf32, #tpu.memory_space<hbm>>) target(%arg9 : memref<128x104xf32, #tpu.memory_space<vmem>>) offsets(%dma_start3A_719 : memref<128xi32, #tpu.memory_space<vmem>>) semaphore(%arg16 : memref<!tpu.dma_semaphore, #tpu.memory_space<semaphore_mem>>)
      } else {
      }
      %dma_wait3A_681 = arith.constant 0 : i32
      %dma_wait3A_682 = arith.constant 0 : i32
      %dma_wait3A_683 = tpu.memref_slice %arg2[%arg0, %dma_wait3A_681, %dma_wait3A_682] : memref<2x10008x104xf32, #tpu.memory_space<hbm>> -> memref<1x128x104xf32, #tpu.memory_space<hbm>>
      %dma_wait3A_684 = tpu.memref_squeeze %dma_wait3A_683 : memref<1x128x104xf32, #tpu.memory_space<hbm>> -> memref<128x104xf32, #tpu.memory_space<hbm>>
      %dma_wait3A_685 = arith.constant 0 : i32
      %dma_wait3A_686 = arith.constant 0 : i32
      %dma_wait3A_687 = tpu.memref_slice %arg2[%arg0, %dma_wait3A_685, %dma_wait3A_686] : memref<2x10008x104xf32, #tpu.memory_space<hbm>> -> memref<1x128x104xf32, #tpu.memory_space<hbm>>
      %dma_wait3A_688 = tpu.memref_squeeze %dma_wait3A_687 : memref<1x128x104xf32, #tpu.memory_space<hbm>> -> memref<128x104xf32, #tpu.memory_space<hbm>>
      tpu.wait_dma2 semaphore(%arg17 : memref<!tpu.dma_semaphore, #tpu.memory_space<semaphore_mem>>) src(%dma_wait3A_688 : memref<128x104xf32, #tpu.memory_space<hbm>>) dst(%arg10 : memref<128x104xf32, #tpu.memory_space<vmem>>)
      %add3A_689 = arith.constant 2 : i32
      %add3A_690 = arith.addi %add3A_626, %add3A_689 : i32
      %run_scoped3A_691 = arith.constant 1 : i32
      "tpu.region"() ({
        %run_scoped3A_712 = tpu.sem_alloc : memref<!tpu.dma_semaphore, #tpu.memory_space<semaphore_mem>>
        %dma_start3A_713 = arith.constant 0 : i32
        %dma_start3A_714 = tpu.memref_slice %arg6[%add3A_690, %run_scoped3A_691, %dma_start3A_713] : memref<16x2x128xi32, #tpu.memory_space<vmem>> -> memref<1x1x128xi32, #tpu.memory_space<vmem>>
        %dma_start3A_715 = tpu.memref_squeeze %dma_start3A_714 : memref<1x1x128xi32, #tpu.memory_space<vmem>> -> memref<128xi32, #tpu.memory_space<vmem>>
        %dma_start3A_716 = arith.constant 0 : i32
        %dma_start3A_717 = arith.constant 0 : i32
        %dma_start3A_718 = tpu.memref_slice %arg12[%dma_start3A_716, %dma_start3A_717] : memref<10008x104xf32, #tpu.memory_space<vmem_shared>> -> memref<10008x104xf32, #tpu.memory_space<vmem_shared>>
        tpu.enqueue_indirect_dma source(%arg10 : memref<128x104xf32, #tpu.memory_space<vmem>>) target(%dma_start3A_718 : memref<10008x104xf32, #tpu.memory_space<vmem_shared>>) offsets(%dma_start3A_715 : memref<128xi32, #tpu.memory_space<vmem>>) semaphore(%run_scoped3A_712 : memref<!tpu.dma_semaphore, #tpu.memory_space<semaphore_mem>>) {add = true}
        %dma_wait3A_719 = arith.constant 0 : i32
        %dma_wait3A_720 = tpu.memref_slice %arg6[%add3A_690, %run_scoped3A_691, %dma_wait3A_719] : memref<16x2x128xi32, #tpu.memory_space<vmem>> -> memref<1x1x128xi32, #tpu.memory_space<vmem>>
        %dma_wait3A_721 = tpu.memref_squeeze %dma_wait3A_720 : memref<1x1x128xi32, #tpu.memory_space<vmem>> -> memref<128xi32, #tpu.memory_space<vmem>>
        %dma_wait3A_722 = arith.constant 0 : i32
        %dma_wait3A_723 = arith.constant 0 : i32
        %dma_wait3A_724 = tpu.memref_slice %arg12[%dma_wait3A_722, %dma_wait3A_723] : memref<10008x104xf32, #tpu.memory_space<vmem_shared>> -> memref<10008x104xf32, #tpu.memory_space<vmem_shared>>
        tpu.wait_indirect_dma semaphore(%run_scoped3A_712 : memref<!tpu.dma_semaphore, #tpu.memory_space<semaphore_mem>>) src(%arg10 : memref<128x104xf32, #tpu.memory_space<vmem>>) dst(%dma_wait3A_724 : memref<10008x104xf32, #tpu.memory_space<vmem_shared>>)
        tpu.yield
      }) : () -> ()
      %add3A_692 = arith.constant 2 : i32
      %add3A_693 = arith.addi %add3A_626, %add3A_692 : i32
      %add3A_694 = arith.constant 4 : i32
      %add3A_695 = arith.addi %add3A_693, %add3A_694 : i32
      %lt3A_696 = arith.constant 16 : i32
      %lt3A_697 = arith.cmpi slt, %add3A_695, %lt3A_696 : i32
      %convert_element_type3A_698 = arith.extui %lt3A_697 : i1 to i32
      %cond3A_699 = arith.constant 0 : i32
      %cond3A_700 = arith.cmpi ne, %convert_element_type3A_698, %cond3A_699 : i32
      scf.if %cond3A_700 {
        %add3A_712 = arith.constant 2 : i32
        %add3A_713 = arith.addi %add3A_626, %add3A_712 : i32
        %add3A_714 = arith.constant 4 : i32
        %add3A_715 = arith.addi %add3A_713, %add3A_714 : i32
        %dma_start3A_716 = arith.constant 0 : i32
        %dma_start3A_717 = arith.constant 0 : i32
        %dma_start3A_718 = tpu.memref_slice %arg6[%add3A_715, %dma_start3A_716, %dma_start3A_717] : memref<16x2x128xi32, #tpu.memory_space<vmem>> -> memref<1x1x128xi32, #tpu.memory_space<vmem>>
        %dma_start3A_719 = tpu.memref_squeeze %dma_start3A_718 : memref<1x1x128xi32, #tpu.memory_space<vmem>> -> memref<128xi32, #tpu.memory_space<vmem>>
        %dma_start3A_720 = arith.constant 0 : i32
        %dma_start3A_721 = arith.constant 0 : i32
        %dma_start3A_722 = tpu.memref_slice %arg2[%arg0, %dma_start3A_720, %dma_start3A_721] : memref<2x10008x104xf32, #tpu.memory_space<hbm>> -> memref<1x10008x104xf32, #tpu.memory_space<hbm>>
        %dma_start3A_723 = tpu.memref_squeeze %dma_start3A_722 : memref<1x10008x104xf32, #tpu.memory_space<hbm>> -> memref<10008x104xf32, #tpu.memory_space<hbm>>
        %dma_start3A_724 = arith.constant 0 : i32
        %dma_start3A_725 = arith.constant 0 : i32
        %dma_start3A_726 = tpu.memref_slice %dma_start3A_723[%dma_start3A_724, %dma_start3A_725] : memref<10008x104xf32, #tpu.memory_space<hbm>> -> memref<10008x104xf32, #tpu.memory_space<hbm>>
        tpu.enqueue_indirect_dma source(%dma_start3A_726 : memref<10008x104xf32, #tpu.memory_space<hbm>>) target(%arg10 : memref<128x104xf32, #tpu.memory_space<vmem>>) offsets(%dma_start3A_719 : memref<128xi32, #tpu.memory_space<vmem>>) semaphore(%arg17 : memref<!tpu.dma_semaphore, #tpu.memory_space<semaphore_mem>>)
      } else {
      }
      %dma_wait3A_701 = arith.constant 0 : i32
      %dma_wait3A_702 = arith.constant 0 : i32
      %dma_wait3A_703 = tpu.memref_slice %arg2[%arg0, %dma_wait3A_701, %dma_wait3A_702] : memref<2x10008x104xf32, #tpu.memory_space<hbm>> -> memref<1x128x104xf32, #tpu.memory_space<hbm>>
      %dma_wait3A_704 = tpu.memref_squeeze %dma_wait3A_703 : memref<1x128x104xf32, #tpu.memory_space<hbm>> -> memref<128x104xf32, #tpu.memory_space<hbm>>
      %dma_wait3A_705 = arith.constant 0 : i32
      %dma_wait3A_706 = arith.constant 0 : i32
      %dma_wait3A_707 = tpu.memref_slice %arg2[%arg0, %dma_wait3A_705, %dma_wait3A_706] : memref<2x10008x104xf32, #tpu.memory_space<hbm>> -> memref<1x128x104xf32, #tpu.memory_space<hbm>>
      %dma_wait3A_708 = tpu.memref_squeeze %dma_wait3A_707 : memref<1x128x104xf32, #tpu.memory_space<hbm>> -> memref<128x104xf32, #tpu.memory_space<hbm>>
      tpu.wait_dma2 semaphore(%arg18 : memref<!tpu.dma_semaphore, #tpu.memory_space<semaphore_mem>>) src(%dma_wait3A_708 : memref<128x104xf32, #tpu.memory_space<hbm>>) dst(%arg11 : memref<128x104xf32, #tpu.memory_space<vmem>>)
      %add3A_709 = arith.constant 3 : i32
      %add3A_710 = arith.addi %add3A_626, %add3A_709 : i32
      %run_scoped3A_711 = arith.constant 1 : i32
      "tpu.region"() ({
        %run_scoped3A_712 = tpu.sem_alloc : memref<!tpu.dma_semaphore, #tpu.memory_space<semaphore_mem>>
        %dma_start3A_713 = arith.constant 0 : i32
        %dma_start3A_714 = tpu.memref_slice %arg6[%add3A_710, %run_scoped3A_711, %dma_start3A_713] : memref<16x2x128xi32, #tpu.memory_space<vmem>> -> memref<1x1x128xi32, #tpu.memory_space<vmem>>
        %dma_start3A_715 = tpu.memref_squeeze %dma_start3A_714 : memref<1x1x128xi32, #tpu.memory_space<vmem>> -> memref<128xi32, #tpu.memory_space<vmem>>
        %dma_start3A_716 = arith.constant 0 : i32
        %dma_start3A_717 = arith.constant 0 : i32
        %dma_start3A_718 = tpu.memref_slice %arg12[%dma_start3A_716, %dma_start3A_717] : memref<10008x104xf32, #tpu.memory_space<vmem_shared>> -> memref<10008x104xf32, #tpu.memory_space<vmem_shared>>
        tpu.enqueue_indirect_dma source(%arg11 : memref<128x104xf32, #tpu.memory_space<vmem>>) target(%dma_start3A_718 : memref<10008x104xf32, #tpu.memory_space<vmem_shared>>) offsets(%dma_start3A_715 : memref<128xi32, #tpu.memory_space<vmem>>) semaphore(%run_scoped3A_712 : memref<!tpu.dma_semaphore, #tpu.memory_space<semaphore_mem>>) {add = true}
        %dma_wait3A_719 = arith.constant 0 : i32
        %dma_wait3A_720 = tpu.memref_slice %arg6[%add3A_710, %run_scoped3A_711, %dma_wait3A_719] : memref<16x2x128xi32, #tpu.memory_space<vmem>> -> memref<1x1x128xi32, #tpu.memory_space<vmem>>
        %dma_wait3A_721 = tpu.memref_squeeze %dma_wait3A_720 : memref<1x1x128xi32, #tpu.memory_space<vmem>> -> memref<128xi32, #tpu.memory_space<vmem>>
        %dma_wait3A_722 = arith.constant 0 : i32
        %dma_wait3A_723 = arith.constant 0 : i32
        %dma_wait3A_724 = tpu.memref_slice %arg12[%dma_wait3A_722, %dma_wait3A_723] : memref<10008x104xf32, #tpu.memory_space<vmem_shared>> -> memref<10008x104xf32, #tpu.memory_space<vmem_shared>>
        tpu.wait_indirect_dma semaphore(%run_scoped3A_712 : memref<!tpu.dma_semaphore, #tpu.memory_space<semaphore_mem>>) src(%arg11 : memref<128x104xf32, #tpu.memory_space<vmem>>) dst(%dma_wait3A_724 : memref<10008x104xf32, #tpu.memory_space<vmem_shared>>)
        tpu.yield
      }) : () -> ()
    }
    %scan3A_181 = arith.constant 4 : i32
    %dma_wait3A_182 = arith.constant 0 : i32
    %dma_wait3A_183 = arith.constant 0 : i32
    %dma_wait3A_184 = arith.constant 0 : i32
    %dma_wait3A_185 = arith.constant 0 : i32
    %dma_wait3A_186 = tpu.memref_slice %arg3[%arg1, %dma_wait3A_182, %dma_wait3A_183, %dma_wait3A_184, %dma_wait3A_185] : memref<16x10x16x2x128xi32, #tpu.memory_space<hbm>> -> memref<1x1x16x2x128xi32, #tpu.memory_space<hbm>>
    %dma_wait3A_187 = tpu.memref_squeeze %dma_wait3A_186 : memref<1x1x16x2x128xi32, #tpu.memory_space<hbm>> -> memref<16x2x128xi32, #tpu.memory_space<hbm>>
    %dma_wait3A_188 = arith.constant 0 : i32
    %dma_wait3A_189 = arith.constant 0 : i32
    %dma_wait3A_190 = arith.constant 0 : i32
    %dma_wait3A_191 = tpu.memref_slice %arg3[%arg1, %dma_wait3A_182, %dma_wait3A_188, %dma_wait3A_189, %dma_wait3A_190] : memref<16x10x16x2x128xi32, #tpu.memory_space<hbm>> -> memref<1x1x16x2x128xi32, #tpu.memory_space<hbm>>
    %dma_wait3A_192 = tpu.memref_squeeze %dma_wait3A_191 : memref<1x1x16x2x128xi32, #tpu.memory_space<hbm>> -> memref<16x2x128xi32, #tpu.memory_space<hbm>>
    tpu.wait_dma2 semaphore(%arg14 : memref<!tpu.dma_semaphore, #tpu.memory_space<semaphore_mem>>) src(%dma_wait3A_192 : memref<16x2x128xi32, #tpu.memory_space<hbm>>) dst(%arg7 : memref<16x2x128xi32, #tpu.memory_space<vmem>>)
    %dma_start3A_193 = arith.constant 4 : i32
    %dma_start3A_194 = arith.constant 0 : i32
    %dma_start3A_195 = arith.constant 0 : i32
    %dma_start3A_196 = arith.constant 0 : i32
    %dma_start3A_197 = tpu.memref_slice %arg3[%arg1, %dma_start3A_193, %dma_start3A_194, %dma_start3A_195, %dma_start3A_196] : memref<16x10x16x2x128xi32, #tpu.memory_space<hbm>> -> memref<1x1x16x2x128xi32, #tpu.memory_space<hbm>>
    %dma_start3A_198 = tpu.memref_squeeze %dma_start3A_197 : memref<1x1x16x2x128xi32, #tpu.memory_space<hbm>> -> memref<16x2x128xi32, #tpu.memory_space<hbm>>
    %dma_start3A_199 = arith.constant 0 : i32
    %dma_start3A_200 = arith.constant 0 : i32
    %dma_start3A_201 = arith.constant 0 : i32
    %dma_start3A_202 = tpu.memref_slice %arg3[%arg1, %dma_start3A_193, %dma_start3A_199, %dma_start3A_200, %dma_start3A_201] : memref<16x10x16x2x128xi32, #tpu.memory_space<hbm>> -> memref<1x1x16x2x128xi32, #tpu.memory_space<hbm>>
    %dma_start3A_203 = tpu.memref_squeeze %dma_start3A_202 : memref<1x1x16x2x128xi32, #tpu.memory_space<hbm>> -> memref<16x2x128xi32, #tpu.memory_space<hbm>>
    tpu.enqueue_dma source(%dma_start3A_203 : memref<16x2x128xi32, #tpu.memory_space<hbm>>) target(%arg6 : memref<16x2x128xi32, #tpu.memory_space<vmem>>) target_semaphore(%arg13 : memref<!tpu.dma_semaphore, #tpu.memory_space<semaphore_mem>>)
    %dma_start3A_204 = arith.constant 0 : i32
    %dma_start3A_205 = arith.constant 0 : i32
    %dma_start3A_206 = arith.constant 0 : i32
    %dma_start3A_207 = tpu.memref_slice %arg7[%dma_start3A_204, %dma_start3A_205, %dma_start3A_206] : memref<16x2x128xi32, #tpu.memory_space<vmem>> -> memref<1x1x128xi32, #tpu.memory_space<vmem>>
    %dma_start3A_208 = tpu.memref_squeeze %dma_start3A_207 : memref<1x1x128xi32, #tpu.memory_space<vmem>> -> memref<128xi32, #tpu.memory_space<vmem>>
    %dma_start3A_209 = arith.constant 0 : i32
    %dma_start3A_210 = arith.constant 0 : i32
    %dma_start3A_211 = tpu.memref_slice %arg2[%arg0, %dma_start3A_209, %dma_start3A_210] : memref<2x10008x104xf32, #tpu.memory_space<hbm>> -> memref<1x10008x104xf32, #tpu.memory_space<hbm>>
    %dma_start3A_212 = tpu.memref_squeeze %dma_start3A_211 : memref<1x10008x104xf32, #tpu.memory_space<hbm>> -> memref<10008x104xf32, #tpu.memory_space<hbm>>
    %dma_start3A_213 = arith.constant 0 : i32
    %dma_start3A_214 = arith.constant 0 : i32
    %dma_start3A_215 = tpu.memref_slice %dma_start3A_212[%dma_start3A_213, %dma_start3A_214] : memref<10008x104xf32, #tpu.memory_space<hbm>> -> memref<10008x104xf32, #tpu.memory_space<hbm>>
    tpu.enqueue_indirect_dma source(%dma_start3A_215 : memref<10008x104xf32, #tpu.memory_space<hbm>>) target(%arg8 : memref<128x104xf32, #tpu.memory_space<vmem>>) offsets(%dma_start3A_208 : memref<128xi32, #tpu.memory_space<vmem>>) semaphore(%arg15 : memref<!tpu.dma_semaphore, #tpu.memory_space<semaphore_mem>>)
    %dma_start3A_216 = arith.constant 1 : i32
    %dma_start3A_217 = arith.constant 0 : i32
    %dma_start3A_218 = arith.constant 0 : i32
    %dma_start3A_219 = tpu.memref_slice %arg7[%dma_start3A_216, %dma_start3A_217, %dma_start3A_218] : memref<16x2x128xi32, #tpu.memory_space<vmem>> -> memref<1x1x128xi32, #tpu.memory_space<vmem>>
    %dma_start3A_220 = tpu.memref_squeeze %dma_start3A_219 : memref<1x1x128xi32, #tpu.memory_space<vmem>> -> memref<128xi32, #tpu.memory_space<vmem>>
    %dma_start3A_221 = arith.constant 0 : i32
    %dma_start3A_222 = arith.constant 0 : i32
    %dma_start3A_223 = tpu.memref_slice %arg2[%arg0, %dma_start3A_221, %dma_start3A_222] : memref<2x10008x104xf32, #tpu.memory_space<hbm>> -> memref<1x10008x104xf32, #tpu.memory_space<hbm>>
    %dma_start3A_224 = tpu.memref_squeeze %dma_start3A_223 : memref<1x10008x104xf32, #tpu.memory_space<hbm>> -> memref<10008x104xf32, #tpu.memory_space<hbm>>
    %dma_start3A_225 = arith.constant 0 : i32
    %dma_start3A_226 = arith.constant 0 : i32
    %dma_start3A_227 = tpu.memref_slice %dma_start3A_224[%dma_start3A_225, %dma_start3A_226] : memref<10008x104xf32, #tpu.memory_space<hbm>> -> memref<10008x104xf32, #tpu.memory_space<hbm>>
    tpu.enqueue_indirect_dma source(%dma_start3A_227 : memref<10008x104xf32, #tpu.memory_space<hbm>>) target(%arg9 : memref<128x104xf32, #tpu.memory_space<vmem>>) offsets(%dma_start3A_220 : memref<128xi32, #tpu.memory_space<vmem>>) semaphore(%arg16 : memref<!tpu.dma_semaphore, #tpu.memory_space<semaphore_mem>>)
    %dma_start3A_228 = arith.constant 2 : i32
    %dma_start3A_229 = arith.constant 0 : i32
    %dma_start3A_230 = arith.constant 0 : i32
    %dma_start3A_231 = tpu.memref_slice %arg7[%dma_start3A_228, %dma_start3A_229, %dma_start3A_230] : memref<16x2x128xi32, #tpu.memory_space<vmem>> -> memref<1x1x128xi32, #tpu.memory_space<vmem>>
    %dma_start3A_232 = tpu.memref_squeeze %dma_start3A_231 : memref<1x1x128xi32, #tpu.memory_space<vmem>> -> memref<128xi32, #tpu.memory_space<vmem>>
    %dma_start3A_233 = arith.constant 0 : i32
    %dma_start3A_234 = arith.constant 0 : i32
    %dma_start3A_235 = tpu.memref_slice %arg2[%arg0, %dma_start3A_233, %dma_start3A_234] : memref<2x10008x104xf32, #tpu.memory_space<hbm>> -> memref<1x10008x104xf32, #tpu.memory_space<hbm>>
    %dma_start3A_236 = tpu.memref_squeeze %dma_start3A_235 : memref<1x10008x104xf32, #tpu.memory_space<hbm>> -> memref<10008x104xf32, #tpu.memory_space<hbm>>
    %dma_start3A_237 = arith.constant 0 : i32
    %dma_start3A_238 = arith.constant 0 : i32
    %dma_start3A_239 = tpu.memref_slice %dma_start3A_236[%dma_start3A_237, %dma_start3A_238] : memref<10008x104xf32, #tpu.memory_space<hbm>> -> memref<10008x104xf32, #tpu.memory_space<hbm>>
    tpu.enqueue_indirect_dma source(%dma_start3A_239 : memref<10008x104xf32, #tpu.memory_space<hbm>>) target(%arg10 : memref<128x104xf32, #tpu.memory_space<vmem>>) offsets(%dma_start3A_232 : memref<128xi32, #tpu.memory_space<vmem>>) semaphore(%arg17 : memref<!tpu.dma_semaphore, #tpu.memory_space<semaphore_mem>>)
    %scan3A_240 = arith.constant 0 : i32
    %scan3A_241 = arith.constant 4 : i32
    %scan3A_242 = arith.addi %scan3A_240, %scan3A_241 : i32
    %scan3A_243 = arith.constant 1 : i32
    scf.for %scan3A_623 = %scan3A_240 to %scan3A_242 step %scan3A_243  : i32 {
      %mul3A_624 = arith.constant 4 : i32
      %mul3A_625 = arith.muli %scan3A_623, %mul3A_624 : i32
      %add3A = arith.constant 0 : i32
      %add3A_626 = arith.addi %add3A, %mul3A_625 : i32
      %add3A_627 = arith.constant 4 : i32
      %add3A_628 = arith.addi %add3A_626, %add3A_627 : i32
      %sub3A = arith.constant 1 : i32
      %sub3A_629 = arith.subi %add3A_628, %sub3A : i32
      %dma_start3A_630 = arith.constant 0 : i32
      %dma_start3A_631 = arith.constant 0 : i32
      %dma_start3A_632 = tpu.memref_slice %arg7[%sub3A_629, %dma_start3A_630, %dma_start3A_631] : memref<16x2x128xi32, #tpu.memory_space<vmem>> -> memref<1x1x128xi32, #tpu.memory_space<vmem>>
      %dma_start3A_633 = tpu.memref_squeeze %dma_start3A_632 : memref<1x1x128xi32, #tpu.memory_space<vmem>> -> memref<128xi32, #tpu.memory_space<vmem>>
      %dma_start3A_634 = arith.constant 0 : i32
      %dma_start3A_635 = arith.constant 0 : i32
      %dma_start3A_636 = tpu.memref_slice %arg2[%arg0, %dma_start3A_634, %dma_start3A_635] : memref<2x10008x104xf32, #tpu.memory_space<hbm>> -> memref<1x10008x104xf32, #tpu.memory_space<hbm>>
      %dma_start3A_637 = tpu.memref_squeeze %dma_start3A_636 : memref<1x10008x104xf32, #tpu.memory_space<hbm>> -> memref<10008x104xf32, #tpu.memory_space<hbm>>
      %dma_start3A_638 = arith.constant 0 : i32
      %dma_start3A_639 = arith.constant 0 : i32
      %dma_start3A_640 = tpu.memref_slice %dma_start3A_637[%dma_start3A_638, %dma_start3A_639] : memref<10008x104xf32, #tpu.memory_space<hbm>> -> memref<10008x104xf32, #tpu.memory_space<hbm>>
      tpu.enqueue_indirect_dma source(%dma_start3A_640 : memref<10008x104xf32, #tpu.memory_space<hbm>>) target(%arg11 : memref<128x104xf32, #tpu.memory_space<vmem>>) offsets(%dma_start3A_633 : memref<128xi32, #tpu.memory_space<vmem>>) semaphore(%arg18 : memref<!tpu.dma_semaphore, #tpu.memory_space<semaphore_mem>>)
      %dma_wait3A_641 = arith.constant 0 : i32
      %dma_wait3A_642 = arith.constant 0 : i32
      %dma_wait3A_643 = tpu.memref_slice %arg2[%arg0, %dma_wait3A_641, %dma_wait3A_642] : memref<2x10008x104xf32, #tpu.memory_space<hbm>> -> memref<1x128x104xf32, #tpu.memory_space<hbm>>
      %dma_wait3A_644 = tpu.memref_squeeze %dma_wait3A_643 : memref<1x128x104xf32, #tpu.memory_space<hbm>> -> memref<128x104xf32, #tpu.memory_space<hbm>>
      %dma_wait3A_645 = arith.constant 0 : i32
      %dma_wait3A_646 = arith.constant 0 : i32
      %dma_wait3A_647 = tpu.memref_slice %arg2[%arg0, %dma_wait3A_645, %dma_wait3A_646] : memref<2x10008x104xf32, #tpu.memory_space<hbm>> -> memref<1x128x104xf32, #tpu.memory_space<hbm>>
      %dma_wait3A_648 = tpu.memref_squeeze %dma_wait3A_647 : memref<1x128x104xf32, #tpu.memory_space<hbm>> -> memref<128x104xf32, #tpu.memory_space<hbm>>
      tpu.wait_dma2 semaphore(%arg15 : memref<!tpu.dma_semaphore, #tpu.memory_space<semaphore_mem>>) src(%dma_wait3A_648 : memref<128x104xf32, #tpu.memory_space<hbm>>) dst(%arg8 : memref<128x104xf32, #tpu.memory_space<vmem>>)
      %add3A_649 = arith.constant 0 : i32
      %add3A_650 = arith.addi %add3A_626, %add3A_649 : i32
      %run_scoped3A_651 = arith.constant 1 : i32
      "tpu.region"() ({
        %run_scoped3A_712 = tpu.sem_alloc : memref<!tpu.dma_semaphore, #tpu.memory_space<semaphore_mem>>
        %dma_start3A_713 = arith.constant 0 : i32
        %dma_start3A_714 = tpu.memref_slice %arg7[%add3A_650, %run_scoped3A_651, %dma_start3A_713] : memref<16x2x128xi32, #tpu.memory_space<vmem>> -> memref<1x1x128xi32, #tpu.memory_space<vmem>>
        %dma_start3A_715 = tpu.memref_squeeze %dma_start3A_714 : memref<1x1x128xi32, #tpu.memory_space<vmem>> -> memref<128xi32, #tpu.memory_space<vmem>>
        %dma_start3A_716 = arith.constant 0 : i32
        %dma_start3A_717 = arith.constant 0 : i32
        %dma_start3A_718 = tpu.memref_slice %arg12[%dma_start3A_716, %dma_start3A_717] : memref<10008x104xf32, #tpu.memory_space<vmem_shared>> -> memref<10008x104xf32, #tpu.memory_space<vmem_shared>>
        tpu.enqueue_indirect_dma source(%arg8 : memref<128x104xf32, #tpu.memory_space<vmem>>) target(%dma_start3A_718 : memref<10008x104xf32, #tpu.memory_space<vmem_shared>>) offsets(%dma_start3A_715 : memref<128xi32, #tpu.memory_space<vmem>>) semaphore(%run_scoped3A_712 : memref<!tpu.dma_semaphore, #tpu.memory_space<semaphore_mem>>) {add = true}
        %dma_wait3A_719 = arith.constant 0 : i32
        %dma_wait3A_720 = tpu.memref_slice %arg7[%add3A_650, %run_scoped3A_651, %dma_wait3A_719] : memref<16x2x128xi32, #tpu.memory_space<vmem>> -> memref<1x1x128xi32, #tpu.memory_space<vmem>>
        %dma_wait3A_721 = tpu.memref_squeeze %dma_wait3A_720 : memref<1x1x128xi32, #tpu.memory_space<vmem>> -> memref<128xi32, #tpu.memory_space<vmem>>
        %dma_wait3A_722 = arith.constant 0 : i32
        %dma_wait3A_723 = arith.constant 0 : i32
        %dma_wait3A_724 = tpu.memref_slice %arg12[%dma_wait3A_722, %dma_wait3A_723] : memref<10008x104xf32, #tpu.memory_space<vmem_shared>> -> memref<10008x104xf32, #tpu.memory_space<vmem_shared>>
        tpu.wait_indirect_dma semaphore(%run_scoped3A_712 : memref<!tpu.dma_semaphore, #tpu.memory_space<semaphore_mem>>) src(%arg8 : memref<128x104xf32, #tpu.memory_space<vmem>>) dst(%dma_wait3A_724 : memref<10008x104xf32, #tpu.memory_space<vmem_shared>>)
        tpu.yield
      }) : () -> ()
      %add3A_652 = arith.constant 0 : i32
      %add3A_653 = arith.addi %add3A_626, %add3A_652 : i32
      %add3A_654 = arith.constant 4 : i32
      %add3A_655 = arith.addi %add3A_653, %add3A_654 : i32
      %lt3A_656 = arith.constant 16 : i32
      %lt3A_657 = arith.cmpi slt, %add3A_655, %lt3A_656 : i32
      %convert_element_type3A_658 = arith.extui %lt3A_657 : i1 to i32
      %cond3A_659 = arith.constant 0 : i32
      %cond3A_660 = arith.cmpi ne, %convert_element_type3A_658, %cond3A_659 : i32
      scf.if %cond3A_660 {
        %add3A_712 = arith.constant 0 : i32
        %add3A_713 = arith.addi %add3A_626, %add3A_712 : i32
        %add3A_714 = arith.constant 4 : i32
        %add3A_715 = arith.addi %add3A_713, %add3A_714 : i32
        %dma_start3A_716 = arith.constant 0 : i32
        %dma_start3A_717 = arith.constant 0 : i32
        %dma_start3A_718 = tpu.memref_slice %arg7[%add3A_715, %dma_start3A_716, %dma_start3A_717] : memref<16x2x128xi32, #tpu.memory_space<vmem>> -> memref<1x1x128xi32, #tpu.memory_space<vmem>>
        %dma_start3A_719 = tpu.memref_squeeze %dma_start3A_718 : memref<1x1x128xi32, #tpu.memory_space<vmem>> -> memref<128xi32, #tpu.memory_space<vmem>>
        %dma_start3A_720 = arith.constant 0 : i32
        %dma_start3A_721 = arith.constant 0 : i32
        %dma_start3A_722 = tpu.memref_slice %arg2[%arg0, %dma_start3A_720, %dma_start3A_721] : memref<2x10008x104xf32, #tpu.memory_space<hbm>> -> memref<1x10008x104xf32, #tpu.memory_space<hbm>>
        %dma_start3A_723 = tpu.memref_squeeze %dma_start3A_722 : memref<1x10008x104xf32, #tpu.memory_space<hbm>> -> memref<10008x104xf32, #tpu.memory_space<hbm>>
        %dma_start3A_724 = arith.constant 0 : i32
        %dma_start3A_725 = arith.constant 0 : i32
        %dma_start3A_726 = tpu.memref_slice %dma_start3A_723[%dma_start3A_724, %dma_start3A_725] : memref<10008x104xf32, #tpu.memory_space<hbm>> -> memref<10008x104xf32, #tpu.memory_space<hbm>>
        tpu.enqueue_indirect_dma source(%dma_start3A_726 : memref<10008x104xf32, #tpu.memory_space<hbm>>) target(%arg8 : memref<128x104xf32, #tpu.memory_space<vmem>>) offsets(%dma_start3A_719 : memref<128xi32, #tpu.memory_space<vmem>>) semaphore(%arg15 : memref<!tpu.dma_semaphore, #tpu.memory_space<semaphore_mem>>)
      } else {
      }
      %dma_wait3A_661 = arith.constant 0 : i32
      %dma_wait3A_662 = arith.constant 0 : i32
      %dma_wait3A_663 = tpu.memref_slice %arg2[%arg0, %dma_wait3A_661, %dma_wait3A_662] : memref<2x10008x104xf32, #tpu.memory_space<hbm>> -> memref<1x128x104xf32, #tpu.memory_space<hbm>>
      %dma_wait3A_664 = tpu.memref_squeeze %dma_wait3A_663 : memref<1x128x104xf32, #tpu.memory_space<hbm>> -> memref<128x104xf32, #tpu.memory_space<hbm>>
      %dma_wait3A_665 = arith.constant 0 : i32
      %dma_wait3A_666 = arith.constant 0 : i32
      %dma_wait3A_667 = tpu.memref_slice %arg2[%arg0, %dma_wait3A_665, %dma_wait3A_666] : memref<2x10008x104xf32, #tpu.memory_space<hbm>> -> memref<1x128x104xf32, #tpu.memory_space<hbm>>
      %dma_wait3A_668 = tpu.memref_squeeze %dma_wait3A_667 : memref<1x128x104xf32, #tpu.memory_space<hbm>> -> memref<128x104xf32, #tpu.memory_space<hbm>>
      tpu.wait_dma2 semaphore(%arg16 : memref<!tpu.dma_semaphore, #tpu.memory_space<semaphore_mem>>) src(%dma_wait3A_668 : memref<128x104xf32, #tpu.memory_space<hbm>>) dst(%arg9 : memref<128x104xf32, #tpu.memory_space<vmem>>)
      %add3A_669 = arith.constant 1 : i32
      %add3A_670 = arith.addi %add3A_626, %add3A_669 : i32
      %run_scoped3A_671 = arith.constant 1 : i32
      "tpu.region"() ({
        %run_scoped3A_712 = tpu.sem_alloc : memref<!tpu.dma_semaphore, #tpu.memory_space<semaphore_mem>>
        %dma_start3A_713 = arith.constant 0 : i32
        %dma_start3A_714 = tpu.memref_slice %arg7[%add3A_670, %run_scoped3A_671, %dma_start3A_713] : memref<16x2x128xi32, #tpu.memory_space<vmem>> -> memref<1x1x128xi32, #tpu.memory_space<vmem>>
        %dma_start3A_715 = tpu.memref_squeeze %dma_start3A_714 : memref<1x1x128xi32, #tpu.memory_space<vmem>> -> memref<128xi32, #tpu.memory_space<vmem>>
        %dma_start3A_716 = arith.constant 0 : i32
        %dma_start3A_717 = arith.constant 0 : i32
        %dma_start3A_718 = tpu.memref_slice %arg12[%dma_start3A_716, %dma_start3A_717] : memref<10008x104xf32, #tpu.memory_space<vmem_shared>> -> memref<10008x104xf32, #tpu.memory_space<vmem_shared>>
        tpu.enqueue_indirect_dma source(%arg9 : memref<128x104xf32, #tpu.memory_space<vmem>>) target(%dma_start3A_718 : memref<10008x104xf32, #tpu.memory_space<vmem_shared>>) offsets(%dma_start3A_715 : memref<128xi32, #tpu.memory_space<vmem>>) semaphore(%run_scoped3A_712 : memref<!tpu.dma_semaphore, #tpu.memory_space<semaphore_mem>>) {add = true}
        %dma_wait3A_719 = arith.constant 0 : i32
        %dma_wait3A_720 = tpu.memref_slice %arg7[%add3A_670, %run_scoped3A_671, %dma_wait3A_719] : memref<16x2x128xi32, #tpu.memory_space<vmem>> -> memref<1x1x128xi32, #tpu.memory_space<vmem>>
        %dma_wait3A_721 = tpu.memref_squeeze %dma_wait3A_720 : memref<1x1x128xi32, #tpu.memory_space<vmem>> -> memref<128xi32, #tpu.memory_space<vmem>>
        %dma_wait3A_722 = arith.constant 0 : i32
        %dma_wait3A_723 = arith.constant 0 : i32
        %dma_wait3A_724 = tpu.memref_slice %arg12[%dma_wait3A_722, %dma_wait3A_723] : memref<10008x104xf32, #tpu.memory_space<vmem_shared>> -> memref<10008x104xf32, #tpu.memory_space<vmem_shared>>
        tpu.wait_indirect_dma semaphore(%run_scoped3A_712 : memref<!tpu.dma_semaphore, #tpu.memory_space<semaphore_mem>>) src(%arg9 : memref<128x104xf32, #tpu.memory_space<vmem>>) dst(%dma_wait3A_724 : memref<10008x104xf32, #tpu.memory_space<vmem_shared>>)
        tpu.yield
      }) : () -> ()
      %add3A_672 = arith.constant 1 : i32
      %add3A_673 = arith.addi %add3A_626, %add3A_672 : i32
      %add3A_674 = arith.constant 4 : i32
      %add3A_675 = arith.addi %add3A_673, %add3A_674 : i32
      %lt3A_676 = arith.constant 16 : i32
      %lt3A_677 = arith.cmpi slt, %add3A_675, %lt3A_676 : i32
      %convert_element_type3A_678 = arith.extui %lt3A_677 : i1 to i32
      %cond3A_679 = arith.constant 0 : i32
      %cond3A_680 = arith.cmpi ne, %convert_element_type3A_678, %cond3A_679 : i32
      scf.if %cond3A_680 {
        %add3A_712 = arith.constant 1 : i32
        %add3A_713 = arith.addi %add3A_626, %add3A_712 : i32
        %add3A_714 = arith.constant 4 : i32
        %add3A_715 = arith.addi %add3A_713, %add3A_714 : i32
        %dma_start3A_716 = arith.constant 0 : i32
        %dma_start3A_717 = arith.constant 0 : i32
        %dma_start3A_718 = tpu.memref_slice %arg7[%add3A_715, %dma_start3A_716, %dma_start3A_717] : memref<16x2x128xi32, #tpu.memory_space<vmem>> -> memref<1x1x128xi32, #tpu.memory_space<vmem>>
        %dma_start3A_719 = tpu.memref_squeeze %dma_start3A_718 : memref<1x1x128xi32, #tpu.memory_space<vmem>> -> memref<128xi32, #tpu.memory_space<vmem>>
        %dma_start3A_720 = arith.constant 0 : i32
        %dma_start3A_721 = arith.constant 0 : i32
        %dma_start3A_722 = tpu.memref_slice %arg2[%arg0, %dma_start3A_720, %dma_start3A_721] : memref<2x10008x104xf32, #tpu.memory_space<hbm>> -> memref<1x10008x104xf32, #tpu.memory_space<hbm>>
        %dma_start3A_723 = tpu.memref_squeeze %dma_start3A_722 : memref<1x10008x104xf32, #tpu.memory_space<hbm>> -> memref<10008x104xf32, #tpu.memory_space<hbm>>
        %dma_start3A_724 = arith.constant 0 : i32
        %dma_start3A_725 = arith.constant 0 : i32
        %dma_start3A_726 = tpu.memref_slice %dma_start3A_723[%dma_start3A_724, %dma_start3A_725] : memref<10008x104xf32, #tpu.memory_space<hbm>> -> memref<10008x104xf32, #tpu.memory_space<hbm>>
        tpu.enqueue_indirect_dma source(%dma_start3A_726 : memref<10008x104xf32, #tpu.memory_space<hbm>>) target(%arg9 : memref<128x104xf32, #tpu.memory_space<vmem>>) offsets(%dma_start3A_719 : memref<128xi32, #tpu.memory_space<vmem>>) semaphore(%arg16 : memref<!tpu.dma_semaphore, #tpu.memory_space<semaphore_mem>>)
      } else {
      }
      %dma_wait3A_681 = arith.constant 0 : i32
      %dma_wait3A_682 = arith.constant 0 : i32
      %dma_wait3A_683 = tpu.memref_slice %arg2[%arg0, %dma_wait3A_681, %dma_wait3A_682] : memref<2x10008x104xf32, #tpu.memory_space<hbm>> -> memref<1x128x104xf32, #tpu.memory_space<hbm>>
      %dma_wait3A_684 = tpu.memref_squeeze %dma_wait3A_683 : memref<1x128x104xf32, #tpu.memory_space<hbm>> -> memref<128x104xf32, #tpu.memory_space<hbm>>
      %dma_wait3A_685 = arith.constant 0 : i32
      %dma_wait3A_686 = arith.constant 0 : i32
      %dma_wait3A_687 = tpu.memref_slice %arg2[%arg0, %dma_wait3A_685, %dma_wait3A_686] : memref<2x10008x104xf32, #tpu.memory_space<hbm>> -> memref<1x128x104xf32, #tpu.memory_space<hbm>>
      %dma_wait3A_688 = tpu.memref_squeeze %dma_wait3A_687 : memref<1x128x104xf32, #tpu.memory_space<hbm>> -> memref<128x104xf32, #tpu.memory_space<hbm>>
      tpu.wait_dma2 semaphore(%arg17 : memref<!tpu.dma_semaphore, #tpu.memory_space<semaphore_mem>>) src(%dma_wait3A_688 : memref<128x104xf32, #tpu.memory_space<hbm>>) dst(%arg10 : memref<128x104xf32, #tpu.memory_space<vmem>>)
      %add3A_689 = arith.constant 2 : i32
      %add3A_690 = arith.addi %add3A_626, %add3A_689 : i32
      %run_scoped3A_691 = arith.constant 1 : i32
      "tpu.region"() ({
        %run_scoped3A_712 = tpu.sem_alloc : memref<!tpu.dma_semaphore, #tpu.memory_space<semaphore_mem>>
        %dma_start3A_713 = arith.constant 0 : i32
        %dma_start3A_714 = tpu.memref_slice %arg7[%add3A_690, %run_scoped3A_691, %dma_start3A_713] : memref<16x2x128xi32, #tpu.memory_space<vmem>> -> memref<1x1x128xi32, #tpu.memory_space<vmem>>
        %dma_start3A_715 = tpu.memref_squeeze %dma_start3A_714 : memref<1x1x128xi32, #tpu.memory_space<vmem>> -> memref<128xi32, #tpu.memory_space<vmem>>
        %dma_start3A_716 = arith.constant 0 : i32
        %dma_start3A_717 = arith.constant 0 : i32
        %dma_start3A_718 = tpu.memref_slice %arg12[%dma_start3A_716, %dma_start3A_717] : memref<10008x104xf32, #tpu.memory_space<vmem_shared>> -> memref<10008x104xf32, #tpu.memory_space<vmem_shared>>
        tpu.enqueue_indirect_dma source(%arg10 : memref<128x104xf32, #tpu.memory_space<vmem>>) target(%dma_start3A_718 : memref<10008x104xf32, #tpu.memory_space<vmem_shared>>) offsets(%dma_start3A_715 : memref<128xi32, #tpu.memory_space<vmem>>) semaphore(%run_scoped3A_712 : memref<!tpu.dma_semaphore, #tpu.memory_space<semaphore_mem>>) {add = true}
        %dma_wait3A_719 = arith.constant 0 : i32
        %dma_wait3A_720 = tpu.memref_slice %arg7[%add3A_690, %run_scoped3A_691, %dma_wait3A_719] : memref<16x2x128xi32, #tpu.memory_space<vmem>> -> memref<1x1x128xi32, #tpu.memory_space<vmem>>
        %dma_wait3A_721 = tpu.memref_squeeze %dma_wait3A_720 : memref<1x1x128xi32, #tpu.memory_space<vmem>> -> memref<128xi32, #tpu.memory_space<vmem>>
        %dma_wait3A_722 = arith.constant 0 : i32
        %dma_wait3A_723 = arith.constant 0 : i32
        %dma_wait3A_724 = tpu.memref_slice %arg12[%dma_wait3A_722, %dma_wait3A_723] : memref<10008x104xf32, #tpu.memory_space<vmem_shared>> -> memref<10008x104xf32, #tpu.memory_space<vmem_shared>>
        tpu.wait_indirect_dma semaphore(%run_scoped3A_712 : memref<!tpu.dma_semaphore, #tpu.memory_space<semaphore_mem>>) src(%arg10 : memref<128x104xf32, #tpu.memory_space<vmem>>) dst(%dma_wait3A_724 : memref<10008x104xf32, #tpu.memory_space<vmem_shared>>)
        tpu.yield
      }) : () -> ()
      %add3A_692 = arith.constant 2 : i32
      %add3A_693 = arith.addi %add3A_626, %add3A_692 : i32
      %add3A_694 = arith.constant 4 : i32
      %add3A_695 = arith.addi %add3A_693, %add3A_694 : i32
      %lt3A_696 = arith.constant 16 : i32
      %lt3A_697 = arith.cmpi slt, %add3A_695, %lt3A_696 : i32
      %convert_element_type3A_698 = arith.extui %lt3A_697 : i1 to i32
      %cond3A_699 = arith.constant 0 : i32
      %cond3A_700 = arith.cmpi ne, %convert_element_type3A_698, %cond3A_699 : i32
      scf.if %cond3A_700 {
        %add3A_712 = arith.constant 2 : i32
        %add3A_713 = arith.addi %add3A_626, %add3A_712 : i32
        %add3A_714 = arith.constant 4 : i32
        %add3A_715 = arith.addi %add3A_713, %add3A_714 : i32
        %dma_start3A_716 = arith.constant 0 : i32
        %dma_start3A_717 = arith.constant 0 : i32
        %dma_start3A_718 = tpu.memref_slice %arg7[%add3A_715, %dma_start3A_716, %dma_start3A_717] : memref<16x2x128xi32, #tpu.memory_space<vmem>> -> memref<1x1x128xi32, #tpu.memory_space<vmem>>
        %dma_start3A_719 = tpu.memref_squeeze %dma_start3A_718 : memref<1x1x128xi32, #tpu.memory_space<vmem>> -> memref<128xi32, #tpu.memory_space<vmem>>
        %dma_start3A_720 = arith.constant 0 : i32
        %dma_start3A_721 = arith.constant 0 : i32
        %dma_start3A_722 = tpu.memref_slice %arg2[%arg0, %dma_start3A_720, %dma_start3A_721] : memref<2x10008x104xf32, #tpu.memory_space<hbm>> -> memref<1x10008x104xf32, #tpu.memory_space<hbm>>
        %dma_start3A_723 = tpu.memref_squeeze %dma_start3A_722 : memref<1x10008x104xf32, #tpu.memory_space<hbm>> -> memref<10008x104xf32, #tpu.memory_space<hbm>>
        %dma_start3A_724 = arith.constant 0 : i32
        %dma_start3A_725 = arith.constant 0 : i32
        %dma_start3A_726 = tpu.memref_slice %dma_start3A_723[%dma_start3A_724, %dma_start3A_725] : memref<10008x104xf32, #tpu.memory_space<hbm>> -> memref<10008x104xf32, #tpu.memory_space<hbm>>
        tpu.enqueue_indirect_dma source(%dma_start3A_726 : memref<10008x104xf32, #tpu.memory_space<hbm>>) target(%arg10 : memref<128x104xf32, #tpu.memory_space<vmem>>) offsets(%dma_start3A_719 : memref<128xi32, #tpu.memory_space<vmem>>) semaphore(%arg17 : memref<!tpu.dma_semaphore, #tpu.memory_space<semaphore_mem>>)
      } else {
      }
      %dma_wait3A_701 = arith.constant 0 : i32
      %dma_wait3A_702 = arith.constant 0 : i32
      %dma_wait3A_703 = tpu.memref_slice %arg2[%arg0, %dma_wait3A_701, %dma_wait3A_702] : memref<2x10008x104xf32, #tpu.memory_space<hbm>> -> memref<1x128x104xf32, #tpu.memory_space<hbm>>
      %dma_wait3A_704 = tpu.memref_squeeze %dma_wait3A_703 : memref<1x128x104xf32, #tpu.memory_space<hbm>> -> memref<128x104xf32, #tpu.memory_space<hbm>>
      %dma_wait3A_705 = arith.constant 0 : i32
      %dma_wait3A_706 = arith.constant 0 : i32
      %dma_wait3A_707 = tpu.memref_slice %arg2[%arg0, %dma_wait3A_705, %dma_wait3A_706] : memref<2x10008x104xf32, #tpu.memory_space<hbm>> -> memref<1x128x104xf32, #tpu.memory_space<hbm>>
      %dma_wait3A_708 = tpu.memref_squeeze %dma_wait3A_707 : memref<1x128x104xf32, #tpu.memory_space<hbm>> -> memref<128x104xf32, #tpu.memory_space<hbm>>
      tpu.wait_dma2 semaphore(%arg18 : memref<!tpu.dma_semaphore, #tpu.memory_space<semaphore_mem>>) src(%dma_wait3A_708 : memref<128x104xf32, #tpu.memory_space<hbm>>) dst(%arg11 : memref<128x104xf32, #tpu.memory_space<vmem>>)
      %add3A_709 = arith.constant 3 : i32
      %add3A_710 = arith.addi %add3A_626, %add3A_709 : i32
      %run_scoped3A_711 = arith.constant 1 : i32
      "tpu.region"() ({
        %run_scoped3A_712 = tpu.sem_alloc : memref<!tpu.dma_semaphore, #tpu.memory_space<semaphore_mem>>
        %dma_start3A_713 = arith.constant 0 : i32
        %dma_start3A_714 = tpu.memref_slice %arg7[%add3A_710, %run_scoped3A_711, %dma_start3A_713] : memref<16x2x128xi32, #tpu.memory_space<vmem>> -> memref<1x1x128xi32, #tpu.memory_space<vmem>>
        %dma_start3A_715 = tpu.memref_squeeze %dma_start3A_714 : memref<1x1x128xi32, #tpu.memory_space<vmem>> -> memref<128xi32, #tpu.memory_space<vmem>>
        %dma_start3A_716 = arith.constant 0 : i32
        %dma_start3A_717 = arith.constant 0 : i32
        %dma_start3A_718 = tpu.memref_slice %arg12[%dma_start3A_716, %dma_start3A_717] : memref<10008x104xf32, #tpu.memory_space<vmem_shared>> -> memref<10008x104xf32, #tpu.memory_space<vmem_shared>>
        tpu.enqueue_indirect_dma source(%arg11 : memref<128x104xf32, #tpu.memory_space<vmem>>) target(%dma_start3A_718 : memref<10008x104xf32, #tpu.memory_space<vmem_shared>>) offsets(%dma_start3A_715 : memref<128xi32, #tpu.memory_space<vmem>>) semaphore(%run_scoped3A_712 : memref<!tpu.dma_semaphore, #tpu.memory_space<semaphore_mem>>) {add = true}
        %dma_wait3A_719 = arith.constant 0 : i32
        %dma_wait3A_720 = tpu.memref_slice %arg7[%add3A_710, %run_scoped3A_711, %dma_wait3A_719] : memref<16x2x128xi32, #tpu.memory_space<vmem>> -> memref<1x1x128xi32, #tpu.memory_space<vmem>>
        %dma_wait3A_721 = tpu.memref_squeeze %dma_wait3A_720 : memref<1x1x128xi32, #tpu.memory_space<vmem>> -> memref<128xi32, #tpu.memory_space<vmem>>
        %dma_wait3A_722 = arith.constant 0 : i32
        %dma_wait3A_723 = arith.constant 0 : i32
        %dma_wait3A_724 = tpu.memref_slice %arg12[%dma_wait3A_722, %dma_wait3A_723] : memref<10008x104xf32, #tpu.memory_space<vmem_shared>> -> memref<10008x104xf32, #tpu.memory_space<vmem_shared>>
        tpu.wait_indirect_dma semaphore(%run_scoped3A_712 : memref<!tpu.dma_semaphore, #tpu.memory_space<semaphore_mem>>) src(%arg11 : memref<128x104xf32, #tpu.memory_space<vmem>>) dst(%dma_wait3A_724 : memref<10008x104xf32, #tpu.memory_space<vmem_shared>>)
        tpu.yield
      }) : () -> ()
    }
    %scan3A_244 = arith.constant 4 : i32
    %dma_wait3A_245 = arith.constant 0 : i32
    %dma_wait3A_246 = arith.constant 0 : i32
    %dma_wait3A_247 = arith.constant 0 : i32
    %dma_wait3A_248 = arith.constant 0 : i32
    %dma_wait3A_249 = tpu.memref_slice %arg3[%arg1, %dma_wait3A_245, %dma_wait3A_246, %dma_wait3A_247, %dma_wait3A_248] : memref<16x10x16x2x128xi32, #tpu.memory_space<hbm>> -> memref<1x1x16x2x128xi32, #tpu.memory_space<hbm>>
    %dma_wait3A_250 = tpu.memref_squeeze %dma_wait3A_249 : memref<1x1x16x2x128xi32, #tpu.memory_space<hbm>> -> memref<16x2x128xi32, #tpu.memory_space<hbm>>
    %dma_wait3A_251 = arith.constant 0 : i32
    %dma_wait3A_252 = arith.constant 0 : i32
    %dma_wait3A_253 = arith.constant 0 : i32
    %dma_wait3A_254 = tpu.memref_slice %arg3[%arg1, %dma_wait3A_245, %dma_wait3A_251, %dma_wait3A_252, %dma_wait3A_253] : memref<16x10x16x2x128xi32, #tpu.memory_space<hbm>> -> memref<1x1x16x2x128xi32, #tpu.memory_space<hbm>>
    %dma_wait3A_255 = tpu.memref_squeeze %dma_wait3A_254 : memref<1x1x16x2x128xi32, #tpu.memory_space<hbm>> -> memref<16x2x128xi32, #tpu.memory_space<hbm>>
    tpu.wait_dma2 semaphore(%arg13 : memref<!tpu.dma_semaphore, #tpu.memory_space<semaphore_mem>>) src(%dma_wait3A_255 : memref<16x2x128xi32, #tpu.memory_space<hbm>>) dst(%arg6 : memref<16x2x128xi32, #tpu.memory_space<vmem>>)
    %dma_start3A_256 = arith.constant 5 : i32
    %dma_start3A_257 = arith.constant 0 : i32
    %dma_start3A_258 = arith.constant 0 : i32
    %dma_start3A_259 = arith.constant 0 : i32
    %dma_start3A_260 = tpu.memref_slice %arg3[%arg1, %dma_start3A_256, %dma_start3A_257, %dma_start3A_258, %dma_start3A_259] : memref<16x10x16x2x128xi32, #tpu.memory_space<hbm>> -> memref<1x1x16x2x128xi32, #tpu.memory_space<hbm>>
    %dma_start3A_261 = tpu.memref_squeeze %dma_start3A_260 : memref<1x1x16x2x128xi32, #tpu.memory_space<hbm>> -> memref<16x2x128xi32, #tpu.memory_space<hbm>>
    %dma_start3A_262 = arith.constant 0 : i32
    %dma_start3A_263 = arith.constant 0 : i32
    %dma_start3A_264 = arith.constant 0 : i32
    %dma_start3A_265 = tpu.memref_slice %arg3[%arg1, %dma_start3A_256, %dma_start3A_262, %dma_start3A_263, %dma_start3A_264] : memref<16x10x16x2x128xi32, #tpu.memory_space<hbm>> -> memref<1x1x16x2x128xi32, #tpu.memory_space<hbm>>
    %dma_start3A_266 = tpu.memref_squeeze %dma_start3A_265 : memref<1x1x16x2x128xi32, #tpu.memory_space<hbm>> -> memref<16x2x128xi32, #tpu.memory_space<hbm>>
    tpu.enqueue_dma source(%dma_start3A_266 : memref<16x2x128xi32, #tpu.memory_space<hbm>>) target(%arg7 : memref<16x2x128xi32, #tpu.memory_space<vmem>>) target_semaphore(%arg14 : memref<!tpu.dma_semaphore, #tpu.memory_space<semaphore_mem>>)
    %dma_start3A_267 = arith.constant 0 : i32
    %dma_start3A_268 = arith.constant 0 : i32
    %dma_start3A_269 = arith.constant 0 : i32
    %dma_start3A_270 = tpu.memref_slice %arg6[%dma_start3A_267, %dma_start3A_268, %dma_start3A_269] : memref<16x2x128xi32, #tpu.memory_space<vmem>> -> memref<1x1x128xi32, #tpu.memory_space<vmem>>
    %dma_start3A_271 = tpu.memref_squeeze %dma_start3A_270 : memref<1x1x128xi32, #tpu.memory_space<vmem>> -> memref<128xi32, #tpu.memory_space<vmem>>
    %dma_start3A_272 = arith.constant 0 : i32
    %dma_start3A_273 = arith.constant 0 : i32
    %dma_start3A_274 = tpu.memref_slice %arg2[%arg0, %dma_start3A_272, %dma_start3A_273] : memref<2x10008x104xf32, #tpu.memory_space<hbm>> -> memref<1x10008x104xf32, #tpu.memory_space<hbm>>
    %dma_start3A_275 = tpu.memref_squeeze %dma_start3A_274 : memref<1x10008x104xf32, #tpu.memory_space<hbm>> -> memref<10008x104xf32, #tpu.memory_space<hbm>>
    %dma_start3A_276 = arith.constant 0 : i32
    %dma_start3A_277 = arith.constant 0 : i32
    %dma_start3A_278 = tpu.memref_slice %dma_start3A_275[%dma_start3A_276, %dma_start3A_277] : memref<10008x104xf32, #tpu.memory_space<hbm>> -> memref<10008x104xf32, #tpu.memory_space<hbm>>
    tpu.enqueue_indirect_dma source(%dma_start3A_278 : memref<10008x104xf32, #tpu.memory_space<hbm>>) target(%arg8 : memref<128x104xf32, #tpu.memory_space<vmem>>) offsets(%dma_start3A_271 : memref<128xi32, #tpu.memory_space<vmem>>) semaphore(%arg15 : memref<!tpu.dma_semaphore, #tpu.memory_space<semaphore_mem>>)
    %dma_start3A_279 = arith.constant 1 : i32
    %dma_start3A_280 = arith.constant 0 : i32
    %dma_start3A_281 = arith.constant 0 : i32
    %dma_start3A_282 = tpu.memref_slice %arg6[%dma_start3A_279, %dma_start3A_280, %dma_start3A_281] : memref<16x2x128xi32, #tpu.memory_space<vmem>> -> memref<1x1x128xi32, #tpu.memory_space<vmem>>
    %dma_start3A_283 = tpu.memref_squeeze %dma_start3A_282 : memref<1x1x128xi32, #tpu.memory_space<vmem>> -> memref<128xi32, #tpu.memory_space<vmem>>
    %dma_start3A_284 = arith.constant 0 : i32
    %dma_start3A_285 = arith.constant 0 : i32
    %dma_start3A_286 = tpu.memref_slice %arg2[%arg0, %dma_start3A_284, %dma_start3A_285] : memref<2x10008x104xf32, #tpu.memory_space<hbm>> -> memref<1x10008x104xf32, #tpu.memory_space<hbm>>
    %dma_start3A_287 = tpu.memref_squeeze %dma_start3A_286 : memref<1x10008x104xf32, #tpu.memory_space<hbm>> -> memref<10008x104xf32, #tpu.memory_space<hbm>>
    %dma_start3A_288 = arith.constant 0 : i32
    %dma_start3A_289 = arith.constant 0 : i32
    %dma_start3A_290 = tpu.memref_slice %dma_start3A_287[%dma_start3A_288, %dma_start3A_289] : memref<10008x104xf32, #tpu.memory_space<hbm>> -> memref<10008x104xf32, #tpu.memory_space<hbm>>
    tpu.enqueue_indirect_dma source(%dma_start3A_290 : memref<10008x104xf32, #tpu.memory_space<hbm>>) target(%arg9 : memref<128x104xf32, #tpu.memory_space<vmem>>) offsets(%dma_start3A_283 : memref<128xi32, #tpu.memory_space<vmem>>) semaphore(%arg16 : memref<!tpu.dma_semaphore, #tpu.memory_space<semaphore_mem>>)
    %dma_start3A_291 = arith.constant 2 : i32
    %dma_start3A_292 = arith.constant 0 : i32
    %dma_start3A_293 = arith.constant 0 : i32
    %dma_start3A_294 = tpu.memref_slice %arg6[%dma_start3A_291, %dma_start3A_292, %dma_start3A_293] : memref<16x2x128xi32, #tpu.memory_space<vmem>> -> memref<1x1x128xi32, #tpu.memory_space<vmem>>
    %dma_start3A_295 = tpu.memref_squeeze %dma_start3A_294 : memref<1x1x128xi32, #tpu.memory_space<vmem>> -> memref<128xi32, #tpu.memory_space<vmem>>
    %dma_start3A_296 = arith.constant 0 : i32
    %dma_start3A_297 = arith.constant 0 : i32
    %dma_start3A_298 = tpu.memref_slice %arg2[%arg0, %dma_start3A_296, %dma_start3A_297] : memref<2x10008x104xf32, #tpu.memory_space<hbm>> -> memref<1x10008x104xf32, #tpu.memory_space<hbm>>
    %dma_start3A_299 = tpu.memref_squeeze %dma_start3A_298 : memref<1x10008x104xf32, #tpu.memory_space<hbm>> -> memref<10008x104xf32, #tpu.memory_space<hbm>>
    %dma_start3A_300 = arith.constant 0 : i32
    %dma_start3A_301 = arith.constant 0 : i32
    %dma_start3A_302 = tpu.memref_slice %dma_start3A_299[%dma_start3A_300, %dma_start3A_301] : memref<10008x104xf32, #tpu.memory_space<hbm>> -> memref<10008x104xf32, #tpu.memory_space<hbm>>
    tpu.enqueue_indirect_dma source(%dma_start3A_302 : memref<10008x104xf32, #tpu.memory_space<hbm>>) target(%arg10 : memref<128x104xf32, #tpu.memory_space<vmem>>) offsets(%dma_start3A_295 : memref<128xi32, #tpu.memory_space<vmem>>) semaphore(%arg17 : memref<!tpu.dma_semaphore, #tpu.memory_space<semaphore_mem>>)
    %scan3A_303 = arith.constant 0 : i32
    %scan3A_304 = arith.constant 4 : i32
    %scan3A_305 = arith.addi %scan3A_303, %scan3A_304 : i32
    %scan3A_306 = arith.constant 1 : i32
    scf.for %scan3A_623 = %scan3A_303 to %scan3A_305 step %scan3A_306  : i32 {
      %mul3A_624 = arith.constant 4 : i32
      %mul3A_625 = arith.muli %scan3A_623, %mul3A_624 : i32
      %add3A = arith.constant 0 : i32
      %add3A_626 = arith.addi %add3A, %mul3A_625 : i32
      %add3A_627 = arith.constant 4 : i32
      %add3A_628 = arith.addi %add3A_626, %add3A_627 : i32
      %sub3A = arith.constant 1 : i32
      %sub3A_629 = arith.subi %add3A_628, %sub3A : i32
      %dma_start3A_630 = arith.constant 0 : i32
      %dma_start3A_631 = arith.constant 0 : i32
      %dma_start3A_632 = tpu.memref_slice %arg6[%sub3A_629, %dma_start3A_630, %dma_start3A_631] : memref<16x2x128xi32, #tpu.memory_space<vmem>> -> memref<1x1x128xi32, #tpu.memory_space<vmem>>
      %dma_start3A_633 = tpu.memref_squeeze %dma_start3A_632 : memref<1x1x128xi32, #tpu.memory_space<vmem>> -> memref<128xi32, #tpu.memory_space<vmem>>
      %dma_start3A_634 = arith.constant 0 : i32
      %dma_start3A_635 = arith.constant 0 : i32
      %dma_start3A_636 = tpu.memref_slice %arg2[%arg0, %dma_start3A_634, %dma_start3A_635] : memref<2x10008x104xf32, #tpu.memory_space<hbm>> -> memref<1x10008x104xf32, #tpu.memory_space<hbm>>
      %dma_start3A_637 = tpu.memref_squeeze %dma_start3A_636 : memref<1x10008x104xf32, #tpu.memory_space<hbm>> -> memref<10008x104xf32, #tpu.memory_space<hbm>>
      %dma_start3A_638 = arith.constant 0 : i32
      %dma_start3A_639 = arith.constant 0 : i32
      %dma_start3A_640 = tpu.memref_slice %dma_start3A_637[%dma_start3A_638, %dma_start3A_639] : memref<10008x104xf32, #tpu.memory_space<hbm>> -> memref<10008x104xf32, #tpu.memory_space<hbm>>
      tpu.enqueue_indirect_dma source(%dma_start3A_640 : memref<10008x104xf32, #tpu.memory_space<hbm>>) target(%arg11 : memref<128x104xf32, #tpu.memory_space<vmem>>) offsets(%dma_start3A_633 : memref<128xi32, #tpu.memory_space<vmem>>) semaphore(%arg18 : memref<!tpu.dma_semaphore, #tpu.memory_space<semaphore_mem>>)
      %dma_wait3A_641 = arith.constant 0 : i32
      %dma_wait3A_642 = arith.constant 0 : i32
      %dma_wait3A_643 = tpu.memref_slice %arg2[%arg0, %dma_wait3A_641, %dma_wait3A_642] : memref<2x10008x104xf32, #tpu.memory_space<hbm>> -> memref<1x128x104xf32, #tpu.memory_space<hbm>>
      %dma_wait3A_644 = tpu.memref_squeeze %dma_wait3A_643 : memref<1x128x104xf32, #tpu.memory_space<hbm>> -> memref<128x104xf32, #tpu.memory_space<hbm>>
      %dma_wait3A_645 = arith.constant 0 : i32
      %dma_wait3A_646 = arith.constant 0 : i32
      %dma_wait3A_647 = tpu.memref_slice %arg2[%arg0, %dma_wait3A_645, %dma_wait3A_646] : memref<2x10008x104xf32, #tpu.memory_space<hbm>> -> memref<1x128x104xf32, #tpu.memory_space<hbm>>
      %dma_wait3A_648 = tpu.memref_squeeze %dma_wait3A_647 : memref<1x128x104xf32, #tpu.memory_space<hbm>> -> memref<128x104xf32, #tpu.memory_space<hbm>>
      tpu.wait_dma2 semaphore(%arg15 : memref<!tpu.dma_semaphore, #tpu.memory_space<semaphore_mem>>) src(%dma_wait3A_648 : memref<128x104xf32, #tpu.memory_space<hbm>>) dst(%arg8 : memref<128x104xf32, #tpu.memory_space<vmem>>)
      %add3A_649 = arith.constant 0 : i32
      %add3A_650 = arith.addi %add3A_626, %add3A_649 : i32
      %run_scoped3A_651 = arith.constant 1 : i32
      "tpu.region"() ({
        %run_scoped3A_712 = tpu.sem_alloc : memref<!tpu.dma_semaphore, #tpu.memory_space<semaphore_mem>>
        %dma_start3A_713 = arith.constant 0 : i32
        %dma_start3A_714 = tpu.memref_slice %arg6[%add3A_650, %run_scoped3A_651, %dma_start3A_713] : memref<16x2x128xi32, #tpu.memory_space<vmem>> -> memref<1x1x128xi32, #tpu.memory_space<vmem>>
        %dma_start3A_715 = tpu.memref_squeeze %dma_start3A_714 : memref<1x1x128xi32, #tpu.memory_space<vmem>> -> memref<128xi32, #tpu.memory_space<vmem>>
        %dma_start3A_716 = arith.constant 0 : i32
        %dma_start3A_717 = arith.constant 0 : i32
        %dma_start3A_718 = tpu.memref_slice %arg12[%dma_start3A_716, %dma_start3A_717] : memref<10008x104xf32, #tpu.memory_space<vmem_shared>> -> memref<10008x104xf32, #tpu.memory_space<vmem_shared>>
        tpu.enqueue_indirect_dma source(%arg8 : memref<128x104xf32, #tpu.memory_space<vmem>>) target(%dma_start3A_718 : memref<10008x104xf32, #tpu.memory_space<vmem_shared>>) offsets(%dma_start3A_715 : memref<128xi32, #tpu.memory_space<vmem>>) semaphore(%run_scoped3A_712 : memref<!tpu.dma_semaphore, #tpu.memory_space<semaphore_mem>>) {add = true}
        %dma_wait3A_719 = arith.constant 0 : i32
        %dma_wait3A_720 = tpu.memref_slice %arg6[%add3A_650, %run_scoped3A_651, %dma_wait3A_719] : memref<16x2x128xi32, #tpu.memory_space<vmem>> -> memref<1x1x128xi32, #tpu.memory_space<vmem>>
        %dma_wait3A_721 = tpu.memref_squeeze %dma_wait3A_720 : memref<1x1x128xi32, #tpu.memory_space<vmem>> -> memref<128xi32, #tpu.memory_space<vmem>>
        %dma_wait3A_722 = arith.constant 0 : i32
        %dma_wait3A_723 = arith.constant 0 : i32
        %dma_wait3A_724 = tpu.memref_slice %arg12[%dma_wait3A_722, %dma_wait3A_723] : memref<10008x104xf32, #tpu.memory_space<vmem_shared>> -> memref<10008x104xf32, #tpu.memory_space<vmem_shared>>
        tpu.wait_indirect_dma semaphore(%run_scoped3A_712 : memref<!tpu.dma_semaphore, #tpu.memory_space<semaphore_mem>>) src(%arg8 : memref<128x104xf32, #tpu.memory_space<vmem>>) dst(%dma_wait3A_724 : memref<10008x104xf32, #tpu.memory_space<vmem_shared>>)
        tpu.yield
      }) : () -> ()
      %add3A_652 = arith.constant 0 : i32
      %add3A_653 = arith.addi %add3A_626, %add3A_652 : i32
      %add3A_654 = arith.constant 4 : i32
      %add3A_655 = arith.addi %add3A_653, %add3A_654 : i32
      %lt3A_656 = arith.constant 16 : i32
      %lt3A_657 = arith.cmpi slt, %add3A_655, %lt3A_656 : i32
      %convert_element_type3A_658 = arith.extui %lt3A_657 : i1 to i32
      %cond3A_659 = arith.constant 0 : i32
      %cond3A_660 = arith.cmpi ne, %convert_element_type3A_658, %cond3A_659 : i32
      scf.if %cond3A_660 {
        %add3A_712 = arith.constant 0 : i32
        %add3A_713 = arith.addi %add3A_626, %add3A_712 : i32
        %add3A_714 = arith.constant 4 : i32
        %add3A_715 = arith.addi %add3A_713, %add3A_714 : i32
        %dma_start3A_716 = arith.constant 0 : i32
        %dma_start3A_717 = arith.constant 0 : i32
        %dma_start3A_718 = tpu.memref_slice %arg6[%add3A_715, %dma_start3A_716, %dma_start3A_717] : memref<16x2x128xi32, #tpu.memory_space<vmem>> -> memref<1x1x128xi32, #tpu.memory_space<vmem>>
        %dma_start3A_719 = tpu.memref_squeeze %dma_start3A_718 : memref<1x1x128xi32, #tpu.memory_space<vmem>> -> memref<128xi32, #tpu.memory_space<vmem>>
        %dma_start3A_720 = arith.constant 0 : i32
        %dma_start3A_721 = arith.constant 0 : i32
        %dma_start3A_722 = tpu.memref_slice %arg2[%arg0, %dma_start3A_720, %dma_start3A_721] : memref<2x10008x104xf32, #tpu.memory_space<hbm>> -> memref<1x10008x104xf32, #tpu.memory_space<hbm>>
        %dma_start3A_723 = tpu.memref_squeeze %dma_start3A_722 : memref<1x10008x104xf32, #tpu.memory_space<hbm>> -> memref<10008x104xf32, #tpu.memory_space<hbm>>
        %dma_start3A_724 = arith.constant 0 : i32
        %dma_start3A_725 = arith.constant 0 : i32
        %dma_start3A_726 = tpu.memref_slice %dma_start3A_723[%dma_start3A_724, %dma_start3A_725] : memref<10008x104xf32, #tpu.memory_space<hbm>> -> memref<10008x104xf32, #tpu.memory_space<hbm>>
        tpu.enqueue_indirect_dma source(%dma_start3A_726 : memref<10008x104xf32, #tpu.memory_space<hbm>>) target(%arg8 : memref<128x104xf32, #tpu.memory_space<vmem>>) offsets(%dma_start3A_719 : memref<128xi32, #tpu.memory_space<vmem>>) semaphore(%arg15 : memref<!tpu.dma_semaphore, #tpu.memory_space<semaphore_mem>>)
      } else {
      }
      %dma_wait3A_661 = arith.constant 0 : i32
      %dma_wait3A_662 = arith.constant 0 : i32
      %dma_wait3A_663 = tpu.memref_slice %arg2[%arg0, %dma_wait3A_661, %dma_wait3A_662] : memref<2x10008x104xf32, #tpu.memory_space<hbm>> -> memref<1x128x104xf32, #tpu.memory_space<hbm>>
      %dma_wait3A_664 = tpu.memref_squeeze %dma_wait3A_663 : memref<1x128x104xf32, #tpu.memory_space<hbm>> -> memref<128x104xf32, #tpu.memory_space<hbm>>
      %dma_wait3A_665 = arith.constant 0 : i32
      %dma_wait3A_666 = arith.constant 0 : i32
      %dma_wait3A_667 = tpu.memref_slice %arg2[%arg0, %dma_wait3A_665, %dma_wait3A_666] : memref<2x10008x104xf32, #tpu.memory_space<hbm>> -> memref<1x128x104xf32, #tpu.memory_space<hbm>>
      %dma_wait3A_668 = tpu.memref_squeeze %dma_wait3A_667 : memref<1x128x104xf32, #tpu.memory_space<hbm>> -> memref<128x104xf32, #tpu.memory_space<hbm>>
      tpu.wait_dma2 semaphore(%arg16 : memref<!tpu.dma_semaphore, #tpu.memory_space<semaphore_mem>>) src(%dma_wait3A_668 : memref<128x104xf32, #tpu.memory_space<hbm>>) dst(%arg9 : memref<128x104xf32, #tpu.memory_space<vmem>>)
      %add3A_669 = arith.constant 1 : i32
      %add3A_670 = arith.addi %add3A_626, %add3A_669 : i32
      %run_scoped3A_671 = arith.constant 1 : i32
      "tpu.region"() ({
        %run_scoped3A_712 = tpu.sem_alloc : memref<!tpu.dma_semaphore, #tpu.memory_space<semaphore_mem>>
        %dma_start3A_713 = arith.constant 0 : i32
        %dma_start3A_714 = tpu.memref_slice %arg6[%add3A_670, %run_scoped3A_671, %dma_start3A_713] : memref<16x2x128xi32, #tpu.memory_space<vmem>> -> memref<1x1x128xi32, #tpu.memory_space<vmem>>
        %dma_start3A_715 = tpu.memref_squeeze %dma_start3A_714 : memref<1x1x128xi32, #tpu.memory_space<vmem>> -> memref<128xi32, #tpu.memory_space<vmem>>
        %dma_start3A_716 = arith.constant 0 : i32
        %dma_start3A_717 = arith.constant 0 : i32
        %dma_start3A_718 = tpu.memref_slice %arg12[%dma_start3A_716, %dma_start3A_717] : memref<10008x104xf32, #tpu.memory_space<vmem_shared>> -> memref<10008x104xf32, #tpu.memory_space<vmem_shared>>
        tpu.enqueue_indirect_dma source(%arg9 : memref<128x104xf32, #tpu.memory_space<vmem>>) target(%dma_start3A_718 : memref<10008x104xf32, #tpu.memory_space<vmem_shared>>) offsets(%dma_start3A_715 : memref<128xi32, #tpu.memory_space<vmem>>) semaphore(%run_scoped3A_712 : memref<!tpu.dma_semaphore, #tpu.memory_space<semaphore_mem>>) {add = true}
        %dma_wait3A_719 = arith.constant 0 : i32
        %dma_wait3A_720 = tpu.memref_slice %arg6[%add3A_670, %run_scoped3A_671, %dma_wait3A_719] : memref<16x2x128xi32, #tpu.memory_space<vmem>> -> memref<1x1x128xi32, #tpu.memory_space<vmem>>
        %dma_wait3A_721 = tpu.memref_squeeze %dma_wait3A_720 : memref<1x1x128xi32, #tpu.memory_space<vmem>> -> memref<128xi32, #tpu.memory_space<vmem>>
        %dma_wait3A_722 = arith.constant 0 : i32
        %dma_wait3A_723 = arith.constant 0 : i32
        %dma_wait3A_724 = tpu.memref_slice %arg12[%dma_wait3A_722, %dma_wait3A_723] : memref<10008x104xf32, #tpu.memory_space<vmem_shared>> -> memref<10008x104xf32, #tpu.memory_space<vmem_shared>>
        tpu.wait_indirect_dma semaphore(%run_scoped3A_712 : memref<!tpu.dma_semaphore, #tpu.memory_space<semaphore_mem>>) src(%arg9 : memref<128x104xf32, #tpu.memory_space<vmem>>) dst(%dma_wait3A_724 : memref<10008x104xf32, #tpu.memory_space<vmem_shared>>)
        tpu.yield
      }) : () -> ()
      %add3A_672 = arith.constant 1 : i32
      %add3A_673 = arith.addi %add3A_626, %add3A_672 : i32
      %add3A_674 = arith.constant 4 : i32
      %add3A_675 = arith.addi %add3A_673, %add3A_674 : i32
      %lt3A_676 = arith.constant 16 : i32
      %lt3A_677 = arith.cmpi slt, %add3A_675, %lt3A_676 : i32
      %convert_element_type3A_678 = arith.extui %lt3A_677 : i1 to i32
      %cond3A_679 = arith.constant 0 : i32
      %cond3A_680 = arith.cmpi ne, %convert_element_type3A_678, %cond3A_679 : i32
      scf.if %cond3A_680 {
        %add3A_712 = arith.constant 1 : i32
        %add3A_713 = arith.addi %add3A_626, %add3A_712 : i32
        %add3A_714 = arith.constant 4 : i32
        %add3A_715 = arith.addi %add3A_713, %add3A_714 : i32
        %dma_start3A_716 = arith.constant 0 : i32
        %dma_start3A_717 = arith.constant 0 : i32
        %dma_start3A_718 = tpu.memref_slice %arg6[%add3A_715, %dma_start3A_716, %dma_start3A_717] : memref<16x2x128xi32, #tpu.memory_space<vmem>> -> memref<1x1x128xi32, #tpu.memory_space<vmem>>
        %dma_start3A_719 = tpu.memref_squeeze %dma_start3A_718 : memref<1x1x128xi32, #tpu.memory_space<vmem>> -> memref<128xi32, #tpu.memory_space<vmem>>
        %dma_start3A_720 = arith.constant 0 : i32
        %dma_start3A_721 = arith.constant 0 : i32
        %dma_start3A_722 = tpu.memref_slice %arg2[%arg0, %dma_start3A_720, %dma_start3A_721] : memref<2x10008x104xf32, #tpu.memory_space<hbm>> -> memref<1x10008x104xf32, #tpu.memory_space<hbm>>
        %dma_start3A_723 = tpu.memref_squeeze %dma_start3A_722 : memref<1x10008x104xf32, #tpu.memory_space<hbm>> -> memref<10008x104xf32, #tpu.memory_space<hbm>>
        %dma_start3A_724 = arith.constant 0 : i32
        %dma_start3A_725 = arith.constant 0 : i32
        %dma_start3A_726 = tpu.memref_slice %dma_start3A_723[%dma_start3A_724, %dma_start3A_725] : memref<10008x104xf32, #tpu.memory_space<hbm>> -> memref<10008x104xf32, #tpu.memory_space<hbm>>
        tpu.enqueue_indirect_dma source(%dma_start3A_726 : memref<10008x104xf32, #tpu.memory_space<hbm>>) target(%arg9 : memref<128x104xf32, #tpu.memory_space<vmem>>) offsets(%dma_start3A_719 : memref<128xi32, #tpu.memory_space<vmem>>) semaphore(%arg16 : memref<!tpu.dma_semaphore, #tpu.memory_space<semaphore_mem>>)
      } else {
      }
      %dma_wait3A_681 = arith.constant 0 : i32
      %dma_wait3A_682 = arith.constant 0 : i32
      %dma_wait3A_683 = tpu.memref_slice %arg2[%arg0, %dma_wait3A_681, %dma_wait3A_682] : memref<2x10008x104xf32, #tpu.memory_space<hbm>> -> memref<1x128x104xf32, #tpu.memory_space<hbm>>
      %dma_wait3A_684 = tpu.memref_squeeze %dma_wait3A_683 : memref<1x128x104xf32, #tpu.memory_space<hbm>> -> memref<128x104xf32, #tpu.memory_space<hbm>>
      %dma_wait3A_685 = arith.constant 0 : i32
      %dma_wait3A_686 = arith.constant 0 : i32
      %dma_wait3A_687 = tpu.memref_slice %arg2[%arg0, %dma_wait3A_685, %dma_wait3A_686] : memref<2x10008x104xf32, #tpu.memory_space<hbm>> -> memref<1x128x104xf32, #tpu.memory_space<hbm>>
      %dma_wait3A_688 = tpu.memref_squeeze %dma_wait3A_687 : memref<1x128x104xf32, #tpu.memory_space<hbm>> -> memref<128x104xf32, #tpu.memory_space<hbm>>
      tpu.wait_dma2 semaphore(%arg17 : memref<!tpu.dma_semaphore, #tpu.memory_space<semaphore_mem>>) src(%dma_wait3A_688 : memref<128x104xf32, #tpu.memory_space<hbm>>) dst(%arg10 : memref<128x104xf32, #tpu.memory_space<vmem>>)
      %add3A_689 = arith.constant 2 : i32
      %add3A_690 = arith.addi %add3A_626, %add3A_689 : i32
      %run_scoped3A_691 = arith.constant 1 : i32
      "tpu.region"() ({
        %run_scoped3A_712 = tpu.sem_alloc : memref<!tpu.dma_semaphore, #tpu.memory_space<semaphore_mem>>
        %dma_start3A_713 = arith.constant 0 : i32
        %dma_start3A_714 = tpu.memref_slice %arg6[%add3A_690, %run_scoped3A_691, %dma_start3A_713] : memref<16x2x128xi32, #tpu.memory_space<vmem>> -> memref<1x1x128xi32, #tpu.memory_space<vmem>>
        %dma_start3A_715 = tpu.memref_squeeze %dma_start3A_714 : memref<1x1x128xi32, #tpu.memory_space<vmem>> -> memref<128xi32, #tpu.memory_space<vmem>>
        %dma_start3A_716 = arith.constant 0 : i32
        %dma_start3A_717 = arith.constant 0 : i32
        %dma_start3A_718 = tpu.memref_slice %arg12[%dma_start3A_716, %dma_start3A_717] : memref<10008x104xf32, #tpu.memory_space<vmem_shared>> -> memref<10008x104xf32, #tpu.memory_space<vmem_shared>>
        tpu.enqueue_indirect_dma source(%arg10 : memref<128x104xf32, #tpu.memory_space<vmem>>) target(%dma_start3A_718 : memref<10008x104xf32, #tpu.memory_space<vmem_shared>>) offsets(%dma_start3A_715 : memref<128xi32, #tpu.memory_space<vmem>>) semaphore(%run_scoped3A_712 : memref<!tpu.dma_semaphore, #tpu.memory_space<semaphore_mem>>) {add = true}
        %dma_wait3A_719 = arith.constant 0 : i32
        %dma_wait3A_720 = tpu.memref_slice %arg6[%add3A_690, %run_scoped3A_691, %dma_wait3A_719] : memref<16x2x128xi32, #tpu.memory_space<vmem>> -> memref<1x1x128xi32, #tpu.memory_space<vmem>>
        %dma_wait3A_721 = tpu.memref_squeeze %dma_wait3A_720 : memref<1x1x128xi32, #tpu.memory_space<vmem>> -> memref<128xi32, #tpu.memory_space<vmem>>
        %dma_wait3A_722 = arith.constant 0 : i32
        %dma_wait3A_723 = arith.constant 0 : i32
        %dma_wait3A_724 = tpu.memref_slice %arg12[%dma_wait3A_722, %dma_wait3A_723] : memref<10008x104xf32, #tpu.memory_space<vmem_shared>> -> memref<10008x104xf32, #tpu.memory_space<vmem_shared>>
        tpu.wait_indirect_dma semaphore(%run_scoped3A_712 : memref<!tpu.dma_semaphore, #tpu.memory_space<semaphore_mem>>) src(%arg10 : memref<128x104xf32, #tpu.memory_space<vmem>>) dst(%dma_wait3A_724 : memref<10008x104xf32, #tpu.memory_space<vmem_shared>>)
        tpu.yield
      }) : () -> ()
      %add3A_692 = arith.constant 2 : i32
      %add3A_693 = arith.addi %add3A_626, %add3A_692 : i32
      %add3A_694 = arith.constant 4 : i32
      %add3A_695 = arith.addi %add3A_693, %add3A_694 : i32
      %lt3A_696 = arith.constant 16 : i32
      %lt3A_697 = arith.cmpi slt, %add3A_695, %lt3A_696 : i32
      %convert_element_type3A_698 = arith.extui %lt3A_697 : i1 to i32
      %cond3A_699 = arith.constant 0 : i32
      %cond3A_700 = arith.cmpi ne, %convert_element_type3A_698, %cond3A_699 : i32
      scf.if %cond3A_700 {
        %add3A_712 = arith.constant 2 : i32
        %add3A_713 = arith.addi %add3A_626, %add3A_712 : i32
        %add3A_714 = arith.constant 4 : i32
        %add3A_715 = arith.addi %add3A_713, %add3A_714 : i32
        %dma_start3A_716 = arith.constant 0 : i32
        %dma_start3A_717 = arith.constant 0 : i32
        %dma_start3A_718 = tpu.memref_slice %arg6[%add3A_715, %dma_start3A_716, %dma_start3A_717] : memref<16x2x128xi32, #tpu.memory_space<vmem>> -> memref<1x1x128xi32, #tpu.memory_space<vmem>>
        %dma_start3A_719 = tpu.memref_squeeze %dma_start3A_718 : memref<1x1x128xi32, #tpu.memory_space<vmem>> -> memref<128xi32, #tpu.memory_space<vmem>>
        %dma_start3A_720 = arith.constant 0 : i32
        %dma_start3A_721 = arith.constant 0 : i32
        %dma_start3A_722 = tpu.memref_slice %arg2[%arg0, %dma_start3A_720, %dma_start3A_721] : memref<2x10008x104xf32, #tpu.memory_space<hbm>> -> memref<1x10008x104xf32, #tpu.memory_space<hbm>>
        %dma_start3A_723 = tpu.memref_squeeze %dma_start3A_722 : memref<1x10008x104xf32, #tpu.memory_space<hbm>> -> memref<10008x104xf32, #tpu.memory_space<hbm>>
        %dma_start3A_724 = arith.constant 0 : i32
        %dma_start3A_725 = arith.constant 0 : i32
        %dma_start3A_726 = tpu.memref_slice %dma_start3A_723[%dma_start3A_724, %dma_start3A_725] : memref<10008x104xf32, #tpu.memory_space<hbm>> -> memref<10008x104xf32, #tpu.memory_space<hbm>>
        tpu.enqueue_indirect_dma source(%dma_start3A_726 : memref<10008x104xf32, #tpu.memory_space<hbm>>) target(%arg10 : memref<128x104xf32, #tpu.memory_space<vmem>>) offsets(%dma_start3A_719 : memref<128xi32, #tpu.memory_space<vmem>>) semaphore(%arg17 : memref<!tpu.dma_semaphore, #tpu.memory_space<semaphore_mem>>)
      } else {
      }
      %dma_wait3A_701 = arith.constant 0 : i32
      %dma_wait3A_702 = arith.constant 0 : i32
      %dma_wait3A_703 = tpu.memref_slice %arg2[%arg0, %dma_wait3A_701, %dma_wait3A_702] : memref<2x10008x104xf32, #tpu.memory_space<hbm>> -> memref<1x128x104xf32, #tpu.memory_space<hbm>>
      %dma_wait3A_704 = tpu.memref_squeeze %dma_wait3A_703 : memref<1x128x104xf32, #tpu.memory_space<hbm>> -> memref<128x104xf32, #tpu.memory_space<hbm>>
      %dma_wait3A_705 = arith.constant 0 : i32
      %dma_wait3A_706 = arith.constant 0 : i32
      %dma_wait3A_707 = tpu.memref_slice %arg2[%arg0, %dma_wait3A_705, %dma_wait3A_706] : memref<2x10008x104xf32, #tpu.memory_space<hbm>> -> memref<1x128x104xf32, #tpu.memory_space<hbm>>
      %dma_wait3A_708 = tpu.memref_squeeze %dma_wait3A_707 : memref<1x128x104xf32, #tpu.memory_space<hbm>> -> memref<128x104xf32, #tpu.memory_space<hbm>>
      tpu.wait_dma2 semaphore(%arg18 : memref<!tpu.dma_semaphore, #tpu.memory_space<semaphore_mem>>) src(%dma_wait3A_708 : memref<128x104xf32, #tpu.memory_space<hbm>>) dst(%arg11 : memref<128x104xf32, #tpu.memory_space<vmem>>)
      %add3A_709 = arith.constant 3 : i32
      %add3A_710 = arith.addi %add3A_626, %add3A_709 : i32
      %run_scoped3A_711 = arith.constant 1 : i32
      "tpu.region"() ({
        %run_scoped3A_712 = tpu.sem_alloc : memref<!tpu.dma_semaphore, #tpu.memory_space<semaphore_mem>>
        %dma_start3A_713 = arith.constant 0 : i32
        %dma_start3A_714 = tpu.memref_slice %arg6[%add3A_710, %run_scoped3A_711, %dma_start3A_713] : memref<16x2x128xi32, #tpu.memory_space<vmem>> -> memref<1x1x128xi32, #tpu.memory_space<vmem>>
        %dma_start3A_715 = tpu.memref_squeeze %dma_start3A_714 : memref<1x1x128xi32, #tpu.memory_space<vmem>> -> memref<128xi32, #tpu.memory_space<vmem>>
        %dma_start3A_716 = arith.constant 0 : i32
        %dma_start3A_717 = arith.constant 0 : i32
        %dma_start3A_718 = tpu.memref_slice %arg12[%dma_start3A_716, %dma_start3A_717] : memref<10008x104xf32, #tpu.memory_space<vmem_shared>> -> memref<10008x104xf32, #tpu.memory_space<vmem_shared>>
        tpu.enqueue_indirect_dma source(%arg11 : memref<128x104xf32, #tpu.memory_space<vmem>>) target(%dma_start3A_718 : memref<10008x104xf32, #tpu.memory_space<vmem_shared>>) offsets(%dma_start3A_715 : memref<128xi32, #tpu.memory_space<vmem>>) semaphore(%run_scoped3A_712 : memref<!tpu.dma_semaphore, #tpu.memory_space<semaphore_mem>>) {add = true}
        %dma_wait3A_719 = arith.constant 0 : i32
        %dma_wait3A_720 = tpu.memref_slice %arg6[%add3A_710, %run_scoped3A_711, %dma_wait3A_719] : memref<16x2x128xi32, #tpu.memory_space<vmem>> -> memref<1x1x128xi32, #tpu.memory_space<vmem>>
        %dma_wait3A_721 = tpu.memref_squeeze %dma_wait3A_720 : memref<1x1x128xi32, #tpu.memory_space<vmem>> -> memref<128xi32, #tpu.memory_space<vmem>>
        %dma_wait3A_722 = arith.constant 0 : i32
        %dma_wait3A_723 = arith.constant 0 : i32
        %dma_wait3A_724 = tpu.memref_slice %arg12[%dma_wait3A_722, %dma_wait3A_723] : memref<10008x104xf32, #tpu.memory_space<vmem_shared>> -> memref<10008x104xf32, #tpu.memory_space<vmem_shared>>
        tpu.wait_indirect_dma semaphore(%run_scoped3A_712 : memref<!tpu.dma_semaphore, #tpu.memory_space<semaphore_mem>>) src(%arg11 : memref<128x104xf32, #tpu.memory_space<vmem>>) dst(%dma_wait3A_724 : memref<10008x104xf32, #tpu.memory_space<vmem_shared>>)
        tpu.yield
      }) : () -> ()
    }
    %scan3A_307 = arith.constant 4 : i32
    %dma_wait3A_308 = arith.constant 0 : i32
    %dma_wait3A_309 = arith.constant 0 : i32
    %dma_wait3A_310 = arith.constant 0 : i32
    %dma_wait3A_311 = arith.constant 0 : i32
    %dma_wait3A_312 = tpu.memref_slice %arg3[%arg1, %dma_wait3A_308, %dma_wait3A_309, %dma_wait3A_310, %dma_wait3A_311] : memref<16x10x16x2x128xi32, #tpu.memory_space<hbm>> -> memref<1x1x16x2x128xi32, #tpu.memory_space<hbm>>
    %dma_wait3A_313 = tpu.memref_squeeze %dma_wait3A_312 : memref<1x1x16x2x128xi32, #tpu.memory_space<hbm>> -> memref<16x2x128xi32, #tpu.memory_space<hbm>>
    %dma_wait3A_314 = arith.constant 0 : i32
    %dma_wait3A_315 = arith.constant 0 : i32
    %dma_wait3A_316 = arith.constant 0 : i32
    %dma_wait3A_317 = tpu.memref_slice %arg3[%arg1, %dma_wait3A_308, %dma_wait3A_314, %dma_wait3A_315, %dma_wait3A_316] : memref<16x10x16x2x128xi32, #tpu.memory_space<hbm>> -> memref<1x1x16x2x128xi32, #tpu.memory_space<hbm>>
    %dma_wait3A_318 = tpu.memref_squeeze %dma_wait3A_317 : memref<1x1x16x2x128xi32, #tpu.memory_space<hbm>> -> memref<16x2x128xi32, #tpu.memory_space<hbm>>
    tpu.wait_dma2 semaphore(%arg14 : memref<!tpu.dma_semaphore, #tpu.memory_space<semaphore_mem>>) src(%dma_wait3A_318 : memref<16x2x128xi32, #tpu.memory_space<hbm>>) dst(%arg7 : memref<16x2x128xi32, #tpu.memory_space<vmem>>)
    %dma_start3A_319 = arith.constant 6 : i32
    %dma_start3A_320 = arith.constant 0 : i32
    %dma_start3A_321 = arith.constant 0 : i32
    %dma_start3A_322 = arith.constant 0 : i32
    %dma_start3A_323 = tpu.memref_slice %arg3[%arg1, %dma_start3A_319, %dma_start3A_320, %dma_start3A_321, %dma_start3A_322] : memref<16x10x16x2x128xi32, #tpu.memory_space<hbm>> -> memref<1x1x16x2x128xi32, #tpu.memory_space<hbm>>
    %dma_start3A_324 = tpu.memref_squeeze %dma_start3A_323 : memref<1x1x16x2x128xi32, #tpu.memory_space<hbm>> -> memref<16x2x128xi32, #tpu.memory_space<hbm>>
    %dma_start3A_325 = arith.constant 0 : i32
    %dma_start3A_326 = arith.constant 0 : i32
    %dma_start3A_327 = arith.constant 0 : i32
    %dma_start3A_328 = tpu.memref_slice %arg3[%arg1, %dma_start3A_319, %dma_start3A_325, %dma_start3A_326, %dma_start3A_327] : memref<16x10x16x2x128xi32, #tpu.memory_space<hbm>> -> memref<1x1x16x2x128xi32, #tpu.memory_space<hbm>>
    %dma_start3A_329 = tpu.memref_squeeze %dma_start3A_328 : memref<1x1x16x2x128xi32, #tpu.memory_space<hbm>> -> memref<16x2x128xi32, #tpu.memory_space<hbm>>
    tpu.enqueue_dma source(%dma_start3A_329 : memref<16x2x128xi32, #tpu.memory_space<hbm>>) target(%arg6 : memref<16x2x128xi32, #tpu.memory_space<vmem>>) target_semaphore(%arg13 : memref<!tpu.dma_semaphore, #tpu.memory_space<semaphore_mem>>)
    %dma_start3A_330 = arith.constant 0 : i32
    %dma_start3A_331 = arith.constant 0 : i32
    %dma_start3A_332 = arith.constant 0 : i32
    %dma_start3A_333 = tpu.memref_slice %arg7[%dma_start3A_330, %dma_start3A_331, %dma_start3A_332] : memref<16x2x128xi32, #tpu.memory_space<vmem>> -> memref<1x1x128xi32, #tpu.memory_space<vmem>>
    %dma_start3A_334 = tpu.memref_squeeze %dma_start3A_333 : memref<1x1x128xi32, #tpu.memory_space<vmem>> -> memref<128xi32, #tpu.memory_space<vmem>>
    %dma_start3A_335 = arith.constant 0 : i32
    %dma_start3A_336 = arith.constant 0 : i32
    %dma_start3A_337 = tpu.memref_slice %arg2[%arg0, %dma_start3A_335, %dma_start3A_336] : memref<2x10008x104xf32, #tpu.memory_space<hbm>> -> memref<1x10008x104xf32, #tpu.memory_space<hbm>>
    %dma_start3A_338 = tpu.memref_squeeze %dma_start3A_337 : memref<1x10008x104xf32, #tpu.memory_space<hbm>> -> memref<10008x104xf32, #tpu.memory_space<hbm>>
    %dma_start3A_339 = arith.constant 0 : i32
    %dma_start3A_340 = arith.constant 0 : i32
    %dma_start3A_341 = tpu.memref_slice %dma_start3A_338[%dma_start3A_339, %dma_start3A_340] : memref<10008x104xf32, #tpu.memory_space<hbm>> -> memref<10008x104xf32, #tpu.memory_space<hbm>>
    tpu.enqueue_indirect_dma source(%dma_start3A_341 : memref<10008x104xf32, #tpu.memory_space<hbm>>) target(%arg8 : memref<128x104xf32, #tpu.memory_space<vmem>>) offsets(%dma_start3A_334 : memref<128xi32, #tpu.memory_space<vmem>>) semaphore(%arg15 : memref<!tpu.dma_semaphore, #tpu.memory_space<semaphore_mem>>)
    %dma_start3A_342 = arith.constant 1 : i32
    %dma_start3A_343 = arith.constant 0 : i32
    %dma_start3A_344 = arith.constant 0 : i32
    %dma_start3A_345 = tpu.memref_slice %arg7[%dma_start3A_342, %dma_start3A_343, %dma_start3A_344] : memref<16x2x128xi32, #tpu.memory_space<vmem>> -> memref<1x1x128xi32, #tpu.memory_space<vmem>>
    %dma_start3A_346 = tpu.memref_squeeze %dma_start3A_345 : memref<1x1x128xi32, #tpu.memory_space<vmem>> -> memref<128xi32, #tpu.memory_space<vmem>>
    %dma_start3A_347 = arith.constant 0 : i32
    %dma_start3A_348 = arith.constant 0 : i32
    %dma_start3A_349 = tpu.memref_slice %arg2[%arg0, %dma_start3A_347, %dma_start3A_348] : memref<2x10008x104xf32, #tpu.memory_space<hbm>> -> memref<1x10008x104xf32, #tpu.memory_space<hbm>>
    %dma_start3A_350 = tpu.memref_squeeze %dma_start3A_349 : memref<1x10008x104xf32, #tpu.memory_space<hbm>> -> memref<10008x104xf32, #tpu.memory_space<hbm>>
    %dma_start3A_351 = arith.constant 0 : i32
    %dma_start3A_352 = arith.constant 0 : i32
    %dma_start3A_353 = tpu.memref_slice %dma_start3A_350[%dma_start3A_351, %dma_start3A_352] : memref<10008x104xf32, #tpu.memory_space<hbm>> -> memref<10008x104xf32, #tpu.memory_space<hbm>>
    tpu.enqueue_indirect_dma source(%dma_start3A_353 : memref<10008x104xf32, #tpu.memory_space<hbm>>) target(%arg9 : memref<128x104xf32, #tpu.memory_space<vmem>>) offsets(%dma_start3A_346 : memref<128xi32, #tpu.memory_space<vmem>>) semaphore(%arg16 : memref<!tpu.dma_semaphore, #tpu.memory_space<semaphore_mem>>)
    %dma_start3A_354 = arith.constant 2 : i32
    %dma_start3A_355 = arith.constant 0 : i32
    %dma_start3A_356 = arith.constant 0 : i32
    %dma_start3A_357 = tpu.memref_slice %arg7[%dma_start3A_354, %dma_start3A_355, %dma_start3A_356] : memref<16x2x128xi32, #tpu.memory_space<vmem>> -> memref<1x1x128xi32, #tpu.memory_space<vmem>>
    %dma_start3A_358 = tpu.memref_squeeze %dma_start3A_357 : memref<1x1x128xi32, #tpu.memory_space<vmem>> -> memref<128xi32, #tpu.memory_space<vmem>>
    %dma_start3A_359 = arith.constant 0 : i32
    %dma_start3A_360 = arith.constant 0 : i32
    %dma_start3A_361 = tpu.memref_slice %arg2[%arg0, %dma_start3A_359, %dma_start3A_360] : memref<2x10008x104xf32, #tpu.memory_space<hbm>> -> memref<1x10008x104xf32, #tpu.memory_space<hbm>>
    %dma_start3A_362 = tpu.memref_squeeze %dma_start3A_361 : memref<1x10008x104xf32, #tpu.memory_space<hbm>> -> memref<10008x104xf32, #tpu.memory_space<hbm>>
    %dma_start3A_363 = arith.constant 0 : i32
    %dma_start3A_364 = arith.constant 0 : i32
    %dma_start3A_365 = tpu.memref_slice %dma_start3A_362[%dma_start3A_363, %dma_start3A_364] : memref<10008x104xf32, #tpu.memory_space<hbm>> -> memref<10008x104xf32, #tpu.memory_space<hbm>>
    tpu.enqueue_indirect_dma source(%dma_start3A_365 : memref<10008x104xf32, #tpu.memory_space<hbm>>) target(%arg10 : memref<128x104xf32, #tpu.memory_space<vmem>>) offsets(%dma_start3A_358 : memref<128xi32, #tpu.memory_space<vmem>>) semaphore(%arg17 : memref<!tpu.dma_semaphore, #tpu.memory_space<semaphore_mem>>)
    %scan3A_366 = arith.constant 0 : i32
    %scan3A_367 = arith.constant 4 : i32
    %scan3A_368 = arith.addi %scan3A_366, %scan3A_367 : i32
    %scan3A_369 = arith.constant 1 : i32
    scf.for %scan3A_623 = %scan3A_366 to %scan3A_368 step %scan3A_369  : i32 {
      %mul3A_624 = arith.constant 4 : i32
      %mul3A_625 = arith.muli %scan3A_623, %mul3A_624 : i32
      %add3A = arith.constant 0 : i32
      %add3A_626 = arith.addi %add3A, %mul3A_625 : i32
      %add3A_627 = arith.constant 4 : i32
      %add3A_628 = arith.addi %add3A_626, %add3A_627 : i32
      %sub3A = arith.constant 1 : i32
      %sub3A_629 = arith.subi %add3A_628, %sub3A : i32
      %dma_start3A_630 = arith.constant 0 : i32
      %dma_start3A_631 = arith.constant 0 : i32
      %dma_start3A_632 = tpu.memref_slice %arg7[%sub3A_629, %dma_start3A_630, %dma_start3A_631] : memref<16x2x128xi32, #tpu.memory_space<vmem>> -> memref<1x1x128xi32, #tpu.memory_space<vmem>>
      %dma_start3A_633 = tpu.memref_squeeze %dma_start3A_632 : memref<1x1x128xi32, #tpu.memory_space<vmem>> -> memref<128xi32, #tpu.memory_space<vmem>>
      %dma_start3A_634 = arith.constant 0 : i32
      %dma_start3A_635 = arith.constant 0 : i32
      %dma_start3A_636 = tpu.memref_slice %arg2[%arg0, %dma_start3A_634, %dma_start3A_635] : memref<2x10008x104xf32, #tpu.memory_space<hbm>> -> memref<1x10008x104xf32, #tpu.memory_space<hbm>>
      %dma_start3A_637 = tpu.memref_squeeze %dma_start3A_636 : memref<1x10008x104xf32, #tpu.memory_space<hbm>> -> memref<10008x104xf32, #tpu.memory_space<hbm>>
      %dma_start3A_638 = arith.constant 0 : i32
      %dma_start3A_639 = arith.constant 0 : i32
      %dma_start3A_640 = tpu.memref_slice %dma_start3A_637[%dma_start3A_638, %dma_start3A_639] : memref<10008x104xf32, #tpu.memory_space<hbm>> -> memref<10008x104xf32, #tpu.memory_space<hbm>>
      tpu.enqueue_indirect_dma source(%dma_start3A_640 : memref<10008x104xf32, #tpu.memory_space<hbm>>) target(%arg11 : memref<128x104xf32, #tpu.memory_space<vmem>>) offsets(%dma_start3A_633 : memref<128xi32, #tpu.memory_space<vmem>>) semaphore(%arg18 : memref<!tpu.dma_semaphore, #tpu.memory_space<semaphore_mem>>)
      %dma_wait3A_641 = arith.constant 0 : i32
      %dma_wait3A_642 = arith.constant 0 : i32
      %dma_wait3A_643 = tpu.memref_slice %arg2[%arg0, %dma_wait3A_641, %dma_wait3A_642] : memref<2x10008x104xf32, #tpu.memory_space<hbm>> -> memref<1x128x104xf32, #tpu.memory_space<hbm>>
      %dma_wait3A_644 = tpu.memref_squeeze %dma_wait3A_643 : memref<1x128x104xf32, #tpu.memory_space<hbm>> -> memref<128x104xf32, #tpu.memory_space<hbm>>
      %dma_wait3A_645 = arith.constant 0 : i32
      %dma_wait3A_646 = arith.constant 0 : i32
      %dma_wait3A_647 = tpu.memref_slice %arg2[%arg0, %dma_wait3A_645, %dma_wait3A_646] : memref<2x10008x104xf32, #tpu.memory_space<hbm>> -> memref<1x128x104xf32, #tpu.memory_space<hbm>>
      %dma_wait3A_648 = tpu.memref_squeeze %dma_wait3A_647 : memref<1x128x104xf32, #tpu.memory_space<hbm>> -> memref<128x104xf32, #tpu.memory_space<hbm>>
      tpu.wait_dma2 semaphore(%arg15 : memref<!tpu.dma_semaphore, #tpu.memory_space<semaphore_mem>>) src(%dma_wait3A_648 : memref<128x104xf32, #tpu.memory_space<hbm>>) dst(%arg8 : memref<128x104xf32, #tpu.memory_space<vmem>>)
      %add3A_649 = arith.constant 0 : i32
      %add3A_650 = arith.addi %add3A_626, %add3A_649 : i32
      %run_scoped3A_651 = arith.constant 1 : i32
      "tpu.region"() ({
        %run_scoped3A_712 = tpu.sem_alloc : memref<!tpu.dma_semaphore, #tpu.memory_space<semaphore_mem>>
        %dma_start3A_713 = arith.constant 0 : i32
        %dma_start3A_714 = tpu.memref_slice %arg7[%add3A_650, %run_scoped3A_651, %dma_start3A_713] : memref<16x2x128xi32, #tpu.memory_space<vmem>> -> memref<1x1x128xi32, #tpu.memory_space<vmem>>
        %dma_start3A_715 = tpu.memref_squeeze %dma_start3A_714 : memref<1x1x128xi32, #tpu.memory_space<vmem>> -> memref<128xi32, #tpu.memory_space<vmem>>
        %dma_start3A_716 = arith.constant 0 : i32
        %dma_start3A_717 = arith.constant 0 : i32
        %dma_start3A_718 = tpu.memref_slice %arg12[%dma_start3A_716, %dma_start3A_717] : memref<10008x104xf32, #tpu.memory_space<vmem_shared>> -> memref<10008x104xf32, #tpu.memory_space<vmem_shared>>
        tpu.enqueue_indirect_dma source(%arg8 : memref<128x104xf32, #tpu.memory_space<vmem>>) target(%dma_start3A_718 : memref<10008x104xf32, #tpu.memory_space<vmem_shared>>) offsets(%dma_start3A_715 : memref<128xi32, #tpu.memory_space<vmem>>) semaphore(%run_scoped3A_712 : memref<!tpu.dma_semaphore, #tpu.memory_space<semaphore_mem>>) {add = true}
        %dma_wait3A_719 = arith.constant 0 : i32
        %dma_wait3A_720 = tpu.memref_slice %arg7[%add3A_650, %run_scoped3A_651, %dma_wait3A_719] : memref<16x2x128xi32, #tpu.memory_space<vmem>> -> memref<1x1x128xi32, #tpu.memory_space<vmem>>
        %dma_wait3A_721 = tpu.memref_squeeze %dma_wait3A_720 : memref<1x1x128xi32, #tpu.memory_space<vmem>> -> memref<128xi32, #tpu.memory_space<vmem>>
        %dma_wait3A_722 = arith.constant 0 : i32
        %dma_wait3A_723 = arith.constant 0 : i32
        %dma_wait3A_724 = tpu.memref_slice %arg12[%dma_wait3A_722, %dma_wait3A_723] : memref<10008x104xf32, #tpu.memory_space<vmem_shared>> -> memref<10008x104xf32, #tpu.memory_space<vmem_shared>>
        tpu.wait_indirect_dma semaphore(%run_scoped3A_712 : memref<!tpu.dma_semaphore, #tpu.memory_space<semaphore_mem>>) src(%arg8 : memref<128x104xf32, #tpu.memory_space<vmem>>) dst(%dma_wait3A_724 : memref<10008x104xf32, #tpu.memory_space<vmem_shared>>)
        tpu.yield
      }) : () -> ()
      %add3A_652 = arith.constant 0 : i32
      %add3A_653 = arith.addi %add3A_626, %add3A_652 : i32
      %add3A_654 = arith.constant 4 : i32
      %add3A_655 = arith.addi %add3A_653, %add3A_654 : i32
      %lt3A_656 = arith.constant 16 : i32
      %lt3A_657 = arith.cmpi slt, %add3A_655, %lt3A_656 : i32
      %convert_element_type3A_658 = arith.extui %lt3A_657 : i1 to i32
      %cond3A_659 = arith.constant 0 : i32
      %cond3A_660 = arith.cmpi ne, %convert_element_type3A_658, %cond3A_659 : i32
      scf.if %cond3A_660 {
        %add3A_712 = arith.constant 0 : i32
        %add3A_713 = arith.addi %add3A_626, %add3A_712 : i32
        %add3A_714 = arith.constant 4 : i32
        %add3A_715 = arith.addi %add3A_713, %add3A_714 : i32
        %dma_start3A_716 = arith.constant 0 : i32
        %dma_start3A_717 = arith.constant 0 : i32
        %dma_start3A_718 = tpu.memref_slice %arg7[%add3A_715, %dma_start3A_716, %dma_start3A_717] : memref<16x2x128xi32, #tpu.memory_space<vmem>> -> memref<1x1x128xi32, #tpu.memory_space<vmem>>
        %dma_start3A_719 = tpu.memref_squeeze %dma_start3A_718 : memref<1x1x128xi32, #tpu.memory_space<vmem>> -> memref<128xi32, #tpu.memory_space<vmem>>
        %dma_start3A_720 = arith.constant 0 : i32
        %dma_start3A_721 = arith.constant 0 : i32
        %dma_start3A_722 = tpu.memref_slice %arg2[%arg0, %dma_start3A_720, %dma_start3A_721] : memref<2x10008x104xf32, #tpu.memory_space<hbm>> -> memref<1x10008x104xf32, #tpu.memory_space<hbm>>
        %dma_start3A_723 = tpu.memref_squeeze %dma_start3A_722 : memref<1x10008x104xf32, #tpu.memory_space<hbm>> -> memref<10008x104xf32, #tpu.memory_space<hbm>>
        %dma_start3A_724 = arith.constant 0 : i32
        %dma_start3A_725 = arith.constant 0 : i32
        %dma_start3A_726 = tpu.memref_slice %dma_start3A_723[%dma_start3A_724, %dma_start3A_725] : memref<10008x104xf32, #tpu.memory_space<hbm>> -> memref<10008x104xf32, #tpu.memory_space<hbm>>
        tpu.enqueue_indirect_dma source(%dma_start3A_726 : memref<10008x104xf32, #tpu.memory_space<hbm>>) target(%arg8 : memref<128x104xf32, #tpu.memory_space<vmem>>) offsets(%dma_start3A_719 : memref<128xi32, #tpu.memory_space<vmem>>) semaphore(%arg15 : memref<!tpu.dma_semaphore, #tpu.memory_space<semaphore_mem>>)
      } else {
      }
      %dma_wait3A_661 = arith.constant 0 : i32
      %dma_wait3A_662 = arith.constant 0 : i32
      %dma_wait3A_663 = tpu.memref_slice %arg2[%arg0, %dma_wait3A_661, %dma_wait3A_662] : memref<2x10008x104xf32, #tpu.memory_space<hbm>> -> memref<1x128x104xf32, #tpu.memory_space<hbm>>
      %dma_wait3A_664 = tpu.memref_squeeze %dma_wait3A_663 : memref<1x128x104xf32, #tpu.memory_space<hbm>> -> memref<128x104xf32, #tpu.memory_space<hbm>>
      %dma_wait3A_665 = arith.constant 0 : i32
      %dma_wait3A_666 = arith.constant 0 : i32
      %dma_wait3A_667 = tpu.memref_slice %arg2[%arg0, %dma_wait3A_665, %dma_wait3A_666] : memref<2x10008x104xf32, #tpu.memory_space<hbm>> -> memref<1x128x104xf32, #tpu.memory_space<hbm>>
      %dma_wait3A_668 = tpu.memref_squeeze %dma_wait3A_667 : memref<1x128x104xf32, #tpu.memory_space<hbm>> -> memref<128x104xf32, #tpu.memory_space<hbm>>
      tpu.wait_dma2 semaphore(%arg16 : memref<!tpu.dma_semaphore, #tpu.memory_space<semaphore_mem>>) src(%dma_wait3A_668 : memref<128x104xf32, #tpu.memory_space<hbm>>) dst(%arg9 : memref<128x104xf32, #tpu.memory_space<vmem>>)
      %add3A_669 = arith.constant 1 : i32
      %add3A_670 = arith.addi %add3A_626, %add3A_669 : i32
      %run_scoped3A_671 = arith.constant 1 : i32
      "tpu.region"() ({
        %run_scoped3A_712 = tpu.sem_alloc : memref<!tpu.dma_semaphore, #tpu.memory_space<semaphore_mem>>
        %dma_start3A_713 = arith.constant 0 : i32
        %dma_start3A_714 = tpu.memref_slice %arg7[%add3A_670, %run_scoped3A_671, %dma_start3A_713] : memref<16x2x128xi32, #tpu.memory_space<vmem>> -> memref<1x1x128xi32, #tpu.memory_space<vmem>>
        %dma_start3A_715 = tpu.memref_squeeze %dma_start3A_714 : memref<1x1x128xi32, #tpu.memory_space<vmem>> -> memref<128xi32, #tpu.memory_space<vmem>>
        %dma_start3A_716 = arith.constant 0 : i32
        %dma_start3A_717 = arith.constant 0 : i32
        %dma_start3A_718 = tpu.memref_slice %arg12[%dma_start3A_716, %dma_start3A_717] : memref<10008x104xf32, #tpu.memory_space<vmem_shared>> -> memref<10008x104xf32, #tpu.memory_space<vmem_shared>>
        tpu.enqueue_indirect_dma source(%arg9 : memref<128x104xf32, #tpu.memory_space<vmem>>) target(%dma_start3A_718 : memref<10008x104xf32, #tpu.memory_space<vmem_shared>>) offsets(%dma_start3A_715 : memref<128xi32, #tpu.memory_space<vmem>>) semaphore(%run_scoped3A_712 : memref<!tpu.dma_semaphore, #tpu.memory_space<semaphore_mem>>) {add = true}
        %dma_wait3A_719 = arith.constant 0 : i32
        %dma_wait3A_720 = tpu.memref_slice %arg7[%add3A_670, %run_scoped3A_671, %dma_wait3A_719] : memref<16x2x128xi32, #tpu.memory_space<vmem>> -> memref<1x1x128xi32, #tpu.memory_space<vmem>>
        %dma_wait3A_721 = tpu.memref_squeeze %dma_wait3A_720 : memref<1x1x128xi32, #tpu.memory_space<vmem>> -> memref<128xi32, #tpu.memory_space<vmem>>
        %dma_wait3A_722 = arith.constant 0 : i32
        %dma_wait3A_723 = arith.constant 0 : i32
        %dma_wait3A_724 = tpu.memref_slice %arg12[%dma_wait3A_722, %dma_wait3A_723] : memref<10008x104xf32, #tpu.memory_space<vmem_shared>> -> memref<10008x104xf32, #tpu.memory_space<vmem_shared>>
        tpu.wait_indirect_dma semaphore(%run_scoped3A_712 : memref<!tpu.dma_semaphore, #tpu.memory_space<semaphore_mem>>) src(%arg9 : memref<128x104xf32, #tpu.memory_space<vmem>>) dst(%dma_wait3A_724 : memref<10008x104xf32, #tpu.memory_space<vmem_shared>>)
        tpu.yield
      }) : () -> ()
      %add3A_672 = arith.constant 1 : i32
      %add3A_673 = arith.addi %add3A_626, %add3A_672 : i32
      %add3A_674 = arith.constant 4 : i32
      %add3A_675 = arith.addi %add3A_673, %add3A_674 : i32
      %lt3A_676 = arith.constant 16 : i32
      %lt3A_677 = arith.cmpi slt, %add3A_675, %lt3A_676 : i32
      %convert_element_type3A_678 = arith.extui %lt3A_677 : i1 to i32
      %cond3A_679 = arith.constant 0 : i32
      %cond3A_680 = arith.cmpi ne, %convert_element_type3A_678, %cond3A_679 : i32
      scf.if %cond3A_680 {
        %add3A_712 = arith.constant 1 : i32
        %add3A_713 = arith.addi %add3A_626, %add3A_712 : i32
        %add3A_714 = arith.constant 4 : i32
        %add3A_715 = arith.addi %add3A_713, %add3A_714 : i32
        %dma_start3A_716 = arith.constant 0 : i32
        %dma_start3A_717 = arith.constant 0 : i32
        %dma_start3A_718 = tpu.memref_slice %arg7[%add3A_715, %dma_start3A_716, %dma_start3A_717] : memref<16x2x128xi32, #tpu.memory_space<vmem>> -> memref<1x1x128xi32, #tpu.memory_space<vmem>>
        %dma_start3A_719 = tpu.memref_squeeze %dma_start3A_718 : memref<1x1x128xi32, #tpu.memory_space<vmem>> -> memref<128xi32, #tpu.memory_space<vmem>>
        %dma_start3A_720 = arith.constant 0 : i32
        %dma_start3A_721 = arith.constant 0 : i32
        %dma_start3A_722 = tpu.memref_slice %arg2[%arg0, %dma_start3A_720, %dma_start3A_721] : memref<2x10008x104xf32, #tpu.memory_space<hbm>> -> memref<1x10008x104xf32, #tpu.memory_space<hbm>>
        %dma_start3A_723 = tpu.memref_squeeze %dma_start3A_722 : memref<1x10008x104xf32, #tpu.memory_space<hbm>> -> memref<10008x104xf32, #tpu.memory_space<hbm>>
        %dma_start3A_724 = arith.constant 0 : i32
        %dma_start3A_725 = arith.constant 0 : i32
        %dma_start3A_726 = tpu.memref_slice %dma_start3A_723[%dma_start3A_724, %dma_start3A_725] : memref<10008x104xf32, #tpu.memory_space<hbm>> -> memref<10008x104xf32, #tpu.memory_space<hbm>>
        tpu.enqueue_indirect_dma source(%dma_start3A_726 : memref<10008x104xf32, #tpu.memory_space<hbm>>) target(%arg9 : memref<128x104xf32, #tpu.memory_space<vmem>>) offsets(%dma_start3A_719 : memref<128xi32, #tpu.memory_space<vmem>>) semaphore(%arg16 : memref<!tpu.dma_semaphore, #tpu.memory_space<semaphore_mem>>)
      } else {
      }
      %dma_wait3A_681 = arith.constant 0 : i32
      %dma_wait3A_682 = arith.constant 0 : i32
      %dma_wait3A_683 = tpu.memref_slice %arg2[%arg0, %dma_wait3A_681, %dma_wait3A_682] : memref<2x10008x104xf32, #tpu.memory_space<hbm>> -> memref<1x128x104xf32, #tpu.memory_space<hbm>>
      %dma_wait3A_684 = tpu.memref_squeeze %dma_wait3A_683 : memref<1x128x104xf32, #tpu.memory_space<hbm>> -> memref<128x104xf32, #tpu.memory_space<hbm>>
      %dma_wait3A_685 = arith.constant 0 : i32
      %dma_wait3A_686 = arith.constant 0 : i32
      %dma_wait3A_687 = tpu.memref_slice %arg2[%arg0, %dma_wait3A_685, %dma_wait3A_686] : memref<2x10008x104xf32, #tpu.memory_space<hbm>> -> memref<1x128x104xf32, #tpu.memory_space<hbm>>
      %dma_wait3A_688 = tpu.memref_squeeze %dma_wait3A_687 : memref<1x128x104xf32, #tpu.memory_space<hbm>> -> memref<128x104xf32, #tpu.memory_space<hbm>>
      tpu.wait_dma2 semaphore(%arg17 : memref<!tpu.dma_semaphore, #tpu.memory_space<semaphore_mem>>) src(%dma_wait3A_688 : memref<128x104xf32, #tpu.memory_space<hbm>>) dst(%arg10 : memref<128x104xf32, #tpu.memory_space<vmem>>)
      %add3A_689 = arith.constant 2 : i32
      %add3A_690 = arith.addi %add3A_626, %add3A_689 : i32
      %run_scoped3A_691 = arith.constant 1 : i32
      "tpu.region"() ({
        %run_scoped3A_712 = tpu.sem_alloc : memref<!tpu.dma_semaphore, #tpu.memory_space<semaphore_mem>>
        %dma_start3A_713 = arith.constant 0 : i32
        %dma_start3A_714 = tpu.memref_slice %arg7[%add3A_690, %run_scoped3A_691, %dma_start3A_713] : memref<16x2x128xi32, #tpu.memory_space<vmem>> -> memref<1x1x128xi32, #tpu.memory_space<vmem>>
        %dma_start3A_715 = tpu.memref_squeeze %dma_start3A_714 : memref<1x1x128xi32, #tpu.memory_space<vmem>> -> memref<128xi32, #tpu.memory_space<vmem>>
        %dma_start3A_716 = arith.constant 0 : i32
        %dma_start3A_717 = arith.constant 0 : i32
        %dma_start3A_718 = tpu.memref_slice %arg12[%dma_start3A_716, %dma_start3A_717] : memref<10008x104xf32, #tpu.memory_space<vmem_shared>> -> memref<10008x104xf32, #tpu.memory_space<vmem_shared>>
        tpu.enqueue_indirect_dma source(%arg10 : memref<128x104xf32, #tpu.memory_space<vmem>>) target(%dma_start3A_718 : memref<10008x104xf32, #tpu.memory_space<vmem_shared>>) offsets(%dma_start3A_715 : memref<128xi32, #tpu.memory_space<vmem>>) semaphore(%run_scoped3A_712 : memref<!tpu.dma_semaphore, #tpu.memory_space<semaphore_mem>>) {add = true}
        %dma_wait3A_719 = arith.constant 0 : i32
        %dma_wait3A_720 = tpu.memref_slice %arg7[%add3A_690, %run_scoped3A_691, %dma_wait3A_719] : memref<16x2x128xi32, #tpu.memory_space<vmem>> -> memref<1x1x128xi32, #tpu.memory_space<vmem>>
        %dma_wait3A_721 = tpu.memref_squeeze %dma_wait3A_720 : memref<1x1x128xi32, #tpu.memory_space<vmem>> -> memref<128xi32, #tpu.memory_space<vmem>>
        %dma_wait3A_722 = arith.constant 0 : i32
        %dma_wait3A_723 = arith.constant 0 : i32
        %dma_wait3A_724 = tpu.memref_slice %arg12[%dma_wait3A_722, %dma_wait3A_723] : memref<10008x104xf32, #tpu.memory_space<vmem_shared>> -> memref<10008x104xf32, #tpu.memory_space<vmem_shared>>
        tpu.wait_indirect_dma semaphore(%run_scoped3A_712 : memref<!tpu.dma_semaphore, #tpu.memory_space<semaphore_mem>>) src(%arg10 : memref<128x104xf32, #tpu.memory_space<vmem>>) dst(%dma_wait3A_724 : memref<10008x104xf32, #tpu.memory_space<vmem_shared>>)
        tpu.yield
      }) : () -> ()
      %add3A_692 = arith.constant 2 : i32
      %add3A_693 = arith.addi %add3A_626, %add3A_692 : i32
      %add3A_694 = arith.constant 4 : i32
      %add3A_695 = arith.addi %add3A_693, %add3A_694 : i32
      %lt3A_696 = arith.constant 16 : i32
      %lt3A_697 = arith.cmpi slt, %add3A_695, %lt3A_696 : i32
      %convert_element_type3A_698 = arith.extui %lt3A_697 : i1 to i32
      %cond3A_699 = arith.constant 0 : i32
      %cond3A_700 = arith.cmpi ne, %convert_element_type3A_698, %cond3A_699 : i32
      scf.if %cond3A_700 {
        %add3A_712 = arith.constant 2 : i32
        %add3A_713 = arith.addi %add3A_626, %add3A_712 : i32
        %add3A_714 = arith.constant 4 : i32
        %add3A_715 = arith.addi %add3A_713, %add3A_714 : i32
        %dma_start3A_716 = arith.constant 0 : i32
        %dma_start3A_717 = arith.constant 0 : i32
        %dma_start3A_718 = tpu.memref_slice %arg7[%add3A_715, %dma_start3A_716, %dma_start3A_717] : memref<16x2x128xi32, #tpu.memory_space<vmem>> -> memref<1x1x128xi32, #tpu.memory_space<vmem>>
        %dma_start3A_719 = tpu.memref_squeeze %dma_start3A_718 : memref<1x1x128xi32, #tpu.memory_space<vmem>> -> memref<128xi32, #tpu.memory_space<vmem>>
        %dma_start3A_720 = arith.constant 0 : i32
        %dma_start3A_721 = arith.constant 0 : i32
        %dma_start3A_722 = tpu.memref_slice %arg2[%arg0, %dma_start3A_720, %dma_start3A_721] : memref<2x10008x104xf32, #tpu.memory_space<hbm>> -> memref<1x10008x104xf32, #tpu.memory_space<hbm>>
        %dma_start3A_723 = tpu.memref_squeeze %dma_start3A_722 : memref<1x10008x104xf32, #tpu.memory_space<hbm>> -> memref<10008x104xf32, #tpu.memory_space<hbm>>
        %dma_start3A_724 = arith.constant 0 : i32
        %dma_start3A_725 = arith.constant 0 : i32
        %dma_start3A_726 = tpu.memref_slice %dma_start3A_723[%dma_start3A_724, %dma_start3A_725] : memref<10008x104xf32, #tpu.memory_space<hbm>> -> memref<10008x104xf32, #tpu.memory_space<hbm>>
        tpu.enqueue_indirect_dma source(%dma_start3A_726 : memref<10008x104xf32, #tpu.memory_space<hbm>>) target(%arg10 : memref<128x104xf32, #tpu.memory_space<vmem>>) offsets(%dma_start3A_719 : memref<128xi32, #tpu.memory_space<vmem>>) semaphore(%arg17 : memref<!tpu.dma_semaphore, #tpu.memory_space<semaphore_mem>>)
      } else {
      }
      %dma_wait3A_701 = arith.constant 0 : i32
      %dma_wait3A_702 = arith.constant 0 : i32
      %dma_wait3A_703 = tpu.memref_slice %arg2[%arg0, %dma_wait3A_701, %dma_wait3A_702] : memref<2x10008x104xf32, #tpu.memory_space<hbm>> -> memref<1x128x104xf32, #tpu.memory_space<hbm>>
      %dma_wait3A_704 = tpu.memref_squeeze %dma_wait3A_703 : memref<1x128x104xf32, #tpu.memory_space<hbm>> -> memref<128x104xf32, #tpu.memory_space<hbm>>
      %dma_wait3A_705 = arith.constant 0 : i32
      %dma_wait3A_706 = arith.constant 0 : i32
      %dma_wait3A_707 = tpu.memref_slice %arg2[%arg0, %dma_wait3A_705, %dma_wait3A_706] : memref<2x10008x104xf32, #tpu.memory_space<hbm>> -> memref<1x128x104xf32, #tpu.memory_space<hbm>>
      %dma_wait3A_708 = tpu.memref_squeeze %dma_wait3A_707 : memref<1x128x104xf32, #tpu.memory_space<hbm>> -> memref<128x104xf32, #tpu.memory_space<hbm>>
      tpu.wait_dma2 semaphore(%arg18 : memref<!tpu.dma_semaphore, #tpu.memory_space<semaphore_mem>>) src(%dma_wait3A_708 : memref<128x104xf32, #tpu.memory_space<hbm>>) dst(%arg11 : memref<128x104xf32, #tpu.memory_space<vmem>>)
      %add3A_709 = arith.constant 3 : i32
      %add3A_710 = arith.addi %add3A_626, %add3A_709 : i32
      %run_scoped3A_711 = arith.constant 1 : i32
      "tpu.region"() ({
        %run_scoped3A_712 = tpu.sem_alloc : memref<!tpu.dma_semaphore, #tpu.memory_space<semaphore_mem>>
        %dma_start3A_713 = arith.constant 0 : i32
        %dma_start3A_714 = tpu.memref_slice %arg7[%add3A_710, %run_scoped3A_711, %dma_start3A_713] : memref<16x2x128xi32, #tpu.memory_space<vmem>> -> memref<1x1x128xi32, #tpu.memory_space<vmem>>
        %dma_start3A_715 = tpu.memref_squeeze %dma_start3A_714 : memref<1x1x128xi32, #tpu.memory_space<vmem>> -> memref<128xi32, #tpu.memory_space<vmem>>
        %dma_start3A_716 = arith.constant 0 : i32
        %dma_start3A_717 = arith.constant 0 : i32
        %dma_start3A_718 = tpu.memref_slice %arg12[%dma_start3A_716, %dma_start3A_717] : memref<10008x104xf32, #tpu.memory_space<vmem_shared>> -> memref<10008x104xf32, #tpu.memory_space<vmem_shared>>
        tpu.enqueue_indirect_dma source(%arg11 : memref<128x104xf32, #tpu.memory_space<vmem>>) target(%dma_start3A_718 : memref<10008x104xf32, #tpu.memory_space<vmem_shared>>) offsets(%dma_start3A_715 : memref<128xi32, #tpu.memory_space<vmem>>) semaphore(%run_scoped3A_712 : memref<!tpu.dma_semaphore, #tpu.memory_space<semaphore_mem>>) {add = true}
        %dma_wait3A_719 = arith.constant 0 : i32
        %dma_wait3A_720 = tpu.memref_slice %arg7[%add3A_710, %run_scoped3A_711, %dma_wait3A_719] : memref<16x2x128xi32, #tpu.memory_space<vmem>> -> memref<1x1x128xi32, #tpu.memory_space<vmem>>
        %dma_wait3A_721 = tpu.memref_squeeze %dma_wait3A_720 : memref<1x1x128xi32, #tpu.memory_space<vmem>> -> memref<128xi32, #tpu.memory_space<vmem>>
        %dma_wait3A_722 = arith.constant 0 : i32
        %dma_wait3A_723 = arith.constant 0 : i32
        %dma_wait3A_724 = tpu.memref_slice %arg12[%dma_wait3A_722, %dma_wait3A_723] : memref<10008x104xf32, #tpu.memory_space<vmem_shared>> -> memref<10008x104xf32, #tpu.memory_space<vmem_shared>>
        tpu.wait_indirect_dma semaphore(%run_scoped3A_712 : memref<!tpu.dma_semaphore, #tpu.memory_space<semaphore_mem>>) src(%arg11 : memref<128x104xf32, #tpu.memory_space<vmem>>) dst(%dma_wait3A_724 : memref<10008x104xf32, #tpu.memory_space<vmem_shared>>)
        tpu.yield
      }) : () -> ()
    }
    %scan3A_370 = arith.constant 4 : i32
    %dma_wait3A_371 = arith.constant 0 : i32
    %dma_wait3A_372 = arith.constant 0 : i32
    %dma_wait3A_373 = arith.constant 0 : i32
    %dma_wait3A_374 = arith.constant 0 : i32
    %dma_wait3A_375 = tpu.memref_slice %arg3[%arg1, %dma_wait3A_371, %dma_wait3A_372, %dma_wait3A_373, %dma_wait3A_374] : memref<16x10x16x2x128xi32, #tpu.memory_space<hbm>> -> memref<1x1x16x2x128xi32, #tpu.memory_space<hbm>>
    %dma_wait3A_376 = tpu.memref_squeeze %dma_wait3A_375 : memref<1x1x16x2x128xi32, #tpu.memory_space<hbm>> -> memref<16x2x128xi32, #tpu.memory_space<hbm>>
    %dma_wait3A_377 = arith.constant 0 : i32
    %dma_wait3A_378 = arith.constant 0 : i32
    %dma_wait3A_379 = arith.constant 0 : i32
    %dma_wait3A_380 = tpu.memref_slice %arg3[%arg1, %dma_wait3A_371, %dma_wait3A_377, %dma_wait3A_378, %dma_wait3A_379] : memref<16x10x16x2x128xi32, #tpu.memory_space<hbm>> -> memref<1x1x16x2x128xi32, #tpu.memory_space<hbm>>
    %dma_wait3A_381 = tpu.memref_squeeze %dma_wait3A_380 : memref<1x1x16x2x128xi32, #tpu.memory_space<hbm>> -> memref<16x2x128xi32, #tpu.memory_space<hbm>>
    tpu.wait_dma2 semaphore(%arg13 : memref<!tpu.dma_semaphore, #tpu.memory_space<semaphore_mem>>) src(%dma_wait3A_381 : memref<16x2x128xi32, #tpu.memory_space<hbm>>) dst(%arg6 : memref<16x2x128xi32, #tpu.memory_space<vmem>>)
    %dma_start3A_382 = arith.constant 7 : i32
    %dma_start3A_383 = arith.constant 0 : i32
    %dma_start3A_384 = arith.constant 0 : i32
    %dma_start3A_385 = arith.constant 0 : i32
    %dma_start3A_386 = tpu.memref_slice %arg3[%arg1, %dma_start3A_382, %dma_start3A_383, %dma_start3A_384, %dma_start3A_385] : memref<16x10x16x2x128xi32, #tpu.memory_space<hbm>> -> memref<1x1x16x2x128xi32, #tpu.memory_space<hbm>>
    %dma_start3A_387 = tpu.memref_squeeze %dma_start3A_386 : memref<1x1x16x2x128xi32, #tpu.memory_space<hbm>> -> memref<16x2x128xi32, #tpu.memory_space<hbm>>
    %dma_start3A_388 = arith.constant 0 : i32
    %dma_start3A_389 = arith.constant 0 : i32
    %dma_start3A_390 = arith.constant 0 : i32
    %dma_start3A_391 = tpu.memref_slice %arg3[%arg1, %dma_start3A_382, %dma_start3A_388, %dma_start3A_389, %dma_start3A_390] : memref<16x10x16x2x128xi32, #tpu.memory_space<hbm>> -> memref<1x1x16x2x128xi32, #tpu.memory_space<hbm>>
    %dma_start3A_392 = tpu.memref_squeeze %dma_start3A_391 : memref<1x1x16x2x128xi32, #tpu.memory_space<hbm>> -> memref<16x2x128xi32, #tpu.memory_space<hbm>>
    tpu.enqueue_dma source(%dma_start3A_392 : memref<16x2x128xi32, #tpu.memory_space<hbm>>) target(%arg7 : memref<16x2x128xi32, #tpu.memory_space<vmem>>) target_semaphore(%arg14 : memref<!tpu.dma_semaphore, #tpu.memory_space<semaphore_mem>>)
    %dma_start3A_393 = arith.constant 0 : i32
    %dma_start3A_394 = arith.constant 0 : i32
    %dma_start3A_395 = arith.constant 0 : i32
    %dma_start3A_396 = tpu.memref_slice %arg6[%dma_start3A_393, %dma_start3A_394, %dma_start3A_395] : memref<16x2x128xi32, #tpu.memory_space<vmem>> -> memref<1x1x128xi32, #tpu.memory_space<vmem>>
    %dma_start3A_397 = tpu.memref_squeeze %dma_start3A_396 : memref<1x1x128xi32, #tpu.memory_space<vmem>> -> memref<128xi32, #tpu.memory_space<vmem>>
    %dma_start3A_398 = arith.constant 0 : i32
    %dma_start3A_399 = arith.constant 0 : i32
    %dma_start3A_400 = tpu.memref_slice %arg2[%arg0, %dma_start3A_398, %dma_start3A_399] : memref<2x10008x104xf32, #tpu.memory_space<hbm>> -> memref<1x10008x104xf32, #tpu.memory_space<hbm>>
    %dma_start3A_401 = tpu.memref_squeeze %dma_start3A_400 : memref<1x10008x104xf32, #tpu.memory_space<hbm>> -> memref<10008x104xf32, #tpu.memory_space<hbm>>
    %dma_start3A_402 = arith.constant 0 : i32
    %dma_start3A_403 = arith.constant 0 : i32
    %dma_start3A_404 = tpu.memref_slice %dma_start3A_401[%dma_start3A_402, %dma_start3A_403] : memref<10008x104xf32, #tpu.memory_space<hbm>> -> memref<10008x104xf32, #tpu.memory_space<hbm>>
    tpu.enqueue_indirect_dma source(%dma_start3A_404 : memref<10008x104xf32, #tpu.memory_space<hbm>>) target(%arg8 : memref<128x104xf32, #tpu.memory_space<vmem>>) offsets(%dma_start3A_397 : memref<128xi32, #tpu.memory_space<vmem>>) semaphore(%arg15 : memref<!tpu.dma_semaphore, #tpu.memory_space<semaphore_mem>>)
    %dma_start3A_405 = arith.constant 1 : i32
    %dma_start3A_406 = arith.constant 0 : i32
    %dma_start3A_407 = arith.constant 0 : i32
    %dma_start3A_408 = tpu.memref_slice %arg6[%dma_start3A_405, %dma_start3A_406, %dma_start3A_407] : memref<16x2x128xi32, #tpu.memory_space<vmem>> -> memref<1x1x128xi32, #tpu.memory_space<vmem>>
    %dma_start3A_409 = tpu.memref_squeeze %dma_start3A_408 : memref<1x1x128xi32, #tpu.memory_space<vmem>> -> memref<128xi32, #tpu.memory_space<vmem>>
    %dma_start3A_410 = arith.constant 0 : i32
    %dma_start3A_411 = arith.constant 0 : i32
    %dma_start3A_412 = tpu.memref_slice %arg2[%arg0, %dma_start3A_410, %dma_start3A_411] : memref<2x10008x104xf32, #tpu.memory_space<hbm>> -> memref<1x10008x104xf32, #tpu.memory_space<hbm>>
    %dma_start3A_413 = tpu.memref_squeeze %dma_start3A_412 : memref<1x10008x104xf32, #tpu.memory_space<hbm>> -> memref<10008x104xf32, #tpu.memory_space<hbm>>
    %dma_start3A_414 = arith.constant 0 : i32
    %dma_start3A_415 = arith.constant 0 : i32
    %dma_start3A_416 = tpu.memref_slice %dma_start3A_413[%dma_start3A_414, %dma_start3A_415] : memref<10008x104xf32, #tpu.memory_space<hbm>> -> memref<10008x104xf32, #tpu.memory_space<hbm>>
    tpu.enqueue_indirect_dma source(%dma_start3A_416 : memref<10008x104xf32, #tpu.memory_space<hbm>>) target(%arg9 : memref<128x104xf32, #tpu.memory_space<vmem>>) offsets(%dma_start3A_409 : memref<128xi32, #tpu.memory_space<vmem>>) semaphore(%arg16 : memref<!tpu.dma_semaphore, #tpu.memory_space<semaphore_mem>>)
    %dma_start3A_417 = arith.constant 2 : i32
    %dma_start3A_418 = arith.constant 0 : i32
    %dma_start3A_419 = arith.constant 0 : i32
    %dma_start3A_420 = tpu.memref_slice %arg6[%dma_start3A_417, %dma_start3A_418, %dma_start3A_419] : memref<16x2x128xi32, #tpu.memory_space<vmem>> -> memref<1x1x128xi32, #tpu.memory_space<vmem>>
    %dma_start3A_421 = tpu.memref_squeeze %dma_start3A_420 : memref<1x1x128xi32, #tpu.memory_space<vmem>> -> memref<128xi32, #tpu.memory_space<vmem>>
    %dma_start3A_422 = arith.constant 0 : i32
    %dma_start3A_423 = arith.constant 0 : i32
    %dma_start3A_424 = tpu.memref_slice %arg2[%arg0, %dma_start3A_422, %dma_start3A_423] : memref<2x10008x104xf32, #tpu.memory_space<hbm>> -> memref<1x10008x104xf32, #tpu.memory_space<hbm>>
    %dma_start3A_425 = tpu.memref_squeeze %dma_start3A_424 : memref<1x10008x104xf32, #tpu.memory_space<hbm>> -> memref<10008x104xf32, #tpu.memory_space<hbm>>
    %dma_start3A_426 = arith.constant 0 : i32
    %dma_start3A_427 = arith.constant 0 : i32
    %dma_start3A_428 = tpu.memref_slice %dma_start3A_425[%dma_start3A_426, %dma_start3A_427] : memref<10008x104xf32, #tpu.memory_space<hbm>> -> memref<10008x104xf32, #tpu.memory_space<hbm>>
    tpu.enqueue_indirect_dma source(%dma_start3A_428 : memref<10008x104xf32, #tpu.memory_space<hbm>>) target(%arg10 : memref<128x104xf32, #tpu.memory_space<vmem>>) offsets(%dma_start3A_421 : memref<128xi32, #tpu.memory_space<vmem>>) semaphore(%arg17 : memref<!tpu.dma_semaphore, #tpu.memory_space<semaphore_mem>>)
    %scan3A_429 = arith.constant 0 : i32
    %scan3A_430 = arith.constant 4 : i32
    %scan3A_431 = arith.addi %scan3A_429, %scan3A_430 : i32
    %scan3A_432 = arith.constant 1 : i32
    scf.for %scan3A_623 = %scan3A_429 to %scan3A_431 step %scan3A_432  : i32 {
      %mul3A_624 = arith.constant 4 : i32
      %mul3A_625 = arith.muli %scan3A_623, %mul3A_624 : i32
      %add3A = arith.constant 0 : i32
      %add3A_626 = arith.addi %add3A, %mul3A_625 : i32
      %add3A_627 = arith.constant 4 : i32
      %add3A_628 = arith.addi %add3A_626, %add3A_627 : i32
      %sub3A = arith.constant 1 : i32
      %sub3A_629 = arith.subi %add3A_628, %sub3A : i32
      %dma_start3A_630 = arith.constant 0 : i32
      %dma_start3A_631 = arith.constant 0 : i32
      %dma_start3A_632 = tpu.memref_slice %arg6[%sub3A_629, %dma_start3A_630, %dma_start3A_631] : memref<16x2x128xi32, #tpu.memory_space<vmem>> -> memref<1x1x128xi32, #tpu.memory_space<vmem>>
      %dma_start3A_633 = tpu.memref_squeeze %dma_start3A_632 : memref<1x1x128xi32, #tpu.memory_space<vmem>> -> memref<128xi32, #tpu.memory_space<vmem>>
      %dma_start3A_634 = arith.constant 0 : i32
      %dma_start3A_635 = arith.constant 0 : i32
      %dma_start3A_636 = tpu.memref_slice %arg2[%arg0, %dma_start3A_634, %dma_start3A_635] : memref<2x10008x104xf32, #tpu.memory_space<hbm>> -> memref<1x10008x104xf32, #tpu.memory_space<hbm>>
      %dma_start3A_637 = tpu.memref_squeeze %dma_start3A_636 : memref<1x10008x104xf32, #tpu.memory_space<hbm>> -> memref<10008x104xf32, #tpu.memory_space<hbm>>
      %dma_start3A_638 = arith.constant 0 : i32
      %dma_start3A_639 = arith.constant 0 : i32
      %dma_start3A_640 = tpu.memref_slice %dma_start3A_637[%dma_start3A_638, %dma_start3A_639] : memref<10008x104xf32, #tpu.memory_space<hbm>> -> memref<10008x104xf32, #tpu.memory_space<hbm>>
      tpu.enqueue_indirect_dma source(%dma_start3A_640 : memref<10008x104xf32, #tpu.memory_space<hbm>>) target(%arg11 : memref<128x104xf32, #tpu.memory_space<vmem>>) offsets(%dma_start3A_633 : memref<128xi32, #tpu.memory_space<vmem>>) semaphore(%arg18 : memref<!tpu.dma_semaphore, #tpu.memory_space<semaphore_mem>>)
      %dma_wait3A_641 = arith.constant 0 : i32
      %dma_wait3A_642 = arith.constant 0 : i32
      %dma_wait3A_643 = tpu.memref_slice %arg2[%arg0, %dma_wait3A_641, %dma_wait3A_642] : memref<2x10008x104xf32, #tpu.memory_space<hbm>> -> memref<1x128x104xf32, #tpu.memory_space<hbm>>
      %dma_wait3A_644 = tpu.memref_squeeze %dma_wait3A_643 : memref<1x128x104xf32, #tpu.memory_space<hbm>> -> memref<128x104xf32, #tpu.memory_space<hbm>>
      %dma_wait3A_645 = arith.constant 0 : i32
      %dma_wait3A_646 = arith.constant 0 : i32
      %dma_wait3A_647 = tpu.memref_slice %arg2[%arg0, %dma_wait3A_645, %dma_wait3A_646] : memref<2x10008x104xf32, #tpu.memory_space<hbm>> -> memref<1x128x104xf32, #tpu.memory_space<hbm>>
      %dma_wait3A_648 = tpu.memref_squeeze %dma_wait3A_647 : memref<1x128x104xf32, #tpu.memory_space<hbm>> -> memref<128x104xf32, #tpu.memory_space<hbm>>
      tpu.wait_dma2 semaphore(%arg15 : memref<!tpu.dma_semaphore, #tpu.memory_space<semaphore_mem>>) src(%dma_wait3A_648 : memref<128x104xf32, #tpu.memory_space<hbm>>) dst(%arg8 : memref<128x104xf32, #tpu.memory_space<vmem>>)
      %add3A_649 = arith.constant 0 : i32
      %add3A_650 = arith.addi %add3A_626, %add3A_649 : i32
      %run_scoped3A_651 = arith.constant 1 : i32
      "tpu.region"() ({
        %run_scoped3A_712 = tpu.sem_alloc : memref<!tpu.dma_semaphore, #tpu.memory_space<semaphore_mem>>
        %dma_start3A_713 = arith.constant 0 : i32
        %dma_start3A_714 = tpu.memref_slice %arg6[%add3A_650, %run_scoped3A_651, %dma_start3A_713] : memref<16x2x128xi32, #tpu.memory_space<vmem>> -> memref<1x1x128xi32, #tpu.memory_space<vmem>>
        %dma_start3A_715 = tpu.memref_squeeze %dma_start3A_714 : memref<1x1x128xi32, #tpu.memory_space<vmem>> -> memref<128xi32, #tpu.memory_space<vmem>>
        %dma_start3A_716 = arith.constant 0 : i32
        %dma_start3A_717 = arith.constant 0 : i32
        %dma_start3A_718 = tpu.memref_slice %arg12[%dma_start3A_716, %dma_start3A_717] : memref<10008x104xf32, #tpu.memory_space<vmem_shared>> -> memref<10008x104xf32, #tpu.memory_space<vmem_shared>>
        tpu.enqueue_indirect_dma source(%arg8 : memref<128x104xf32, #tpu.memory_space<vmem>>) target(%dma_start3A_718 : memref<10008x104xf32, #tpu.memory_space<vmem_shared>>) offsets(%dma_start3A_715 : memref<128xi32, #tpu.memory_space<vmem>>) semaphore(%run_scoped3A_712 : memref<!tpu.dma_semaphore, #tpu.memory_space<semaphore_mem>>) {add = true}
        %dma_wait3A_719 = arith.constant 0 : i32
        %dma_wait3A_720 = tpu.memref_slice %arg6[%add3A_650, %run_scoped3A_651, %dma_wait3A_719] : memref<16x2x128xi32, #tpu.memory_space<vmem>> -> memref<1x1x128xi32, #tpu.memory_space<vmem>>
        %dma_wait3A_721 = tpu.memref_squeeze %dma_wait3A_720 : memref<1x1x128xi32, #tpu.memory_space<vmem>> -> memref<128xi32, #tpu.memory_space<vmem>>
        %dma_wait3A_722 = arith.constant 0 : i32
        %dma_wait3A_723 = arith.constant 0 : i32
        %dma_wait3A_724 = tpu.memref_slice %arg12[%dma_wait3A_722, %dma_wait3A_723] : memref<10008x104xf32, #tpu.memory_space<vmem_shared>> -> memref<10008x104xf32, #tpu.memory_space<vmem_shared>>
        tpu.wait_indirect_dma semaphore(%run_scoped3A_712 : memref<!tpu.dma_semaphore, #tpu.memory_space<semaphore_mem>>) src(%arg8 : memref<128x104xf32, #tpu.memory_space<vmem>>) dst(%dma_wait3A_724 : memref<10008x104xf32, #tpu.memory_space<vmem_shared>>)
        tpu.yield
      }) : () -> ()
      %add3A_652 = arith.constant 0 : i32
      %add3A_653 = arith.addi %add3A_626, %add3A_652 : i32
      %add3A_654 = arith.constant 4 : i32
      %add3A_655 = arith.addi %add3A_653, %add3A_654 : i32
      %lt3A_656 = arith.constant 16 : i32
      %lt3A_657 = arith.cmpi slt, %add3A_655, %lt3A_656 : i32
      %convert_element_type3A_658 = arith.extui %lt3A_657 : i1 to i32
      %cond3A_659 = arith.constant 0 : i32
      %cond3A_660 = arith.cmpi ne, %convert_element_type3A_658, %cond3A_659 : i32
      scf.if %cond3A_660 {
        %add3A_712 = arith.constant 0 : i32
        %add3A_713 = arith.addi %add3A_626, %add3A_712 : i32
        %add3A_714 = arith.constant 4 : i32
        %add3A_715 = arith.addi %add3A_713, %add3A_714 : i32
        %dma_start3A_716 = arith.constant 0 : i32
        %dma_start3A_717 = arith.constant 0 : i32
        %dma_start3A_718 = tpu.memref_slice %arg6[%add3A_715, %dma_start3A_716, %dma_start3A_717] : memref<16x2x128xi32, #tpu.memory_space<vmem>> -> memref<1x1x128xi32, #tpu.memory_space<vmem>>
        %dma_start3A_719 = tpu.memref_squeeze %dma_start3A_718 : memref<1x1x128xi32, #tpu.memory_space<vmem>> -> memref<128xi32, #tpu.memory_space<vmem>>
        %dma_start3A_720 = arith.constant 0 : i32
        %dma_start3A_721 = arith.constant 0 : i32
        %dma_start3A_722 = tpu.memref_slice %arg2[%arg0, %dma_start3A_720, %dma_start3A_721] : memref<2x10008x104xf32, #tpu.memory_space<hbm>> -> memref<1x10008x104xf32, #tpu.memory_space<hbm>>
        %dma_start3A_723 = tpu.memref_squeeze %dma_start3A_722 : memref<1x10008x104xf32, #tpu.memory_space<hbm>> -> memref<10008x104xf32, #tpu.memory_space<hbm>>
        %dma_start3A_724 = arith.constant 0 : i32
        %dma_start3A_725 = arith.constant 0 : i32
        %dma_start3A_726 = tpu.memref_slice %dma_start3A_723[%dma_start3A_724, %dma_start3A_725] : memref<10008x104xf32, #tpu.memory_space<hbm>> -> memref<10008x104xf32, #tpu.memory_space<hbm>>
        tpu.enqueue_indirect_dma source(%dma_start3A_726 : memref<10008x104xf32, #tpu.memory_space<hbm>>) target(%arg8 : memref<128x104xf32, #tpu.memory_space<vmem>>) offsets(%dma_start3A_719 : memref<128xi32, #tpu.memory_space<vmem>>) semaphore(%arg15 : memref<!tpu.dma_semaphore, #tpu.memory_space<semaphore_mem>>)
      } else {
      }
      %dma_wait3A_661 = arith.constant 0 : i32
      %dma_wait3A_662 = arith.constant 0 : i32
      %dma_wait3A_663 = tpu.memref_slice %arg2[%arg0, %dma_wait3A_661, %dma_wait3A_662] : memref<2x10008x104xf32, #tpu.memory_space<hbm>> -> memref<1x128x104xf32, #tpu.memory_space<hbm>>
      %dma_wait3A_664 = tpu.memref_squeeze %dma_wait3A_663 : memref<1x128x104xf32, #tpu.memory_space<hbm>> -> memref<128x104xf32, #tpu.memory_space<hbm>>
      %dma_wait3A_665 = arith.constant 0 : i32
      %dma_wait3A_666 = arith.constant 0 : i32
      %dma_wait3A_667 = tpu.memref_slice %arg2[%arg0, %dma_wait3A_665, %dma_wait3A_666] : memref<2x10008x104xf32, #tpu.memory_space<hbm>> -> memref<1x128x104xf32, #tpu.memory_space<hbm>>
      %dma_wait3A_668 = tpu.memref_squeeze %dma_wait3A_667 : memref<1x128x104xf32, #tpu.memory_space<hbm>> -> memref<128x104xf32, #tpu.memory_space<hbm>>
      tpu.wait_dma2 semaphore(%arg16 : memref<!tpu.dma_semaphore, #tpu.memory_space<semaphore_mem>>) src(%dma_wait3A_668 : memref<128x104xf32, #tpu.memory_space<hbm>>) dst(%arg9 : memref<128x104xf32, #tpu.memory_space<vmem>>)
      %add3A_669 = arith.constant 1 : i32
      %add3A_670 = arith.addi %add3A_626, %add3A_669 : i32
      %run_scoped3A_671 = arith.constant 1 : i32
      "tpu.region"() ({
        %run_scoped3A_712 = tpu.sem_alloc : memref<!tpu.dma_semaphore, #tpu.memory_space<semaphore_mem>>
        %dma_start3A_713 = arith.constant 0 : i32
        %dma_start3A_714 = tpu.memref_slice %arg6[%add3A_670, %run_scoped3A_671, %dma_start3A_713] : memref<16x2x128xi32, #tpu.memory_space<vmem>> -> memref<1x1x128xi32, #tpu.memory_space<vmem>>
        %dma_start3A_715 = tpu.memref_squeeze %dma_start3A_714 : memref<1x1x128xi32, #tpu.memory_space<vmem>> -> memref<128xi32, #tpu.memory_space<vmem>>
        %dma_start3A_716 = arith.constant 0 : i32
        %dma_start3A_717 = arith.constant 0 : i32
        %dma_start3A_718 = tpu.memref_slice %arg12[%dma_start3A_716, %dma_start3A_717] : memref<10008x104xf32, #tpu.memory_space<vmem_shared>> -> memref<10008x104xf32, #tpu.memory_space<vmem_shared>>
        tpu.enqueue_indirect_dma source(%arg9 : memref<128x104xf32, #tpu.memory_space<vmem>>) target(%dma_start3A_718 : memref<10008x104xf32, #tpu.memory_space<vmem_shared>>) offsets(%dma_start3A_715 : memref<128xi32, #tpu.memory_space<vmem>>) semaphore(%run_scoped3A_712 : memref<!tpu.dma_semaphore, #tpu.memory_space<semaphore_mem>>) {add = true}
        %dma_wait3A_719 = arith.constant 0 : i32
        %dma_wait3A_720 = tpu.memref_slice %arg6[%add3A_670, %run_scoped3A_671, %dma_wait3A_719] : memref<16x2x128xi32, #tpu.memory_space<vmem>> -> memref<1x1x128xi32, #tpu.memory_space<vmem>>
        %dma_wait3A_721 = tpu.memref_squeeze %dma_wait3A_720 : memref<1x1x128xi32, #tpu.memory_space<vmem>> -> memref<128xi32, #tpu.memory_space<vmem>>
        %dma_wait3A_722 = arith.constant 0 : i32
        %dma_wait3A_723 = arith.constant 0 : i32
        %dma_wait3A_724 = tpu.memref_slice %arg12[%dma_wait3A_722, %dma_wait3A_723] : memref<10008x104xf32, #tpu.memory_space<vmem_shared>> -> memref<10008x104xf32, #tpu.memory_space<vmem_shared>>
        tpu.wait_indirect_dma semaphore(%run_scoped3A_712 : memref<!tpu.dma_semaphore, #tpu.memory_space<semaphore_mem>>) src(%arg9 : memref<128x104xf32, #tpu.memory_space<vmem>>) dst(%dma_wait3A_724 : memref<10008x104xf32, #tpu.memory_space<vmem_shared>>)
        tpu.yield
      }) : () -> ()
      %add3A_672 = arith.constant 1 : i32
      %add3A_673 = arith.addi %add3A_626, %add3A_672 : i32
      %add3A_674 = arith.constant 4 : i32
      %add3A_675 = arith.addi %add3A_673, %add3A_674 : i32
      %lt3A_676 = arith.constant 16 : i32
      %lt3A_677 = arith.cmpi slt, %add3A_675, %lt3A_676 : i32
      %convert_element_type3A_678 = arith.extui %lt3A_677 : i1 to i32
      %cond3A_679 = arith.constant 0 : i32
      %cond3A_680 = arith.cmpi ne, %convert_element_type3A_678, %cond3A_679 : i32
      scf.if %cond3A_680 {
        %add3A_712 = arith.constant 1 : i32
        %add3A_713 = arith.addi %add3A_626, %add3A_712 : i32
        %add3A_714 = arith.constant 4 : i32
        %add3A_715 = arith.addi %add3A_713, %add3A_714 : i32
        %dma_start3A_716 = arith.constant 0 : i32
        %dma_start3A_717 = arith.constant 0 : i32
        %dma_start3A_718 = tpu.memref_slice %arg6[%add3A_715, %dma_start3A_716, %dma_start3A_717] : memref<16x2x128xi32, #tpu.memory_space<vmem>> -> memref<1x1x128xi32, #tpu.memory_space<vmem>>
        %dma_start3A_719 = tpu.memref_squeeze %dma_start3A_718 : memref<1x1x128xi32, #tpu.memory_space<vmem>> -> memref<128xi32, #tpu.memory_space<vmem>>
        %dma_start3A_720 = arith.constant 0 : i32
        %dma_start3A_721 = arith.constant 0 : i32
        %dma_start3A_722 = tpu.memref_slice %arg2[%arg0, %dma_start3A_720, %dma_start3A_721] : memref<2x10008x104xf32, #tpu.memory_space<hbm>> -> memref<1x10008x104xf32, #tpu.memory_space<hbm>>
        %dma_start3A_723 = tpu.memref_squeeze %dma_start3A_722 : memref<1x10008x104xf32, #tpu.memory_space<hbm>> -> memref<10008x104xf32, #tpu.memory_space<hbm>>
        %dma_start3A_724 = arith.constant 0 : i32
        %dma_start3A_725 = arith.constant 0 : i32
        %dma_start3A_726 = tpu.memref_slice %dma_start3A_723[%dma_start3A_724, %dma_start3A_725] : memref<10008x104xf32, #tpu.memory_space<hbm>> -> memref<10008x104xf32, #tpu.memory_space<hbm>>
        tpu.enqueue_indirect_dma source(%dma_start3A_726 : memref<10008x104xf32, #tpu.memory_space<hbm>>) target(%arg9 : memref<128x104xf32, #tpu.memory_space<vmem>>) offsets(%dma_start3A_719 : memref<128xi32, #tpu.memory_space<vmem>>) semaphore(%arg16 : memref<!tpu.dma_semaphore, #tpu.memory_space<semaphore_mem>>)
      } else {
      }
      %dma_wait3A_681 = arith.constant 0 : i32
      %dma_wait3A_682 = arith.constant 0 : i32
      %dma_wait3A_683 = tpu.memref_slice %arg2[%arg0, %dma_wait3A_681, %dma_wait3A_682] : memref<2x10008x104xf32, #tpu.memory_space<hbm>> -> memref<1x128x104xf32, #tpu.memory_space<hbm>>
      %dma_wait3A_684 = tpu.memref_squeeze %dma_wait3A_683 : memref<1x128x104xf32, #tpu.memory_space<hbm>> -> memref<128x104xf32, #tpu.memory_space<hbm>>
      %dma_wait3A_685 = arith.constant 0 : i32
      %dma_wait3A_686 = arith.constant 0 : i32
      %dma_wait3A_687 = tpu.memref_slice %arg2[%arg0, %dma_wait3A_685, %dma_wait3A_686] : memref<2x10008x104xf32, #tpu.memory_space<hbm>> -> memref<1x128x104xf32, #tpu.memory_space<hbm>>
      %dma_wait3A_688 = tpu.memref_squeeze %dma_wait3A_687 : memref<1x128x104xf32, #tpu.memory_space<hbm>> -> memref<128x104xf32, #tpu.memory_space<hbm>>
      tpu.wait_dma2 semaphore(%arg17 : memref<!tpu.dma_semaphore, #tpu.memory_space<semaphore_mem>>) src(%dma_wait3A_688 : memref<128x104xf32, #tpu.memory_space<hbm>>) dst(%arg10 : memref<128x104xf32, #tpu.memory_space<vmem>>)
      %add3A_689 = arith.constant 2 : i32
      %add3A_690 = arith.addi %add3A_626, %add3A_689 : i32
      %run_scoped3A_691 = arith.constant 1 : i32
      "tpu.region"() ({
        %run_scoped3A_712 = tpu.sem_alloc : memref<!tpu.dma_semaphore, #tpu.memory_space<semaphore_mem>>
        %dma_start3A_713 = arith.constant 0 : i32
        %dma_start3A_714 = tpu.memref_slice %arg6[%add3A_690, %run_scoped3A_691, %dma_start3A_713] : memref<16x2x128xi32, #tpu.memory_space<vmem>> -> memref<1x1x128xi32, #tpu.memory_space<vmem>>
        %dma_start3A_715 = tpu.memref_squeeze %dma_start3A_714 : memref<1x1x128xi32, #tpu.memory_space<vmem>> -> memref<128xi32, #tpu.memory_space<vmem>>
        %dma_start3A_716 = arith.constant 0 : i32
        %dma_start3A_717 = arith.constant 0 : i32
        %dma_start3A_718 = tpu.memref_slice %arg12[%dma_start3A_716, %dma_start3A_717] : memref<10008x104xf32, #tpu.memory_space<vmem_shared>> -> memref<10008x104xf32, #tpu.memory_space<vmem_shared>>
        tpu.enqueue_indirect_dma source(%arg10 : memref<128x104xf32, #tpu.memory_space<vmem>>) target(%dma_start3A_718 : memref<10008x104xf32, #tpu.memory_space<vmem_shared>>) offsets(%dma_start3A_715 : memref<128xi32, #tpu.memory_space<vmem>>) semaphore(%run_scoped3A_712 : memref<!tpu.dma_semaphore, #tpu.memory_space<semaphore_mem>>) {add = true}
        %dma_wait3A_719 = arith.constant 0 : i32
        %dma_wait3A_720 = tpu.memref_slice %arg6[%add3A_690, %run_scoped3A_691, %dma_wait3A_719] : memref<16x2x128xi32, #tpu.memory_space<vmem>> -> memref<1x1x128xi32, #tpu.memory_space<vmem>>
        %dma_wait3A_721 = tpu.memref_squeeze %dma_wait3A_720 : memref<1x1x128xi32, #tpu.memory_space<vmem>> -> memref<128xi32, #tpu.memory_space<vmem>>
        %dma_wait3A_722 = arith.constant 0 : i32
        %dma_wait3A_723 = arith.constant 0 : i32
        %dma_wait3A_724 = tpu.memref_slice %arg12[%dma_wait3A_722, %dma_wait3A_723] : memref<10008x104xf32, #tpu.memory_space<vmem_shared>> -> memref<10008x104xf32, #tpu.memory_space<vmem_shared>>
        tpu.wait_indirect_dma semaphore(%run_scoped3A_712 : memref<!tpu.dma_semaphore, #tpu.memory_space<semaphore_mem>>) src(%arg10 : memref<128x104xf32, #tpu.memory_space<vmem>>) dst(%dma_wait3A_724 : memref<10008x104xf32, #tpu.memory_space<vmem_shared>>)
        tpu.yield
      }) : () -> ()
      %add3A_692 = arith.constant 2 : i32
      %add3A_693 = arith.addi %add3A_626, %add3A_692 : i32
      %add3A_694 = arith.constant 4 : i32
      %add3A_695 = arith.addi %add3A_693, %add3A_694 : i32
      %lt3A_696 = arith.constant 16 : i32
      %lt3A_697 = arith.cmpi slt, %add3A_695, %lt3A_696 : i32
      %convert_element_type3A_698 = arith.extui %lt3A_697 : i1 to i32
      %cond3A_699 = arith.constant 0 : i32
      %cond3A_700 = arith.cmpi ne, %convert_element_type3A_698, %cond3A_699 : i32
      scf.if %cond3A_700 {
        %add3A_712 = arith.constant 2 : i32
        %add3A_713 = arith.addi %add3A_626, %add3A_712 : i32
        %add3A_714 = arith.constant 4 : i32
        %add3A_715 = arith.addi %add3A_713, %add3A_714 : i32
        %dma_start3A_716 = arith.constant 0 : i32
        %dma_start3A_717 = arith.constant 0 : i32
        %dma_start3A_718 = tpu.memref_slice %arg6[%add3A_715, %dma_start3A_716, %dma_start3A_717] : memref<16x2x128xi32, #tpu.memory_space<vmem>> -> memref<1x1x128xi32, #tpu.memory_space<vmem>>
        %dma_start3A_719 = tpu.memref_squeeze %dma_start3A_718 : memref<1x1x128xi32, #tpu.memory_space<vmem>> -> memref<128xi32, #tpu.memory_space<vmem>>
        %dma_start3A_720 = arith.constant 0 : i32
        %dma_start3A_721 = arith.constant 0 : i32
        %dma_start3A_722 = tpu.memref_slice %arg2[%arg0, %dma_start3A_720, %dma_start3A_721] : memref<2x10008x104xf32, #tpu.memory_space<hbm>> -> memref<1x10008x104xf32, #tpu.memory_space<hbm>>
        %dma_start3A_723 = tpu.memref_squeeze %dma_start3A_722 : memref<1x10008x104xf32, #tpu.memory_space<hbm>> -> memref<10008x104xf32, #tpu.memory_space<hbm>>
        %dma_start3A_724 = arith.constant 0 : i32
        %dma_start3A_725 = arith.constant 0 : i32
        %dma_start3A_726 = tpu.memref_slice %dma_start3A_723[%dma_start3A_724, %dma_start3A_725] : memref<10008x104xf32, #tpu.memory_space<hbm>> -> memref<10008x104xf32, #tpu.memory_space<hbm>>
        tpu.enqueue_indirect_dma source(%dma_start3A_726 : memref<10008x104xf32, #tpu.memory_space<hbm>>) target(%arg10 : memref<128x104xf32, #tpu.memory_space<vmem>>) offsets(%dma_start3A_719 : memref<128xi32, #tpu.memory_space<vmem>>) semaphore(%arg17 : memref<!tpu.dma_semaphore, #tpu.memory_space<semaphore_mem>>)
      } else {
      }
      %dma_wait3A_701 = arith.constant 0 : i32
      %dma_wait3A_702 = arith.constant 0 : i32
      %dma_wait3A_703 = tpu.memref_slice %arg2[%arg0, %dma_wait3A_701, %dma_wait3A_702] : memref<2x10008x104xf32, #tpu.memory_space<hbm>> -> memref<1x128x104xf32, #tpu.memory_space<hbm>>
      %dma_wait3A_704 = tpu.memref_squeeze %dma_wait3A_703 : memref<1x128x104xf32, #tpu.memory_space<hbm>> -> memref<128x104xf32, #tpu.memory_space<hbm>>
      %dma_wait3A_705 = arith.constant 0 : i32
      %dma_wait3A_706 = arith.constant 0 : i32
      %dma_wait3A_707 = tpu.memref_slice %arg2[%arg0, %dma_wait3A_705, %dma_wait3A_706] : memref<2x10008x104xf32, #tpu.memory_space<hbm>> -> memref<1x128x104xf32, #tpu.memory_space<hbm>>
      %dma_wait3A_708 = tpu.memref_squeeze %dma_wait3A_707 : memref<1x128x104xf32, #tpu.memory_space<hbm>> -> memref<128x104xf32, #tpu.memory_space<hbm>>
      tpu.wait_dma2 semaphore(%arg18 : memref<!tpu.dma_semaphore, #tpu.memory_space<semaphore_mem>>) src(%dma_wait3A_708 : memref<128x104xf32, #tpu.memory_space<hbm>>) dst(%arg11 : memref<128x104xf32, #tpu.memory_space<vmem>>)
      %add3A_709 = arith.constant 3 : i32
      %add3A_710 = arith.addi %add3A_626, %add3A_709 : i32
      %run_scoped3A_711 = arith.constant 1 : i32
      "tpu.region"() ({
        %run_scoped3A_712 = tpu.sem_alloc : memref<!tpu.dma_semaphore, #tpu.memory_space<semaphore_mem>>
        %dma_start3A_713 = arith.constant 0 : i32
        %dma_start3A_714 = tpu.memref_slice %arg6[%add3A_710, %run_scoped3A_711, %dma_start3A_713] : memref<16x2x128xi32, #tpu.memory_space<vmem>> -> memref<1x1x128xi32, #tpu.memory_space<vmem>>
        %dma_start3A_715 = tpu.memref_squeeze %dma_start3A_714 : memref<1x1x128xi32, #tpu.memory_space<vmem>> -> memref<128xi32, #tpu.memory_space<vmem>>
        %dma_start3A_716 = arith.constant 0 : i32
        %dma_start3A_717 = arith.constant 0 : i32
        %dma_start3A_718 = tpu.memref_slice %arg12[%dma_start3A_716, %dma_start3A_717] : memref<10008x104xf32, #tpu.memory_space<vmem_shared>> -> memref<10008x104xf32, #tpu.memory_space<vmem_shared>>
        tpu.enqueue_indirect_dma source(%arg11 : memref<128x104xf32, #tpu.memory_space<vmem>>) target(%dma_start3A_718 : memref<10008x104xf32, #tpu.memory_space<vmem_shared>>) offsets(%dma_start3A_715 : memref<128xi32, #tpu.memory_space<vmem>>) semaphore(%run_scoped3A_712 : memref<!tpu.dma_semaphore, #tpu.memory_space<semaphore_mem>>) {add = true}
        %dma_wait3A_719 = arith.constant 0 : i32
        %dma_wait3A_720 = tpu.memref_slice %arg6[%add3A_710, %run_scoped3A_711, %dma_wait3A_719] : memref<16x2x128xi32, #tpu.memory_space<vmem>> -> memref<1x1x128xi32, #tpu.memory_space<vmem>>
        %dma_wait3A_721 = tpu.memref_squeeze %dma_wait3A_720 : memref<1x1x128xi32, #tpu.memory_space<vmem>> -> memref<128xi32, #tpu.memory_space<vmem>>
        %dma_wait3A_722 = arith.constant 0 : i32
        %dma_wait3A_723 = arith.constant 0 : i32
        %dma_wait3A_724 = tpu.memref_slice %arg12[%dma_wait3A_722, %dma_wait3A_723] : memref<10008x104xf32, #tpu.memory_space<vmem_shared>> -> memref<10008x104xf32, #tpu.memory_space<vmem_shared>>
        tpu.wait_indirect_dma semaphore(%run_scoped3A_712 : memref<!tpu.dma_semaphore, #tpu.memory_space<semaphore_mem>>) src(%arg11 : memref<128x104xf32, #tpu.memory_space<vmem>>) dst(%dma_wait3A_724 : memref<10008x104xf32, #tpu.memory_space<vmem_shared>>)
        tpu.yield
      }) : () -> ()
    }
    %scan3A_433 = arith.constant 4 : i32
    %dma_wait3A_434 = arith.constant 0 : i32
    %dma_wait3A_435 = arith.constant 0 : i32
    %dma_wait3A_436 = arith.constant 0 : i32
    %dma_wait3A_437 = arith.constant 0 : i32
    %dma_wait3A_438 = tpu.memref_slice %arg3[%arg1, %dma_wait3A_434, %dma_wait3A_435, %dma_wait3A_436, %dma_wait3A_437] : memref<16x10x16x2x128xi32, #tpu.memory_space<hbm>> -> memref<1x1x16x2x128xi32, #tpu.memory_space<hbm>>
    %dma_wait3A_439 = tpu.memref_squeeze %dma_wait3A_438 : memref<1x1x16x2x128xi32, #tpu.memory_space<hbm>> -> memref<16x2x128xi32, #tpu.memory_space<hbm>>
    %dma_wait3A_440 = arith.constant 0 : i32
    %dma_wait3A_441 = arith.constant 0 : i32
    %dma_wait3A_442 = arith.constant 0 : i32
    %dma_wait3A_443 = tpu.memref_slice %arg3[%arg1, %dma_wait3A_434, %dma_wait3A_440, %dma_wait3A_441, %dma_wait3A_442] : memref<16x10x16x2x128xi32, #tpu.memory_space<hbm>> -> memref<1x1x16x2x128xi32, #tpu.memory_space<hbm>>
    %dma_wait3A_444 = tpu.memref_squeeze %dma_wait3A_443 : memref<1x1x16x2x128xi32, #tpu.memory_space<hbm>> -> memref<16x2x128xi32, #tpu.memory_space<hbm>>
    tpu.wait_dma2 semaphore(%arg14 : memref<!tpu.dma_semaphore, #tpu.memory_space<semaphore_mem>>) src(%dma_wait3A_444 : memref<16x2x128xi32, #tpu.memory_space<hbm>>) dst(%arg7 : memref<16x2x128xi32, #tpu.memory_space<vmem>>)
    %dma_start3A_445 = arith.constant 8 : i32
    %dma_start3A_446 = arith.constant 0 : i32
    %dma_start3A_447 = arith.constant 0 : i32
    %dma_start3A_448 = arith.constant 0 : i32
    %dma_start3A_449 = tpu.memref_slice %arg3[%arg1, %dma_start3A_445, %dma_start3A_446, %dma_start3A_447, %dma_start3A_448] : memref<16x10x16x2x128xi32, #tpu.memory_space<hbm>> -> memref<1x1x16x2x128xi32, #tpu.memory_space<hbm>>
    %dma_start3A_450 = tpu.memref_squeeze %dma_start3A_449 : memref<1x1x16x2x128xi32, #tpu.memory_space<hbm>> -> memref<16x2x128xi32, #tpu.memory_space<hbm>>
    %dma_start3A_451 = arith.constant 0 : i32
    %dma_start3A_452 = arith.constant 0 : i32
    %dma_start3A_453 = arith.constant 0 : i32
    %dma_start3A_454 = tpu.memref_slice %arg3[%arg1, %dma_start3A_445, %dma_start3A_451, %dma_start3A_452, %dma_start3A_453] : memref<16x10x16x2x128xi32, #tpu.memory_space<hbm>> -> memref<1x1x16x2x128xi32, #tpu.memory_space<hbm>>
    %dma_start3A_455 = tpu.memref_squeeze %dma_start3A_454 : memref<1x1x16x2x128xi32, #tpu.memory_space<hbm>> -> memref<16x2x128xi32, #tpu.memory_space<hbm>>
    tpu.enqueue_dma source(%dma_start3A_455 : memref<16x2x128xi32, #tpu.memory_space<hbm>>) target(%arg6 : memref<16x2x128xi32, #tpu.memory_space<vmem>>) target_semaphore(%arg13 : memref<!tpu.dma_semaphore, #tpu.memory_space<semaphore_mem>>)
    %dma_start3A_456 = arith.constant 0 : i32
    %dma_start3A_457 = arith.constant 0 : i32
    %dma_start3A_458 = arith.constant 0 : i32
    %dma_start3A_459 = tpu.memref_slice %arg7[%dma_start3A_456, %dma_start3A_457, %dma_start3A_458] : memref<16x2x128xi32, #tpu.memory_space<vmem>> -> memref<1x1x128xi32, #tpu.memory_space<vmem>>
    %dma_start3A_460 = tpu.memref_squeeze %dma_start3A_459 : memref<1x1x128xi32, #tpu.memory_space<vmem>> -> memref<128xi32, #tpu.memory_space<vmem>>
    %dma_start3A_461 = arith.constant 0 : i32
    %dma_start3A_462 = arith.constant 0 : i32
    %dma_start3A_463 = tpu.memref_slice %arg2[%arg0, %dma_start3A_461, %dma_start3A_462] : memref<2x10008x104xf32, #tpu.memory_space<hbm>> -> memref<1x10008x104xf32, #tpu.memory_space<hbm>>
    %dma_start3A_464 = tpu.memref_squeeze %dma_start3A_463 : memref<1x10008x104xf32, #tpu.memory_space<hbm>> -> memref<10008x104xf32, #tpu.memory_space<hbm>>
    %dma_start3A_465 = arith.constant 0 : i32
    %dma_start3A_466 = arith.constant 0 : i32
    %dma_start3A_467 = tpu.memref_slice %dma_start3A_464[%dma_start3A_465, %dma_start3A_466] : memref<10008x104xf32, #tpu.memory_space<hbm>> -> memref<10008x104xf32, #tpu.memory_space<hbm>>
    tpu.enqueue_indirect_dma source(%dma_start3A_467 : memref<10008x104xf32, #tpu.memory_space<hbm>>) target(%arg8 : memref<128x104xf32, #tpu.memory_space<vmem>>) offsets(%dma_start3A_460 : memref<128xi32, #tpu.memory_space<vmem>>) semaphore(%arg15 : memref<!tpu.dma_semaphore, #tpu.memory_space<semaphore_mem>>)
    %dma_start3A_468 = arith.constant 1 : i32
    %dma_start3A_469 = arith.constant 0 : i32
    %dma_start3A_470 = arith.constant 0 : i32
    %dma_start3A_471 = tpu.memref_slice %arg7[%dma_start3A_468, %dma_start3A_469, %dma_start3A_470] : memref<16x2x128xi32, #tpu.memory_space<vmem>> -> memref<1x1x128xi32, #tpu.memory_space<vmem>>
    %dma_start3A_472 = tpu.memref_squeeze %dma_start3A_471 : memref<1x1x128xi32, #tpu.memory_space<vmem>> -> memref<128xi32, #tpu.memory_space<vmem>>
    %dma_start3A_473 = arith.constant 0 : i32
    %dma_start3A_474 = arith.constant 0 : i32
    %dma_start3A_475 = tpu.memref_slice %arg2[%arg0, %dma_start3A_473, %dma_start3A_474] : memref<2x10008x104xf32, #tpu.memory_space<hbm>> -> memref<1x10008x104xf32, #tpu.memory_space<hbm>>
    %dma_start3A_476 = tpu.memref_squeeze %dma_start3A_475 : memref<1x10008x104xf32, #tpu.memory_space<hbm>> -> memref<10008x104xf32, #tpu.memory_space<hbm>>
    %dma_start3A_477 = arith.constant 0 : i32
    %dma_start3A_478 = arith.constant 0 : i32
    %dma_start3A_479 = tpu.memref_slice %dma_start3A_476[%dma_start3A_477, %dma_start3A_478] : memref<10008x104xf32, #tpu.memory_space<hbm>> -> memref<10008x104xf32, #tpu.memory_space<hbm>>
    tpu.enqueue_indirect_dma source(%dma_start3A_479 : memref<10008x104xf32, #tpu.memory_space<hbm>>) target(%arg9 : memref<128x104xf32, #tpu.memory_space<vmem>>) offsets(%dma_start3A_472 : memref<128xi32, #tpu.memory_space<vmem>>) semaphore(%arg16 : memref<!tpu.dma_semaphore, #tpu.memory_space<semaphore_mem>>)
    %dma_start3A_480 = arith.constant 2 : i32
    %dma_start3A_481 = arith.constant 0 : i32
    %dma_start3A_482 = arith.constant 0 : i32
    %dma_start3A_483 = tpu.memref_slice %arg7[%dma_start3A_480, %dma_start3A_481, %dma_start3A_482] : memref<16x2x128xi32, #tpu.memory_space<vmem>> -> memref<1x1x128xi32, #tpu.memory_space<vmem>>
    %dma_start3A_484 = tpu.memref_squeeze %dma_start3A_483 : memref<1x1x128xi32, #tpu.memory_space<vmem>> -> memref<128xi32, #tpu.memory_space<vmem>>
    %dma_start3A_485 = arith.constant 0 : i32
    %dma_start3A_486 = arith.constant 0 : i32
    %dma_start3A_487 = tpu.memref_slice %arg2[%arg0, %dma_start3A_485, %dma_start3A_486] : memref<2x10008x104xf32, #tpu.memory_space<hbm>> -> memref<1x10008x104xf32, #tpu.memory_space<hbm>>
    %dma_start3A_488 = tpu.memref_squeeze %dma_start3A_487 : memref<1x10008x104xf32, #tpu.memory_space<hbm>> -> memref<10008x104xf32, #tpu.memory_space<hbm>>
    %dma_start3A_489 = arith.constant 0 : i32
    %dma_start3A_490 = arith.constant 0 : i32
    %dma_start3A_491 = tpu.memref_slice %dma_start3A_488[%dma_start3A_489, %dma_start3A_490] : memref<10008x104xf32, #tpu.memory_space<hbm>> -> memref<10008x104xf32, #tpu.memory_space<hbm>>
    tpu.enqueue_indirect_dma source(%dma_start3A_491 : memref<10008x104xf32, #tpu.memory_space<hbm>>) target(%arg10 : memref<128x104xf32, #tpu.memory_space<vmem>>) offsets(%dma_start3A_484 : memref<128xi32, #tpu.memory_space<vmem>>) semaphore(%arg17 : memref<!tpu.dma_semaphore, #tpu.memory_space<semaphore_mem>>)
    %scan3A_492 = arith.constant 0 : i32
    %scan3A_493 = arith.constant 4 : i32
    %scan3A_494 = arith.addi %scan3A_492, %scan3A_493 : i32
    %scan3A_495 = arith.constant 1 : i32
    scf.for %scan3A_623 = %scan3A_492 to %scan3A_494 step %scan3A_495  : i32 {
      %mul3A_624 = arith.constant 4 : i32
      %mul3A_625 = arith.muli %scan3A_623, %mul3A_624 : i32
      %add3A = arith.constant 0 : i32
      %add3A_626 = arith.addi %add3A, %mul3A_625 : i32
      %add3A_627 = arith.constant 4 : i32
      %add3A_628 = arith.addi %add3A_626, %add3A_627 : i32
      %sub3A = arith.constant 1 : i32
      %sub3A_629 = arith.subi %add3A_628, %sub3A : i32
      %dma_start3A_630 = arith.constant 0 : i32
      %dma_start3A_631 = arith.constant 0 : i32
      %dma_start3A_632 = tpu.memref_slice %arg7[%sub3A_629, %dma_start3A_630, %dma_start3A_631] : memref<16x2x128xi32, #tpu.memory_space<vmem>> -> memref<1x1x128xi32, #tpu.memory_space<vmem>>
      %dma_start3A_633 = tpu.memref_squeeze %dma_start3A_632 : memref<1x1x128xi32, #tpu.memory_space<vmem>> -> memref<128xi32, #tpu.memory_space<vmem>>
      %dma_start3A_634 = arith.constant 0 : i32
      %dma_start3A_635 = arith.constant 0 : i32
      %dma_start3A_636 = tpu.memref_slice %arg2[%arg0, %dma_start3A_634, %dma_start3A_635] : memref<2x10008x104xf32, #tpu.memory_space<hbm>> -> memref<1x10008x104xf32, #tpu.memory_space<hbm>>
      %dma_start3A_637 = tpu.memref_squeeze %dma_start3A_636 : memref<1x10008x104xf32, #tpu.memory_space<hbm>> -> memref<10008x104xf32, #tpu.memory_space<hbm>>
      %dma_start3A_638 = arith.constant 0 : i32
      %dma_start3A_639 = arith.constant 0 : i32
      %dma_start3A_640 = tpu.memref_slice %dma_start3A_637[%dma_start3A_638, %dma_start3A_639] : memref<10008x104xf32, #tpu.memory_space<hbm>> -> memref<10008x104xf32, #tpu.memory_space<hbm>>
      tpu.enqueue_indirect_dma source(%dma_start3A_640 : memref<10008x104xf32, #tpu.memory_space<hbm>>) target(%arg11 : memref<128x104xf32, #tpu.memory_space<vmem>>) offsets(%dma_start3A_633 : memref<128xi32, #tpu.memory_space<vmem>>) semaphore(%arg18 : memref<!tpu.dma_semaphore, #tpu.memory_space<semaphore_mem>>)
      %dma_wait3A_641 = arith.constant 0 : i32
      %dma_wait3A_642 = arith.constant 0 : i32
      %dma_wait3A_643 = tpu.memref_slice %arg2[%arg0, %dma_wait3A_641, %dma_wait3A_642] : memref<2x10008x104xf32, #tpu.memory_space<hbm>> -> memref<1x128x104xf32, #tpu.memory_space<hbm>>
      %dma_wait3A_644 = tpu.memref_squeeze %dma_wait3A_643 : memref<1x128x104xf32, #tpu.memory_space<hbm>> -> memref<128x104xf32, #tpu.memory_space<hbm>>
      %dma_wait3A_645 = arith.constant 0 : i32
      %dma_wait3A_646 = arith.constant 0 : i32
      %dma_wait3A_647 = tpu.memref_slice %arg2[%arg0, %dma_wait3A_645, %dma_wait3A_646] : memref<2x10008x104xf32, #tpu.memory_space<hbm>> -> memref<1x128x104xf32, #tpu.memory_space<hbm>>
      %dma_wait3A_648 = tpu.memref_squeeze %dma_wait3A_647 : memref<1x128x104xf32, #tpu.memory_space<hbm>> -> memref<128x104xf32, #tpu.memory_space<hbm>>
      tpu.wait_dma2 semaphore(%arg15 : memref<!tpu.dma_semaphore, #tpu.memory_space<semaphore_mem>>) src(%dma_wait3A_648 : memref<128x104xf32, #tpu.memory_space<hbm>>) dst(%arg8 : memref<128x104xf32, #tpu.memory_space<vmem>>)
      %add3A_649 = arith.constant 0 : i32
      %add3A_650 = arith.addi %add3A_626, %add3A_649 : i32
      %run_scoped3A_651 = arith.constant 1 : i32
      "tpu.region"() ({
        %run_scoped3A_712 = tpu.sem_alloc : memref<!tpu.dma_semaphore, #tpu.memory_space<semaphore_mem>>
        %dma_start3A_713 = arith.constant 0 : i32
        %dma_start3A_714 = tpu.memref_slice %arg7[%add3A_650, %run_scoped3A_651, %dma_start3A_713] : memref<16x2x128xi32, #tpu.memory_space<vmem>> -> memref<1x1x128xi32, #tpu.memory_space<vmem>>
        %dma_start3A_715 = tpu.memref_squeeze %dma_start3A_714 : memref<1x1x128xi32, #tpu.memory_space<vmem>> -> memref<128xi32, #tpu.memory_space<vmem>>
        %dma_start3A_716 = arith.constant 0 : i32
        %dma_start3A_717 = arith.constant 0 : i32
        %dma_start3A_718 = tpu.memref_slice %arg12[%dma_start3A_716, %dma_start3A_717] : memref<10008x104xf32, #tpu.memory_space<vmem_shared>> -> memref<10008x104xf32, #tpu.memory_space<vmem_shared>>
        tpu.enqueue_indirect_dma source(%arg8 : memref<128x104xf32, #tpu.memory_space<vmem>>) target(%dma_start3A_718 : memref<10008x104xf32, #tpu.memory_space<vmem_shared>>) offsets(%dma_start3A_715 : memref<128xi32, #tpu.memory_space<vmem>>) semaphore(%run_scoped3A_712 : memref<!tpu.dma_semaphore, #tpu.memory_space<semaphore_mem>>) {add = true}
        %dma_wait3A_719 = arith.constant 0 : i32
        %dma_wait3A_720 = tpu.memref_slice %arg7[%add3A_650, %run_scoped3A_651, %dma_wait3A_719] : memref<16x2x128xi32, #tpu.memory_space<vmem>> -> memref<1x1x128xi32, #tpu.memory_space<vmem>>
        %dma_wait3A_721 = tpu.memref_squeeze %dma_wait3A_720 : memref<1x1x128xi32, #tpu.memory_space<vmem>> -> memref<128xi32, #tpu.memory_space<vmem>>
        %dma_wait3A_722 = arith.constant 0 : i32
        %dma_wait3A_723 = arith.constant 0 : i32
        %dma_wait3A_724 = tpu.memref_slice %arg12[%dma_wait3A_722, %dma_wait3A_723] : memref<10008x104xf32, #tpu.memory_space<vmem_shared>> -> memref<10008x104xf32, #tpu.memory_space<vmem_shared>>
        tpu.wait_indirect_dma semaphore(%run_scoped3A_712 : memref<!tpu.dma_semaphore, #tpu.memory_space<semaphore_mem>>) src(%arg8 : memref<128x104xf32, #tpu.memory_space<vmem>>) dst(%dma_wait3A_724 : memref<10008x104xf32, #tpu.memory_space<vmem_shared>>)
        tpu.yield
      }) : () -> ()
      %add3A_652 = arith.constant 0 : i32
      %add3A_653 = arith.addi %add3A_626, %add3A_652 : i32
      %add3A_654 = arith.constant 4 : i32
      %add3A_655 = arith.addi %add3A_653, %add3A_654 : i32
      %lt3A_656 = arith.constant 16 : i32
      %lt3A_657 = arith.cmpi slt, %add3A_655, %lt3A_656 : i32
      %convert_element_type3A_658 = arith.extui %lt3A_657 : i1 to i32
      %cond3A_659 = arith.constant 0 : i32
      %cond3A_660 = arith.cmpi ne, %convert_element_type3A_658, %cond3A_659 : i32
      scf.if %cond3A_660 {
        %add3A_712 = arith.constant 0 : i32
        %add3A_713 = arith.addi %add3A_626, %add3A_712 : i32
        %add3A_714 = arith.constant 4 : i32
        %add3A_715 = arith.addi %add3A_713, %add3A_714 : i32
        %dma_start3A_716 = arith.constant 0 : i32
        %dma_start3A_717 = arith.constant 0 : i32
        %dma_start3A_718 = tpu.memref_slice %arg7[%add3A_715, %dma_start3A_716, %dma_start3A_717] : memref<16x2x128xi32, #tpu.memory_space<vmem>> -> memref<1x1x128xi32, #tpu.memory_space<vmem>>
        %dma_start3A_719 = tpu.memref_squeeze %dma_start3A_718 : memref<1x1x128xi32, #tpu.memory_space<vmem>> -> memref<128xi32, #tpu.memory_space<vmem>>
        %dma_start3A_720 = arith.constant 0 : i32
        %dma_start3A_721 = arith.constant 0 : i32
        %dma_start3A_722 = tpu.memref_slice %arg2[%arg0, %dma_start3A_720, %dma_start3A_721] : memref<2x10008x104xf32, #tpu.memory_space<hbm>> -> memref<1x10008x104xf32, #tpu.memory_space<hbm>>
        %dma_start3A_723 = tpu.memref_squeeze %dma_start3A_722 : memref<1x10008x104xf32, #tpu.memory_space<hbm>> -> memref<10008x104xf32, #tpu.memory_space<hbm>>
        %dma_start3A_724 = arith.constant 0 : i32
        %dma_start3A_725 = arith.constant 0 : i32
        %dma_start3A_726 = tpu.memref_slice %dma_start3A_723[%dma_start3A_724, %dma_start3A_725] : memref<10008x104xf32, #tpu.memory_space<hbm>> -> memref<10008x104xf32, #tpu.memory_space<hbm>>
        tpu.enqueue_indirect_dma source(%dma_start3A_726 : memref<10008x104xf32, #tpu.memory_space<hbm>>) target(%arg8 : memref<128x104xf32, #tpu.memory_space<vmem>>) offsets(%dma_start3A_719 : memref<128xi32, #tpu.memory_space<vmem>>) semaphore(%arg15 : memref<!tpu.dma_semaphore, #tpu.memory_space<semaphore_mem>>)
      } else {
      }
      %dma_wait3A_661 = arith.constant 0 : i32
      %dma_wait3A_662 = arith.constant 0 : i32
      %dma_wait3A_663 = tpu.memref_slice %arg2[%arg0, %dma_wait3A_661, %dma_wait3A_662] : memref<2x10008x104xf32, #tpu.memory_space<hbm>> -> memref<1x128x104xf32, #tpu.memory_space<hbm>>
      %dma_wait3A_664 = tpu.memref_squeeze %dma_wait3A_663 : memref<1x128x104xf32, #tpu.memory_space<hbm>> -> memref<128x104xf32, #tpu.memory_space<hbm>>
      %dma_wait3A_665 = arith.constant 0 : i32
      %dma_wait3A_666 = arith.constant 0 : i32
      %dma_wait3A_667 = tpu.memref_slice %arg2[%arg0, %dma_wait3A_665, %dma_wait3A_666] : memref<2x10008x104xf32, #tpu.memory_space<hbm>> -> memref<1x128x104xf32, #tpu.memory_space<hbm>>
      %dma_wait3A_668 = tpu.memref_squeeze %dma_wait3A_667 : memref<1x128x104xf32, #tpu.memory_space<hbm>> -> memref<128x104xf32, #tpu.memory_space<hbm>>
      tpu.wait_dma2 semaphore(%arg16 : memref<!tpu.dma_semaphore, #tpu.memory_space<semaphore_mem>>) src(%dma_wait3A_668 : memref<128x104xf32, #tpu.memory_space<hbm>>) dst(%arg9 : memref<128x104xf32, #tpu.memory_space<vmem>>)
      %add3A_669 = arith.constant 1 : i32
      %add3A_670 = arith.addi %add3A_626, %add3A_669 : i32
      %run_scoped3A_671 = arith.constant 1 : i32
      "tpu.region"() ({
        %run_scoped3A_712 = tpu.sem_alloc : memref<!tpu.dma_semaphore, #tpu.memory_space<semaphore_mem>>
        %dma_start3A_713 = arith.constant 0 : i32
        %dma_start3A_714 = tpu.memref_slice %arg7[%add3A_670, %run_scoped3A_671, %dma_start3A_713] : memref<16x2x128xi32, #tpu.memory_space<vmem>> -> memref<1x1x128xi32, #tpu.memory_space<vmem>>
        %dma_start3A_715 = tpu.memref_squeeze %dma_start3A_714 : memref<1x1x128xi32, #tpu.memory_space<vmem>> -> memref<128xi32, #tpu.memory_space<vmem>>
        %dma_start3A_716 = arith.constant 0 : i32
        %dma_start3A_717 = arith.constant 0 : i32
        %dma_start3A_718 = tpu.memref_slice %arg12[%dma_start3A_716, %dma_start3A_717] : memref<10008x104xf32, #tpu.memory_space<vmem_shared>> -> memref<10008x104xf32, #tpu.memory_space<vmem_shared>>
        tpu.enqueue_indirect_dma source(%arg9 : memref<128x104xf32, #tpu.memory_space<vmem>>) target(%dma_start3A_718 : memref<10008x104xf32, #tpu.memory_space<vmem_shared>>) offsets(%dma_start3A_715 : memref<128xi32, #tpu.memory_space<vmem>>) semaphore(%run_scoped3A_712 : memref<!tpu.dma_semaphore, #tpu.memory_space<semaphore_mem>>) {add = true}
        %dma_wait3A_719 = arith.constant 0 : i32
        %dma_wait3A_720 = tpu.memref_slice %arg7[%add3A_670, %run_scoped3A_671, %dma_wait3A_719] : memref<16x2x128xi32, #tpu.memory_space<vmem>> -> memref<1x1x128xi32, #tpu.memory_space<vmem>>
        %dma_wait3A_721 = tpu.memref_squeeze %dma_wait3A_720 : memref<1x1x128xi32, #tpu.memory_space<vmem>> -> memref<128xi32, #tpu.memory_space<vmem>>
        %dma_wait3A_722 = arith.constant 0 : i32
        %dma_wait3A_723 = arith.constant 0 : i32
        %dma_wait3A_724 = tpu.memref_slice %arg12[%dma_wait3A_722, %dma_wait3A_723] : memref<10008x104xf32, #tpu.memory_space<vmem_shared>> -> memref<10008x104xf32, #tpu.memory_space<vmem_shared>>
        tpu.wait_indirect_dma semaphore(%run_scoped3A_712 : memref<!tpu.dma_semaphore, #tpu.memory_space<semaphore_mem>>) src(%arg9 : memref<128x104xf32, #tpu.memory_space<vmem>>) dst(%dma_wait3A_724 : memref<10008x104xf32, #tpu.memory_space<vmem_shared>>)
        tpu.yield
      }) : () -> ()
      %add3A_672 = arith.constant 1 : i32
      %add3A_673 = arith.addi %add3A_626, %add3A_672 : i32
      %add3A_674 = arith.constant 4 : i32
      %add3A_675 = arith.addi %add3A_673, %add3A_674 : i32
      %lt3A_676 = arith.constant 16 : i32
      %lt3A_677 = arith.cmpi slt, %add3A_675, %lt3A_676 : i32
      %convert_element_type3A_678 = arith.extui %lt3A_677 : i1 to i32
      %cond3A_679 = arith.constant 0 : i32
      %cond3A_680 = arith.cmpi ne, %convert_element_type3A_678, %cond3A_679 : i32
      scf.if %cond3A_680 {
        %add3A_712 = arith.constant 1 : i32
        %add3A_713 = arith.addi %add3A_626, %add3A_712 : i32
        %add3A_714 = arith.constant 4 : i32
        %add3A_715 = arith.addi %add3A_713, %add3A_714 : i32
        %dma_start3A_716 = arith.constant 0 : i32
        %dma_start3A_717 = arith.constant 0 : i32
        %dma_start3A_718 = tpu.memref_slice %arg7[%add3A_715, %dma_start3A_716, %dma_start3A_717] : memref<16x2x128xi32, #tpu.memory_space<vmem>> -> memref<1x1x128xi32, #tpu.memory_space<vmem>>
        %dma_start3A_719 = tpu.memref_squeeze %dma_start3A_718 : memref<1x1x128xi32, #tpu.memory_space<vmem>> -> memref<128xi32, #tpu.memory_space<vmem>>
        %dma_start3A_720 = arith.constant 0 : i32
        %dma_start3A_721 = arith.constant 0 : i32
        %dma_start3A_722 = tpu.memref_slice %arg2[%arg0, %dma_start3A_720, %dma_start3A_721] : memref<2x10008x104xf32, #tpu.memory_space<hbm>> -> memref<1x10008x104xf32, #tpu.memory_space<hbm>>
        %dma_start3A_723 = tpu.memref_squeeze %dma_start3A_722 : memref<1x10008x104xf32, #tpu.memory_space<hbm>> -> memref<10008x104xf32, #tpu.memory_space<hbm>>
        %dma_start3A_724 = arith.constant 0 : i32
        %dma_start3A_725 = arith.constant 0 : i32
        %dma_start3A_726 = tpu.memref_slice %dma_start3A_723[%dma_start3A_724, %dma_start3A_725] : memref<10008x104xf32, #tpu.memory_space<hbm>> -> memref<10008x104xf32, #tpu.memory_space<hbm>>
        tpu.enqueue_indirect_dma source(%dma_start3A_726 : memref<10008x104xf32, #tpu.memory_space<hbm>>) target(%arg9 : memref<128x104xf32, #tpu.memory_space<vmem>>) offsets(%dma_start3A_719 : memref<128xi32, #tpu.memory_space<vmem>>) semaphore(%arg16 : memref<!tpu.dma_semaphore, #tpu.memory_space<semaphore_mem>>)
      } else {
      }
      %dma_wait3A_681 = arith.constant 0 : i32
      %dma_wait3A_682 = arith.constant 0 : i32
      %dma_wait3A_683 = tpu.memref_slice %arg2[%arg0, %dma_wait3A_681, %dma_wait3A_682] : memref<2x10008x104xf32, #tpu.memory_space<hbm>> -> memref<1x128x104xf32, #tpu.memory_space<hbm>>
      %dma_wait3A_684 = tpu.memref_squeeze %dma_wait3A_683 : memref<1x128x104xf32, #tpu.memory_space<hbm>> -> memref<128x104xf32, #tpu.memory_space<hbm>>
      %dma_wait3A_685 = arith.constant 0 : i32
      %dma_wait3A_686 = arith.constant 0 : i32
      %dma_wait3A_687 = tpu.memref_slice %arg2[%arg0, %dma_wait3A_685, %dma_wait3A_686] : memref<2x10008x104xf32, #tpu.memory_space<hbm>> -> memref<1x128x104xf32, #tpu.memory_space<hbm>>
      %dma_wait3A_688 = tpu.memref_squeeze %dma_wait3A_687 : memref<1x128x104xf32, #tpu.memory_space<hbm>> -> memref<128x104xf32, #tpu.memory_space<hbm>>
      tpu.wait_dma2 semaphore(%arg17 : memref<!tpu.dma_semaphore, #tpu.memory_space<semaphore_mem>>) src(%dma_wait3A_688 : memref<128x104xf32, #tpu.memory_space<hbm>>) dst(%arg10 : memref<128x104xf32, #tpu.memory_space<vmem>>)
      %add3A_689 = arith.constant 2 : i32
      %add3A_690 = arith.addi %add3A_626, %add3A_689 : i32
      %run_scoped3A_691 = arith.constant 1 : i32
      "tpu.region"() ({
        %run_scoped3A_712 = tpu.sem_alloc : memref<!tpu.dma_semaphore, #tpu.memory_space<semaphore_mem>>
        %dma_start3A_713 = arith.constant 0 : i32
        %dma_start3A_714 = tpu.memref_slice %arg7[%add3A_690, %run_scoped3A_691, %dma_start3A_713] : memref<16x2x128xi32, #tpu.memory_space<vmem>> -> memref<1x1x128xi32, #tpu.memory_space<vmem>>
        %dma_start3A_715 = tpu.memref_squeeze %dma_start3A_714 : memref<1x1x128xi32, #tpu.memory_space<vmem>> -> memref<128xi32, #tpu.memory_space<vmem>>
        %dma_start3A_716 = arith.constant 0 : i32
        %dma_start3A_717 = arith.constant 0 : i32
        %dma_start3A_718 = tpu.memref_slice %arg12[%dma_start3A_716, %dma_start3A_717] : memref<10008x104xf32, #tpu.memory_space<vmem_shared>> -> memref<10008x104xf32, #tpu.memory_space<vmem_shared>>
        tpu.enqueue_indirect_dma source(%arg10 : memref<128x104xf32, #tpu.memory_space<vmem>>) target(%dma_start3A_718 : memref<10008x104xf32, #tpu.memory_space<vmem_shared>>) offsets(%dma_start3A_715 : memref<128xi32, #tpu.memory_space<vmem>>) semaphore(%run_scoped3A_712 : memref<!tpu.dma_semaphore, #tpu.memory_space<semaphore_mem>>) {add = true}
        %dma_wait3A_719 = arith.constant 0 : i32
        %dma_wait3A_720 = tpu.memref_slice %arg7[%add3A_690, %run_scoped3A_691, %dma_wait3A_719] : memref<16x2x128xi32, #tpu.memory_space<vmem>> -> memref<1x1x128xi32, #tpu.memory_space<vmem>>
        %dma_wait3A_721 = tpu.memref_squeeze %dma_wait3A_720 : memref<1x1x128xi32, #tpu.memory_space<vmem>> -> memref<128xi32, #tpu.memory_space<vmem>>
        %dma_wait3A_722 = arith.constant 0 : i32
        %dma_wait3A_723 = arith.constant 0 : i32
        %dma_wait3A_724 = tpu.memref_slice %arg12[%dma_wait3A_722, %dma_wait3A_723] : memref<10008x104xf32, #tpu.memory_space<vmem_shared>> -> memref<10008x104xf32, #tpu.memory_space<vmem_shared>>
        tpu.wait_indirect_dma semaphore(%run_scoped3A_712 : memref<!tpu.dma_semaphore, #tpu.memory_space<semaphore_mem>>) src(%arg10 : memref<128x104xf32, #tpu.memory_space<vmem>>) dst(%dma_wait3A_724 : memref<10008x104xf32, #tpu.memory_space<vmem_shared>>)
        tpu.yield
      }) : () -> ()
      %add3A_692 = arith.constant 2 : i32
      %add3A_693 = arith.addi %add3A_626, %add3A_692 : i32
      %add3A_694 = arith.constant 4 : i32
      %add3A_695 = arith.addi %add3A_693, %add3A_694 : i32
      %lt3A_696 = arith.constant 16 : i32
      %lt3A_697 = arith.cmpi slt, %add3A_695, %lt3A_696 : i32
      %convert_element_type3A_698 = arith.extui %lt3A_697 : i1 to i32
      %cond3A_699 = arith.constant 0 : i32
      %cond3A_700 = arith.cmpi ne, %convert_element_type3A_698, %cond3A_699 : i32
      scf.if %cond3A_700 {
        %add3A_712 = arith.constant 2 : i32
        %add3A_713 = arith.addi %add3A_626, %add3A_712 : i32
        %add3A_714 = arith.constant 4 : i32
        %add3A_715 = arith.addi %add3A_713, %add3A_714 : i32
        %dma_start3A_716 = arith.constant 0 : i32
        %dma_start3A_717 = arith.constant 0 : i32
        %dma_start3A_718 = tpu.memref_slice %arg7[%add3A_715, %dma_start3A_716, %dma_start3A_717] : memref<16x2x128xi32, #tpu.memory_space<vmem>> -> memref<1x1x128xi32, #tpu.memory_space<vmem>>
        %dma_start3A_719 = tpu.memref_squeeze %dma_start3A_718 : memref<1x1x128xi32, #tpu.memory_space<vmem>> -> memref<128xi32, #tpu.memory_space<vmem>>
        %dma_start3A_720 = arith.constant 0 : i32
        %dma_start3A_721 = arith.constant 0 : i32
        %dma_start3A_722 = tpu.memref_slice %arg2[%arg0, %dma_start3A_720, %dma_start3A_721] : memref<2x10008x104xf32, #tpu.memory_space<hbm>> -> memref<1x10008x104xf32, #tpu.memory_space<hbm>>
        %dma_start3A_723 = tpu.memref_squeeze %dma_start3A_722 : memref<1x10008x104xf32, #tpu.memory_space<hbm>> -> memref<10008x104xf32, #tpu.memory_space<hbm>>
        %dma_start3A_724 = arith.constant 0 : i32
        %dma_start3A_725 = arith.constant 0 : i32
        %dma_start3A_726 = tpu.memref_slice %dma_start3A_723[%dma_start3A_724, %dma_start3A_725] : memref<10008x104xf32, #tpu.memory_space<hbm>> -> memref<10008x104xf32, #tpu.memory_space<hbm>>
        tpu.enqueue_indirect_dma source(%dma_start3A_726 : memref<10008x104xf32, #tpu.memory_space<hbm>>) target(%arg10 : memref<128x104xf32, #tpu.memory_space<vmem>>) offsets(%dma_start3A_719 : memref<128xi32, #tpu.memory_space<vmem>>) semaphore(%arg17 : memref<!tpu.dma_semaphore, #tpu.memory_space<semaphore_mem>>)
      } else {
      }
      %dma_wait3A_701 = arith.constant 0 : i32
      %dma_wait3A_702 = arith.constant 0 : i32
      %dma_wait3A_703 = tpu.memref_slice %arg2[%arg0, %dma_wait3A_701, %dma_wait3A_702] : memref<2x10008x104xf32, #tpu.memory_space<hbm>> -> memref<1x128x104xf32, #tpu.memory_space<hbm>>
      %dma_wait3A_704 = tpu.memref_squeeze %dma_wait3A_703 : memref<1x128x104xf32, #tpu.memory_space<hbm>> -> memref<128x104xf32, #tpu.memory_space<hbm>>
      %dma_wait3A_705 = arith.constant 0 : i32
      %dma_wait3A_706 = arith.constant 0 : i32
      %dma_wait3A_707 = tpu.memref_slice %arg2[%arg0, %dma_wait3A_705, %dma_wait3A_706] : memref<2x10008x104xf32, #tpu.memory_space<hbm>> -> memref<1x128x104xf32, #tpu.memory_space<hbm>>
      %dma_wait3A_708 = tpu.memref_squeeze %dma_wait3A_707 : memref<1x128x104xf32, #tpu.memory_space<hbm>> -> memref<128x104xf32, #tpu.memory_space<hbm>>
      tpu.wait_dma2 semaphore(%arg18 : memref<!tpu.dma_semaphore, #tpu.memory_space<semaphore_mem>>) src(%dma_wait3A_708 : memref<128x104xf32, #tpu.memory_space<hbm>>) dst(%arg11 : memref<128x104xf32, #tpu.memory_space<vmem>>)
      %add3A_709 = arith.constant 3 : i32
      %add3A_710 = arith.addi %add3A_626, %add3A_709 : i32
      %run_scoped3A_711 = arith.constant 1 : i32
      "tpu.region"() ({
        %run_scoped3A_712 = tpu.sem_alloc : memref<!tpu.dma_semaphore, #tpu.memory_space<semaphore_mem>>
        %dma_start3A_713 = arith.constant 0 : i32
        %dma_start3A_714 = tpu.memref_slice %arg7[%add3A_710, %run_scoped3A_711, %dma_start3A_713] : memref<16x2x128xi32, #tpu.memory_space<vmem>> -> memref<1x1x128xi32, #tpu.memory_space<vmem>>
        %dma_start3A_715 = tpu.memref_squeeze %dma_start3A_714 : memref<1x1x128xi32, #tpu.memory_space<vmem>> -> memref<128xi32, #tpu.memory_space<vmem>>
        %dma_start3A_716 = arith.constant 0 : i32
        %dma_start3A_717 = arith.constant 0 : i32
        %dma_start3A_718 = tpu.memref_slice %arg12[%dma_start3A_716, %dma_start3A_717] : memref<10008x104xf32, #tpu.memory_space<vmem_shared>> -> memref<10008x104xf32, #tpu.memory_space<vmem_shared>>
        tpu.enqueue_indirect_dma source(%arg11 : memref<128x104xf32, #tpu.memory_space<vmem>>) target(%dma_start3A_718 : memref<10008x104xf32, #tpu.memory_space<vmem_shared>>) offsets(%dma_start3A_715 : memref<128xi32, #tpu.memory_space<vmem>>) semaphore(%run_scoped3A_712 : memref<!tpu.dma_semaphore, #tpu.memory_space<semaphore_mem>>) {add = true}
        %dma_wait3A_719 = arith.constant 0 : i32
        %dma_wait3A_720 = tpu.memref_slice %arg7[%add3A_710, %run_scoped3A_711, %dma_wait3A_719] : memref<16x2x128xi32, #tpu.memory_space<vmem>> -> memref<1x1x128xi32, #tpu.memory_space<vmem>>
        %dma_wait3A_721 = tpu.memref_squeeze %dma_wait3A_720 : memref<1x1x128xi32, #tpu.memory_space<vmem>> -> memref<128xi32, #tpu.memory_space<vmem>>
        %dma_wait3A_722 = arith.constant 0 : i32
        %dma_wait3A_723 = arith.constant 0 : i32
        %dma_wait3A_724 = tpu.memref_slice %arg12[%dma_wait3A_722, %dma_wait3A_723] : memref<10008x104xf32, #tpu.memory_space<vmem_shared>> -> memref<10008x104xf32, #tpu.memory_space<vmem_shared>>
        tpu.wait_indirect_dma semaphore(%run_scoped3A_712 : memref<!tpu.dma_semaphore, #tpu.memory_space<semaphore_mem>>) src(%arg11 : memref<128x104xf32, #tpu.memory_space<vmem>>) dst(%dma_wait3A_724 : memref<10008x104xf32, #tpu.memory_space<vmem_shared>>)
        tpu.yield
      }) : () -> ()
    }
    %scan3A_496 = arith.constant 4 : i32
    %dma_wait3A_497 = arith.constant 0 : i32
    %dma_wait3A_498 = arith.constant 0 : i32
    %dma_wait3A_499 = arith.constant 0 : i32
    %dma_wait3A_500 = arith.constant 0 : i32
    %dma_wait3A_501 = tpu.memref_slice %arg3[%arg1, %dma_wait3A_497, %dma_wait3A_498, %dma_wait3A_499, %dma_wait3A_500] : memref<16x10x16x2x128xi32, #tpu.memory_space<hbm>> -> memref<1x1x16x2x128xi32, #tpu.memory_space<hbm>>
    %dma_wait3A_502 = tpu.memref_squeeze %dma_wait3A_501 : memref<1x1x16x2x128xi32, #tpu.memory_space<hbm>> -> memref<16x2x128xi32, #tpu.memory_space<hbm>>
    %dma_wait3A_503 = arith.constant 0 : i32
    %dma_wait3A_504 = arith.constant 0 : i32
    %dma_wait3A_505 = arith.constant 0 : i32
    %dma_wait3A_506 = tpu.memref_slice %arg3[%arg1, %dma_wait3A_497, %dma_wait3A_503, %dma_wait3A_504, %dma_wait3A_505] : memref<16x10x16x2x128xi32, #tpu.memory_space<hbm>> -> memref<1x1x16x2x128xi32, #tpu.memory_space<hbm>>
    %dma_wait3A_507 = tpu.memref_squeeze %dma_wait3A_506 : memref<1x1x16x2x128xi32, #tpu.memory_space<hbm>> -> memref<16x2x128xi32, #tpu.memory_space<hbm>>
    tpu.wait_dma2 semaphore(%arg13 : memref<!tpu.dma_semaphore, #tpu.memory_space<semaphore_mem>>) src(%dma_wait3A_507 : memref<16x2x128xi32, #tpu.memory_space<hbm>>) dst(%arg6 : memref<16x2x128xi32, #tpu.memory_space<vmem>>)
    %dma_start3A_508 = arith.constant 9 : i32
    %dma_start3A_509 = arith.constant 0 : i32
    %dma_start3A_510 = arith.constant 0 : i32
    %dma_start3A_511 = arith.constant 0 : i32
    %dma_start3A_512 = tpu.memref_slice %arg3[%arg1, %dma_start3A_508, %dma_start3A_509, %dma_start3A_510, %dma_start3A_511] : memref<16x10x16x2x128xi32, #tpu.memory_space<hbm>> -> memref<1x1x16x2x128xi32, #tpu.memory_space<hbm>>
    %dma_start3A_513 = tpu.memref_squeeze %dma_start3A_512 : memref<1x1x16x2x128xi32, #tpu.memory_space<hbm>> -> memref<16x2x128xi32, #tpu.memory_space<hbm>>
    %dma_start3A_514 = arith.constant 0 : i32
    %dma_start3A_515 = arith.constant 0 : i32
    %dma_start3A_516 = arith.constant 0 : i32
    %dma_start3A_517 = tpu.memref_slice %arg3[%arg1, %dma_start3A_508, %dma_start3A_514, %dma_start3A_515, %dma_start3A_516] : memref<16x10x16x2x128xi32, #tpu.memory_space<hbm>> -> memref<1x1x16x2x128xi32, #tpu.memory_space<hbm>>
    %dma_start3A_518 = tpu.memref_squeeze %dma_start3A_517 : memref<1x1x16x2x128xi32, #tpu.memory_space<hbm>> -> memref<16x2x128xi32, #tpu.memory_space<hbm>>
    tpu.enqueue_dma source(%dma_start3A_518 : memref<16x2x128xi32, #tpu.memory_space<hbm>>) target(%arg7 : memref<16x2x128xi32, #tpu.memory_space<vmem>>) target_semaphore(%arg14 : memref<!tpu.dma_semaphore, #tpu.memory_space<semaphore_mem>>)
    %dma_start3A_519 = arith.constant 0 : i32
    %dma_start3A_520 = arith.constant 0 : i32
    %dma_start3A_521 = arith.constant 0 : i32
    %dma_start3A_522 = tpu.memref_slice %arg6[%dma_start3A_519, %dma_start3A_520, %dma_start3A_521] : memref<16x2x128xi32, #tpu.memory_space<vmem>> -> memref<1x1x128xi32, #tpu.memory_space<vmem>>
    %dma_start3A_523 = tpu.memref_squeeze %dma_start3A_522 : memref<1x1x128xi32, #tpu.memory_space<vmem>> -> memref<128xi32, #tpu.memory_space<vmem>>
    %dma_start3A_524 = arith.constant 0 : i32
    %dma_start3A_525 = arith.constant 0 : i32
    %dma_start3A_526 = tpu.memref_slice %arg2[%arg0, %dma_start3A_524, %dma_start3A_525] : memref<2x10008x104xf32, #tpu.memory_space<hbm>> -> memref<1x10008x104xf32, #tpu.memory_space<hbm>>
    %dma_start3A_527 = tpu.memref_squeeze %dma_start3A_526 : memref<1x10008x104xf32, #tpu.memory_space<hbm>> -> memref<10008x104xf32, #tpu.memory_space<hbm>>
    %dma_start3A_528 = arith.constant 0 : i32
    %dma_start3A_529 = arith.constant 0 : i32
    %dma_start3A_530 = tpu.memref_slice %dma_start3A_527[%dma_start3A_528, %dma_start3A_529] : memref<10008x104xf32, #tpu.memory_space<hbm>> -> memref<10008x104xf32, #tpu.memory_space<hbm>>
    tpu.enqueue_indirect_dma source(%dma_start3A_530 : memref<10008x104xf32, #tpu.memory_space<hbm>>) target(%arg8 : memref<128x104xf32, #tpu.memory_space<vmem>>) offsets(%dma_start3A_523 : memref<128xi32, #tpu.memory_space<vmem>>) semaphore(%arg15 : memref<!tpu.dma_semaphore, #tpu.memory_space<semaphore_mem>>)
    %dma_start3A_531 = arith.constant 1 : i32
    %dma_start3A_532 = arith.constant 0 : i32
    %dma_start3A_533 = arith.constant 0 : i32
    %dma_start3A_534 = tpu.memref_slice %arg6[%dma_start3A_531, %dma_start3A_532, %dma_start3A_533] : memref<16x2x128xi32, #tpu.memory_space<vmem>> -> memref<1x1x128xi32, #tpu.memory_space<vmem>>
    %dma_start3A_535 = tpu.memref_squeeze %dma_start3A_534 : memref<1x1x128xi32, #tpu.memory_space<vmem>> -> memref<128xi32, #tpu.memory_space<vmem>>
    %dma_start3A_536 = arith.constant 0 : i32
    %dma_start3A_537 = arith.constant 0 : i32
    %dma_start3A_538 = tpu.memref_slice %arg2[%arg0, %dma_start3A_536, %dma_start3A_537] : memref<2x10008x104xf32, #tpu.memory_space<hbm>> -> memref<1x10008x104xf32, #tpu.memory_space<hbm>>
    %dma_start3A_539 = tpu.memref_squeeze %dma_start3A_538 : memref<1x10008x104xf32, #tpu.memory_space<hbm>> -> memref<10008x104xf32, #tpu.memory_space<hbm>>
    %dma_start3A_540 = arith.constant 0 : i32
    %dma_start3A_541 = arith.constant 0 : i32
    %dma_start3A_542 = tpu.memref_slice %dma_start3A_539[%dma_start3A_540, %dma_start3A_541] : memref<10008x104xf32, #tpu.memory_space<hbm>> -> memref<10008x104xf32, #tpu.memory_space<hbm>>
    tpu.enqueue_indirect_dma source(%dma_start3A_542 : memref<10008x104xf32, #tpu.memory_space<hbm>>) target(%arg9 : memref<128x104xf32, #tpu.memory_space<vmem>>) offsets(%dma_start3A_535 : memref<128xi32, #tpu.memory_space<vmem>>) semaphore(%arg16 : memref<!tpu.dma_semaphore, #tpu.memory_space<semaphore_mem>>)
    %dma_start3A_543 = arith.constant 2 : i32
    %dma_start3A_544 = arith.constant 0 : i32
    %dma_start3A_545 = arith.constant 0 : i32
    %dma_start3A_546 = tpu.memref_slice %arg6[%dma_start3A_543, %dma_start3A_544, %dma_start3A_545] : memref<16x2x128xi32, #tpu.memory_space<vmem>> -> memref<1x1x128xi32, #tpu.memory_space<vmem>>
    %dma_start3A_547 = tpu.memref_squeeze %dma_start3A_546 : memref<1x1x128xi32, #tpu.memory_space<vmem>> -> memref<128xi32, #tpu.memory_space<vmem>>
    %dma_start3A_548 = arith.constant 0 : i32
    %dma_start3A_549 = arith.constant 0 : i32
    %dma_start3A_550 = tpu.memref_slice %arg2[%arg0, %dma_start3A_548, %dma_start3A_549] : memref<2x10008x104xf32, #tpu.memory_space<hbm>> -> memref<1x10008x104xf32, #tpu.memory_space<hbm>>
    %dma_start3A_551 = tpu.memref_squeeze %dma_start3A_550 : memref<1x10008x104xf32, #tpu.memory_space<hbm>> -> memref<10008x104xf32, #tpu.memory_space<hbm>>
    %dma_start3A_552 = arith.constant 0 : i32
    %dma_start3A_553 = arith.constant 0 : i32
    %dma_start3A_554 = tpu.memref_slice %dma_start3A_551[%dma_start3A_552, %dma_start3A_553] : memref<10008x104xf32, #tpu.memory_space<hbm>> -> memref<10008x104xf32, #tpu.memory_space<hbm>>
    tpu.enqueue_indirect_dma source(%dma_start3A_554 : memref<10008x104xf32, #tpu.memory_space<hbm>>) target(%arg10 : memref<128x104xf32, #tpu.memory_space<vmem>>) offsets(%dma_start3A_547 : memref<128xi32, #tpu.memory_space<vmem>>) semaphore(%arg17 : memref<!tpu.dma_semaphore, #tpu.memory_space<semaphore_mem>>)
    %scan3A_555 = arith.constant 0 : i32
    %scan3A_556 = arith.constant 4 : i32
    %scan3A_557 = arith.addi %scan3A_555, %scan3A_556 : i32
    %scan3A_558 = arith.constant 1 : i32
    scf.for %scan3A_623 = %scan3A_555 to %scan3A_557 step %scan3A_558  : i32 {
      %mul3A_624 = arith.constant 4 : i32
      %mul3A_625 = arith.muli %scan3A_623, %mul3A_624 : i32
      %add3A = arith.constant 0 : i32
      %add3A_626 = arith.addi %add3A, %mul3A_625 : i32
      %add3A_627 = arith.constant 4 : i32
      %add3A_628 = arith.addi %add3A_626, %add3A_627 : i32
      %sub3A = arith.constant 1 : i32
      %sub3A_629 = arith.subi %add3A_628, %sub3A : i32
      %dma_start3A_630 = arith.constant 0 : i32
      %dma_start3A_631 = arith.constant 0 : i32
      %dma_start3A_632 = tpu.memref_slice %arg6[%sub3A_629, %dma_start3A_630, %dma_start3A_631] : memref<16x2x128xi32, #tpu.memory_space<vmem>> -> memref<1x1x128xi32, #tpu.memory_space<vmem>>
      %dma_start3A_633 = tpu.memref_squeeze %dma_start3A_632 : memref<1x1x128xi32, #tpu.memory_space<vmem>> -> memref<128xi32, #tpu.memory_space<vmem>>
      %dma_start3A_634 = arith.constant 0 : i32
      %dma_start3A_635 = arith.constant 0 : i32
      %dma_start3A_636 = tpu.memref_slice %arg2[%arg0, %dma_start3A_634, %dma_start3A_635] : memref<2x10008x104xf32, #tpu.memory_space<hbm>> -> memref<1x10008x104xf32, #tpu.memory_space<hbm>>
      %dma_start3A_637 = tpu.memref_squeeze %dma_start3A_636 : memref<1x10008x104xf32, #tpu.memory_space<hbm>> -> memref<10008x104xf32, #tpu.memory_space<hbm>>
      %dma_start3A_638 = arith.constant 0 : i32
      %dma_start3A_639 = arith.constant 0 : i32
      %dma_start3A_640 = tpu.memref_slice %dma_start3A_637[%dma_start3A_638, %dma_start3A_639] : memref<10008x104xf32, #tpu.memory_space<hbm>> -> memref<10008x104xf32, #tpu.memory_space<hbm>>
      tpu.enqueue_indirect_dma source(%dma_start3A_640 : memref<10008x104xf32, #tpu.memory_space<hbm>>) target(%arg11 : memref<128x104xf32, #tpu.memory_space<vmem>>) offsets(%dma_start3A_633 : memref<128xi32, #tpu.memory_space<vmem>>) semaphore(%arg18 : memref<!tpu.dma_semaphore, #tpu.memory_space<semaphore_mem>>)
      %dma_wait3A_641 = arith.constant 0 : i32
      %dma_wait3A_642 = arith.constant 0 : i32
      %dma_wait3A_643 = tpu.memref_slice %arg2[%arg0, %dma_wait3A_641, %dma_wait3A_642] : memref<2x10008x104xf32, #tpu.memory_space<hbm>> -> memref<1x128x104xf32, #tpu.memory_space<hbm>>
      %dma_wait3A_644 = tpu.memref_squeeze %dma_wait3A_643 : memref<1x128x104xf32, #tpu.memory_space<hbm>> -> memref<128x104xf32, #tpu.memory_space<hbm>>
      %dma_wait3A_645 = arith.constant 0 : i32
      %dma_wait3A_646 = arith.constant 0 : i32
      %dma_wait3A_647 = tpu.memref_slice %arg2[%arg0, %dma_wait3A_645, %dma_wait3A_646] : memref<2x10008x104xf32, #tpu.memory_space<hbm>> -> memref<1x128x104xf32, #tpu.memory_space<hbm>>
      %dma_wait3A_648 = tpu.memref_squeeze %dma_wait3A_647 : memref<1x128x104xf32, #tpu.memory_space<hbm>> -> memref<128x104xf32, #tpu.memory_space<hbm>>
      tpu.wait_dma2 semaphore(%arg15 : memref<!tpu.dma_semaphore, #tpu.memory_space<semaphore_mem>>) src(%dma_wait3A_648 : memref<128x104xf32, #tpu.memory_space<hbm>>) dst(%arg8 : memref<128x104xf32, #tpu.memory_space<vmem>>)
      %add3A_649 = arith.constant 0 : i32
      %add3A_650 = arith.addi %add3A_626, %add3A_649 : i32
      %run_scoped3A_651 = arith.constant 1 : i32
      "tpu.region"() ({
        %run_scoped3A_712 = tpu.sem_alloc : memref<!tpu.dma_semaphore, #tpu.memory_space<semaphore_mem>>
        %dma_start3A_713 = arith.constant 0 : i32
        %dma_start3A_714 = tpu.memref_slice %arg6[%add3A_650, %run_scoped3A_651, %dma_start3A_713] : memref<16x2x128xi32, #tpu.memory_space<vmem>> -> memref<1x1x128xi32, #tpu.memory_space<vmem>>
        %dma_start3A_715 = tpu.memref_squeeze %dma_start3A_714 : memref<1x1x128xi32, #tpu.memory_space<vmem>> -> memref<128xi32, #tpu.memory_space<vmem>>
        %dma_start3A_716 = arith.constant 0 : i32
        %dma_start3A_717 = arith.constant 0 : i32
        %dma_start3A_718 = tpu.memref_slice %arg12[%dma_start3A_716, %dma_start3A_717] : memref<10008x104xf32, #tpu.memory_space<vmem_shared>> -> memref<10008x104xf32, #tpu.memory_space<vmem_shared>>
        tpu.enqueue_indirect_dma source(%arg8 : memref<128x104xf32, #tpu.memory_space<vmem>>) target(%dma_start3A_718 : memref<10008x104xf32, #tpu.memory_space<vmem_shared>>) offsets(%dma_start3A_715 : memref<128xi32, #tpu.memory_space<vmem>>) semaphore(%run_scoped3A_712 : memref<!tpu.dma_semaphore, #tpu.memory_space<semaphore_mem>>) {add = true}
        %dma_wait3A_719 = arith.constant 0 : i32
        %dma_wait3A_720 = tpu.memref_slice %arg6[%add3A_650, %run_scoped3A_651, %dma_wait3A_719] : memref<16x2x128xi32, #tpu.memory_space<vmem>> -> memref<1x1x128xi32, #tpu.memory_space<vmem>>
        %dma_wait3A_721 = tpu.memref_squeeze %dma_wait3A_720 : memref<1x1x128xi32, #tpu.memory_space<vmem>> -> memref<128xi32, #tpu.memory_space<vmem>>
        %dma_wait3A_722 = arith.constant 0 : i32
        %dma_wait3A_723 = arith.constant 0 : i32
        %dma_wait3A_724 = tpu.memref_slice %arg12[%dma_wait3A_722, %dma_wait3A_723] : memref<10008x104xf32, #tpu.memory_space<vmem_shared>> -> memref<10008x104xf32, #tpu.memory_space<vmem_shared>>
        tpu.wait_indirect_dma semaphore(%run_scoped3A_712 : memref<!tpu.dma_semaphore, #tpu.memory_space<semaphore_mem>>) src(%arg8 : memref<128x104xf32, #tpu.memory_space<vmem>>) dst(%dma_wait3A_724 : memref<10008x104xf32, #tpu.memory_space<vmem_shared>>)
        tpu.yield
      }) : () -> ()
      %add3A_652 = arith.constant 0 : i32
      %add3A_653 = arith.addi %add3A_626, %add3A_652 : i32
      %add3A_654 = arith.constant 4 : i32
      %add3A_655 = arith.addi %add3A_653, %add3A_654 : i32
      %lt3A_656 = arith.constant 16 : i32
      %lt3A_657 = arith.cmpi slt, %add3A_655, %lt3A_656 : i32
      %convert_element_type3A_658 = arith.extui %lt3A_657 : i1 to i32
      %cond3A_659 = arith.constant 0 : i32
      %cond3A_660 = arith.cmpi ne, %convert_element_type3A_658, %cond3A_659 : i32
      scf.if %cond3A_660 {
        %add3A_712 = arith.constant 0 : i32
        %add3A_713 = arith.addi %add3A_626, %add3A_712 : i32
        %add3A_714 = arith.constant 4 : i32
        %add3A_715 = arith.addi %add3A_713, %add3A_714 : i32
        %dma_start3A_716 = arith.constant 0 : i32
        %dma_start3A_717 = arith.constant 0 : i32
        %dma_start3A_718 = tpu.memref_slice %arg6[%add3A_715, %dma_start3A_716, %dma_start3A_717] : memref<16x2x128xi32, #tpu.memory_space<vmem>> -> memref<1x1x128xi32, #tpu.memory_space<vmem>>
        %dma_start3A_719 = tpu.memref_squeeze %dma_start3A_718 : memref<1x1x128xi32, #tpu.memory_space<vmem>> -> memref<128xi32, #tpu.memory_space<vmem>>
        %dma_start3A_720 = arith.constant 0 : i32
        %dma_start3A_721 = arith.constant 0 : i32
        %dma_start3A_722 = tpu.memref_slice %arg2[%arg0, %dma_start3A_720, %dma_start3A_721] : memref<2x10008x104xf32, #tpu.memory_space<hbm>> -> memref<1x10008x104xf32, #tpu.memory_space<hbm>>
        %dma_start3A_723 = tpu.memref_squeeze %dma_start3A_722 : memref<1x10008x104xf32, #tpu.memory_space<hbm>> -> memref<10008x104xf32, #tpu.memory_space<hbm>>
        %dma_start3A_724 = arith.constant 0 : i32
        %dma_start3A_725 = arith.constant 0 : i32
        %dma_start3A_726 = tpu.memref_slice %dma_start3A_723[%dma_start3A_724, %dma_start3A_725] : memref<10008x104xf32, #tpu.memory_space<hbm>> -> memref<10008x104xf32, #tpu.memory_space<hbm>>
        tpu.enqueue_indirect_dma source(%dma_start3A_726 : memref<10008x104xf32, #tpu.memory_space<hbm>>) target(%arg8 : memref<128x104xf32, #tpu.memory_space<vmem>>) offsets(%dma_start3A_719 : memref<128xi32, #tpu.memory_space<vmem>>) semaphore(%arg15 : memref<!tpu.dma_semaphore, #tpu.memory_space<semaphore_mem>>)
      } else {
      }
      %dma_wait3A_661 = arith.constant 0 : i32
      %dma_wait3A_662 = arith.constant 0 : i32
      %dma_wait3A_663 = tpu.memref_slice %arg2[%arg0, %dma_wait3A_661, %dma_wait3A_662] : memref<2x10008x104xf32, #tpu.memory_space<hbm>> -> memref<1x128x104xf32, #tpu.memory_space<hbm>>
      %dma_wait3A_664 = tpu.memref_squeeze %dma_wait3A_663 : memref<1x128x104xf32, #tpu.memory_space<hbm>> -> memref<128x104xf32, #tpu.memory_space<hbm>>
      %dma_wait3A_665 = arith.constant 0 : i32
      %dma_wait3A_666 = arith.constant 0 : i32
      %dma_wait3A_667 = tpu.memref_slice %arg2[%arg0, %dma_wait3A_665, %dma_wait3A_666] : memref<2x10008x104xf32, #tpu.memory_space<hbm>> -> memref<1x128x104xf32, #tpu.memory_space<hbm>>
      %dma_wait3A_668 = tpu.memref_squeeze %dma_wait3A_667 : memref<1x128x104xf32, #tpu.memory_space<hbm>> -> memref<128x104xf32, #tpu.memory_space<hbm>>
      tpu.wait_dma2 semaphore(%arg16 : memref<!tpu.dma_semaphore, #tpu.memory_space<semaphore_mem>>) src(%dma_wait3A_668 : memref<128x104xf32, #tpu.memory_space<hbm>>) dst(%arg9 : memref<128x104xf32, #tpu.memory_space<vmem>>)
      %add3A_669 = arith.constant 1 : i32
      %add3A_670 = arith.addi %add3A_626, %add3A_669 : i32
      %run_scoped3A_671 = arith.constant 1 : i32
      "tpu.region"() ({
        %run_scoped3A_712 = tpu.sem_alloc : memref<!tpu.dma_semaphore, #tpu.memory_space<semaphore_mem>>
        %dma_start3A_713 = arith.constant 0 : i32
        %dma_start3A_714 = tpu.memref_slice %arg6[%add3A_670, %run_scoped3A_671, %dma_start3A_713] : memref<16x2x128xi32, #tpu.memory_space<vmem>> -> memref<1x1x128xi32, #tpu.memory_space<vmem>>
        %dma_start3A_715 = tpu.memref_squeeze %dma_start3A_714 : memref<1x1x128xi32, #tpu.memory_space<vmem>> -> memref<128xi32, #tpu.memory_space<vmem>>
        %dma_start3A_716 = arith.constant 0 : i32
        %dma_start3A_717 = arith.constant 0 : i32
        %dma_start3A_718 = tpu.memref_slice %arg12[%dma_start3A_716, %dma_start3A_717] : memref<10008x104xf32, #tpu.memory_space<vmem_shared>> -> memref<10008x104xf32, #tpu.memory_space<vmem_shared>>
        tpu.enqueue_indirect_dma source(%arg9 : memref<128x104xf32, #tpu.memory_space<vmem>>) target(%dma_start3A_718 : memref<10008x104xf32, #tpu.memory_space<vmem_shared>>) offsets(%dma_start3A_715 : memref<128xi32, #tpu.memory_space<vmem>>) semaphore(%run_scoped3A_712 : memref<!tpu.dma_semaphore, #tpu.memory_space<semaphore_mem>>) {add = true}
        %dma_wait3A_719 = arith.constant 0 : i32
        %dma_wait3A_720 = tpu.memref_slice %arg6[%add3A_670, %run_scoped3A_671, %dma_wait3A_719] : memref<16x2x128xi32, #tpu.memory_space<vmem>> -> memref<1x1x128xi32, #tpu.memory_space<vmem>>
        %dma_wait3A_721 = tpu.memref_squeeze %dma_wait3A_720 : memref<1x1x128xi32, #tpu.memory_space<vmem>> -> memref<128xi32, #tpu.memory_space<vmem>>
        %dma_wait3A_722 = arith.constant 0 : i32
        %dma_wait3A_723 = arith.constant 0 : i32
        %dma_wait3A_724 = tpu.memref_slice %arg12[%dma_wait3A_722, %dma_wait3A_723] : memref<10008x104xf32, #tpu.memory_space<vmem_shared>> -> memref<10008x104xf32, #tpu.memory_space<vmem_shared>>
        tpu.wait_indirect_dma semaphore(%run_scoped3A_712 : memref<!tpu.dma_semaphore, #tpu.memory_space<semaphore_mem>>) src(%arg9 : memref<128x104xf32, #tpu.memory_space<vmem>>) dst(%dma_wait3A_724 : memref<10008x104xf32, #tpu.memory_space<vmem_shared>>)
        tpu.yield
      }) : () -> ()
      %add3A_672 = arith.constant 1 : i32
      %add3A_673 = arith.addi %add3A_626, %add3A_672 : i32
      %add3A_674 = arith.constant 4 : i32
      %add3A_675 = arith.addi %add3A_673, %add3A_674 : i32
      %lt3A_676 = arith.constant 16 : i32
      %lt3A_677 = arith.cmpi slt, %add3A_675, %lt3A_676 : i32
      %convert_element_type3A_678 = arith.extui %lt3A_677 : i1 to i32
      %cond3A_679 = arith.constant 0 : i32
      %cond3A_680 = arith.cmpi ne, %convert_element_type3A_678, %cond3A_679 : i32
      scf.if %cond3A_680 {
        %add3A_712 = arith.constant 1 : i32
        %add3A_713 = arith.addi %add3A_626, %add3A_712 : i32
        %add3A_714 = arith.constant 4 : i32
        %add3A_715 = arith.addi %add3A_713, %add3A_714 : i32
        %dma_start3A_716 = arith.constant 0 : i32
        %dma_start3A_717 = arith.constant 0 : i32
        %dma_start3A_718 = tpu.memref_slice %arg6[%add3A_715, %dma_start3A_716, %dma_start3A_717] : memref<16x2x128xi32, #tpu.memory_space<vmem>> -> memref<1x1x128xi32, #tpu.memory_space<vmem>>
        %dma_start3A_719 = tpu.memref_squeeze %dma_start3A_718 : memref<1x1x128xi32, #tpu.memory_space<vmem>> -> memref<128xi32, #tpu.memory_space<vmem>>
        %dma_start3A_720 = arith.constant 0 : i32
        %dma_start3A_721 = arith.constant 0 : i32
        %dma_start3A_722 = tpu.memref_slice %arg2[%arg0, %dma_start3A_720, %dma_start3A_721] : memref<2x10008x104xf32, #tpu.memory_space<hbm>> -> memref<1x10008x104xf32, #tpu.memory_space<hbm>>
        %dma_start3A_723 = tpu.memref_squeeze %dma_start3A_722 : memref<1x10008x104xf32, #tpu.memory_space<hbm>> -> memref<10008x104xf32, #tpu.memory_space<hbm>>
        %dma_start3A_724 = arith.constant 0 : i32
        %dma_start3A_725 = arith.constant 0 : i32
        %dma_start3A_726 = tpu.memref_slice %dma_start3A_723[%dma_start3A_724, %dma_start3A_725] : memref<10008x104xf32, #tpu.memory_space<hbm>> -> memref<10008x104xf32, #tpu.memory_space<hbm>>
        tpu.enqueue_indirect_dma source(%dma_start3A_726 : memref<10008x104xf32, #tpu.memory_space<hbm>>) target(%arg9 : memref<128x104xf32, #tpu.memory_space<vmem>>) offsets(%dma_start3A_719 : memref<128xi32, #tpu.memory_space<vmem>>) semaphore(%arg16 : memref<!tpu.dma_semaphore, #tpu.memory_space<semaphore_mem>>)
      } else {
      }
      %dma_wait3A_681 = arith.constant 0 : i32
      %dma_wait3A_682 = arith.constant 0 : i32
      %dma_wait3A_683 = tpu.memref_slice %arg2[%arg0, %dma_wait3A_681, %dma_wait3A_682] : memref<2x10008x104xf32, #tpu.memory_space<hbm>> -> memref<1x128x104xf32, #tpu.memory_space<hbm>>
      %dma_wait3A_684 = tpu.memref_squeeze %dma_wait3A_683 : memref<1x128x104xf32, #tpu.memory_space<hbm>> -> memref<128x104xf32, #tpu.memory_space<hbm>>
      %dma_wait3A_685 = arith.constant 0 : i32
      %dma_wait3A_686 = arith.constant 0 : i32
      %dma_wait3A_687 = tpu.memref_slice %arg2[%arg0, %dma_wait3A_685, %dma_wait3A_686] : memref<2x10008x104xf32, #tpu.memory_space<hbm>> -> memref<1x128x104xf32, #tpu.memory_space<hbm>>
      %dma_wait3A_688 = tpu.memref_squeeze %dma_wait3A_687 : memref<1x128x104xf32, #tpu.memory_space<hbm>> -> memref<128x104xf32, #tpu.memory_space<hbm>>
      tpu.wait_dma2 semaphore(%arg17 : memref<!tpu.dma_semaphore, #tpu.memory_space<semaphore_mem>>) src(%dma_wait3A_688 : memref<128x104xf32, #tpu.memory_space<hbm>>) dst(%arg10 : memref<128x104xf32, #tpu.memory_space<vmem>>)
      %add3A_689 = arith.constant 2 : i32
      %add3A_690 = arith.addi %add3A_626, %add3A_689 : i32
      %run_scoped3A_691 = arith.constant 1 : i32
      "tpu.region"() ({
        %run_scoped3A_712 = tpu.sem_alloc : memref<!tpu.dma_semaphore, #tpu.memory_space<semaphore_mem>>
        %dma_start3A_713 = arith.constant 0 : i32
        %dma_start3A_714 = tpu.memref_slice %arg6[%add3A_690, %run_scoped3A_691, %dma_start3A_713] : memref<16x2x128xi32, #tpu.memory_space<vmem>> -> memref<1x1x128xi32, #tpu.memory_space<vmem>>
        %dma_start3A_715 = tpu.memref_squeeze %dma_start3A_714 : memref<1x1x128xi32, #tpu.memory_space<vmem>> -> memref<128xi32, #tpu.memory_space<vmem>>
        %dma_start3A_716 = arith.constant 0 : i32
        %dma_start3A_717 = arith.constant 0 : i32
        %dma_start3A_718 = tpu.memref_slice %arg12[%dma_start3A_716, %dma_start3A_717] : memref<10008x104xf32, #tpu.memory_space<vmem_shared>> -> memref<10008x104xf32, #tpu.memory_space<vmem_shared>>
        tpu.enqueue_indirect_dma source(%arg10 : memref<128x104xf32, #tpu.memory_space<vmem>>) target(%dma_start3A_718 : memref<10008x104xf32, #tpu.memory_space<vmem_shared>>) offsets(%dma_start3A_715 : memref<128xi32, #tpu.memory_space<vmem>>) semaphore(%run_scoped3A_712 : memref<!tpu.dma_semaphore, #tpu.memory_space<semaphore_mem>>) {add = true}
        %dma_wait3A_719 = arith.constant 0 : i32
        %dma_wait3A_720 = tpu.memref_slice %arg6[%add3A_690, %run_scoped3A_691, %dma_wait3A_719] : memref<16x2x128xi32, #tpu.memory_space<vmem>> -> memref<1x1x128xi32, #tpu.memory_space<vmem>>
        %dma_wait3A_721 = tpu.memref_squeeze %dma_wait3A_720 : memref<1x1x128xi32, #tpu.memory_space<vmem>> -> memref<128xi32, #tpu.memory_space<vmem>>
        %dma_wait3A_722 = arith.constant 0 : i32
        %dma_wait3A_723 = arith.constant 0 : i32
        %dma_wait3A_724 = tpu.memref_slice %arg12[%dma_wait3A_722, %dma_wait3A_723] : memref<10008x104xf32, #tpu.memory_space<vmem_shared>> -> memref<10008x104xf32, #tpu.memory_space<vmem_shared>>
        tpu.wait_indirect_dma semaphore(%run_scoped3A_712 : memref<!tpu.dma_semaphore, #tpu.memory_space<semaphore_mem>>) src(%arg10 : memref<128x104xf32, #tpu.memory_space<vmem>>) dst(%dma_wait3A_724 : memref<10008x104xf32, #tpu.memory_space<vmem_shared>>)
        tpu.yield
      }) : () -> ()
      %add3A_692 = arith.constant 2 : i32
      %add3A_693 = arith.addi %add3A_626, %add3A_692 : i32
      %add3A_694 = arith.constant 4 : i32
      %add3A_695 = arith.addi %add3A_693, %add3A_694 : i32
      %lt3A_696 = arith.constant 16 : i32
      %lt3A_697 = arith.cmpi slt, %add3A_695, %lt3A_696 : i32
      %convert_element_type3A_698 = arith.extui %lt3A_697 : i1 to i32
      %cond3A_699 = arith.constant 0 : i32
      %cond3A_700 = arith.cmpi ne, %convert_element_type3A_698, %cond3A_699 : i32
      scf.if %cond3A_700 {
        %add3A_712 = arith.constant 2 : i32
        %add3A_713 = arith.addi %add3A_626, %add3A_712 : i32
        %add3A_714 = arith.constant 4 : i32
        %add3A_715 = arith.addi %add3A_713, %add3A_714 : i32
        %dma_start3A_716 = arith.constant 0 : i32
        %dma_start3A_717 = arith.constant 0 : i32
        %dma_start3A_718 = tpu.memref_slice %arg6[%add3A_715, %dma_start3A_716, %dma_start3A_717] : memref<16x2x128xi32, #tpu.memory_space<vmem>> -> memref<1x1x128xi32, #tpu.memory_space<vmem>>
        %dma_start3A_719 = tpu.memref_squeeze %dma_start3A_718 : memref<1x1x128xi32, #tpu.memory_space<vmem>> -> memref<128xi32, #tpu.memory_space<vmem>>
        %dma_start3A_720 = arith.constant 0 : i32
        %dma_start3A_721 = arith.constant 0 : i32
        %dma_start3A_722 = tpu.memref_slice %arg2[%arg0, %dma_start3A_720, %dma_start3A_721] : memref<2x10008x104xf32, #tpu.memory_space<hbm>> -> memref<1x10008x104xf32, #tpu.memory_space<hbm>>
        %dma_start3A_723 = tpu.memref_squeeze %dma_start3A_722 : memref<1x10008x104xf32, #tpu.memory_space<hbm>> -> memref<10008x104xf32, #tpu.memory_space<hbm>>
        %dma_start3A_724 = arith.constant 0 : i32
        %dma_start3A_725 = arith.constant 0 : i32
        %dma_start3A_726 = tpu.memref_slice %dma_start3A_723[%dma_start3A_724, %dma_start3A_725] : memref<10008x104xf32, #tpu.memory_space<hbm>> -> memref<10008x104xf32, #tpu.memory_space<hbm>>
        tpu.enqueue_indirect_dma source(%dma_start3A_726 : memref<10008x104xf32, #tpu.memory_space<hbm>>) target(%arg10 : memref<128x104xf32, #tpu.memory_space<vmem>>) offsets(%dma_start3A_719 : memref<128xi32, #tpu.memory_space<vmem>>) semaphore(%arg17 : memref<!tpu.dma_semaphore, #tpu.memory_space<semaphore_mem>>)
      } else {
      }
      %dma_wait3A_701 = arith.constant 0 : i32
      %dma_wait3A_702 = arith.constant 0 : i32
      %dma_wait3A_703 = tpu.memref_slice %arg2[%arg0, %dma_wait3A_701, %dma_wait3A_702] : memref<2x10008x104xf32, #tpu.memory_space<hbm>> -> memref<1x128x104xf32, #tpu.memory_space<hbm>>
      %dma_wait3A_704 = tpu.memref_squeeze %dma_wait3A_703 : memref<1x128x104xf32, #tpu.memory_space<hbm>> -> memref<128x104xf32, #tpu.memory_space<hbm>>
      %dma_wait3A_705 = arith.constant 0 : i32
      %dma_wait3A_706 = arith.constant 0 : i32
      %dma_wait3A_707 = tpu.memref_slice %arg2[%arg0, %dma_wait3A_705, %dma_wait3A_706] : memref<2x10008x104xf32, #tpu.memory_space<hbm>> -> memref<1x128x104xf32, #tpu.memory_space<hbm>>
      %dma_wait3A_708 = tpu.memref_squeeze %dma_wait3A_707 : memref<1x128x104xf32, #tpu.memory_space<hbm>> -> memref<128x104xf32, #tpu.memory_space<hbm>>
      tpu.wait_dma2 semaphore(%arg18 : memref<!tpu.dma_semaphore, #tpu.memory_space<semaphore_mem>>) src(%dma_wait3A_708 : memref<128x104xf32, #tpu.memory_space<hbm>>) dst(%arg11 : memref<128x104xf32, #tpu.memory_space<vmem>>)
      %add3A_709 = arith.constant 3 : i32
      %add3A_710 = arith.addi %add3A_626, %add3A_709 : i32
      %run_scoped3A_711 = arith.constant 1 : i32
      "tpu.region"() ({
        %run_scoped3A_712 = tpu.sem_alloc : memref<!tpu.dma_semaphore, #tpu.memory_space<semaphore_mem>>
        %dma_start3A_713 = arith.constant 0 : i32
        %dma_start3A_714 = tpu.memref_slice %arg6[%add3A_710, %run_scoped3A_711, %dma_start3A_713] : memref<16x2x128xi32, #tpu.memory_space<vmem>> -> memref<1x1x128xi32, #tpu.memory_space<vmem>>
        %dma_start3A_715 = tpu.memref_squeeze %dma_start3A_714 : memref<1x1x128xi32, #tpu.memory_space<vmem>> -> memref<128xi32, #tpu.memory_space<vmem>>
        %dma_start3A_716 = arith.constant 0 : i32
        %dma_start3A_717 = arith.constant 0 : i32
        %dma_start3A_718 = tpu.memref_slice %arg12[%dma_start3A_716, %dma_start3A_717] : memref<10008x104xf32, #tpu.memory_space<vmem_shared>> -> memref<10008x104xf32, #tpu.memory_space<vmem_shared>>
        tpu.enqueue_indirect_dma source(%arg11 : memref<128x104xf32, #tpu.memory_space<vmem>>) target(%dma_start3A_718 : memref<10008x104xf32, #tpu.memory_space<vmem_shared>>) offsets(%dma_start3A_715 : memref<128xi32, #tpu.memory_space<vmem>>) semaphore(%run_scoped3A_712 : memref<!tpu.dma_semaphore, #tpu.memory_space<semaphore_mem>>) {add = true}
        %dma_wait3A_719 = arith.constant 0 : i32
        %dma_wait3A_720 = tpu.memref_slice %arg6[%add3A_710, %run_scoped3A_711, %dma_wait3A_719] : memref<16x2x128xi32, #tpu.memory_space<vmem>> -> memref<1x1x128xi32, #tpu.memory_space<vmem>>
        %dma_wait3A_721 = tpu.memref_squeeze %dma_wait3A_720 : memref<1x1x128xi32, #tpu.memory_space<vmem>> -> memref<128xi32, #tpu.memory_space<vmem>>
        %dma_wait3A_722 = arith.constant 0 : i32
        %dma_wait3A_723 = arith.constant 0 : i32
        %dma_wait3A_724 = tpu.memref_slice %arg12[%dma_wait3A_722, %dma_wait3A_723] : memref<10008x104xf32, #tpu.memory_space<vmem_shared>> -> memref<10008x104xf32, #tpu.memory_space<vmem_shared>>
        tpu.wait_indirect_dma semaphore(%run_scoped3A_712 : memref<!tpu.dma_semaphore, #tpu.memory_space<semaphore_mem>>) src(%arg11 : memref<128x104xf32, #tpu.memory_space<vmem>>) dst(%dma_wait3A_724 : memref<10008x104xf32, #tpu.memory_space<vmem_shared>>)
        tpu.yield
      }) : () -> ()
    }
    %scan3A_559 = arith.constant 4 : i32
    %dma_wait3A_560 = arith.constant 0 : i32
    %dma_wait3A_561 = arith.constant 0 : i32
    %dma_wait3A_562 = arith.constant 0 : i32
    %dma_wait3A_563 = arith.constant 0 : i32
    %dma_wait3A_564 = tpu.memref_slice %arg3[%arg1, %dma_wait3A_560, %dma_wait3A_561, %dma_wait3A_562, %dma_wait3A_563] : memref<16x10x16x2x128xi32, #tpu.memory_space<hbm>> -> memref<1x1x16x2x128xi32, #tpu.memory_space<hbm>>
    %dma_wait3A_565 = tpu.memref_squeeze %dma_wait3A_564 : memref<1x1x16x2x128xi32, #tpu.memory_space<hbm>> -> memref<16x2x128xi32, #tpu.memory_space<hbm>>
    %dma_wait3A_566 = arith.constant 0 : i32
    %dma_wait3A_567 = arith.constant 0 : i32
    %dma_wait3A_568 = arith.constant 0 : i32
    %dma_wait3A_569 = tpu.memref_slice %arg3[%arg1, %dma_wait3A_560, %dma_wait3A_566, %dma_wait3A_567, %dma_wait3A_568] : memref<16x10x16x2x128xi32, #tpu.memory_space<hbm>> -> memref<1x1x16x2x128xi32, #tpu.memory_space<hbm>>
    %dma_wait3A_570 = tpu.memref_squeeze %dma_wait3A_569 : memref<1x1x16x2x128xi32, #tpu.memory_space<hbm>> -> memref<16x2x128xi32, #tpu.memory_space<hbm>>
    tpu.wait_dma2 semaphore(%arg14 : memref<!tpu.dma_semaphore, #tpu.memory_space<semaphore_mem>>) src(%dma_wait3A_570 : memref<16x2x128xi32, #tpu.memory_space<hbm>>) dst(%arg7 : memref<16x2x128xi32, #tpu.memory_space<vmem>>)
    %dma_start3A_571 = arith.constant 0 : i32
    %dma_start3A_572 = arith.constant 0 : i32
    %dma_start3A_573 = arith.constant 0 : i32
    %dma_start3A_574 = tpu.memref_slice %arg7[%dma_start3A_571, %dma_start3A_572, %dma_start3A_573] : memref<16x2x128xi32, #tpu.memory_space<vmem>> -> memref<1x1x128xi32, #tpu.memory_space<vmem>>
    %dma_start3A_575 = tpu.memref_squeeze %dma_start3A_574 : memref<1x1x128xi32, #tpu.memory_space<vmem>> -> memref<128xi32, #tpu.memory_space<vmem>>
    %dma_start3A_576 = arith.constant 0 : i32
    %dma_start3A_577 = arith.constant 0 : i32
    %dma_start3A_578 = tpu.memref_slice %arg2[%arg0, %dma_start3A_576, %dma_start3A_577] : memref<2x10008x104xf32, #tpu.memory_space<hbm>> -> memref<1x10008x104xf32, #tpu.memory_space<hbm>>
    %dma_start3A_579 = tpu.memref_squeeze %dma_start3A_578 : memref<1x10008x104xf32, #tpu.memory_space<hbm>> -> memref<10008x104xf32, #tpu.memory_space<hbm>>
    %dma_start3A_580 = arith.constant 0 : i32
    %dma_start3A_581 = arith.constant 0 : i32
    %dma_start3A_582 = tpu.memref_slice %dma_start3A_579[%dma_start3A_580, %dma_start3A_581] : memref<10008x104xf32, #tpu.memory_space<hbm>> -> memref<10008x104xf32, #tpu.memory_space<hbm>>
    tpu.enqueue_indirect_dma source(%dma_start3A_582 : memref<10008x104xf32, #tpu.memory_space<hbm>>) target(%arg8 : memref<128x104xf32, #tpu.memory_space<vmem>>) offsets(%dma_start3A_575 : memref<128xi32, #tpu.memory_space<vmem>>) semaphore(%arg15 : memref<!tpu.dma_semaphore, #tpu.memory_space<semaphore_mem>>)
    %dma_start3A_583 = arith.constant 1 : i32
    %dma_start3A_584 = arith.constant 0 : i32
    %dma_start3A_585 = arith.constant 0 : i32
    %dma_start3A_586 = tpu.memref_slice %arg7[%dma_start3A_583, %dma_start3A_584, %dma_start3A_585] : memref<16x2x128xi32, #tpu.memory_space<vmem>> -> memref<1x1x128xi32, #tpu.memory_space<vmem>>
    %dma_start3A_587 = tpu.memref_squeeze %dma_start3A_586 : memref<1x1x128xi32, #tpu.memory_space<vmem>> -> memref<128xi32, #tpu.memory_space<vmem>>
    %dma_start3A_588 = arith.constant 0 : i32
    %dma_start3A_589 = arith.constant 0 : i32
    %dma_start3A_590 = tpu.memref_slice %arg2[%arg0, %dma_start3A_588, %dma_start3A_589] : memref<2x10008x104xf32, #tpu.memory_space<hbm>> -> memref<1x10008x104xf32, #tpu.memory_space<hbm>>
    %dma_start3A_591 = tpu.memref_squeeze %dma_start3A_590 : memref<1x10008x104xf32, #tpu.memory_space<hbm>> -> memref<10008x104xf32, #tpu.memory_space<hbm>>
    %dma_start3A_592 = arith.constant 0 : i32
    %dma_start3A_593 = arith.constant 0 : i32
    %dma_start3A_594 = tpu.memref_slice %dma_start3A_591[%dma_start3A_592, %dma_start3A_593] : memref<10008x104xf32, #tpu.memory_space<hbm>> -> memref<10008x104xf32, #tpu.memory_space<hbm>>
    tpu.enqueue_indirect_dma source(%dma_start3A_594 : memref<10008x104xf32, #tpu.memory_space<hbm>>) target(%arg9 : memref<128x104xf32, #tpu.memory_space<vmem>>) offsets(%dma_start3A_587 : memref<128xi32, #tpu.memory_space<vmem>>) semaphore(%arg16 : memref<!tpu.dma_semaphore, #tpu.memory_space<semaphore_mem>>)
    %dma_start3A_595 = arith.constant 2 : i32
    %dma_start3A_596 = arith.constant 0 : i32
    %dma_start3A_597 = arith.constant 0 : i32
    %dma_start3A_598 = tpu.memref_slice %arg7[%dma_start3A_595, %dma_start3A_596, %dma_start3A_597] : memref<16x2x128xi32, #tpu.memory_space<vmem>> -> memref<1x1x128xi32, #tpu.memory_space<vmem>>
    %dma_start3A_599 = tpu.memref_squeeze %dma_start3A_598 : memref<1x1x128xi32, #tpu.memory_space<vmem>> -> memref<128xi32, #tpu.memory_space<vmem>>
    %dma_start3A_600 = arith.constant 0 : i32
    %dma_start3A_601 = arith.constant 0 : i32
    %dma_start3A_602 = tpu.memref_slice %arg2[%arg0, %dma_start3A_600, %dma_start3A_601] : memref<2x10008x104xf32, #tpu.memory_space<hbm>> -> memref<1x10008x104xf32, #tpu.memory_space<hbm>>
    %dma_start3A_603 = tpu.memref_squeeze %dma_start3A_602 : memref<1x10008x104xf32, #tpu.memory_space<hbm>> -> memref<10008x104xf32, #tpu.memory_space<hbm>>
    %dma_start3A_604 = arith.constant 0 : i32
    %dma_start3A_605 = arith.constant 0 : i32
    %dma_start3A_606 = tpu.memref_slice %dma_start3A_603[%dma_start3A_604, %dma_start3A_605] : memref<10008x104xf32, #tpu.memory_space<hbm>> -> memref<10008x104xf32, #tpu.memory_space<hbm>>
    tpu.enqueue_indirect_dma source(%dma_start3A_606 : memref<10008x104xf32, #tpu.memory_space<hbm>>) target(%arg10 : memref<128x104xf32, #tpu.memory_space<vmem>>) offsets(%dma_start3A_599 : memref<128xi32, #tpu.memory_space<vmem>>) semaphore(%arg17 : memref<!tpu.dma_semaphore, #tpu.memory_space<semaphore_mem>>)
    %scan3A_607 = arith.constant 0 : i32
    %scan3A_608 = arith.constant 4 : i32
    %scan3A_609 = arith.addi %scan3A_607, %scan3A_608 : i32
    %scan3A_610 = arith.constant 1 : i32
    scf.for %scan3A_623 = %scan3A_607 to %scan3A_609 step %scan3A_610  : i32 {
      %mul3A_624 = arith.constant 4 : i32
      %mul3A_625 = arith.muli %scan3A_623, %mul3A_624 : i32
      %add3A = arith.constant 0 : i32
      %add3A_626 = arith.addi %add3A, %mul3A_625 : i32
      %add3A_627 = arith.constant 4 : i32
      %add3A_628 = arith.addi %add3A_626, %add3A_627 : i32
      %sub3A = arith.constant 1 : i32
      %sub3A_629 = arith.subi %add3A_628, %sub3A : i32
      %dma_start3A_630 = arith.constant 0 : i32
      %dma_start3A_631 = arith.constant 0 : i32
      %dma_start3A_632 = tpu.memref_slice %arg7[%sub3A_629, %dma_start3A_630, %dma_start3A_631] : memref<16x2x128xi32, #tpu.memory_space<vmem>> -> memref<1x1x128xi32, #tpu.memory_space<vmem>>
      %dma_start3A_633 = tpu.memref_squeeze %dma_start3A_632 : memref<1x1x128xi32, #tpu.memory_space<vmem>> -> memref<128xi32, #tpu.memory_space<vmem>>
      %dma_start3A_634 = arith.constant 0 : i32
      %dma_start3A_635 = arith.constant 0 : i32
      %dma_start3A_636 = tpu.memref_slice %arg2[%arg0, %dma_start3A_634, %dma_start3A_635] : memref<2x10008x104xf32, #tpu.memory_space<hbm>> -> memref<1x10008x104xf32, #tpu.memory_space<hbm>>
      %dma_start3A_637 = tpu.memref_squeeze %dma_start3A_636 : memref<1x10008x104xf32, #tpu.memory_space<hbm>> -> memref<10008x104xf32, #tpu.memory_space<hbm>>
      %dma_start3A_638 = arith.constant 0 : i32
      %dma_start3A_639 = arith.constant 0 : i32
      %dma_start3A_640 = tpu.memref_slice %dma_start3A_637[%dma_start3A_638, %dma_start3A_639] : memref<10008x104xf32, #tpu.memory_space<hbm>> -> memref<10008x104xf32, #tpu.memory_space<hbm>>
      tpu.enqueue_indirect_dma source(%dma_start3A_640 : memref<10008x104xf32, #tpu.memory_space<hbm>>) target(%arg11 : memref<128x104xf32, #tpu.memory_space<vmem>>) offsets(%dma_start3A_633 : memref<128xi32, #tpu.memory_space<vmem>>) semaphore(%arg18 : memref<!tpu.dma_semaphore, #tpu.memory_space<semaphore_mem>>)
      %dma_wait3A_641 = arith.constant 0 : i32
      %dma_wait3A_642 = arith.constant 0 : i32
      %dma_wait3A_643 = tpu.memref_slice %arg2[%arg0, %dma_wait3A_641, %dma_wait3A_642] : memref<2x10008x104xf32, #tpu.memory_space<hbm>> -> memref<1x128x104xf32, #tpu.memory_space<hbm>>
      %dma_wait3A_644 = tpu.memref_squeeze %dma_wait3A_643 : memref<1x128x104xf32, #tpu.memory_space<hbm>> -> memref<128x104xf32, #tpu.memory_space<hbm>>
      %dma_wait3A_645 = arith.constant 0 : i32
      %dma_wait3A_646 = arith.constant 0 : i32
      %dma_wait3A_647 = tpu.memref_slice %arg2[%arg0, %dma_wait3A_645, %dma_wait3A_646] : memref<2x10008x104xf32, #tpu.memory_space<hbm>> -> memref<1x128x104xf32, #tpu.memory_space<hbm>>
      %dma_wait3A_648 = tpu.memref_squeeze %dma_wait3A_647 : memref<1x128x104xf32, #tpu.memory_space<hbm>> -> memref<128x104xf32, #tpu.memory_space<hbm>>
      tpu.wait_dma2 semaphore(%arg15 : memref<!tpu.dma_semaphore, #tpu.memory_space<semaphore_mem>>) src(%dma_wait3A_648 : memref<128x104xf32, #tpu.memory_space<hbm>>) dst(%arg8 : memref<128x104xf32, #tpu.memory_space<vmem>>)
      %add3A_649 = arith.constant 0 : i32
      %add3A_650 = arith.addi %add3A_626, %add3A_649 : i32
      %run_scoped3A_651 = arith.constant 1 : i32
      "tpu.region"() ({
        %run_scoped3A_712 = tpu.sem_alloc : memref<!tpu.dma_semaphore, #tpu.memory_space<semaphore_mem>>
        %dma_start3A_713 = arith.constant 0 : i32
        %dma_start3A_714 = tpu.memref_slice %arg7[%add3A_650, %run_scoped3A_651, %dma_start3A_713] : memref<16x2x128xi32, #tpu.memory_space<vmem>> -> memref<1x1x128xi32, #tpu.memory_space<vmem>>
        %dma_start3A_715 = tpu.memref_squeeze %dma_start3A_714 : memref<1x1x128xi32, #tpu.memory_space<vmem>> -> memref<128xi32, #tpu.memory_space<vmem>>
        %dma_start3A_716 = arith.constant 0 : i32
        %dma_start3A_717 = arith.constant 0 : i32
        %dma_start3A_718 = tpu.memref_slice %arg12[%dma_start3A_716, %dma_start3A_717] : memref<10008x104xf32, #tpu.memory_space<vmem_shared>> -> memref<10008x104xf32, #tpu.memory_space<vmem_shared>>
        tpu.enqueue_indirect_dma source(%arg8 : memref<128x104xf32, #tpu.memory_space<vmem>>) target(%dma_start3A_718 : memref<10008x104xf32, #tpu.memory_space<vmem_shared>>) offsets(%dma_start3A_715 : memref<128xi32, #tpu.memory_space<vmem>>) semaphore(%run_scoped3A_712 : memref<!tpu.dma_semaphore, #tpu.memory_space<semaphore_mem>>) {add = true}
        %dma_wait3A_719 = arith.constant 0 : i32
        %dma_wait3A_720 = tpu.memref_slice %arg7[%add3A_650, %run_scoped3A_651, %dma_wait3A_719] : memref<16x2x128xi32, #tpu.memory_space<vmem>> -> memref<1x1x128xi32, #tpu.memory_space<vmem>>
        %dma_wait3A_721 = tpu.memref_squeeze %dma_wait3A_720 : memref<1x1x128xi32, #tpu.memory_space<vmem>> -> memref<128xi32, #tpu.memory_space<vmem>>
        %dma_wait3A_722 = arith.constant 0 : i32
        %dma_wait3A_723 = arith.constant 0 : i32
        %dma_wait3A_724 = tpu.memref_slice %arg12[%dma_wait3A_722, %dma_wait3A_723] : memref<10008x104xf32, #tpu.memory_space<vmem_shared>> -> memref<10008x104xf32, #tpu.memory_space<vmem_shared>>
        tpu.wait_indirect_dma semaphore(%run_scoped3A_712 : memref<!tpu.dma_semaphore, #tpu.memory_space<semaphore_mem>>) src(%arg8 : memref<128x104xf32, #tpu.memory_space<vmem>>) dst(%dma_wait3A_724 : memref<10008x104xf32, #tpu.memory_space<vmem_shared>>)
        tpu.yield
      }) : () -> ()
      %add3A_652 = arith.constant 0 : i32
      %add3A_653 = arith.addi %add3A_626, %add3A_652 : i32
      %add3A_654 = arith.constant 4 : i32
      %add3A_655 = arith.addi %add3A_653, %add3A_654 : i32
      %lt3A_656 = arith.constant 16 : i32
      %lt3A_657 = arith.cmpi slt, %add3A_655, %lt3A_656 : i32
      %convert_element_type3A_658 = arith.extui %lt3A_657 : i1 to i32
      %cond3A_659 = arith.constant 0 : i32
      %cond3A_660 = arith.cmpi ne, %convert_element_type3A_658, %cond3A_659 : i32
      scf.if %cond3A_660 {
        %add3A_712 = arith.constant 0 : i32
        %add3A_713 = arith.addi %add3A_626, %add3A_712 : i32
        %add3A_714 = arith.constant 4 : i32
        %add3A_715 = arith.addi %add3A_713, %add3A_714 : i32
        %dma_start3A_716 = arith.constant 0 : i32
        %dma_start3A_717 = arith.constant 0 : i32
        %dma_start3A_718 = tpu.memref_slice %arg7[%add3A_715, %dma_start3A_716, %dma_start3A_717] : memref<16x2x128xi32, #tpu.memory_space<vmem>> -> memref<1x1x128xi32, #tpu.memory_space<vmem>>
        %dma_start3A_719 = tpu.memref_squeeze %dma_start3A_718 : memref<1x1x128xi32, #tpu.memory_space<vmem>> -> memref<128xi32, #tpu.memory_space<vmem>>
        %dma_start3A_720 = arith.constant 0 : i32
        %dma_start3A_721 = arith.constant 0 : i32
        %dma_start3A_722 = tpu.memref_slice %arg2[%arg0, %dma_start3A_720, %dma_start3A_721] : memref<2x10008x104xf32, #tpu.memory_space<hbm>> -> memref<1x10008x104xf32, #tpu.memory_space<hbm>>
        %dma_start3A_723 = tpu.memref_squeeze %dma_start3A_722 : memref<1x10008x104xf32, #tpu.memory_space<hbm>> -> memref<10008x104xf32, #tpu.memory_space<hbm>>
        %dma_start3A_724 = arith.constant 0 : i32
        %dma_start3A_725 = arith.constant 0 : i32
        %dma_start3A_726 = tpu.memref_slice %dma_start3A_723[%dma_start3A_724, %dma_start3A_725] : memref<10008x104xf32, #tpu.memory_space<hbm>> -> memref<10008x104xf32, #tpu.memory_space<hbm>>
        tpu.enqueue_indirect_dma source(%dma_start3A_726 : memref<10008x104xf32, #tpu.memory_space<hbm>>) target(%arg8 : memref<128x104xf32, #tpu.memory_space<vmem>>) offsets(%dma_start3A_719 : memref<128xi32, #tpu.memory_space<vmem>>) semaphore(%arg15 : memref<!tpu.dma_semaphore, #tpu.memory_space<semaphore_mem>>)
      } else {
      }
      %dma_wait3A_661 = arith.constant 0 : i32
      %dma_wait3A_662 = arith.constant 0 : i32
      %dma_wait3A_663 = tpu.memref_slice %arg2[%arg0, %dma_wait3A_661, %dma_wait3A_662] : memref<2x10008x104xf32, #tpu.memory_space<hbm>> -> memref<1x128x104xf32, #tpu.memory_space<hbm>>
      %dma_wait3A_664 = tpu.memref_squeeze %dma_wait3A_663 : memref<1x128x104xf32, #tpu.memory_space<hbm>> -> memref<128x104xf32, #tpu.memory_space<hbm>>
      %dma_wait3A_665 = arith.constant 0 : i32
      %dma_wait3A_666 = arith.constant 0 : i32
      %dma_wait3A_667 = tpu.memref_slice %arg2[%arg0, %dma_wait3A_665, %dma_wait3A_666] : memref<2x10008x104xf32, #tpu.memory_space<hbm>> -> memref<1x128x104xf32, #tpu.memory_space<hbm>>
      %dma_wait3A_668 = tpu.memref_squeeze %dma_wait3A_667 : memref<1x128x104xf32, #tpu.memory_space<hbm>> -> memref<128x104xf32, #tpu.memory_space<hbm>>
      tpu.wait_dma2 semaphore(%arg16 : memref<!tpu.dma_semaphore, #tpu.memory_space<semaphore_mem>>) src(%dma_wait3A_668 : memref<128x104xf32, #tpu.memory_space<hbm>>) dst(%arg9 : memref<128x104xf32, #tpu.memory_space<vmem>>)
      %add3A_669 = arith.constant 1 : i32
      %add3A_670 = arith.addi %add3A_626, %add3A_669 : i32
      %run_scoped3A_671 = arith.constant 1 : i32
      "tpu.region"() ({
        %run_scoped3A_712 = tpu.sem_alloc : memref<!tpu.dma_semaphore, #tpu.memory_space<semaphore_mem>>
        %dma_start3A_713 = arith.constant 0 : i32
        %dma_start3A_714 = tpu.memref_slice %arg7[%add3A_670, %run_scoped3A_671, %dma_start3A_713] : memref<16x2x128xi32, #tpu.memory_space<vmem>> -> memref<1x1x128xi32, #tpu.memory_space<vmem>>
        %dma_start3A_715 = tpu.memref_squeeze %dma_start3A_714 : memref<1x1x128xi32, #tpu.memory_space<vmem>> -> memref<128xi32, #tpu.memory_space<vmem>>
        %dma_start3A_716 = arith.constant 0 : i32
        %dma_start3A_717 = arith.constant 0 : i32
        %dma_start3A_718 = tpu.memref_slice %arg12[%dma_start3A_716, %dma_start3A_717] : memref<10008x104xf32, #tpu.memory_space<vmem_shared>> -> memref<10008x104xf32, #tpu.memory_space<vmem_shared>>
        tpu.enqueue_indirect_dma source(%arg9 : memref<128x104xf32, #tpu.memory_space<vmem>>) target(%dma_start3A_718 : memref<10008x104xf32, #tpu.memory_space<vmem_shared>>) offsets(%dma_start3A_715 : memref<128xi32, #tpu.memory_space<vmem>>) semaphore(%run_scoped3A_712 : memref<!tpu.dma_semaphore, #tpu.memory_space<semaphore_mem>>) {add = true}
        %dma_wait3A_719 = arith.constant 0 : i32
        %dma_wait3A_720 = tpu.memref_slice %arg7[%add3A_670, %run_scoped3A_671, %dma_wait3A_719] : memref<16x2x128xi32, #tpu.memory_space<vmem>> -> memref<1x1x128xi32, #tpu.memory_space<vmem>>
        %dma_wait3A_721 = tpu.memref_squeeze %dma_wait3A_720 : memref<1x1x128xi32, #tpu.memory_space<vmem>> -> memref<128xi32, #tpu.memory_space<vmem>>
        %dma_wait3A_722 = arith.constant 0 : i32
        %dma_wait3A_723 = arith.constant 0 : i32
        %dma_wait3A_724 = tpu.memref_slice %arg12[%dma_wait3A_722, %dma_wait3A_723] : memref<10008x104xf32, #tpu.memory_space<vmem_shared>> -> memref<10008x104xf32, #tpu.memory_space<vmem_shared>>
        tpu.wait_indirect_dma semaphore(%run_scoped3A_712 : memref<!tpu.dma_semaphore, #tpu.memory_space<semaphore_mem>>) src(%arg9 : memref<128x104xf32, #tpu.memory_space<vmem>>) dst(%dma_wait3A_724 : memref<10008x104xf32, #tpu.memory_space<vmem_shared>>)
        tpu.yield
      }) : () -> ()
      %add3A_672 = arith.constant 1 : i32
      %add3A_673 = arith.addi %add3A_626, %add3A_672 : i32
      %add3A_674 = arith.constant 4 : i32
      %add3A_675 = arith.addi %add3A_673, %add3A_674 : i32
      %lt3A_676 = arith.constant 16 : i32
      %lt3A_677 = arith.cmpi slt, %add3A_675, %lt3A_676 : i32
      %convert_element_type3A_678 = arith.extui %lt3A_677 : i1 to i32
      %cond3A_679 = arith.constant 0 : i32
      %cond3A_680 = arith.cmpi ne, %convert_element_type3A_678, %cond3A_679 : i32
      scf.if %cond3A_680 {
        %add3A_712 = arith.constant 1 : i32
        %add3A_713 = arith.addi %add3A_626, %add3A_712 : i32
        %add3A_714 = arith.constant 4 : i32
        %add3A_715 = arith.addi %add3A_713, %add3A_714 : i32
        %dma_start3A_716 = arith.constant 0 : i32
        %dma_start3A_717 = arith.constant 0 : i32
        %dma_start3A_718 = tpu.memref_slice %arg7[%add3A_715, %dma_start3A_716, %dma_start3A_717] : memref<16x2x128xi32, #tpu.memory_space<vmem>> -> memref<1x1x128xi32, #tpu.memory_space<vmem>>
        %dma_start3A_719 = tpu.memref_squeeze %dma_start3A_718 : memref<1x1x128xi32, #tpu.memory_space<vmem>> -> memref<128xi32, #tpu.memory_space<vmem>>
        %dma_start3A_720 = arith.constant 0 : i32
        %dma_start3A_721 = arith.constant 0 : i32
        %dma_start3A_722 = tpu.memref_slice %arg2[%arg0, %dma_start3A_720, %dma_start3A_721] : memref<2x10008x104xf32, #tpu.memory_space<hbm>> -> memref<1x10008x104xf32, #tpu.memory_space<hbm>>
        %dma_start3A_723 = tpu.memref_squeeze %dma_start3A_722 : memref<1x10008x104xf32, #tpu.memory_space<hbm>> -> memref<10008x104xf32, #tpu.memory_space<hbm>>
        %dma_start3A_724 = arith.constant 0 : i32
        %dma_start3A_725 = arith.constant 0 : i32
        %dma_start3A_726 = tpu.memref_slice %dma_start3A_723[%dma_start3A_724, %dma_start3A_725] : memref<10008x104xf32, #tpu.memory_space<hbm>> -> memref<10008x104xf32, #tpu.memory_space<hbm>>
        tpu.enqueue_indirect_dma source(%dma_start3A_726 : memref<10008x104xf32, #tpu.memory_space<hbm>>) target(%arg9 : memref<128x104xf32, #tpu.memory_space<vmem>>) offsets(%dma_start3A_719 : memref<128xi32, #tpu.memory_space<vmem>>) semaphore(%arg16 : memref<!tpu.dma_semaphore, #tpu.memory_space<semaphore_mem>>)
      } else {
      }
      %dma_wait3A_681 = arith.constant 0 : i32
      %dma_wait3A_682 = arith.constant 0 : i32
      %dma_wait3A_683 = tpu.memref_slice %arg2[%arg0, %dma_wait3A_681, %dma_wait3A_682] : memref<2x10008x104xf32, #tpu.memory_space<hbm>> -> memref<1x128x104xf32, #tpu.memory_space<hbm>>
      %dma_wait3A_684 = tpu.memref_squeeze %dma_wait3A_683 : memref<1x128x104xf32, #tpu.memory_space<hbm>> -> memref<128x104xf32, #tpu.memory_space<hbm>>
      %dma_wait3A_685 = arith.constant 0 : i32
      %dma_wait3A_686 = arith.constant 0 : i32
      %dma_wait3A_687 = tpu.memref_slice %arg2[%arg0, %dma_wait3A_685, %dma_wait3A_686] : memref<2x10008x104xf32, #tpu.memory_space<hbm>> -> memref<1x128x104xf32, #tpu.memory_space<hbm>>
      %dma_wait3A_688 = tpu.memref_squeeze %dma_wait3A_687 : memref<1x128x104xf32, #tpu.memory_space<hbm>> -> memref<128x104xf32, #tpu.memory_space<hbm>>
      tpu.wait_dma2 semaphore(%arg17 : memref<!tpu.dma_semaphore, #tpu.memory_space<semaphore_mem>>) src(%dma_wait3A_688 : memref<128x104xf32, #tpu.memory_space<hbm>>) dst(%arg10 : memref<128x104xf32, #tpu.memory_space<vmem>>)
      %add3A_689 = arith.constant 2 : i32
      %add3A_690 = arith.addi %add3A_626, %add3A_689 : i32
      %run_scoped3A_691 = arith.constant 1 : i32
      "tpu.region"() ({
        %run_scoped3A_712 = tpu.sem_alloc : memref<!tpu.dma_semaphore, #tpu.memory_space<semaphore_mem>>
        %dma_start3A_713 = arith.constant 0 : i32
        %dma_start3A_714 = tpu.memref_slice %arg7[%add3A_690, %run_scoped3A_691, %dma_start3A_713] : memref<16x2x128xi32, #tpu.memory_space<vmem>> -> memref<1x1x128xi32, #tpu.memory_space<vmem>>
        %dma_start3A_715 = tpu.memref_squeeze %dma_start3A_714 : memref<1x1x128xi32, #tpu.memory_space<vmem>> -> memref<128xi32, #tpu.memory_space<vmem>>
        %dma_start3A_716 = arith.constant 0 : i32
        %dma_start3A_717 = arith.constant 0 : i32
        %dma_start3A_718 = tpu.memref_slice %arg12[%dma_start3A_716, %dma_start3A_717] : memref<10008x104xf32, #tpu.memory_space<vmem_shared>> -> memref<10008x104xf32, #tpu.memory_space<vmem_shared>>
        tpu.enqueue_indirect_dma source(%arg10 : memref<128x104xf32, #tpu.memory_space<vmem>>) target(%dma_start3A_718 : memref<10008x104xf32, #tpu.memory_space<vmem_shared>>) offsets(%dma_start3A_715 : memref<128xi32, #tpu.memory_space<vmem>>) semaphore(%run_scoped3A_712 : memref<!tpu.dma_semaphore, #tpu.memory_space<semaphore_mem>>) {add = true}
        %dma_wait3A_719 = arith.constant 0 : i32
        %dma_wait3A_720 = tpu.memref_slice %arg7[%add3A_690, %run_scoped3A_691, %dma_wait3A_719] : memref<16x2x128xi32, #tpu.memory_space<vmem>> -> memref<1x1x128xi32, #tpu.memory_space<vmem>>
        %dma_wait3A_721 = tpu.memref_squeeze %dma_wait3A_720 : memref<1x1x128xi32, #tpu.memory_space<vmem>> -> memref<128xi32, #tpu.memory_space<vmem>>
        %dma_wait3A_722 = arith.constant 0 : i32
        %dma_wait3A_723 = arith.constant 0 : i32
        %dma_wait3A_724 = tpu.memref_slice %arg12[%dma_wait3A_722, %dma_wait3A_723] : memref<10008x104xf32, #tpu.memory_space<vmem_shared>> -> memref<10008x104xf32, #tpu.memory_space<vmem_shared>>
        tpu.wait_indirect_dma semaphore(%run_scoped3A_712 : memref<!tpu.dma_semaphore, #tpu.memory_space<semaphore_mem>>) src(%arg10 : memref<128x104xf32, #tpu.memory_space<vmem>>) dst(%dma_wait3A_724 : memref<10008x104xf32, #tpu.memory_space<vmem_shared>>)
        tpu.yield
      }) : () -> ()
      %add3A_692 = arith.constant 2 : i32
      %add3A_693 = arith.addi %add3A_626, %add3A_692 : i32
      %add3A_694 = arith.constant 4 : i32
      %add3A_695 = arith.addi %add3A_693, %add3A_694 : i32
      %lt3A_696 = arith.constant 16 : i32
      %lt3A_697 = arith.cmpi slt, %add3A_695, %lt3A_696 : i32
      %convert_element_type3A_698 = arith.extui %lt3A_697 : i1 to i32
      %cond3A_699 = arith.constant 0 : i32
      %cond3A_700 = arith.cmpi ne, %convert_element_type3A_698, %cond3A_699 : i32
      scf.if %cond3A_700 {
        %add3A_712 = arith.constant 2 : i32
        %add3A_713 = arith.addi %add3A_626, %add3A_712 : i32
        %add3A_714 = arith.constant 4 : i32
        %add3A_715 = arith.addi %add3A_713, %add3A_714 : i32
        %dma_start3A_716 = arith.constant 0 : i32
        %dma_start3A_717 = arith.constant 0 : i32
        %dma_start3A_718 = tpu.memref_slice %arg7[%add3A_715, %dma_start3A_716, %dma_start3A_717] : memref<16x2x128xi32, #tpu.memory_space<vmem>> -> memref<1x1x128xi32, #tpu.memory_space<vmem>>
        %dma_start3A_719 = tpu.memref_squeeze %dma_start3A_718 : memref<1x1x128xi32, #tpu.memory_space<vmem>> -> memref<128xi32, #tpu.memory_space<vmem>>
        %dma_start3A_720 = arith.constant 0 : i32
        %dma_start3A_721 = arith.constant 0 : i32
        %dma_start3A_722 = tpu.memref_slice %arg2[%arg0, %dma_start3A_720, %dma_start3A_721] : memref<2x10008x104xf32, #tpu.memory_space<hbm>> -> memref<1x10008x104xf32, #tpu.memory_space<hbm>>
        %dma_start3A_723 = tpu.memref_squeeze %dma_start3A_722 : memref<1x10008x104xf32, #tpu.memory_space<hbm>> -> memref<10008x104xf32, #tpu.memory_space<hbm>>
        %dma_start3A_724 = arith.constant 0 : i32
        %dma_start3A_725 = arith.constant 0 : i32
        %dma_start3A_726 = tpu.memref_slice %dma_start3A_723[%dma_start3A_724, %dma_start3A_725] : memref<10008x104xf32, #tpu.memory_space<hbm>> -> memref<10008x104xf32, #tpu.memory_space<hbm>>
        tpu.enqueue_indirect_dma source(%dma_start3A_726 : memref<10008x104xf32, #tpu.memory_space<hbm>>) target(%arg10 : memref<128x104xf32, #tpu.memory_space<vmem>>) offsets(%dma_start3A_719 : memref<128xi32, #tpu.memory_space<vmem>>) semaphore(%arg17 : memref<!tpu.dma_semaphore, #tpu.memory_space<semaphore_mem>>)
      } else {
      }
      %dma_wait3A_701 = arith.constant 0 : i32
      %dma_wait3A_702 = arith.constant 0 : i32
      %dma_wait3A_703 = tpu.memref_slice %arg2[%arg0, %dma_wait3A_701, %dma_wait3A_702] : memref<2x10008x104xf32, #tpu.memory_space<hbm>> -> memref<1x128x104xf32, #tpu.memory_space<hbm>>
      %dma_wait3A_704 = tpu.memref_squeeze %dma_wait3A_703 : memref<1x128x104xf32, #tpu.memory_space<hbm>> -> memref<128x104xf32, #tpu.memory_space<hbm>>
      %dma_wait3A_705 = arith.constant 0 : i32
      %dma_wait3A_706 = arith.constant 0 : i32
      %dma_wait3A_707 = tpu.memref_slice %arg2[%arg0, %dma_wait3A_705, %dma_wait3A_706] : memref<2x10008x104xf32, #tpu.memory_space<hbm>> -> memref<1x128x104xf32, #tpu.memory_space<hbm>>
      %dma_wait3A_708 = tpu.memref_squeeze %dma_wait3A_707 : memref<1x128x104xf32, #tpu.memory_space<hbm>> -> memref<128x104xf32, #tpu.memory_space<hbm>>
      tpu.wait_dma2 semaphore(%arg18 : memref<!tpu.dma_semaphore, #tpu.memory_space<semaphore_mem>>) src(%dma_wait3A_708 : memref<128x104xf32, #tpu.memory_space<hbm>>) dst(%arg11 : memref<128x104xf32, #tpu.memory_space<vmem>>)
      %add3A_709 = arith.constant 3 : i32
      %add3A_710 = arith.addi %add3A_626, %add3A_709 : i32
      %run_scoped3A_711 = arith.constant 1 : i32
      "tpu.region"() ({
        %run_scoped3A_712 = tpu.sem_alloc : memref<!tpu.dma_semaphore, #tpu.memory_space<semaphore_mem>>
        %dma_start3A_713 = arith.constant 0 : i32
        %dma_start3A_714 = tpu.memref_slice %arg7[%add3A_710, %run_scoped3A_711, %dma_start3A_713] : memref<16x2x128xi32, #tpu.memory_space<vmem>> -> memref<1x1x128xi32, #tpu.memory_space<vmem>>
        %dma_start3A_715 = tpu.memref_squeeze %dma_start3A_714 : memref<1x1x128xi32, #tpu.memory_space<vmem>> -> memref<128xi32, #tpu.memory_space<vmem>>
        %dma_start3A_716 = arith.constant 0 : i32
        %dma_start3A_717 = arith.constant 0 : i32
        %dma_start3A_718 = tpu.memref_slice %arg12[%dma_start3A_716, %dma_start3A_717] : memref<10008x104xf32, #tpu.memory_space<vmem_shared>> -> memref<10008x104xf32, #tpu.memory_space<vmem_shared>>
        tpu.enqueue_indirect_dma source(%arg11 : memref<128x104xf32, #tpu.memory_space<vmem>>) target(%dma_start3A_718 : memref<10008x104xf32, #tpu.memory_space<vmem_shared>>) offsets(%dma_start3A_715 : memref<128xi32, #tpu.memory_space<vmem>>) semaphore(%run_scoped3A_712 : memref<!tpu.dma_semaphore, #tpu.memory_space<semaphore_mem>>) {add = true}
        %dma_wait3A_719 = arith.constant 0 : i32
        %dma_wait3A_720 = tpu.memref_slice %arg7[%add3A_710, %run_scoped3A_711, %dma_wait3A_719] : memref<16x2x128xi32, #tpu.memory_space<vmem>> -> memref<1x1x128xi32, #tpu.memory_space<vmem>>
        %dma_wait3A_721 = tpu.memref_squeeze %dma_wait3A_720 : memref<1x1x128xi32, #tpu.memory_space<vmem>> -> memref<128xi32, #tpu.memory_space<vmem>>
        %dma_wait3A_722 = arith.constant 0 : i32
        %dma_wait3A_723 = arith.constant 0 : i32
        %dma_wait3A_724 = tpu.memref_slice %arg12[%dma_wait3A_722, %dma_wait3A_723] : memref<10008x104xf32, #tpu.memory_space<vmem_shared>> -> memref<10008x104xf32, #tpu.memory_space<vmem_shared>>
        tpu.wait_indirect_dma semaphore(%run_scoped3A_712 : memref<!tpu.dma_semaphore, #tpu.memory_space<semaphore_mem>>) src(%arg11 : memref<128x104xf32, #tpu.memory_space<vmem>>) dst(%dma_wait3A_724 : memref<10008x104xf32, #tpu.memory_space<vmem_shared>>)
        tpu.yield
      }) : () -> ()
    }
    %scan3A_611 = arith.constant 4 : i32
    %barrier3A_612 = arith.constant 0 : index
    tpu.barrier barrier_id(%barrier3A_612)
    %lt3A_613 = arith.constant 15 : i32
    %lt3A_614 = arith.cmpi slt, %arg1, %lt3A_613 : i32
    %convert_element_type3A_615 = arith.extui %lt3A_614 : i1 to i32
    %cond3A_616 = arith.constant 0 : i32
    %cond3A_617 = arith.cmpi ne, %convert_element_type3A_615, %cond3A_616 : i32
    scf.if %cond3A_617 {
      "tpu.region"() ({
        %run_scoped3A_623 = tpu.sem_alloc : memref<!tpu.dma_semaphore, #tpu.memory_space<semaphore_mem>>
        %dma_start3A_624 = arith.constant 0 : i32
        %dma_start3A_625 = tpu.memref_slice %arg5[%arg0, %multiple_of3A, %dma_start3A_624] : memref<2x10008x104xf32, #tpu.memory_space<hbm>> -> memref<1x632x104xf32, #tpu.memory_space<hbm>>
        %dma_start3A_626 = tpu.memref_squeeze %dma_start3A_625 : memref<1x632x104xf32, #tpu.memory_space<hbm>> -> memref<632x104xf32, #tpu.memory_space<hbm>>
        %dma_start3A_627 = arith.constant 0 : i32
        %dma_start3A_628 = tpu.memref_slice %arg12[%multiple_of3A, %dma_start3A_627] : memref<10008x104xf32, #tpu.memory_space<vmem_shared>> -> memref<632x104xf32, #tpu.memory_space<vmem_shared>>
        tpu.enqueue_dma source(%dma_start3A_628 : memref<632x104xf32, #tpu.memory_space<vmem_shared>>) target(%dma_start3A_626 : memref<632x104xf32, #tpu.memory_space<hbm>>) target_semaphore(%run_scoped3A_623 : memref<!tpu.dma_semaphore, #tpu.memory_space<semaphore_mem>>)
        %dma_wait3A_629 = arith.constant 0 : i32
        %dma_wait3A_630 = tpu.memref_slice %arg5[%arg0, %multiple_of3A, %dma_wait3A_629] : memref<2x10008x104xf32, #tpu.memory_space<hbm>> -> memref<1x632x104xf32, #tpu.memory_space<hbm>>
        %dma_wait3A_631 = tpu.memref_squeeze %dma_wait3A_630 : memref<1x632x104xf32, #tpu.memory_space<hbm>> -> memref<632x104xf32, #tpu.memory_space<hbm>>
        %dma_wait3A_632 = arith.constant 0 : i32
        %dma_wait3A_633 = tpu.memref_slice %arg12[%multiple_of3A, %dma_wait3A_632] : memref<10008x104xf32, #tpu.memory_space<vmem_shared>> -> memref<632x104xf32, #tpu.memory_space<vmem_shared>>
        tpu.wait_dma2 semaphore(%run_scoped3A_623 : memref<!tpu.dma_semaphore, #tpu.memory_space<semaphore_mem>>) src(%dma_wait3A_633 : memref<632x104xf32, #tpu.memory_space<vmem_shared>>) dst(%dma_wait3A_631 : memref<632x104xf32, #tpu.memory_space<hbm>>)
        tpu.yield
      }) : () -> ()
    } else {
    }
    %eq3A_618 = arith.constant 15 : i32
    %eq3A_619 = arith.cmpi eq, %arg1, %eq3A_618 : i32
    %convert_element_type3A_620 = arith.extui %eq3A_619 : i1 to i32
    %cond3A_621 = arith.constant 0 : i32
    %cond3A_622 = arith.cmpi ne, %convert_element_type3A_620, %cond3A_621 : i32
    scf.if %cond3A_622 {
      "tpu.region"() ({
        %run_scoped3A_623 = tpu.sem_alloc : memref<!tpu.dma_semaphore, #tpu.memory_space<semaphore_mem>>
        %dma_start3A_624 = arith.constant 9480 : i32
        %dma_start3A_625 = arith.constant 0 : i32
        %dma_start3A_626 = tpu.memref_slice %arg5[%arg0, %dma_start3A_624, %dma_start3A_625] : memref<2x10008x104xf32, #tpu.memory_space<hbm>> -> memref<1x528x104xf32, #tpu.memory_space<hbm>>
        %dma_start3A_627 = tpu.memref_squeeze %dma_start3A_626 : memref<1x528x104xf32, #tpu.memory_space<hbm>> -> memref<528x104xf32, #tpu.memory_space<hbm>>
        %dma_start3A_628 = arith.constant 9480 : i32
        %dma_start3A_629 = arith.constant 0 : i32
        %dma_start3A_630 = tpu.memref_slice %arg12[%dma_start3A_628, %dma_start3A_629] : memref<10008x104xf32, #tpu.memory_space<vmem_shared>> -> memref<528x104xf32, #tpu.memory_space<vmem_shared>>
        tpu.enqueue_dma source(%dma_start3A_630 : memref<528x104xf32, #tpu.memory_space<vmem_shared>>) target(%dma_start3A_627 : memref<528x104xf32, #tpu.memory_space<hbm>>) target_semaphore(%run_scoped3A_623 : memref<!tpu.dma_semaphore, #tpu.memory_space<semaphore_mem>>)
        %dma_wait3A_631 = arith.constant 9480 : i32
        %dma_wait3A_632 = arith.constant 0 : i32
        %dma_wait3A_633 = tpu.memref_slice %arg5[%arg0, %dma_wait3A_631, %dma_wait3A_632] : memref<2x10008x104xf32, #tpu.memory_space<hbm>> -> memref<1x528x104xf32, #tpu.memory_space<hbm>>
        %dma_wait3A_634 = tpu.memref_squeeze %dma_wait3A_633 : memref<1x528x104xf32, #tpu.memory_space<hbm>> -> memref<528x104xf32, #tpu.memory_space<hbm>>
        %dma_wait3A_635 = arith.constant 9480 : i32
        %dma_wait3A_636 = arith.constant 0 : i32
        %dma_wait3A_637 = tpu.memref_slice %arg12[%dma_wait3A_635, %dma_wait3A_636] : memref<10008x104xf32, #tpu.memory_space<vmem_shared>> -> memref<528x104xf32, #tpu.memory_space<vmem_shared>>
        tpu.wait_dma2 semaphore(%run_scoped3A_623 : memref<!tpu.dma_semaphore, #tpu.memory_space<semaphore_mem>>) src(%dma_wait3A_637 : memref<528x104xf32, #tpu.memory_space<vmem_shared>>) dst(%dma_wait3A_634 : memref<528x104xf32, #tpu.memory_space<hbm>>)
        tpu.yield
      }) : () -> ()
    } else {
    }
    return
  }
}

module attributes {stable_mosaic.version = 14 : i64} {
  func.func @body(%arg0: i32, %arg1: memref<2x2000x104xf32, #tpu.memory_space<vmem>>, %arg2: memref<2000x128xf32, #tpu.memory_space<vmem>>, %arg3: memref<2000x64xf32, #tpu.memory_space<vmem>>, %arg4: memref<2000x64xf32, #tpu.memory_space<vmem>>, %arg5: memref<128x256xf32, #tpu.memory_space<vmem>>, %arg6: memref<128x256xf32, #tpu.memory_space<vmem>>, %arg7: memref<64x256xf32, #tpu.memory_space<vmem>>, %arg8: memref<64x256xf32, #tpu.memory_space<vmem>>, %arg9: memref<1x256xf32, #tpu.memory_space<vmem>>, %arg10: memref<1x64xf32, #tpu.memory_space<vmem>>, %arg11: memref<1x1xf32, #tpu.memory_space<vmem>>, %arg12: memref<2000x1xf32, #tpu.memory_space<vmem>>, %arg13: memref<2000x64xf32, #tpu.memory_space<vmem>>, %arg14: memref<2000x64xf32, #tpu.memory_space<vmem>>) attributes {dimension_semantics = [#tpu.dimension_semantics<arbitrary>], iteration_bounds = array<i64: 5>, scalar_prefetch = 0 : i64, scratch_operands = 0 : i64, tpu.core_type = #tpu.core_type<tc>, window_params = [{transform_indices = @transform_0, window_bounds = array<i64: 2, 2000, 104>}, {transform_indices = @transform_1, window_bounds = array<i64: 2000, 128>}, {transform_indices = @transform_2, window_bounds = array<i64: 2000, 64>}, {transform_indices = @transform_3, window_bounds = array<i64: 2000, 64>}, {pipeline_mode = #tpu.pipeline_mode<synchronous>, transform_indices = @transform_4, window_bounds = array<i64: 128, 256>}, {pipeline_mode = #tpu.pipeline_mode<synchronous>, transform_indices = @transform_5, window_bounds = array<i64: 128, 256>}, {pipeline_mode = #tpu.pipeline_mode<synchronous>, transform_indices = @transform_6, window_bounds = array<i64: 64, 256>}, {pipeline_mode = #tpu.pipeline_mode<synchronous>, transform_indices = @transform_7, window_bounds = array<i64: 64, 256>}, {pipeline_mode = #tpu.pipeline_mode<synchronous>, transform_indices = @transform_8, window_bounds = array<i64: 1, 256>}, {pipeline_mode = #tpu.pipeline_mode<synchronous>, transform_indices = @transform_9, window_bounds = array<i64: 1, 64>}, {pipeline_mode = #tpu.pipeline_mode<synchronous>, transform_indices = @transform_10, window_bounds = array<i64: 1, 1>}, {transform_indices = @transform_11, window_bounds = array<i64: 2000, 1>}, {transform_indices = @transform_12, window_bounds = array<i64: 2000, 64>}, {transform_indices = @transform_13, window_bounds = array<i64: 2000, 64>}]} {
    %get3A = arith.constant 0 : index
    %get3A_0 = arith.constant 0 : index
    %get3A_1 = arith.constant 0 : index
    %get3A_2 = vector.load %arg1[%get3A, %get3A_0, %get3A_1] : memref<2x2000x104xf32, #tpu.memory_space<vmem>>, vector<1x2000x104xf32>
    %get3A_3 = vector.shape_cast %get3A_2 : vector<1x2000x104xf32> to vector<2000x104xf32>
    %get3A_4 = arith.constant 1 : index
    %get3A_5 = arith.constant 0 : index
    %get3A_6 = arith.constant 0 : index
    %get3A_7 = vector.load %arg1[%get3A_4, %get3A_5, %get3A_6] : memref<2x2000x104xf32, #tpu.memory_space<vmem>>, vector<1x2000x104xf32>
    %get3A_8 = vector.shape_cast %get3A_7 : vector<1x2000x104xf32> to vector<2000x104xf32>
    %concatenate3A = tpu.concatenate %get3A_3, %get3A_8 in 1 : vector<2000x104xf32>, vector<2000x104xf32> -> vector<2000x208xf32>
    %slice3A = vector.extract_strided_slice %concatenate3A {offsets = [0, 192], sizes = [2000, 1], strides = [1, 1]} : vector<2000x208xf32> to vector<2000x1xf32>
    %max3A = arith.constant 1.000000e+00 : f32
    %max3A_9 = vector.broadcast %max3A : f32 to vector<2000x1xf32>
    %max3A_10 = arith.maximumf %slice3A, %max3A_9 : vector<2000x1xf32>
    %div3A = arith.constant 1.000000e+00 : f32
    %div3A_11 = vector.broadcast %div3A : f32 to vector<2000x1xf32>
    %div3A_12 = arith.divf %div3A_11, %max3A_10 : vector<2000x1xf32>
    %slice3A_13 = vector.extract_strided_slice %concatenate3A {offsets = [0, 0], sizes = [2000, 128], strides = [1, 1]} : vector<2000x208xf32> to vector<2000x128xf32>
    %mul3A = vector.broadcast %div3A_12 : vector<2000x1xf32> to vector<2000x128xf32>
    %mul3A_14 = arith.mulf %slice3A_13, %mul3A : vector<2000x128xf32>
    %slice3A_15 = vector.extract_strided_slice %concatenate3A {offsets = [0, 128], sizes = [2000, 64], strides = [1, 1]} : vector<2000x208xf32> to vector<2000x64xf32>
    %mul3A_16 = vector.broadcast %div3A_12 : vector<2000x1xf32> to vector<2000x64xf32>
    %mul3A_17 = arith.mulf %slice3A_15, %mul3A_16 : vector<2000x64xf32>
    %get3A_18 = arith.constant 0 : index
    %get3A_19 = arith.constant 0 : index
    %get3A_20 = vector.load %arg5[%get3A_18, %get3A_19] : memref<128x256xf32, #tpu.memory_space<vmem>>, vector<128x256xf32>
    %dot_general3A = arith.constant dense<0.000000e+00> : vector<2000x256xf32>
    %dot_general3A_21 = tpu.matmul %mul3A_14, %get3A_20, %dot_general3A {dimension_numbers = #tpu.dot_dimension_numbers<[1], [0], [0], [1], [0, 0, 1, 1], [], []>, transpose_lhs_hint = false} : vector<2000x128xf32>, vector<128x256xf32>, vector<2000x256xf32> -> vector<2000x256xf32>
    %get3A_22 = arith.constant 0 : index
    %get3A_23 = arith.constant 0 : index
    %get3A_24 = vector.load %arg2[%get3A_22, %get3A_23] : memref<2000x128xf32, #tpu.memory_space<vmem>>, vector<2000x128xf32>
    %get3A_25 = arith.constant 0 : index
    %get3A_26 = arith.constant 0 : index
    %get3A_27 = vector.load %arg6[%get3A_25, %get3A_26] : memref<128x256xf32, #tpu.memory_space<vmem>>, vector<128x256xf32>
    %dot_general3A_28 = arith.constant dense<0.000000e+00> : vector<2000x256xf32>
    %dot_general3A_29 = tpu.matmul %get3A_24, %get3A_27, %dot_general3A_28 {dimension_numbers = #tpu.dot_dimension_numbers<[1], [0], [0], [1], [0, 0, 1, 1], [], []>, transpose_lhs_hint = false} : vector<2000x128xf32>, vector<128x256xf32>, vector<2000x256xf32> -> vector<2000x256xf32>
    %add3A = arith.addf %dot_general3A_21, %dot_general3A_29 : vector<2000x256xf32>
    %get3A_30 = arith.constant 0 : index
    %get3A_31 = arith.constant 0 : index
    %get3A_32 = vector.load %arg7[%get3A_30, %get3A_31] : memref<64x256xf32, #tpu.memory_space<vmem>>, vector<64x256xf32>
    %dot_general3A_33 = arith.constant dense<0.000000e+00> : vector<2000x256xf32>
    %dot_general3A_34 = tpu.matmul %mul3A_17, %get3A_32, %dot_general3A_33 {dimension_numbers = #tpu.dot_dimension_numbers<[1], [0], [0], [1], [0, 0, 1, 1], [], []>, transpose_lhs_hint = false} : vector<2000x64xf32>, vector<64x256xf32>, vector<2000x256xf32> -> vector<2000x256xf32>
    %add3A_35 = arith.addf %add3A, %dot_general3A_34 : vector<2000x256xf32>
    %get3A_36 = arith.constant 0 : index
    %get3A_37 = arith.constant 0 : index
    %get3A_38 = vector.load %arg3[%get3A_36, %get3A_37] : memref<2000x64xf32, #tpu.memory_space<vmem>>, vector<2000x64xf32>
    %get3A_39 = arith.constant 0 : index
    %get3A_40 = arith.constant 0 : index
    %get3A_41 = vector.load %arg8[%get3A_39, %get3A_40] : memref<64x256xf32, #tpu.memory_space<vmem>>, vector<64x256xf32>
    %dot_general3A_42 = arith.constant dense<0.000000e+00> : vector<2000x256xf32>
    %dot_general3A_43 = tpu.matmul %get3A_38, %get3A_41, %dot_general3A_42 {dimension_numbers = #tpu.dot_dimension_numbers<[1], [0], [0], [1], [0, 0, 1, 1], [], []>, transpose_lhs_hint = false} : vector<2000x64xf32>, vector<64x256xf32>, vector<2000x256xf32> -> vector<2000x256xf32>
    %add3A_44 = arith.addf %add3A_35, %dot_general3A_43 : vector<2000x256xf32>
    %get3A_45 = arith.constant 0 : index
    %get3A_46 = arith.constant 0 : index
    %get3A_47 = vector.load %arg9[%get3A_45, %get3A_46] : memref<1x256xf32, #tpu.memory_space<vmem>>, vector<1x256xf32>
    %add3A_48 = vector.broadcast %get3A_47 : vector<1x256xf32> to vector<2000x256xf32>
    %add3A_49 = arith.addf %add3A_44, %add3A_48 : vector<2000x256xf32>
    %slice3A_50 = vector.extract_strided_slice %add3A_49 {offsets = [0, 0], sizes = [2000, 64], strides = [1, 1]} : vector<2000x256xf32> to vector<2000x64xf32>
    %logistic3A = arith.negf %slice3A_50 : vector<2000x64xf32>
    %logistic3A_51 = math.exp %logistic3A : vector<2000x64xf32>
    %logistic3A_52 = arith.constant 1.000000e+00 : f32
    %logistic3A_53 = vector.broadcast %logistic3A_52 : f32 to vector<2000x64xf32>
    %logistic3A_54 = arith.addf %logistic3A_53, %logistic3A_51 : vector<2000x64xf32>
    %logistic3A_55 = arith.divf %logistic3A_53, %logistic3A_54 : vector<2000x64xf32>
    %slice3A_56 = vector.extract_strided_slice %add3A_49 {offsets = [0, 64], sizes = [2000, 64], strides = [1, 1]} : vector<2000x256xf32> to vector<2000x64xf32>
    %logistic3A_57 = arith.negf %slice3A_56 : vector<2000x64xf32>
    %logistic3A_58 = math.exp %logistic3A_57 : vector<2000x64xf32>
    %logistic3A_59 = arith.constant 1.000000e+00 : f32
    %logistic3A_60 = vector.broadcast %logistic3A_59 : f32 to vector<2000x64xf32>
    %logistic3A_61 = arith.addf %logistic3A_60, %logistic3A_58 : vector<2000x64xf32>
    %logistic3A_62 = arith.divf %logistic3A_60, %logistic3A_61 : vector<2000x64xf32>
    %slice3A_63 = vector.extract_strided_slice %add3A_49 {offsets = [0, 128], sizes = [2000, 64], strides = [1, 1]} : vector<2000x256xf32> to vector<2000x64xf32>
    %tanh3A = math.tanh %slice3A_63 : vector<2000x64xf32>
    %slice3A_64 = vector.extract_strided_slice %add3A_49 {offsets = [0, 192], sizes = [2000, 64], strides = [1, 1]} : vector<2000x256xf32> to vector<2000x64xf32>
    %logistic3A_65 = arith.negf %slice3A_64 : vector<2000x64xf32>
    %logistic3A_66 = math.exp %logistic3A_65 : vector<2000x64xf32>
    %logistic3A_67 = arith.constant 1.000000e+00 : f32
    %logistic3A_68 = vector.broadcast %logistic3A_67 : f32 to vector<2000x64xf32>
    %logistic3A_69 = arith.addf %logistic3A_68, %logistic3A_66 : vector<2000x64xf32>
    %logistic3A_70 = arith.divf %logistic3A_68, %logistic3A_69 : vector<2000x64xf32>
    %get3A_71 = arith.constant 0 : index
    %get3A_72 = arith.constant 0 : index
    %get3A_73 = vector.load %arg4[%get3A_71, %get3A_72] : memref<2000x64xf32, #tpu.memory_space<vmem>>, vector<2000x64xf32>
    %mul3A_74 = arith.mulf %logistic3A_62, %get3A_73 : vector<2000x64xf32>
    %mul3A_75 = arith.mulf %logistic3A_55, %tanh3A : vector<2000x64xf32>
    %add3A_76 = arith.addf %mul3A_74, %mul3A_75 : vector<2000x64xf32>
    %tanh3A_77 = math.tanh %add3A_76 : vector<2000x64xf32>
    %mul3A_78 = arith.mulf %logistic3A_70, %tanh3A_77 : vector<2000x64xf32>
    %max3A_79 = arith.constant 0.000000e+00 : f32
    %max3A_80 = vector.broadcast %max3A_79 : f32 to vector<2000x64xf32>
    %max3A_81 = arith.maximumf %mul3A_78, %max3A_80 : vector<2000x64xf32>
    %get3A_82 = arith.constant 0 : index
    %get3A_83 = arith.constant 0 : index
    %get3A_84 = vector.load %arg10[%get3A_82, %get3A_83] : memref<1x64xf32, #tpu.memory_space<vmem>>, vector<1x64xf32>
    %mul3A_85 = vector.broadcast %get3A_84 : vector<1x64xf32> to vector<2000x64xf32>
    %mul3A_86 = arith.mulf %max3A_81, %mul3A_85 : vector<2000x64xf32>
    %reduce_sum3A = arith.constant dense<0.000000e+00> : vector<2000xf32>
    %reduce_sum3A_87 = vector.multi_reduction <add>, %mul3A_86, %reduce_sum3A [1] : vector<2000x64xf32> to vector<2000xf32>
    %broadcast_in_dim3A = vector.shape_cast %reduce_sum3A_87 : vector<2000xf32> to vector<2000x1xf32>
    %get3A_88 = arith.constant 0 : index
    %get3A_89 = arith.constant 0 : index
    %get3A_90 = vector.load %arg11[%get3A_88, %get3A_89] : memref<1x1xf32, #tpu.memory_space<vmem>>, vector<1x1xf32>
    %get3A_91 = vector.extract %get3A_90[0, 0] : f32 from vector<1x1xf32>
    %add3A_92 = vector.broadcast %get3A_91 : f32 to vector<2000x1xf32>
    %add3A_93 = arith.addf %broadcast_in_dim3A, %add3A_92 : vector<2000x1xf32>
    %swap3A = arith.constant 0 : index
    %swap3A_94 = arith.constant 0 : index
    %swap3A_95 = vector.load %arg12[%swap3A, %swap3A_94] : memref<2000x1xf32, #tpu.memory_space<vmem>>, vector<2000x1xf32>
    tpu.vector_store %arg12[%swap3A, %swap3A_94], %add3A_93 {strides = array<i32>} : memref<2000x1xf32, #tpu.memory_space<vmem>>, vector<2000x1xf32>,
    %swap3A_96 = arith.constant 0 : index
    %swap3A_97 = arith.constant 0 : index
    %swap3A_98 = vector.load %arg13[%swap3A_96, %swap3A_97] : memref<2000x64xf32, #tpu.memory_space<vmem>>, vector<2000x64xf32>
    tpu.vector_store %arg13[%swap3A_96, %swap3A_97], %mul3A_78 {strides = array<i32>} : memref<2000x64xf32, #tpu.memory_space<vmem>>, vector<2000x64xf32>,
    %swap3A_99 = arith.constant 0 : index
    %swap3A_100 = arith.constant 0 : index
    %swap3A_101 = vector.load %arg14[%swap3A_99, %swap3A_100] : memref<2000x64xf32, #tpu.memory_space<vmem>>, vector<2000x64xf32>
    tpu.vector_store %arg14[%swap3A_99, %swap3A_100], %add3A_76 {strides = array<i32>} : memref<2000x64xf32, #tpu.memory_space<vmem>>, vector<2000x64xf32>,
    return
  }
  func.func @transform_0(%arg0: i32) -> (i32, i32, i32) {
    %c0_i32 = arith.constant 0 : i32
    %c0_i32_0 = arith.constant 0 : i32
    %c0_i32_1 = arith.constant 0 : i32
    return %c0_i32, %arg0, %c0_i32_0 : i32, i32, i32
  }
  func.func @transform_1(%arg0: i32) -> (i32, i32) {
    %c0_i32 = arith.constant 0 : i32
    %c0_i32_0 = arith.constant 0 : i32
    return %arg0, %c0_i32 : i32, i32
  }
  func.func @transform_2(%arg0: i32) -> (i32, i32) {
    %c0_i32 = arith.constant 0 : i32
    %c0_i32_0 = arith.constant 0 : i32
    return %arg0, %c0_i32 : i32, i32
  }
  func.func @transform_3(%arg0: i32) -> (i32, i32) {
    %c0_i32 = arith.constant 0 : i32
    %c0_i32_0 = arith.constant 0 : i32
    return %arg0, %c0_i32 : i32, i32
  }
  func.func @transform_4(%arg0: i32) -> (i32, i32) {
    %c0_i32 = arith.constant 0 : i32
    %c0_i32_0 = arith.constant 0 : i32
    %c0_i32_1 = arith.constant 0 : i32
    return %c0_i32, %c0_i32_0 : i32, i32
  }
  func.func @transform_5(%arg0: i32) -> (i32, i32) {
    %c0_i32 = arith.constant 0 : i32
    %c0_i32_0 = arith.constant 0 : i32
    %c0_i32_1 = arith.constant 0 : i32
    return %c0_i32, %c0_i32_0 : i32, i32
  }
  func.func @transform_6(%arg0: i32) -> (i32, i32) {
    %c0_i32 = arith.constant 0 : i32
    %c0_i32_0 = arith.constant 0 : i32
    %c0_i32_1 = arith.constant 0 : i32
    return %c0_i32, %c0_i32_0 : i32, i32
  }
  func.func @transform_7(%arg0: i32) -> (i32, i32) {
    %c0_i32 = arith.constant 0 : i32
    %c0_i32_0 = arith.constant 0 : i32
    %c0_i32_1 = arith.constant 0 : i32
    return %c0_i32, %c0_i32_0 : i32, i32
  }
  func.func @transform_8(%arg0: i32) -> (i32, i32) {
    %c0_i32 = arith.constant 0 : i32
    %c0_i32_0 = arith.constant 0 : i32
    %c0_i32_1 = arith.constant 0 : i32
    return %c0_i32, %c0_i32_0 : i32, i32
  }
  func.func @transform_9(%arg0: i32) -> (i32, i32) {
    %c0_i32 = arith.constant 0 : i32
    %c0_i32_0 = arith.constant 0 : i32
    %c0_i32_1 = arith.constant 0 : i32
    return %c0_i32, %c0_i32_0 : i32, i32
  }
  func.func @transform_10(%arg0: i32) -> (i32, i32) {
    %c0_i32 = arith.constant 0 : i32
    %c0_i32_0 = arith.constant 0 : i32
    %c0_i32_1 = arith.constant 0 : i32
    return %c0_i32, %c0_i32_0 : i32, i32
  }
  func.func @transform_11(%arg0: i32) -> (i32, i32) {
    %c0_i32 = arith.constant 0 : i32
    %c0_i32_0 = arith.constant 0 : i32
    return %arg0, %c0_i32 : i32, i32
  }
  func.func @transform_12(%arg0: i32) -> (i32, i32) {
    %c0_i32 = arith.constant 0 : i32
    %c0_i32_0 = arith.constant 0 : i32
    return %arg0, %c0_i32 : i32, i32
  }
  func.func @transform_13(%arg0: i32) -> (i32, i32) {
    %c0_i32 = arith.constant 0 : i32
    %c0_i32_0 = arith.constant 0 : i32
    return %arg0, %c0_i32 : i32, i32
  }
}

</mosaic_0001>

<sc_bundles>
// kernel: kernel.4.cloned.1.call-start
scs
__scs_entry_jumppad:
0x0: {  	(pc) =	sbr.rel $0x88, $3  }
0x1: {  	(tag) =	ssettag $0x0;
	lr =	simm.s32 $0x1  }
0x2: {  	[smem:$0x3F83] =	sst lr;
	_ =	strace $0xD0000000  }
0x3: {  	_ = 	snop  }
0x4: {  	_ = 	snop  }
0x5: {  	_ = 	snop  }
0x6: {  	_ = 	snop  }
0x7: {  	_ = 	snop  }
__scs_overlays_trampoline_lowered:
0x8: {  	[smem:$0x3F92] =	sst s0  }
0x9: {  	[smem:$0x3F93] =	sst s1  }
0xa: {  	[smem:$0x3F94] =	sst s2  }
0xb: {  	[smem:$0x3F95] =	sst s3  }
0xc: {  	[smem:$0x3F96] =	sst s4  }
0xd: {  	[smem:$0x3F97] =	sst s5  }
0xe: {  	[smem:$0x3F98] =	sst s6  }
0xf: {  	[smem:$0x3F99] =	sst s7  }
0x10: {  	[smem:$0x3F9A] =	sst s8  }
0x11: {  	[smem:$0x3F9B] =	sst s9;
	s0 =	simm.s32 @!p0 $0x0  }
0x12: {  	s1 =	sld [smem:$0x3F81];
	s0 =	simm.s32 @p0 $0x1  }
0x13: {  	[smem:$0x3F9C] =	sst s0;
	s0 =	simm.s32 @!p1 $0x0  }
0x14: {  	s2 =	sld [smem:$0x3F80];
	s0 =	simm.s32 @p1 $0x1  }
0x15: {  	[smem:$0x3F9D] =	sst s0;
	s0 =	simm.s32 @!p2 $0x0  }
0x16: {  	s3 =	sld [smem:$0x3FDB];
	s0 =	simm.s32 @p2 $0x1  }
0x17: {  	s4 =	simm.s32 $0x1BF5;
	[smem:$0x3F9F] =	sst s0  }
0x18: {  	s0 =	sld [smem:$0x3F82];
	_ =	swait.ge [sflag:s4], $0x0  }
0x19: {  	s7 =	sld [smem:$0x3F83]  }
0x1a: {  	s8 =	sadd.s32 $0xFFFFE003, lr  }
0x1b: {  	s9 =	sadd.s32 $0xFFFFFEF7, lr;
	s5 =	simm.s32 $0xFFFFFFFF;
	p2 =	slt.u32 s8, $0xFFFFF086  }
0x1c: {  	p1 =	slt.u32 s9, $0xF7A;
	s5 =	simm.s32 @!p2 $0x0  }
0x1d: {  	s5 =	simm.s32 @p1 $0x1;
	p0 =	seq.s32 s7, s2  }
0x1e: {  	s7 =	smul.u32 @!p0 $0xF7A, s2;
	p2 =	seq.s32 @!p0 s5, $0x0  }
0x1f: {  	s9 =	smul.u32 $0xF7A, s1;
	s8 =	simm.s32 @!p0 $0x1BF5;
	p2 =	por !p2, p0  }
0x20: {  	[sflag:s8] =	ssyncset.s32 @!p0 $0xFFFFF086;
	s6 =	sadd.s32 @!p0 s3, s7;
	s7 =	simm.s32 @!p0 $0x108  }
0x21: {  	s3 =	sadd.s32 s3, s9;
	s6 =	sadd.s32 @!p0 $0x88, s6;
	s7 =	simm.s32 @p2 $0x1082  }
0x22: {  	[simem:s7], [sflag:s8] =	dma.local @!p0 [hbm:s6], $0xF7A  }
0x23: {  	s9 =	sor.u32 $0xD0000000, s2;
	s6 =	simm.s32 $0x108;
	_ =	swait.ge @!p0 [sflag:s8], $0x0  }
0x24: {  	s3 =	sadd.s32 $0x88, s3;
	s6 =	simm.s32 @!p1 $0x1082;
	[sflag:s4] =	ssyncset.s32 $0xFFFFF086  }
0x25: {  	[simem:s6], [sflag:s4] =	dma.local [hbm:s3], $0xF7A  }
0x26: {  	[smem:$0x3F83] =	sst s1;
	(tag) =	ssettag s2;
	_ =	strace s9  }
0x27: {  	s1 =	sld [smem:$0x3F93]  }
0x28: {  	s2 =	sld [smem:$0x3F94]  }
0x29: {  	s4 =	sld [smem:$0x3F96]  }
0x2a: {  	p0 =	seq.s32 s5, $0x0;
	s5 =	sld [smem:$0x3F97]  }
0x2b: {  	s6 =	sld [smem:$0x3F98]  }
0x2c: {  	s7 =	sld [smem:$0x3F99]  }
0x2d: {  	s3 =	simm.s32 $0x108;
	s8 =	sld [smem:$0x3F9A]  }
0x2e: {  	s3 =	simm.s32 @!p0 $0x1082;
	s9 =	sld [smem:$0x3F9B]  }
0x2f: {  	lr =	sadd.s32 s0, s3;
	s0 =	sld [smem:$0x3F92]  }
0x30: {  	s3 =	sld [smem:$0x3F95]  }
0x31: {  	[smem:$0x3F9E] =	sst s10  }
0x32: {  	s10 =	sld [smem:$0x3F9C];
	_ =	sdelay $0x3  }
0x33: {  	p0 =	seq.s32 s10, $0x1;
	s10 =	sld [smem:$0x3F9E];
	_ =	sdelay $0x3  }
0x34: {  	[smem:$0x3F9E] =	sst s10  }
0x35: {  	s10 =	sld [smem:$0x3F9D];
	_ =	sdelay $0x3  }
0x36: {  	p1 =	seq.s32 s10, $0x1;
	s10 =	sld [smem:$0x3F9E];
	_ =	sdelay $0x3  }
0x37: {  	[smem:$0x3F9E] =	sst s10  }
0x38: {  	s10 =	sld [smem:$0x3F9F]  }
0x39: {  	_ = 	snop;
	(pc) =	sbr.ind lr, $3  }
0x3a: {  	_ = 	snop  }
0x3b: {  	_ = 	snop  }
0x3c: {  	p2 =	seq.s32 s10, $0x1;
	s10 =	sld [smem:$0x3F9E]  }
0x3d: {  	_ =	shalt  }
0x3e: {  	_ =	shalt  }
0x3f: {  	_ =	shalt  }
0x40: {  	_ =	shalt  }
0x41: {  	_ =	shalt  }
0x42: {  	_ =	shalt  }
0x43: {  	_ =	shalt  }
0x44: {  	_ =	shalt  }
0x45: {  	_ =	shalt  }
0x46: {  	_ =	shalt  }
0x47: {  	_ =	shalt  }
0x48: {  	_ =	shalt  }
0x49: {  	_ =	shalt  }
0x4a: {  	_ =	shalt  }
0x4b: {  	_ =	shalt  }
0x4c: {  	_ =	shalt  }
0x4d: {  	_ =	shalt  }
0x4e: {  	_ =	shalt  }
0x4f: {  	_ =	shalt  }
0x50: {  	_ =	shalt  }
0x51: {  	_ =	shalt  }
0x52: {  	_ =	shalt  }
0x53: {  	_ =	shalt  }
0x54: {  	_ =	shalt  }
0x55: {  	_ =	shalt  }
0x56: {  	_ =	shalt  }
0x57: {  	_ =	shalt  }
0x58: {  	_ =	shalt  }
0x59: {  	_ =	shalt  }
0x5a: {  	_ =	shalt  }
0x5b: {  	_ =	shalt  }
0x5c: {  	_ =	shalt  }
0x5d: {  	_ =	shalt  }
0x5e: {  	_ =	shalt  }
0x5f: {  	_ =	shalt  }
0x60: {  	_ =	shalt  }
0x61: {  	_ =	shalt  }
0x62: {  	_ =	shalt  }
0x63: {  	_ =	shalt  }
0x64: {  	_ =	shalt  }
0x65: {  	_ =	shalt  }
0x66: {  	_ =	shalt  }
0x67: {  	_ =	shalt  }
0x68: {  	_ =	shalt  }
0x69: {  	_ =	shalt  }
0x6a: {  	_ =	shalt  }
0x6b: {  	_ =	shalt  }
0x6c: {  	_ =	shalt  }
0x6d: {  	_ =	shalt  }
0x6e: {  	_ =	shalt  }
0x6f: {  	_ =	shalt  }
0x70: {  	_ =	shalt  }
0x71: {  	_ =	shalt  }
0x72: {  	_ =	shalt  }
0x73: {  	_ =	shalt  }
0x74: {  	_ =	shalt  }
0x75: {  	_ =	shalt  }
0x76: {  	_ =	shalt  }
0x77: {  	_ =	shalt  }
0x78: {  	_ =	shalt  }
0x79: {  	_ =	shalt  }
0x7a: {  	_ =	shalt  }
0x7b: {  	_ =	shalt  }
0x7c: {  	_ =	shalt  }
0x7d: {  	_ =	shalt  }
0x7e: {  	_ =	shalt  }
0x7f: {  	_ =	shalt  }
0x80: {  	_ =	shalt  }
0x81: {  	_ =	shalt  }
0x82: {  	_ =	shalt  }
0x83: {  	_ =	shalt  }
0x84: {  	_ =	shalt  }
0x85: {  	_ =	shalt  }
0x86: {  	_ =	shalt  }
0x87: {  	_ =	shalt  }
.Lfunc_end0:
.L_simem_size_0:
called_computation_lowered:
.L_overlay_start_0:
0x88: {  	s2 =	sld [smem:$0x3FD9]  }
0x89: {  	s3 =	sld [smem:$0x3FFE];
	_ =	sdelay $0x1  }
0x8a: {  	s1 =	srdreg.scid  }
0x8b: {  	s0 =	sand.u32 $0x1, s1  }
0x8c: {  	s16 =	sshll.u32 s0, $0xA;
	s2 =	sadd.s32 s3, s2  }
0x8d: {  	s2 =	sadd.s32 s2, s16  }
0x8e: {  	[smem:$0x3FAA] =	sst s2  }
0x8f: {  	_ = 	snop  }
0x90: {  	(tm) =	ssettm $0x1  }
0x91: {  	s17 =	sld [smem:$0x3FFB];
	_ =	sdelay $0x3  }
0x92: {  	_ =	strace s17  }
0x93: {  	s2 =	sld [smem:$0x3FFC];
	_ =	sdelay $0x3  }
0x94: {  	_ =	strace s2  }
0x95: {  	s2 =	sld [smem:$0x3FFD];
	_ =	sdelay $0x3  }
0x96: {  	_ =	strace s2  }
0x97: {  	_ =	strace $0x8FFFFFFF  }
0x98: {  	s18 =	sld [smem:$0x3FDB];
	_ =	sdelay $0x1  }
0x99: {  	s19 =	simm.s32 $_scs_section_size  }
0x9a: {  	s4 =	simm.s32 $_size__tile_overlayer_lowered;
	s5 =	simm.s32 $_tile_overlayer_lowered  }
0x9b: {  	s22 =	simm.s32 $0x1BFF;
	s21 =	sshll.u32 s5, $0x1;
	s2 =	sadd.s32 s19, s18  }
0x9c: {  	s6 =	simm.s32 $0x0;
	s20 =	sshll.u32 s4, $0x1;
	s4 =	sadd.s32 s21, s2  }
0x9d: {  	[timem:s6], [sflag:s22] =	dma.local [hbm:s4], s20  }
0x9e: {  	_ =	swait.ge [sflag:s22], s20  }
0x9f: {  	s3 =	ssub.s32 $0x0, s20;
	[sflag:s22] =	ssyncset.done $0x0  }
0xa0: {  	[sflag:s22] =	ssyncadd.s32 s3;
	_ =	sdelay $0x1  }
0xa1: {  	s23 =	simm.s32 $0x1B8B  }
0xa2: {  	_ =	swait.ge [sflag:s23], $0x1  }
0xa3: {  	[sflag:s23] =	ssyncset.done $0x0  }
0xa4: {  	s25 =	simm.s32 $0x1B8E;
	s24 =	sld [smem:$0x3FFE];
	[sflag:s23] =	ssyncadd.s32 $0xFFFFFFFF  }
0xa5: {  	s26 =	simm.s32 $execute0_lowered;
	[smem:$0x3FD2] =	sst s25  }
0xa6: {  	s4 =	sshll.u32 s26, $0x1;
	_ =	strace $0x80000046;
	[dreg:$0x1] =	wrdreg $0xFFFFFFFF  }
0xa7: {  	s28 =	simm.s32 $_size_execute0_lowered;
	s2 =	sadd.s32 s2, s4;
	[dreg:$0x0] =	wrdreg $0x0  }
0xa8: {  	s4 =	sshll.u32 s28, $0x1;
	[dreg:$0x2] =	wrdreg s2  }
0xa9: {  	[dreg:$0x3] =	wrdreg s4  }
0xaa: {  	[dreg:$0x4] =	wrdreg $0xC0  }
0xab: {  	_ =	task [dreg:s6], $0x5FFFF  }
0xac: {  	[dreg:$0x1] =	wrdreg $0xFFFFFFFF  }
0xad: {  	[dreg:$0x0] =	wrdreg $0x60  }
0xae: {  	[dreg:$0x2] =	wrdreg s24  }
0xaf: {  	[dreg:$0x3] =	wrdreg $0xF0000  }
0xb0: {  	[dreg:$0x4] =	wrdreg $0x9  }
0xb1: {  	_ =	task.clear_ibuf [dreg:s6], $0x5FFFF;
	_ =	strace $0x90000046  }
0xb2: {  	s29 =	simm.s32 $0x9;
	_ =	strace $0x80000048  }
0xb3: {  	_ =	swait.ge [sflag:s29], $0x1  }
0xb4: {  	[sflag:s29] =	ssyncadd.s32 $0xFFFFFFFF  }
0xb5: {  	_ =	strace $0x90000048  }
0xb6: {  	_ =	sfence  }
0xb7: {  	s30 =	sld [smem:$0x0];
	_ =	sdelay $0x2  }
0xb8: {  	s31 =	sshll.u32 s1, $0xD;
	s1 =	sshrl.u32 s1, $0x2  }
0xb9: {  	s3 =	sand.u32 $0x4000, s31;
	s1 =	sadd.s32 s1, s30  }
0xba: {  	s0 =	sor.u32 s3, s0;
	s1 =	sshll.u32 s1, $0x11  }
0xbb: {  	s0 =	sor.u32 s1, s0  }
0xbc: {  	s0 =	sadd.s32 $0x8F2B, s0  }
0xbd: {  	[sflag:s0] =	ssyncadd.remote.s32 $0x1  }
0xbe: {  	_ =	sfence.sel $0xFFFF  }
0xbf: {  	[dreg:$0x0] =	wrdreg $0xFFFFFFFF;
	(pc) =	sbr.abs _section_cstart, $3  }
0xc0: {  	[dreg:$0x1] =	wrdreg $0xFFFFFFFF  }
0xc1: {  	_ =	task.clear_ibuf [dreg:s6], $0x2FFFF;
	_ =	strace $0x9FFFFFFF  }
0xc2: {  	(tm) =	ssettm $0x7FFFFFFF  }
0xc3: {  	_ =	shalt  }
tec
execute0_lowered:
.L_overlay_start_1:
0x0: {  	(tag) =	ssettag $0x1  }
0x1: {  	s0 =	rddreg [dreg:$0x0]  }
0x2: {  	s2 =	rddreg [dreg:$0x1];
	s1 =	simm.s32 $0x0  }
0x3: {  	s11 =	stileid.u32;
	s4 =	srdreg.scid;
	s13 =	simm.s32 $0x5400  }
0x4: {  	s15 =	simm.s32 $0x8800;
	s17 =	simm.s32 $0xBC00;
	s18 =	smul.u32 $0x100C0, s11  }
0x5: {  	[smem:$0x7FF] =	sst s1;
	s5 =	smul.u32 $0xA000, s11;
	s4 =	sand.u32 $0x1, s4  }
0x6: {  	s19 =	sadd.s32 $0x9CD68, s0;
	p0 =	seq.s32 s11, $0xF;
	_ =	strace $0x80000047  }
0x7: {  	s20 =	smul.u32 $0xFE1C0, s4;
	[dreg:$0x5] =	wrdreg s19;
	s6 =	sshrl.u32 s18, $0x3  }
0x8: {  	s7 =	sadd.s32 s18, s2;
	s5 =	sshrl.u32 s5, $0x3;
	s6 =	sadd.s32 s6, s0  }
0x9: {  	[dreg:$0x3] =	wrdreg s7;
	s5 =	sadd.s32 s5, s0;
	s6 =	sadd.s32 $0x7EC00, s6  }
0xa: {  	s4 =	ssub.s32 $0x2, s4;
	s21 =	sadd.s32 $0x6AC00, s5;
	[dreg:$0x4] =	wrdreg s6  }
0xb: {  	s10 =	sshrl.u32 s4, $0x1;
	s22 =	sadd.s32 $0x6AE00, s5;
	[dreg:$0x6] =	wrdreg s21  }
0xc: {  	s8 =	sshrl.u32 s20, $0x3;
	s23 =	sadd.s32 $0x6B000, s5;
	[dreg:$0x7] =	wrdreg s22  }
0xd: {  	s10 =	ssub.s32 s4, s10;
	s24 =	sadd.s32 $0x6B200, s5;
	[dreg:$0x8] =	wrdreg s23  }
0xe: {  	s1 =	sadd.s32 s18, s20;
	s25 =	sadd.s32 $0x6B400, s5;
	[dreg:$0x9] =	wrdreg s24  }
0xf: {  	s18 =	simm.s32 $0x3;
	s26 =	sadd.s32 $0x6B600, s5;
	[dreg:$0xa] =	wrdreg s25  }
0x10: {  	s20 =	simm.s32 $0x4;
	s28 =	sadd.s32 $0x6B800, s5;
	[dreg:$0xb] =	wrdreg s26  }
0x11: {  	s9 =	sadd.s32 s8, s0;
	s29 =	sadd.s32 $0x6BA00, s5;
	[dreg:$0xc] =	wrdreg s28  }
0x12: {  	s0 =	sadd.s32 $0x9EA00, s0;
	s30 =	sadd.s32 $0x6BC00, s5;
	[dreg:$0xd] =	wrdreg s29  }
0x13: {  	s31 =	sadd.s32 $0x6BE00, s5;
	s1 =	sshrl.u32 s1, $0x3;
	[dreg:$0xe] =	wrdreg s30  }
0x14: {  	s5 =	simm.s32 $0x1;
	[dreg:$0xf] =	wrdreg s31;
	s1 =	sadd.s32 s0, s1  }
0x15: {  	s0 =	sadd.s32 s0, s8;
	s6 =	sadd.s32 $0xF0B40, s2;
	s4 =	sadd.s32 $0x2B200, s9  }
0x16: {  	s8 =	simm.s32 $0x7;
	[dreg:$0x10] =	wrdreg s1;
	s0 =	sadd.s32 $0x1E168, s0  }
0x17: {  	s23 =	simm.s32 $0x5;
	[dreg:$0x11] =	wrdreg s0;
	s0 =	sshrl.u32 @p0 s6, $0x3  }
0x18: {  	s26 =	simm.s32 $0x6;
	[dreg:$0x12] =	wrdreg s0;
	s0 =	sshll.u32 @!p0 s11, $0x6  }
0x19: {  	s1 =	smax.u32 s10, $0x1;
	s10 =	simm.s32 $0x80;
	s0 =	sor.u32 @!p0 $0x1C07, s0  }
0x1a: {  	s6 =	simm.s32 $0x2;
	s11 =	simm.s32 $0x2000;
	[dreg:$0x13] =	wrdreg s0  }
.LBB2_1:
0x1b: {  	[dreg:$0x15] =	wrdreg s1  }
0x1c: {  	s14 =	rddreg [dreg:$0x5]  }
0x1d: {  	s0 =	simm.s32 @p0 $0x1FC7;
	s1 =	rddreg [dreg:$0x12]  }
0x1e: {  	[spmem:s1], [sflag:s0] =	dma.local @p0 [hbm:s14], $0x1AD0  }
0x1f: {  	s0 =	simm.s32 @p0 $0x7  }
0x20: {  	_ =	swait.ge @p0 [sflag:s0], $0x1AD0  }
0x21: {  	s16 =	rddreg [dreg:$0x3]  }
0x22: {  	s21 =	rddreg [dreg:$0x4];
	[sflag:s0] =	ssyncset.done @p0 $0x0  }
0x23: {  	s1 =	rddreg [dreg:$0x13];
	[sflag:s0] =	ssyncadd.s32 @p0 $0xFFFFE530;
	s0 =	sshrl.u32 @!p0 s16, $0x3  }
0x24: {  	[dreg:$0x14] =	wrdreg s0  }
0x25: {  	[spmem:s0], [sflag:s1] =	dma.local @!p0 [hbm:s21], $0x2018  }
0x26: {  	s0 =	simm.s32 @!p0 $0x7  }
0x27: {  	_ =	swait.ge @!p0 [sflag:s0], $0x2018  }
0x28: {  	[sflag:s0] =	ssyncset.done @!p0 $0x0  }
0x29: {  	[sflag:s0] =	ssyncadd.s32 @!p0 $0xFFFFDFE8  }
0x2a: {  	[bflag:$0x0] =	sbarrier.arrive $0xFFFF  }
0x2b: {  	s1 =	simm.s32 $0x0;
	s29 =	rddreg [dreg:$0x6]  }
0x2c: {  	[tilespmem:s1], [sflag:$0x7] =	stream.linear.gather [hbm4b:s29+s1], $0x1000, $0x38;
	[tilespmem:$0x1EE20] =	vst v63  }
0x2d: {  	_ =	swait.ge [sflag:s8], $0x1000  }
0x2e: {  	[sflag:s8] =	ssyncset.done $0x0  }
0x2f: {  	s31 =	simm.s32 $0x1000;
	s30 =	rddreg [dreg:$0x7];
	[sflag:s8] =	ssyncadd.s32 $0xFFFFF000  }
0x30: {  	[tilespmem:s31], [sflag:$0x2] =	stream.linear.gather [hbm4b:s30+s1], $0x1000, $0x38;
	[tilespmem:$0x1EE20] =	vst v63  }
0x31: {  	_ = 	snop  }
0x32: {  	[tilespmem:s11], [sflag:$0x3] =	stream.indirect.gather [hbm4b:s4+s10], $0x68, s1, s10, $0xb8;
	[tilespmem:$0x1EE20] =	vst v63  }
0x33: {  	s3 =	simm.s32 $0x100  }
0x34: {  	[tilespmem:s13], [sflag:$0x4] =	stream.indirect.gather [hbm4b:s4+s10], $0x68, s3, s10, $0xb8;
	[tilespmem:$0x1EE20] =	vst v63  }
0x35: {  	s7 =	simm.s32 $0x200  }
0x36: {  	[tilespmem:s15], [sflag:$0x5] =	stream.indirect.gather [hbm4b:s4+s10], $0x68, s7, s10, $0xb8;
	[tilespmem:$0x1EE20] =	vst v63  }
0x37: {  	s9 =	simm.s32 $0x300  }
0x38: {  	[tilespmem:s17], [sflag:$0x6] =	stream.indirect.gather [hbm4b:s4+s10], $0x68, s9, s10, $0xb8;
	[tilespmem:$0x1EE20] =	vst v63  }
0x39: {  	_ =	swait.ge [sflag:s18], $0x3400  }
0x3a: {  	[sflag:s18] =	ssyncset.done $0x0  }
0x3b: {  	[sflag:s18] =	ssyncadd.s32 $0xFFFFCC00  }
0x3c: {  	[spmem:s2] =	stream.indirect.scatter.add.f32 [tilespmem:s11], [sflag:$0x7], $0x68, s10, s10, $0xb8;
	[tilespmem:$0x1EE20] =	vst v63  }
0x3d: {  	_ =	swait.ge [sflag:s8], $0x3400  }
0x3e: {  	[sflag:s8] =	ssyncset.done $0x0  }
0x3f: {  	s12 =	simm.s32 $0x400;
	[sflag:s8] =	ssyncadd.s32 $0xFFFFCC00  }
0x40: {  	[tilespmem:s11], [sflag:$0x3] =	stream.indirect.gather [hbm4b:s4+s10], $0x68, s12, s10, $0xb8;
	[tilespmem:$0x1EE20] =	vst v63  }
0x41: {  	_ =	swait.ge [sflag:s20], $0x3400  }
0x42: {  	[sflag:s20] =	ssyncset.done $0x0  }
0x43: {  	s14 =	simm.s32 $0x180;
	[sflag:s20] =	ssyncadd.s32 $0xFFFFCC00  }
0x44: {  	[spmem:s2] =	stream.indirect.scatter.add.f32 [tilespmem:s13], [sflag:$0x7], $0x68, s14, s10, $0xb8;
	[tilespmem:$0x1EE20] =	vst v63  }
0x45: {  	_ =	swait.ge [sflag:s8], $0x3400  }
0x46: {  	[sflag:s8] =	ssyncset.done $0x0  }
0x47: {  	s16 =	simm.s32 $0x500;
	[sflag:s8] =	ssyncadd.s32 $0xFFFFCC00  }
0x48: {  	[tilespmem:s13], [sflag:$0x4] =	stream.indirect.gather [hbm4b:s4+s10], $0x68, s16, s10, $0xb8;
	[tilespmem:$0x1EE20] =	vst v63  }
0x49: {  	_ =	swait.ge [sflag:s23], $0x3400  }
0x4a: {  	[sflag:s23] =	ssyncset.done $0x0  }
0x4b: {  	s19 =	simm.s32 $0x280;
	[sflag:s23] =	ssyncadd.s32 $0xFFFFCC00  }
0x4c: {  	[spmem:s2] =	stream.indirect.scatter.add.f32 [tilespmem:s15], [sflag:$0x7], $0x68, s19, s10, $0xb8;
	[tilespmem:$0x1EE20] =	vst v63  }
0x4d: {  	_ =	swait.ge [sflag:s8], $0x3400  }
0x4e: {  	[sflag:s8] =	ssyncset.done $0x0  }
0x4f: {  	s21 =	simm.s32 $0x600;
	[sflag:s8] =	ssyncadd.s32 $0xFFFFCC00  }
0x50: {  	[tilespmem:s15], [sflag:$0x5] =	stream.indirect.gather [hbm4b:s4+s10], $0x68, s21, s10, $0xb8;
	[tilespmem:$0x1EE20] =	vst v63  }
0x51: {  	_ =	swait.ge [sflag:s26], $0x3400  }
0x52: {  	[sflag:s26] =	ssyncset.done $0x0  }
0x53: {  	s22 =	simm.s32 $0x380;
	[sflag:s26] =	ssyncadd.s32 $0xFFFFCC00  }
0x54: {  	[spmem:s2] =	stream.indirect.scatter.add.f32 [tilespmem:s17], [sflag:$0x7], $0x68, s22, s10, $0xb8;
	[tilespmem:$0x1EE20] =	vst v63  }
0x55: {  	_ =	swait.ge [sflag:s8], $0x3400  }
0x56: {  	[sflag:s8] =	ssyncset.done $0x0  }
0x57: {  	s24 =	simm.s32 $0x700;
	[sflag:s8] =	ssyncadd.s32 $0xFFFFCC00  }
0x58: {  	[tilespmem:s17], [sflag:$0x6] =	stream.indirect.gather [hbm4b:s4+s10], $0x68, s24, s10, $0xb8;
	[tilespmem:$0x1EE20] =	vst v63  }
0x59: {  	_ =	swait.ge [sflag:s18], $0x3400  }
0x5a: {  	[sflag:s18] =	ssyncset.done $0x0  }
0x5b: {  	s25 =	simm.s32 $0x480;
	[sflag:s18] =	ssyncadd.s32 $0xFFFFCC00  }
0x5c: {  	[spmem:s2] =	stream.indirect.scatter.add.f32 [tilespmem:s11], [sflag:$0x7], $0x68, s25, s10, $0xb8;
	[tilespmem:$0x1EE20] =	vst v63  }
0x5d: {  	_ =	swait.ge [sflag:s8], $0x3400  }
0x5e: {  	[sflag:s8] =	ssyncset.done $0x0  }
0x5f: {  	s28 =	simm.s32 $0x800;
	[sflag:s8] =	ssyncadd.s32 $0xFFFFCC00  }
0x60: {  	[tilespmem:s11], [sflag:$0x3] =	stream.indirect.gather [hbm4b:s4+s10], $0x68, s28, s10, $0xb8;
	[tilespmem:$0x1EE20] =	vst v63  }
0x61: {  	_ =	swait.ge [sflag:s20], $0x3400  }
0x62: {  	[sflag:s20] =	ssyncset.done $0x0  }
0x63: {  	s29 =	simm.s32 $0x580;
	[sflag:s20] =	ssyncadd.s32 $0xFFFFCC00  }
0x64: {  	[spmem:s2] =	stream.indirect.scatter.add.f32 [tilespmem:s13], [sflag:$0x7], $0x68, s29, s10, $0xb8;
	[tilespmem:$0x1EE20] =	vst v63  }
0x65: {  	_ =	swait.ge [sflag:s8], $0x3400  }
0x66: {  	[sflag:s8] =	ssyncset.done $0x0  }
0x67: {  	s30 =	simm.s32 $0x900;
	[sflag:s8] =	ssyncadd.s32 $0xFFFFCC00  }
0x68: {  	[tilespmem:s13], [sflag:$0x4] =	stream.indirect.gather [hbm4b:s4+s10], $0x68, s30, s10, $0xb8;
	[tilespmem:$0x1EE20] =	vst v63  }
0x69: {  	_ =	swait.ge [sflag:s23], $0x3400  }
0x6a: {  	[sflag:s23] =	ssyncset.done $0x0  }
0x6b: {  	s31 =	simm.s32 $0x680;
	[sflag:s23] =	ssyncadd.s32 $0xFFFFCC00  }
0x6c: {  	[spmem:s2] =	stream.indirect.scatter.add.f32 [tilespmem:s15], [sflag:$0x7], $0x68, s31, s10, $0xb8;
	[tilespmem:$0x1EE20] =	vst v63  }
0x6d: {  	_ =	swait.ge [sflag:s8], $0x3400  }
0x6e: {  	[sflag:s8] =	ssyncset.done $0x0  }
0x6f: {  	s3 =	simm.s32 $0xA00;
	[sflag:s8] =	ssyncadd.s32 $0xFFFFCC00  }
0x70: {  	[tilespmem:s15], [sflag:$0x5] =	stream.indirect.gather [hbm4b:s4+s10], $0x68, s3, s10, $0xb8;
	[tilespmem:$0x1EE20] =	vst v63  }
0x71: {  	_ =	swait.ge [sflag:s26], $0x3400  }
0x72: {  	[sflag:s26] =	ssyncset.done $0x0  }
0x73: {  	s7 =	simm.s32 $0x780;
	[sflag:s26] =	ssyncadd.s32 $0xFFFFCC00  }
0x74: {  	[spmem:s2] =	stream.indirect.scatter.add.f32 [tilespmem:s17], [sflag:$0x7], $0x68, s7, s10, $0xb8;
	[tilespmem:$0x1EE20] =	vst v63  }
0x75: {  	_ =	swait.ge [sflag:s8], $0x3400  }
0x76: {  	[sflag:s8] =	ssyncset.done $0x0  }
0x77: {  	s9 =	simm.s32 $0xB00;
	[sflag:s8] =	ssyncadd.s32 $0xFFFFCC00  }
0x78: {  	[tilespmem:s17], [sflag:$0x6] =	stream.indirect.gather [hbm4b:s4+s10], $0x68, s9, s10, $0xb8;
	[tilespmem:$0x1EE20] =	vst v63  }
0x79: {  	_ =	swait.ge [sflag:s18], $0x3400  }
0x7a: {  	[sflag:s18] =	ssyncset.done $0x0  }
0x7b: {  	s12 =	simm.s32 $0x880;
	[sflag:s18] =	ssyncadd.s32 $0xFFFFCC00  }
0x7c: {  	[spmem:s2] =	stream.indirect.scatter.add.f32 [tilespmem:s11], [sflag:$0x7], $0x68, s12, s10, $0xb8;
	[tilespmem:$0x1EE20] =	vst v63  }
0x7d: {  	_ =	swait.ge [sflag:s8], $0x3400  }
0x7e: {  	[sflag:s8] =	ssyncset.done $0x0  }
0x7f: {  	s14 =	simm.s32 $0xC00;
	[sflag:s8] =	ssyncadd.s32 $0xFFFFCC00  }
0x80: {  	[tilespmem:s11], [sflag:$0x3] =	stream.indirect.gather [hbm4b:s4+s10], $0x68, s14, s10, $0xb8;
	[tilespmem:$0x1EE20] =	vst v63  }
0x81: {  	_ =	swait.ge [sflag:s20], $0x3400  }
0x82: {  	[sflag:s20] =	ssyncset.done $0x0  }
0x83: {  	s16 =	simm.s32 $0x980;
	[sflag:s20] =	ssyncadd.s32 $0xFFFFCC00  }
0x84: {  	[spmem:s2] =	stream.indirect.scatter.add.f32 [tilespmem:s13], [sflag:$0x7], $0x68, s16, s10, $0xb8;
	[tilespmem:$0x1EE20] =	vst v63  }
0x85: {  	_ =	swait.ge [sflag:s8], $0x3400  }
0x86: {  	[sflag:s8] =	ssyncset.done $0x0  }
0x87: {  	s19 =	simm.s32 $0xD00;
	[sflag:s8] =	ssyncadd.s32 $0xFFFFCC00  }
0x88: {  	[tilespmem:s13], [sflag:$0x4] =	stream.indirect.gather [hbm4b:s4+s10], $0x68, s19, s10, $0xb8;
	[tilespmem:$0x1EE20] =	vst v63  }
0x89: {  	_ =	swait.ge [sflag:s23], $0x3400  }
0x8a: {  	[sflag:s23] =	ssyncset.done $0x0  }
0x8b: {  	s21 =	simm.s32 $0xA80;
	[sflag:s23] =	ssyncadd.s32 $0xFFFFCC00  }
0x8c: {  	[spmem:s2] =	stream.indirect.scatter.add.f32 [tilespmem:s15], [sflag:$0x7], $0x68, s21, s10, $0xb8;
	[tilespmem:$0x1EE20] =	vst v63  }
0x8d: {  	_ =	swait.ge [sflag:s8], $0x3400  }
0x8e: {  	[sflag:s8] =	ssyncset.done $0x0  }
0x8f: {  	s22 =	simm.s32 $0xE00;
	[sflag:s8] =	ssyncadd.s32 $0xFFFFCC00  }
0x90: {  	[tilespmem:s15], [sflag:$0x5] =	stream.indirect.gather [hbm4b:s4+s10], $0x68, s22, s10, $0xb8;
	[tilespmem:$0x1EE20] =	vst v63  }
0x91: {  	_ =	swait.ge [sflag:s26], $0x3400  }
0x92: {  	[sflag:s26] =	ssyncset.done $0x0  }
0x93: {  	s24 =	simm.s32 $0xB80;
	[sflag:s26] =	ssyncadd.s32 $0xFFFFCC00  }
0x94: {  	[spmem:s2] =	stream.indirect.scatter.add.f32 [tilespmem:s17], [sflag:$0x7], $0x68, s24, s10, $0xb8;
	[tilespmem:$0x1EE20] =	vst v63  }
0x95: {  	_ =	swait.ge [sflag:s8], $0x3400  }
0x96: {  	[sflag:s8] =	ssyncset.done $0x0  }
0x97: {  	s25 =	simm.s32 $0xF00;
	[sflag:s8] =	ssyncadd.s32 $0xFFFFCC00  }
0x98: {  	[tilespmem:s17], [sflag:$0x6] =	stream.indirect.gather [hbm4b:s4+s10], $0x68, s25, s10, $0xb8;
	[tilespmem:$0x1EE20] =	vst v63  }
0x99: {  	_ =	swait.ge [sflag:s18], $0x3400  }
0x9a: {  	[sflag:s18] =	ssyncset.done $0x0  }
0x9b: {  	s28 =	simm.s32 $0xC80;
	[sflag:s18] =	ssyncadd.s32 $0xFFFFCC00  }
0x9c: {  	[spmem:s2] =	stream.indirect.scatter.add.f32 [tilespmem:s11], [sflag:$0x7], $0x68, s28, s10, $0xb8;
	[tilespmem:$0x1EE20] =	vst v63  }
0x9d: {  	_ =	swait.ge [sflag:s8], $0x3400  }
0x9e: {  	[sflag:s8] =	ssyncset.done $0x0  }
0x9f: {  	[sflag:s8] =	ssyncadd.s32 $0xFFFFCC00  }
0xa0: {  	_ =	swait.ge [sflag:s20], $0x3400  }
0xa1: {  	[sflag:s20] =	ssyncset.done $0x0  }
0xa2: {  	s29 =	simm.s32 $0xD80;
	[sflag:s20] =	ssyncadd.s32 $0xFFFFCC00  }
0xa3: {  	[spmem:s2] =	stream.indirect.scatter.add.f32 [tilespmem:s13], [sflag:$0x7], $0x68, s29, s10, $0xb8;
	[tilespmem:$0x1EE20] =	vst v63  }
0xa4: {  	_ =	swait.ge [sflag:s8], $0x3400  }
0xa5: {  	[sflag:s8] =	ssyncset.done $0x0  }
0xa6: {  	[sflag:s8] =	ssyncadd.s32 $0xFFFFCC00  }
0xa7: {  	_ =	swait.ge [sflag:s23], $0x3400  }
0xa8: {  	[sflag:s23] =	ssyncset.done $0x0  }
0xa9: {  	s30 =	simm.s32 $0xE80;
	[sflag:s23] =	ssyncadd.s32 $0xFFFFCC00  }
0xaa: {  	[spmem:s2] =	stream.indirect.scatter.add.f32 [tilespmem:s15], [sflag:$0x7], $0x68, s30, s10, $0xb8;
	[tilespmem:$0x1EE20] =	vst v63  }
0xab: {  	_ =	swait.ge [sflag:s8], $0x3400  }
0xac: {  	[sflag:s8] =	ssyncset.done $0x0  }
0xad: {  	[sflag:s8] =	ssyncadd.s32 $0xFFFFCC00  }
0xae: {  	_ =	swait.ge [sflag:s26], $0x3400  }
0xaf: {  	[sflag:s26] =	ssyncset.done $0x0  }
0xb0: {  	s31 =	simm.s32 $0xF80;
	[sflag:s26] =	ssyncadd.s32 $0xFFFFCC00  }
0xb1: {  	[spmem:s2] =	stream.indirect.scatter.add.f32 [tilespmem:s17], [sflag:$0x7], $0x68, s31, s10, $0xb8;
	[tilespmem:$0x1EE20] =	vst v63  }
0xb2: {  	_ =	swait.ge [sflag:s8], $0x3400  }
0xb3: {  	[sflag:s8] =	ssyncset.done $0x0  }
0xb4: {  	[sflag:s8] =	ssyncadd.s32 $0xFFFFCC00  }
0xb5: {  	_ =	swait.ge [sflag:s6], $0x1000  }
0xb6: {  	[sflag:s6] =	ssyncset.done $0x0  }
0xb7: {  	s3 =	rddreg [dreg:$0x8];
	[sflag:s6] =	ssyncadd.s32 $0xFFFFF000  }
0xb8: {  	[tilespmem:s1], [sflag:$0x1] =	stream.linear.gather [hbm4b:s3+s1], $0x1000, $0x38;
	[tilespmem:$0x1EE20] =	vst v63  }
0xb9: {  	s0 =	simm.s32 $0x1000  }
0xba: {  	[tilespmem:s11], [sflag:$0x3] =	stream.indirect.gather [hbm4b:s4+s10], $0x68, s0, s10, $0xb8;
	[tilespmem:$0x1EE20] =	vst v63  }
0xbb: {  	s3 =	simm.s32 $0x1100  }
0xbc: {  	[tilespmem:s13], [sflag:$0x4] =	stream.indirect.gather [hbm4b:s4+s10], $0x68, s3, s10, $0xb8;
	[tilespmem:$0x1EE20] =	vst v63  }
0xbd: {  	s7 =	simm.s32 $0x1200  }
0xbe: {  	[tilespmem:s15], [sflag:$0x5] =	stream.indirect.gather [hbm4b:s4+s10], $0x68, s7, s10, $0xb8;
	[tilespmem:$0x1EE20] =	vst v63  }
0xbf: {  	s9 =	simm.s32 $0x1300  }
0xc0: {  	[tilespmem:s17], [sflag:$0x6] =	stream.indirect.gather [hbm4b:s4+s10], $0x68, s9, s10, $0xb8;
	[tilespmem:$0x1EE20] =	vst v63  }
0xc1: {  	_ =	swait.ge [sflag:s18], $0x3400  }
0xc2: {  	[sflag:s18] =	ssyncset.done $0x0  }
0xc3: {  	s12 =	simm.s32 $0x1080;
	[sflag:s18] =	ssyncadd.s32 $0xFFFFCC00  }
0xc4: {  	[spmem:s2] =	stream.indirect.scatter.add.f32 [tilespmem:s11], [sflag:$0x7], $0x68, s12, s10, $0xb8;
	[tilespmem:$0x1EE20] =	vst v63  }
0xc5: {  	_ =	swait.ge [sflag:s8], $0x3400  }
0xc6: {  	[sflag:s8] =	ssyncset.done $0x0  }
0xc7: {  	s14 =	simm.s32 $0x1400;
	[sflag:s8] =	ssyncadd.s32 $0xFFFFCC00  }
0xc8: {  	[tilespmem:s11], [sflag:$0x3] =	stream.indirect.gather [hbm4b:s4+s10], $0x68, s14, s10, $0xb8;
	[tilespmem:$0x1EE20] =	vst v63  }
0xc9: {  	_ =	swait.ge [sflag:s20], $0x3400  }
0xca: {  	[sflag:s20] =	ssyncset.done $0x0  }
0xcb: {  	s16 =	simm.s32 $0x1180;
	[sflag:s20] =	ssyncadd.s32 $0xFFFFCC00  }
0xcc: {  	[spmem:s2] =	stream.indirect.scatter.add.f32 [tilespmem:s13], [sflag:$0x7], $0x68, s16, s10, $0xb8;
	[tilespmem:$0x1EE20] =	vst v63  }
0xcd: {  	_ =	swait.ge [sflag:s8], $0x3400  }
0xce: {  	[sflag:s8] =	ssyncset.done $0x0  }
0xcf: {  	s19 =	simm.s32 $0x1500;
	[sflag:s8] =	ssyncadd.s32 $0xFFFFCC00  }
0xd0: {  	[tilespmem:s13], [sflag:$0x4] =	stream.indirect.gather [hbm4b:s4+s10], $0x68, s19, s10, $0xb8;
	[tilespmem:$0x1EE20] =	vst v63  }
0xd1: {  	_ =	swait.ge [sflag:s23], $0x3400  }
0xd2: {  	[sflag:s23] =	ssyncset.done $0x0  }
0xd3: {  	s21 =	simm.s32 $0x1280;
	[sflag:s23] =	ssyncadd.s32 $0xFFFFCC00  }
0xd4: {  	[spmem:s2] =	stream.indirect.scatter.add.f32 [tilespmem:s15], [sflag:$0x7], $0x68, s21, s10, $0xb8;
	[tilespmem:$0x1EE20] =	vst v63  }
0xd5: {  	_ =	swait.ge [sflag:s8], $0x3400  }
0xd6: {  	[sflag:s8] =	ssyncset.done $0x0  }
0xd7: {  	s22 =	simm.s32 $0x1600;
	[sflag:s8] =	ssyncadd.s32 $0xFFFFCC00  }
0xd8: {  	[tilespmem:s15], [sflag:$0x5] =	stream.indirect.gather [hbm4b:s4+s10], $0x68, s22, s10, $0xb8;
	[tilespmem:$0x1EE20] =	vst v63  }
0xd9: {  	_ =	swait.ge [sflag:s26], $0x3400  }
0xda: {  	[sflag:s26] =	ssyncset.done $0x0  }
0xdb: {  	s24 =	simm.s32 $0x1380;
	[sflag:s26] =	ssyncadd.s32 $0xFFFFCC00  }
0xdc: {  	[spmem:s2] =	stream.indirect.scatter.add.f32 [tilespmem:s17], [sflag:$0x7], $0x68, s24, s10, $0xb8;
	[tilespmem:$0x1EE20] =	vst v63  }
0xdd: {  	_ =	swait.ge [sflag:s8], $0x3400  }
0xde: {  	[sflag:s8] =	ssyncset.done $0x0  }
0xdf: {  	s25 =	simm.s32 $0x1700;
	[sflag:s8] =	ssyncadd.s32 $0xFFFFCC00  }
0xe0: {  	[tilespmem:s17], [sflag:$0x6] =	stream.indirect.gather [hbm4b:s4+s10], $0x68, s25, s10, $0xb8;
	[tilespmem:$0x1EE20] =	vst v63  }
0xe1: {  	_ =	swait.ge [sflag:s18], $0x3400  }
0xe2: {  	[sflag:s18] =	ssyncset.done $0x0  }
0xe3: {  	s28 =	simm.s32 $0x1480;
	[sflag:s18] =	ssyncadd.s32 $0xFFFFCC00  }
0xe4: {  	[spmem:s2] =	stream.indirect.scatter.add.f32 [tilespmem:s11], [sflag:$0x7], $0x68, s28, s10, $0xb8;
	[tilespmem:$0x1EE20] =	vst v63  }
0xe5: {  	_ =	swait.ge [sflag:s8], $0x3400  }
0xe6: {  	[sflag:s8] =	ssyncset.done $0x0  }
0xe7: {  	s29 =	simm.s32 $0x1800;
	[sflag:s8] =	ssyncadd.s32 $0xFFFFCC00  }
0xe8: {  	[tilespmem:s11], [sflag:$0x3] =	stream.indirect.gather [hbm4b:s4+s10], $0x68, s29, s10, $0xb8;
	[tilespmem:$0x1EE20] =	vst v63  }
0xe9: {  	_ =	swait.ge [sflag:s20], $0x3400  }
0xea: {  	[sflag:s20] =	ssyncset.done $0x0  }
0xeb: {  	s30 =	simm.s32 $0x1580;
	[sflag:s20] =	ssyncadd.s32 $0xFFFFCC00  }
0xec: {  	[spmem:s2] =	stream.indirect.scatter.add.f32 [tilespmem:s13], [sflag:$0x7], $0x68, s30, s10, $0xb8;
	[tilespmem:$0x1EE20] =	vst v63  }
0xed: {  	_ =	swait.ge [sflag:s8], $0x3400  }
0xee: {  	[sflag:s8] =	ssyncset.done $0x0  }
0xef: {  	s31 =	simm.s32 $0x1900;
	[sflag:s8] =	ssyncadd.s32 $0xFFFFCC00  }
0xf0: {  	[tilespmem:s13], [sflag:$0x4] =	stream.indirect.gather [hbm4b:s4+s10], $0x68, s31, s10, $0xb8;
	[tilespmem:$0x1EE20] =	vst v63  }
0xf1: {  	_ =	swait.ge [sflag:s23], $0x3400  }
0xf2: {  	[sflag:s23] =	ssyncset.done $0x0  }
0xf3: {  	s7 =	simm.s32 $0x1680;
	[sflag:s23] =	ssyncadd.s32 $0xFFFFCC00  }
0xf4: {  	[spmem:s2] =	stream.indirect.scatter.add.f32 [tilespmem:s15], [sflag:$0x7], $0x68, s7, s10, $0xb8;
	[tilespmem:$0x1EE20] =	vst v63  }
0xf5: {  	_ =	swait.ge [sflag:s8], $0x3400  }
0xf6: {  	[sflag:s8] =	ssyncset.done $0x0  }
0xf7: {  	s9 =	simm.s32 $0x1A00;
	[sflag:s8] =	ssyncadd.s32 $0xFFFFCC00  }
0xf8: {  	[tilespmem:s15], [sflag:$0x5] =	stream.indirect.gather [hbm4b:s4+s10], $0x68, s9, s10, $0xb8;
	[tilespmem:$0x1EE20] =	vst v63  }
0xf9: {  	_ =	swait.ge [sflag:s26], $0x3400  }
0xfa: {  	[sflag:s26] =	ssyncset.done $0x0  }
0xfb: {  	s12 =	simm.s32 $0x1780;
	[sflag:s26] =	ssyncadd.s32 $0xFFFFCC00  }
0xfc: {  	[spmem:s2] =	stream.indirect.scatter.add.f32 [tilespmem:s17], [sflag:$0x7], $0x68, s12, s10, $0xb8;
	[tilespmem:$0x1EE20] =	vst v63  }
0xfd: {  	_ =	swait.ge [sflag:s8], $0x3400  }
0xfe: {  	[sflag:s8] =	ssyncset.done $0x0  }
0xff: {  	s14 =	simm.s32 $0x1B00;
	[sflag:s8] =	ssyncadd.s32 $0xFFFFCC00  }
0x100: {  	[tilespmem:s17], [sflag:$0x6] =	stream.indirect.gather [hbm4b:s4+s10], $0x68, s14, s10, $0xb8;
	[tilespmem:$0x1EE20] =	vst v63  }
0x101: {  	_ =	swait.ge [sflag:s18], $0x3400  }
0x102: {  	[sflag:s18] =	ssyncset.done $0x0  }
0x103: {  	s16 =	simm.s32 $0x1880;
	[sflag:s18] =	ssyncadd.s32 $0xFFFFCC00  }
0x104: {  	[spmem:s2] =	stream.indirect.scatter.add.f32 [tilespmem:s11], [sflag:$0x7], $0x68, s16, s10, $0xb8;
	[tilespmem:$0x1EE20] =	vst v63  }
0x105: {  	_ =	swait.ge [sflag:s8], $0x3400  }
0x106: {  	[sflag:s8] =	ssyncset.done $0x0  }
0x107: {  	s19 =	simm.s32 $0x1C00;
	[sflag:s8] =	ssyncadd.s32 $0xFFFFCC00  }
0x108: {  	[tilespmem:s11], [sflag:$0x3] =	stream.indirect.gather [hbm4b:s4+s10], $0x68, s19, s10, $0xb8;
	[tilespmem:$0x1EE20] =	vst v63  }
0x109: {  	_ =	swait.ge [sflag:s20], $0x3400  }
0x10a: {  	[sflag:s20] =	ssyncset.done $0x0  }
0x10b: {  	s21 =	simm.s32 $0x1980;
	[sflag:s20] =	ssyncadd.s32 $0xFFFFCC00  }
0x10c: {  	[spmem:s2] =	stream.indirect.scatter.add.f32 [tilespmem:s13], [sflag:$0x7], $0x68, s21, s10, $0xb8;
	[tilespmem:$0x1EE20] =	vst v63  }
0x10d: {  	_ =	swait.ge [sflag:s8], $0x3400  }
0x10e: {  	[sflag:s8] =	ssyncset.done $0x0  }
0x10f: {  	s22 =	simm.s32 $0x1D00;
	[sflag:s8] =	ssyncadd.s32 $0xFFFFCC00  }
0x110: {  	[tilespmem:s13], [sflag:$0x4] =	stream.indirect.gather [hbm4b:s4+s10], $0x68, s22, s10, $0xb8;
	[tilespmem:$0x1EE20] =	vst v63  }
0x111: {  	_ =	swait.ge [sflag:s23], $0x3400  }
0x112: {  	[sflag:s23] =	ssyncset.done $0x0  }
0x113: {  	s24 =	simm.s32 $0x1A80;
	[sflag:s23] =	ssyncadd.s32 $0xFFFFCC00  }
0x114: {  	[spmem:s2] =	stream.indirect.scatter.add.f32 [tilespmem:s15], [sflag:$0x7], $0x68, s24, s10, $0xb8;
	[tilespmem:$0x1EE20] =	vst v63  }
0x115: {  	_ =	swait.ge [sflag:s8], $0x3400  }
0x116: {  	[sflag:s8] =	ssyncset.done $0x0  }
0x117: {  	s25 =	simm.s32 $0x1E00;
	[sflag:s8] =	ssyncadd.s32 $0xFFFFCC00  }
0x118: {  	[tilespmem:s15], [sflag:$0x5] =	stream.indirect.gather [hbm4b:s4+s10], $0x68, s25, s10, $0xb8;
	[tilespmem:$0x1EE20] =	vst v63  }
0x119: {  	_ =	swait.ge [sflag:s26], $0x3400  }
0x11a: {  	[sflag:s26] =	ssyncset.done $0x0  }
0x11b: {  	s28 =	simm.s32 $0x1B80;
	[sflag:s26] =	ssyncadd.s32 $0xFFFFCC00  }
0x11c: {  	[spmem:s2] =	stream.indirect.scatter.add.f32 [tilespmem:s17], [sflag:$0x7], $0x68, s28, s10, $0xb8;
	[tilespmem:$0x1EE20] =	vst v63  }
0x11d: {  	_ =	swait.ge [sflag:s8], $0x3400  }
0x11e: {  	[sflag:s8] =	ssyncset.done $0x0  }
0x11f: {  	s29 =	simm.s32 $0x1F00;
	[sflag:s8] =	ssyncadd.s32 $0xFFFFCC00  }
0x120: {  	[tilespmem:s17], [sflag:$0x6] =	stream.indirect.gather [hbm4b:s4+s10], $0x68, s29, s10, $0xb8;
	[tilespmem:$0x1EE20] =	vst v63  }
0x121: {  	_ =	swait.ge [sflag:s18], $0x3400  }
0x122: {  	[sflag:s18] =	ssyncset.done $0x0  }
0x123: {  	s30 =	simm.s32 $0x1C80;
	[sflag:s18] =	ssyncadd.s32 $0xFFFFCC00  }
0x124: {  	[spmem:s2] =	stream.indirect.scatter.add.f32 [tilespmem:s11], [sflag:$0x7], $0x68, s30, s10, $0xb8;
	[tilespmem:$0x1EE20] =	vst v63  }
0x125: {  	_ =	swait.ge [sflag:s8], $0x3400  }
0x126: {  	[sflag:s8] =	ssyncset.done $0x0  }
0x127: {  	[sflag:s8] =	ssyncadd.s32 $0xFFFFCC00  }
0x128: {  	_ =	swait.ge [sflag:s20], $0x3400  }
0x129: {  	[sflag:s20] =	ssyncset.done $0x0  }
0x12a: {  	s31 =	simm.s32 $0x1D80;
	[sflag:s20] =	ssyncadd.s32 $0xFFFFCC00  }
0x12b: {  	[spmem:s2] =	stream.indirect.scatter.add.f32 [tilespmem:s13], [sflag:$0x7], $0x68, s31, s10, $0xb8;
	[tilespmem:$0x1EE20] =	vst v63  }
0x12c: {  	_ =	swait.ge [sflag:s8], $0x3400  }
0x12d: {  	[sflag:s8] =	ssyncset.done $0x0  }
0x12e: {  	[sflag:s8] =	ssyncadd.s32 $0xFFFFCC00  }
0x12f: {  	_ =	swait.ge [sflag:s23], $0x3400  }
0x130: {  	[sflag:s23] =	ssyncset.done $0x0  }
0x131: {  	s7 =	simm.s32 $0x1E80;
	[sflag:s23] =	ssyncadd.s32 $0xFFFFCC00  }
0x132: {  	[spmem:s2] =	stream.indirect.scatter.add.f32 [tilespmem:s15], [sflag:$0x7], $0x68, s7, s10, $0xb8;
	[tilespmem:$0x1EE20] =	vst v63  }
0x133: {  	_ =	swait.ge [sflag:s8], $0x3400  }
0x134: {  	[sflag:s8] =	ssyncset.done $0x0  }
0x135: {  	[sflag:s8] =	ssyncadd.s32 $0xFFFFCC00  }
0x136: {  	_ =	swait.ge [sflag:s26], $0x3400  }
0x137: {  	[sflag:s26] =	ssyncset.done $0x0  }
0x138: {  	s9 =	simm.s32 $0x1F80;
	[sflag:s26] =	ssyncadd.s32 $0xFFFFCC00  }
0x139: {  	[spmem:s2] =	stream.indirect.scatter.add.f32 [tilespmem:s17], [sflag:$0x7], $0x68, s9, s10, $0xb8;
	[tilespmem:$0x1EE20] =	vst v63  }
0x13a: {  	_ =	swait.ge [sflag:s8], $0x3400  }
0x13b: {  	[sflag:s8] =	ssyncset.done $0x0  }
0x13c: {  	[sflag:s8] =	ssyncadd.s32 $0xFFFFCC00  }
0x13d: {  	_ =	swait.ge [sflag:s5], $0x1000  }
0x13e: {  	[sflag:s5] =	ssyncset.done $0x0  }
0x13f: {  	s12 =	rddreg [dreg:$0x9];
	[sflag:s5] =	ssyncadd.s32 $0xFFFFF000  }
0x140: {  	[tilespmem:s0], [sflag:$0x2] =	stream.linear.gather [hbm4b:s12+s1], $0x1000, $0x38;
	[tilespmem:$0x1EE20] =	vst v63  }
0x141: {  	_ = 	snop  }
0x142: {  	[tilespmem:s11], [sflag:$0x3] =	stream.indirect.gather [hbm4b:s4+s10], $0x68, s1, s10, $0xb8;
	[tilespmem:$0x1EE20] =	vst v63  }
0x143: {  	s14 =	simm.s32 $0x100  }
0x144: {  	[tilespmem:s13], [sflag:$0x4] =	stream.indirect.gather [hbm4b:s4+s10], $0x68, s14, s10, $0xb8;
	[tilespmem:$0x1EE20] =	vst v63  }
0x145: {  	s14 =	simm.s32 $0x200  }
0x146: {  	[tilespmem:s15], [sflag:$0x5] =	stream.indirect.gather [hbm4b:s4+s10], $0x68, s14, s10, $0xb8;
	[tilespmem:$0x1EE20] =	vst v63  }
0x147: {  	s9 =	simm.s32 $0x300  }
0x148: {  	[tilespmem:s17], [sflag:$0x6] =	stream.indirect.gather [hbm4b:s4+s10], $0x68, s9, s10, $0xb8;
	[tilespmem:$0x1EE20] =	vst v63  }
0x149: {  	_ =	swait.ge [sflag:s18], $0x3400  }
0x14a: {  	[sflag:s18] =	ssyncset.done $0x0  }
0x14b: {  	[sflag:s18] =	ssyncadd.s32 $0xFFFFCC00  }
0x14c: {  	[spmem:s2] =	stream.indirect.scatter.add.f32 [tilespmem:s11], [sflag:$0x7], $0x68, s10, s10, $0xb8;
	[tilespmem:$0x1EE20] =	vst v63  }
0x14d: {  	_ =	swait.ge [sflag:s8], $0x3400  }
0x14e: {  	[sflag:s8] =	ssyncset.done $0x0  }
0x14f: {  	s7 =	simm.s32 $0x400;
	[sflag:s8] =	ssyncadd.s32 $0xFFFFCC00  }
0x150: {  	[tilespmem:s11], [sflag:$0x3] =	stream.indirect.gather [hbm4b:s4+s10], $0x68, s7, s10, $0xb8;
	[tilespmem:$0x1EE20] =	vst v63  }
0x151: {  	_ =	swait.ge [sflag:s20], $0x3400  }
0x152: {  	[sflag:s20] =	ssyncset.done $0x0  }
0x153: {  	s19 =	simm.s32 $0x180;
	[sflag:s20] =	ssyncadd.s32 $0xFFFFCC00  }
0x154: {  	[spmem:s2] =	stream.indirect.scatter.add.f32 [tilespmem:s13], [sflag:$0x7], $0x68, s19, s10, $0xb8;
	[tilespmem:$0x1EE20] =	vst v63  }
0x155: {  	_ =	swait.ge [sflag:s8], $0x3400  }
0x156: {  	[sflag:s8] =	ssyncset.done $0x0  }
0x157: {  	s22 =	simm.s32 $0x500;
	[sflag:s8] =	ssyncadd.s32 $0xFFFFCC00  }
0x158: {  	[tilespmem:s13], [sflag:$0x4] =	stream.indirect.gather [hbm4b:s4+s10], $0x68, s22, s10, $0xb8;
	[tilespmem:$0x1EE20] =	vst v63  }
0x159: {  	_ =	swait.ge [sflag:s23], $0x3400  }
0x15a: {  	[sflag:s23] =	ssyncset.done $0x0  }
0x15b: {  	s24 =	simm.s32 $0x280;
	[sflag:s23] =	ssyncadd.s32 $0xFFFFCC00  }
0x15c: {  	[spmem:s2] =	stream.indirect.scatter.add.f32 [tilespmem:s15], [sflag:$0x7], $0x68, s24, s10, $0xb8;
	[tilespmem:$0x1EE20] =	vst v63  }
0x15d: {  	_ =	swait.ge [sflag:s8], $0x3400  }
0x15e: {  	[sflag:s8] =	ssyncset.done $0x0  }
0x15f: {  	s25 =	simm.s32 $0x600;
	[sflag:s8] =	ssyncadd.s32 $0xFFFFCC00  }
0x160: {  	[tilespmem:s15], [sflag:$0x5] =	stream.indirect.gather [hbm4b:s4+s10], $0x68, s25, s10, $0xb8;
	[tilespmem:$0x1EE20] =	vst v63  }
0x161: {  	_ =	swait.ge [sflag:s26], $0x3400  }
0x162: {  	[sflag:s26] =	ssyncset.done $0x0  }
0x163: {  	s28 =	simm.s32 $0x380;
	[sflag:s26] =	ssyncadd.s32 $0xFFFFCC00  }
0x164: {  	[spmem:s2] =	stream.indirect.scatter.add.f32 [tilespmem:s17], [sflag:$0x7], $0x68, s28, s10, $0xb8;
	[tilespmem:$0x1EE20] =	vst v63  }
0x165: {  	_ =	swait.ge [sflag:s8], $0x3400  }
0x166: {  	[sflag:s8] =	ssyncset.done $0x0  }
0x167: {  	s29 =	simm.s32 $0x700;
	[sflag:s8] =	ssyncadd.s32 $0xFFFFCC00  }
0x168: {  	[tilespmem:s17], [sflag:$0x6] =	stream.indirect.gather [hbm4b:s4+s10], $0x68, s29, s10, $0xb8;
	[tilespmem:$0x1EE20] =	vst v63  }
0x169: {  	_ =	swait.ge [sflag:s18], $0x3400  }
0x16a: {  	[sflag:s18] =	ssyncset.done $0x0  }
0x16b: {  	s30 =	simm.s32 $0x480;
	[sflag:s18] =	ssyncadd.s32 $0xFFFFCC00  }
0x16c: {  	[spmem:s2] =	stream.indirect.scatter.add.f32 [tilespmem:s11], [sflag:$0x7], $0x68, s30, s10, $0xb8;
	[tilespmem:$0x1EE20] =	vst v63  }
0x16d: {  	_ =	swait.ge [sflag:s8], $0x3400  }
0x16e: {  	[sflag:s8] =	ssyncset.done $0x0  }
0x16f: {  	s31 =	simm.s32 $0x800;
	[sflag:s8] =	ssyncadd.s32 $0xFFFFCC00  }
0x170: {  	[tilespmem:s11], [sflag:$0x3] =	stream.indirect.gather [hbm4b:s4+s10], $0x68, s31, s10, $0xb8;
	[tilespmem:$0x1EE20] =	vst v63  }
0x171: {  	_ =	swait.ge [sflag:s20], $0x3400  }
0x172: {  	[sflag:s20] =	ssyncset.done $0x0  }
0x173: {  	s12 =	simm.s32 $0x580;
	[sflag:s20] =	ssyncadd.s32 $0xFFFFCC00  }
0x174: {  	[spmem:s2] =	stream.indirect.scatter.add.f32 [tilespmem:s13], [sflag:$0x7], $0x68, s12, s10, $0xb8;
	[tilespmem:$0x1EE20] =	vst v63  }
0x175: {  	_ =	swait.ge [sflag:s8], $0x3400  }
0x176: {  	[sflag:s8] =	ssyncset.done $0x0  }
0x177: {  	s3 =	simm.s32 $0x900;
	[sflag:s8] =	ssyncadd.s32 $0xFFFFCC00  }
0x178: {  	[tilespmem:s13], [sflag:$0x4] =	stream.indirect.gather [hbm4b:s4+s10], $0x68, s3, s10, $0xb8;
	[tilespmem:$0x1EE20] =	vst v63  }
0x179: {  	_ =	swait.ge [sflag:s23], $0x3400  }
0x17a: {  	[sflag:s23] =	ssyncset.done $0x0  }
0x17b: {  	s16 =	simm.s32 $0x680;
	[sflag:s23] =	ssyncadd.s32 $0xFFFFCC00  }
0x17c: {  	[spmem:s2] =	stream.indirect.scatter.add.f32 [tilespmem:s15], [sflag:$0x7], $0x68, s16, s10, $0xb8;
	[tilespmem:$0x1EE20] =	vst v63  }
0x17d: {  	_ =	swait.ge [sflag:s8], $0x3400  }
0x17e: {  	[sflag:s8] =	ssyncset.done $0x0  }
0x17f: {  	s21 =	simm.s32 $0xA00;
	[sflag:s8] =	ssyncadd.s32 $0xFFFFCC00  }
0x180: {  	[tilespmem:s15], [sflag:$0x5] =	stream.indirect.gather [hbm4b:s4+s10], $0x68, s21, s10, $0xb8;
	[tilespmem:$0x1EE20] =	vst v63  }
0x181: {  	_ =	swait.ge [sflag:s26], $0x3400  }
0x182: {  	[sflag:s26] =	ssyncset.done $0x0  }
0x183: {  	s21 =	simm.s32 $0x780;
	[sflag:s26] =	ssyncadd.s32 $0xFFFFCC00  }
0x184: {  	[spmem:s2] =	stream.indirect.scatter.add.f32 [tilespmem:s17], [sflag:$0x7], $0x68, s21, s10, $0xb8;
	[tilespmem:$0x1EE20] =	vst v63  }
0x185: {  	_ =	swait.ge [sflag:s8], $0x3400  }
0x186: {  	[sflag:s8] =	ssyncset.done $0x0  }
0x187: {  	s21 =	simm.s32 $0xB00;
	[sflag:s8] =	ssyncadd.s32 $0xFFFFCC00  }
0x188: {  	[tilespmem:s17], [sflag:$0x6] =	stream.indirect.gather [hbm4b:s4+s10], $0x68, s21, s10, $0xb8;
	[tilespmem:$0x1EE20] =	vst v63  }
0x189: {  	_ =	swait.ge [sflag:s18], $0x3400  }
0x18a: {  	[sflag:s18] =	ssyncset.done $0x0  }
0x18b: {  	s21 =	simm.s32 $0x880;
	[sflag:s18] =	ssyncadd.s32 $0xFFFFCC00  }
0x18c: {  	[spmem:s2] =	stream.indirect.scatter.add.f32 [tilespmem:s11], [sflag:$0x7], $0x68, s21, s10, $0xb8;
	[tilespmem:$0x1EE20] =	vst v63  }
0x18d: {  	_ =	swait.ge [sflag:s8], $0x3400  }
0x18e: {  	[sflag:s8] =	ssyncset.done $0x0  }
0x18f: {  	s21 =	simm.s32 $0xC00;
	[sflag:s8] =	ssyncadd.s32 $0xFFFFCC00  }
0x190: {  	[tilespmem:s11], [sflag:$0x3] =	stream.indirect.gather [hbm4b:s4+s10], $0x68, s21, s10, $0xb8;
	[tilespmem:$0x1EE20] =	vst v63  }
0x191: {  	_ =	swait.ge [sflag:s20], $0x3400  }
0x192: {  	[sflag:s20] =	ssyncset.done $0x0  }
0x193: {  	s21 =	simm.s32 $0x980;
	[sflag:s20] =	ssyncadd.s32 $0xFFFFCC00  }
0x194: {  	[spmem:s2] =	stream.indirect.scatter.add.f32 [tilespmem:s13], [sflag:$0x7], $0x68, s21, s10, $0xb8;
	[tilespmem:$0x1EE20] =	vst v63  }
0x195: {  	_ =	swait.ge [sflag:s8], $0x3400  }
0x196: {  	[sflag:s8] =	ssyncset.done $0x0  }
0x197: {  	s21 =	simm.s32 $0xD00;
	[sflag:s8] =	ssyncadd.s32 $0xFFFFCC00  }
0x198: {  	[tilespmem:s13], [sflag:$0x4] =	stream.indirect.gather [hbm4b:s4+s10], $0x68, s21, s10, $0xb8;
	[tilespmem:$0x1EE20] =	vst v63  }
0x199: {  	_ =	swait.ge [sflag:s23], $0x3400  }
0x19a: {  	[sflag:s23] =	ssyncset.done $0x0  }
0x19b: {  	s21 =	simm.s32 $0xA80;
	[sflag:s23] =	ssyncadd.s32 $0xFFFFCC00  }
0x19c: {  	[spmem:s2] =	stream.indirect.scatter.add.f32 [tilespmem:s15], [sflag:$0x7], $0x68, s21, s10, $0xb8;
	[tilespmem:$0x1EE20] =	vst v63  }
0x19d: {  	_ =	swait.ge [sflag:s8], $0x3400  }
0x19e: {  	[sflag:s8] =	ssyncset.done $0x0  }
0x19f: {  	s21 =	simm.s32 $0xE00;
	[sflag:s8] =	ssyncadd.s32 $0xFFFFCC00  }
0x1a0: {  	[tilespmem:s15], [sflag:$0x5] =	stream.indirect.gather [hbm4b:s4+s10], $0x68, s21, s10, $0xb8;
	[tilespmem:$0x1EE20] =	vst v63  }
0x1a1: {  	_ =	swait.ge [sflag:s26], $0x3400  }
0x1a2: {  	[sflag:s26] =	ssyncset.done $0x0  }
0x1a3: {  	s21 =	simm.s32 $0xB80;
	[sflag:s26] =	ssyncadd.s32 $0xFFFFCC00  }
0x1a4: {  	[spmem:s2] =	stream.indirect.scatter.add.f32 [tilespmem:s17], [sflag:$0x7], $0x68, s21, s10, $0xb8;
	[tilespmem:$0x1EE20] =	vst v63  }
0x1a5: {  	_ =	swait.ge [sflag:s8], $0x3400  }
0x1a6: {  	[sflag:s8] =	ssyncset.done $0x0  }
0x1a7: {  	s21 =	simm.s32 $0xF00;
	[sflag:s8] =	ssyncadd.s32 $0xFFFFCC00  }
0x1a8: {  	[tilespmem:s17], [sflag:$0x6] =	stream.indirect.gather [hbm4b:s4+s10], $0x68, s21, s10, $0xb8;
	[tilespmem:$0x1EE20] =	vst v63  }
0x1a9: {  	_ =	swait.ge [sflag:s18], $0x3400  }
0x1aa: {  	[sflag:s18] =	ssyncset.done $0x0  }
0x1ab: {  	s21 =	simm.s32 $0xC80;
	[sflag:s18] =	ssyncadd.s32 $0xFFFFCC00  }
0x1ac: {  	[spmem:s2] =	stream.indirect.scatter.add.f32 [tilespmem:s11], [sflag:$0x7], $0x68, s21, s10, $0xb8;
	[tilespmem:$0x1EE20] =	vst v63  }
0x1ad: {  	_ =	swait.ge [sflag:s8], $0x3400  }
0x1ae: {  	[sflag:s8] =	ssyncset.done $0x0  }
0x1af: {  	[sflag:s8] =	ssyncadd.s32 $0xFFFFCC00  }
0x1b0: {  	_ =	swait.ge [sflag:s20], $0x3400  }
0x1b1: {  	[sflag:s20] =	ssyncset.done $0x0  }
0x1b2: {  	s21 =	simm.s32 $0xD80;
	[sflag:s20] =	ssyncadd.s32 $0xFFFFCC00  }
0x1b3: {  	[spmem:s2] =	stream.indirect.scatter.add.f32 [tilespmem:s13], [sflag:$0x7], $0x68, s21, s10, $0xb8;
	[tilespmem:$0x1EE20] =	vst v63  }
0x1b4: {  	_ =	swait.ge [sflag:s8], $0x3400  }
0x1b5: {  	[sflag:s8] =	ssyncset.done $0x0  }
0x1b6: {  	[sflag:s8] =	ssyncadd.s32 $0xFFFFCC00  }
0x1b7: {  	_ =	swait.ge [sflag:s23], $0x3400  }
0x1b8: {  	[sflag:s23] =	ssyncset.done $0x0  }
0x1b9: {  	s21 =	simm.s32 $0xE80;
	[sflag:s23] =	ssyncadd.s32 $0xFFFFCC00  }
0x1ba: {  	[spmem:s2] =	stream.indirect.scatter.add.f32 [tilespmem:s15], [sflag:$0x7], $0x68, s21, s10, $0xb8;
	[tilespmem:$0x1EE20] =	vst v63  }
0x1bb: {  	_ =	swait.ge [sflag:s8], $0x3400  }
0x1bc: {  	[sflag:s8] =	ssyncset.done $0x0  }
0x1bd: {  	[sflag:s8] =	ssyncadd.s32 $0xFFFFCC00  }
0x1be: {  	_ =	swait.ge [sflag:s26], $0x3400  }
0x1bf: {  	[sflag:s26] =	ssyncset.done $0x0  }
0x1c0: {  	s21 =	simm.s32 $0xF80;
	[sflag:s26] =	ssyncadd.s32 $0xFFFFCC00  }
0x1c1: {  	[spmem:s2] =	stream.indirect.scatter.add.f32 [tilespmem:s17], [sflag:$0x7], $0x68, s21, s10, $0xb8;
	[tilespmem:$0x1EE20] =	vst v63  }
0x1c2: {  	_ =	swait.ge [sflag:s8], $0x3400  }
0x1c3: {  	[sflag:s8] =	ssyncset.done $0x0  }
0x1c4: {  	[sflag:s8] =	ssyncadd.s32 $0xFFFFCC00  }
0x1c5: {  	_ =	swait.ge [sflag:s6], $0x1000  }
0x1c6: {  	[sflag:s6] =	ssyncset.done $0x0  }
0x1c7: {  	s21 =	rddreg [dreg:$0xa];
	[sflag:s6] =	ssyncadd.s32 $0xFFFFF000  }
0x1c8: {  	[tilespmem:s1], [sflag:$0x1] =	stream.linear.gather [hbm4b:s21+s1], $0x1000, $0x38;
	[tilespmem:$0x1EE20] =	vst v63  }
0x1c9: {  	s0 =	simm.s32 $0x1000  }
0x1ca: {  	[tilespmem:s11], [sflag:$0x3] =	stream.indirect.gather [hbm4b:s4+s10], $0x68, s0, s10, $0xb8;
	[tilespmem:$0x1EE20] =	vst v63  }
0x1cb: {  	s21 =	simm.s32 $0x1100  }
0x1cc: {  	[tilespmem:s13], [sflag:$0x4] =	stream.indirect.gather [hbm4b:s4+s10], $0x68, s21, s10, $0xb8;
	[tilespmem:$0x1EE20] =	vst v63  }
0x1cd: {  	s21 =	simm.s32 $0x1200  }
0x1ce: {  	[tilespmem:s15], [sflag:$0x5] =	stream.indirect.gather [hbm4b:s4+s10], $0x68, s21, s10, $0xb8;
	[tilespmem:$0x1EE20] =	vst v63  }
0x1cf: {  	s21 =	simm.s32 $0x1300  }
0x1d0: {  	[tilespmem:s17], [sflag:$0x6] =	stream.indirect.gather [hbm4b:s4+s10], $0x68, s21, s10, $0xb8;
	[tilespmem:$0x1EE20] =	vst v63  }
0x1d1: {  	_ =	swait.ge [sflag:s18], $0x3400  }
0x1d2: {  	[sflag:s18] =	ssyncset.done $0x0  }
0x1d3: {  	s21 =	simm.s32 $0x1080;
	[sflag:s18] =	ssyncadd.s32 $0xFFFFCC00  }
0x1d4: {  	[spmem:s2] =	stream.indirect.scatter.add.f32 [tilespmem:s11], [sflag:$0x7], $0x68, s21, s10, $0xb8;
	[tilespmem:$0x1EE20] =	vst v63  }
0x1d5: {  	_ =	swait.ge [sflag:s8], $0x3400  }
0x1d6: {  	[sflag:s8] =	ssyncset.done $0x0  }
0x1d7: {  	s21 =	simm.s32 $0x1400;
	[sflag:s8] =	ssyncadd.s32 $0xFFFFCC00  }
0x1d8: {  	[tilespmem:s11], [sflag:$0x3] =	stream.indirect.gather [hbm4b:s4+s10], $0x68, s21, s10, $0xb8;
	[tilespmem:$0x1EE20] =	vst v63  }
0x1d9: {  	_ =	swait.ge [sflag:s20], $0x3400  }
0x1da: {  	[sflag:s20] =	ssyncset.done $0x0  }
0x1db: {  	s21 =	simm.s32 $0x1180;
	[sflag:s20] =	ssyncadd.s32 $0xFFFFCC00  }
0x1dc: {  	[spmem:s2] =	stream.indirect.scatter.add.f32 [tilespmem:s13], [sflag:$0x7], $0x68, s21, s10, $0xb8;
	[tilespmem:$0x1EE20] =	vst v63  }
0x1dd: {  	_ =	swait.ge [sflag:s8], $0x3400  }
0x1de: {  	[sflag:s8] =	ssyncset.done $0x0  }
0x1df: {  	s21 =	simm.s32 $0x1500;
	[sflag:s8] =	ssyncadd.s32 $0xFFFFCC00  }
0x1e0: {  	[tilespmem:s13], [sflag:$0x4] =	stream.indirect.gather [hbm4b:s4+s10], $0x68, s21, s10, $0xb8;
	[tilespmem:$0x1EE20] =	vst v63  }
0x1e1: {  	_ =	swait.ge [sflag:s23], $0x3400  }
0x1e2: {  	[sflag:s23] =	ssyncset.done $0x0  }
0x1e3: {  	s21 =	simm.s32 $0x1280;
	[sflag:s23] =	ssyncadd.s32 $0xFFFFCC00  }
0x1e4: {  	[spmem:s2] =	stream.indirect.scatter.add.f32 [tilespmem:s15], [sflag:$0x7], $0x68, s21, s10, $0xb8;
	[tilespmem:$0x1EE20] =	vst v63  }
0x1e5: {  	_ =	swait.ge [sflag:s8], $0x3400  }
0x1e6: {  	[sflag:s8] =	ssyncset.done $0x0  }
0x1e7: {  	s21 =	simm.s32 $0x1600;
	[sflag:s8] =	ssyncadd.s32 $0xFFFFCC00  }
0x1e8: {  	[tilespmem:s15], [sflag:$0x5] =	stream.indirect.gather [hbm4b:s4+s10], $0x68, s21, s10, $0xb8;
	[tilespmem:$0x1EE20] =	vst v63  }
0x1e9: {  	_ =	swait.ge [sflag:s26], $0x3400  }
0x1ea: {  	[sflag:s26] =	ssyncset.done $0x0  }
0x1eb: {  	s21 =	simm.s32 $0x1380;
	[sflag:s26] =	ssyncadd.s32 $0xFFFFCC00  }
0x1ec: {  	[spmem:s2] =	stream.indirect.scatter.add.f32 [tilespmem:s17], [sflag:$0x7], $0x68, s21, s10, $0xb8;
	[tilespmem:$0x1EE20] =	vst v63  }
0x1ed: {  	_ =	swait.ge [sflag:s8], $0x3400  }
0x1ee: {  	[sflag:s8] =	ssyncset.done $0x0  }
0x1ef: {  	s21 =	simm.s32 $0x1700;
	[sflag:s8] =	ssyncadd.s32 $0xFFFFCC00  }
0x1f0: {  	[tilespmem:s17], [sflag:$0x6] =	stream.indirect.gather [hbm4b:s4+s10], $0x68, s21, s10, $0xb8;
	[tilespmem:$0x1EE20] =	vst v63  }
0x1f1: {  	_ =	swait.ge [sflag:s18], $0x3400  }
0x1f2: {  	[sflag:s18] =	ssyncset.done $0x0  }
0x1f3: {  	s21 =	simm.s32 $0x1480;
	[sflag:s18] =	ssyncadd.s32 $0xFFFFCC00  }
0x1f4: {  	[spmem:s2] =	stream.indirect.scatter.add.f32 [tilespmem:s11], [sflag:$0x7], $0x68, s21, s10, $0xb8;
	[tilespmem:$0x1EE20] =	vst v63  }
0x1f5: {  	_ =	swait.ge [sflag:s8], $0x3400  }
0x1f6: {  	[sflag:s8] =	ssyncset.done $0x0  }
0x1f7: {  	s21 =	simm.s32 $0x1800;
	[sflag:s8] =	ssyncadd.s32 $0xFFFFCC00  }
0x1f8: {  	[tilespmem:s11], [sflag:$0x3] =	stream.indirect.gather [hbm4b:s4+s10], $0x68, s21, s10, $0xb8;
	[tilespmem:$0x1EE20] =	vst v63  }
0x1f9: {  	_ =	swait.ge [sflag:s20], $0x3400  }
0x1fa: {  	[sflag:s20] =	ssyncset.done $0x0  }
0x1fb: {  	s21 =	simm.s32 $0x1580;
	[sflag:s20] =	ssyncadd.s32 $0xFFFFCC00  }
0x1fc: {  	[spmem:s2] =	stream.indirect.scatter.add.f32 [tilespmem:s13], [sflag:$0x7], $0x68, s21, s10, $0xb8;
	[tilespmem:$0x1EE20] =	vst v63  }
0x1fd: {  	_ =	swait.ge [sflag:s8], $0x3400  }
0x1fe: {  	[sflag:s8] =	ssyncset.done $0x0  }
0x1ff: {  	s21 =	simm.s32 $0x1900;
	[sflag:s8] =	ssyncadd.s32 $0xFFFFCC00  }
0x200: {  	[tilespmem:s13], [sflag:$0x4] =	stream.indirect.gather [hbm4b:s4+s10], $0x68, s21, s10, $0xb8;
	[tilespmem:$0x1EE20] =	vst v63  }
0x201: {  	_ =	swait.ge [sflag:s23], $0x3400  }
0x202: {  	[sflag:s23] =	ssyncset.done $0x0  }
0x203: {  	s21 =	simm.s32 $0x1680;
	[sflag:s23] =	ssyncadd.s32 $0xFFFFCC00  }
0x204: {  	[spmem:s2] =	stream.indirect.scatter.add.f32 [tilespmem:s15], [sflag:$0x7], $0x68, s21, s10, $0xb8;
	[tilespmem:$0x1EE20] =	vst v63  }
0x205: {  	_ =	swait.ge [sflag:s8], $0x3400  }
0x206: {  	[sflag:s8] =	ssyncset.done $0x0  }
0x207: {  	s21 =	simm.s32 $0x1A00;
	[sflag:s8] =	ssyncadd.s32 $0xFFFFCC00  }
0x208: {  	[tilespmem:s15], [sflag:$0x5] =	stream.indirect.gather [hbm4b:s4+s10], $0x68, s21, s10, $0xb8;
	[tilespmem:$0x1EE20] =	vst v63  }
0x209: {  	_ =	swait.ge [sflag:s26], $0x3400  }
0x20a: {  	[sflag:s26] =	ssyncset.done $0x0  }
0x20b: {  	s21 =	simm.s32 $0x1780;
	[sflag:s26] =	ssyncadd.s32 $0xFFFFCC00  }
0x20c: {  	[spmem:s2] =	stream.indirect.scatter.add.f32 [tilespmem:s17], [sflag:$0x7], $0x68, s21, s10, $0xb8;
	[tilespmem:$0x1EE20] =	vst v63  }
0x20d: {  	_ =	swait.ge [sflag:s8], $0x3400  }
0x20e: {  	[sflag:s8] =	ssyncset.done $0x0  }
0x20f: {  	s21 =	simm.s32 $0x1B00;
	[sflag:s8] =	ssyncadd.s32 $0xFFFFCC00  }
0x210: {  	[tilespmem:s17], [sflag:$0x6] =	stream.indirect.gather [hbm4b:s4+s10], $0x68, s21, s10, $0xb8;
	[tilespmem:$0x1EE20] =	vst v63  }
0x211: {  	_ =	swait.ge [sflag:s18], $0x3400  }
0x212: {  	[sflag:s18] =	ssyncset.done $0x0  }
0x213: {  	s21 =	simm.s32 $0x1880;
	[sflag:s18] =	ssyncadd.s32 $0xFFFFCC00  }
0x214: {  	[spmem:s2] =	stream.indirect.scatter.add.f32 [tilespmem:s11], [sflag:$0x7], $0x68, s21, s10, $0xb8;
	[tilespmem:$0x1EE20] =	vst v63  }
0x215: {  	_ =	swait.ge [sflag:s8], $0x3400  }
0x216: {  	[sflag:s8] =	ssyncset.done $0x0  }
0x217: {  	s21 =	simm.s32 $0x1C00;
	[sflag:s8] =	ssyncadd.s32 $0xFFFFCC00  }
0x218: {  	[tilespmem:s11], [sflag:$0x3] =	stream.indirect.gather [hbm4b:s4+s10], $0x68, s21, s10, $0xb8;
	[tilespmem:$0x1EE20] =	vst v63  }
0x219: {  	_ =	swait.ge [sflag:s20], $0x3400  }
0x21a: {  	[sflag:s20] =	ssyncset.done $0x0  }
0x21b: {  	s21 =	simm.s32 $0x1980;
	[sflag:s20] =	ssyncadd.s32 $0xFFFFCC00  }
0x21c: {  	[spmem:s2] =	stream.indirect.scatter.add.f32 [tilespmem:s13], [sflag:$0x7], $0x68, s21, s10, $0xb8;
	[tilespmem:$0x1EE20] =	vst v63  }
0x21d: {  	_ =	swait.ge [sflag:s8], $0x3400  }
0x21e: {  	[sflag:s8] =	ssyncset.done $0x0  }
0x21f: {  	s21 =	simm.s32 $0x1D00;
	[sflag:s8] =	ssyncadd.s32 $0xFFFFCC00  }
0x220: {  	[tilespmem:s13], [sflag:$0x4] =	stream.indirect.gather [hbm4b:s4+s10], $0x68, s21, s10, $0xb8;
	[tilespmem:$0x1EE20] =	vst v63  }
0x221: {  	_ =	swait.ge [sflag:s23], $0x3400  }
0x222: {  	[sflag:s23] =	ssyncset.done $0x0  }
0x223: {  	s21 =	simm.s32 $0x1A80;
	[sflag:s23] =	ssyncadd.s32 $0xFFFFCC00  }
0x224: {  	[spmem:s2] =	stream.indirect.scatter.add.f32 [tilespmem:s15], [sflag:$0x7], $0x68, s21, s10, $0xb8;
	[tilespmem:$0x1EE20] =	vst v63  }
0x225: {  	_ =	swait.ge [sflag:s8], $0x3400  }
0x226: {  	[sflag:s8] =	ssyncset.done $0x0  }
0x227: {  	s21 =	simm.s32 $0x1E00;
	[sflag:s8] =	ssyncadd.s32 $0xFFFFCC00  }
0x228: {  	[tilespmem:s15], [sflag:$0x5] =	stream.indirect.gather [hbm4b:s4+s10], $0x68, s21, s10, $0xb8;
	[tilespmem:$0x1EE20] =	vst v63  }
0x229: {  	_ =	swait.ge [sflag:s26], $0x3400  }
0x22a: {  	[sflag:s26] =	ssyncset.done $0x0  }
0x22b: {  	s21 =	simm.s32 $0x1B80;
	[sflag:s26] =	ssyncadd.s32 $0xFFFFCC00  }
0x22c: {  	[spmem:s2] =	stream.indirect.scatter.add.f32 [tilespmem:s17], [sflag:$0x7], $0x68, s21, s10, $0xb8;
	[tilespmem:$0x1EE20] =	vst v63  }
0x22d: {  	_ =	swait.ge [sflag:s8], $0x3400  }
0x22e: {  	[sflag:s8] =	ssyncset.done $0x0  }
0x22f: {  	s21 =	simm.s32 $0x1F00;
	[sflag:s8] =	ssyncadd.s32 $0xFFFFCC00  }
0x230: {  	[tilespmem:s17], [sflag:$0x6] =	stream.indirect.gather [hbm4b:s4+s10], $0x68, s21, s10, $0xb8;
	[tilespmem:$0x1EE20] =	vst v63  }
0x231: {  	_ =	swait.ge [sflag:s18], $0x3400  }
0x232: {  	[sflag:s18] =	ssyncset.done $0x0  }
0x233: {  	s21 =	simm.s32 $0x1C80;
	[sflag:s18] =	ssyncadd.s32 $0xFFFFCC00  }
0x234: {  	[spmem:s2] =	stream.indirect.scatter.add.f32 [tilespmem:s11], [sflag:$0x7], $0x68, s21, s10, $0xb8;
	[tilespmem:$0x1EE20] =	vst v63  }
0x235: {  	_ =	swait.ge [sflag:s8], $0x3400  }
0x236: {  	[sflag:s8] =	ssyncset.done $0x0  }
0x237: {  	[sflag:s8] =	ssyncadd.s32 $0xFFFFCC00  }
0x238: {  	_ =	swait.ge [sflag:s20], $0x3400  }
0x239: {  	[sflag:s20] =	ssyncset.done $0x0  }
0x23a: {  	s21 =	simm.s32 $0x1D80;
	[sflag:s20] =	ssyncadd.s32 $0xFFFFCC00  }
0x23b: {  	[spmem:s2] =	stream.indirect.scatter.add.f32 [tilespmem:s13], [sflag:$0x7], $0x68, s21, s10, $0xb8;
	[tilespmem:$0x1EE20] =	vst v63  }
0x23c: {  	_ =	swait.ge [sflag:s8], $0x3400  }
0x23d: {  	[sflag:s8] =	ssyncset.done $0x0  }
0x23e: {  	[sflag:s8] =	ssyncadd.s32 $0xFFFFCC00  }
0x23f: {  	_ =	swait.ge [sflag:s23], $0x3400  }
0x240: {  	[sflag:s23] =	ssyncset.done $0x0  }
0x241: {  	s21 =	simm.s32 $0x1E80;
	[sflag:s23] =	ssyncadd.s32 $0xFFFFCC00  }
0x242: {  	[spmem:s2] =	stream.indirect.scatter.add.f32 [tilespmem:s15], [sflag:$0x7], $0x68, s21, s10, $0xb8;
	[tilespmem:$0x1EE20] =	vst v63  }
0x243: {  	_ =	swait.ge [sflag:s8], $0x3400  }
0x244: {  	[sflag:s8] =	ssyncset.done $0x0  }
0x245: {  	[sflag:s8] =	ssyncadd.s32 $0xFFFFCC00  }
0x246: {  	_ =	swait.ge [sflag:s26], $0x3400  }
0x247: {  	[sflag:s26] =	ssyncset.done $0x0  }
0x248: {  	s21 =	simm.s32 $0x1F80;
	[sflag:s26] =	ssyncadd.s32 $0xFFFFCC00  }
0x249: {  	[spmem:s2] =	stream.indirect.scatter.add.f32 [tilespmem:s17], [sflag:$0x7], $0x68, s21, s10, $0xb8;
	[tilespmem:$0x1EE20] =	vst v63  }
0x24a: {  	_ =	swait.ge [sflag:s8], $0x3400  }
0x24b: {  	[sflag:s8] =	ssyncset.done $0x0  }
0x24c: {  	[sflag:s8] =	ssyncadd.s32 $0xFFFFCC00  }
0x24d: {  	_ =	swait.ge [sflag:s5], $0x1000  }
0x24e: {  	[sflag:s5] =	ssyncset.done $0x0  }
0x24f: {  	s0 =	simm.s32 $0x1000;
	s21 =	rddreg [dreg:$0xb];
	[sflag:s5] =	ssyncadd.s32 $0xFFFFF000  }
0x250: {  	[tilespmem:s0], [sflag:$0x2] =	stream.linear.gather [hbm4b:s21+s1], $0x1000, $0x38;
	[tilespmem:$0x1EE20] =	vst v63  }
0x251: {  	_ = 	snop  }
0x252: {  	[tilespmem:s11], [sflag:$0x3] =	stream.indirect.gather [hbm4b:s4+s10], $0x68, s1, s10, $0xb8;
	[tilespmem:$0x1EE20] =	vst v63  }
0x253: {  	s21 =	simm.s32 $0x100  }
0x254: {  	[tilespmem:s13], [sflag:$0x4] =	stream.indirect.gather [hbm4b:s4+s10], $0x68, s21, s10, $0xb8;
	[tilespmem:$0x1EE20] =	vst v63  }
0x255: {  	_ = 	snop  }
0x256: {  	[tilespmem:s15], [sflag:$0x5] =	stream.indirect.gather [hbm4b:s4+s10], $0x68, s14, s10, $0xb8;
	[tilespmem:$0x1EE20] =	vst v63  }
0x257: {  	_ = 	snop  }
0x258: {  	[tilespmem:s17], [sflag:$0x6] =	stream.indirect.gather [hbm4b:s4+s10], $0x68, s9, s10, $0xb8;
	[tilespmem:$0x1EE20] =	vst v63  }
0x259: {  	_ =	swait.ge [sflag:s18], $0x3400  }
0x25a: {  	[sflag:s18] =	ssyncset.done $0x0  }
0x25b: {  	[sflag:s18] =	ssyncadd.s32 $0xFFFFCC00  }
0x25c: {  	[spmem:s2] =	stream.indirect.scatter.add.f32 [tilespmem:s11], [sflag:$0x7], $0x68, s10, s10, $0xb8;
	[tilespmem:$0x1EE20] =	vst v63  }
0x25d: {  	_ =	swait.ge [sflag:s8], $0x3400  }
0x25e: {  	[sflag:s8] =	ssyncset.done $0x0  }
0x25f: {  	[sflag:s8] =	ssyncadd.s32 $0xFFFFCC00  }
0x260: {  	[tilespmem:s11], [sflag:$0x3] =	stream.indirect.gather [hbm4b:s4+s10], $0x68, s7, s10, $0xb8;
	[tilespmem:$0x1EE20] =	vst v63  }
0x261: {  	_ =	swait.ge [sflag:s20], $0x3400  }
0x262: {  	[sflag:s20] =	ssyncset.done $0x0  }
0x263: {  	[sflag:s20] =	ssyncadd.s32 $0xFFFFCC00  }
0x264: {  	[spmem:s2] =	stream.indirect.scatter.add.f32 [tilespmem:s13], [sflag:$0x7], $0x68, s19, s10, $0xb8;
	[tilespmem:$0x1EE20] =	vst v63  }
0x265: {  	_ =	swait.ge [sflag:s8], $0x3400  }
0x266: {  	[sflag:s8] =	ssyncset.done $0x0  }
0x267: {  	[sflag:s8] =	ssyncadd.s32 $0xFFFFCC00  }
0x268: {  	[tilespmem:s13], [sflag:$0x4] =	stream.indirect.gather [hbm4b:s4+s10], $0x68, s22, s10, $0xb8;
	[tilespmem:$0x1EE20] =	vst v63  }
0x269: {  	_ =	swait.ge [sflag:s23], $0x3400  }
0x26a: {  	[sflag:s23] =	ssyncset.done $0x0  }
0x26b: {  	[sflag:s23] =	ssyncadd.s32 $0xFFFFCC00  }
0x26c: {  	[spmem:s2] =	stream.indirect.scatter.add.f32 [tilespmem:s15], [sflag:$0x7], $0x68, s24, s10, $0xb8;
	[tilespmem:$0x1EE20] =	vst v63  }
0x26d: {  	_ =	swait.ge [sflag:s8], $0x3400  }
0x26e: {  	[sflag:s8] =	ssyncset.done $0x0  }
0x26f: {  	[sflag:s8] =	ssyncadd.s32 $0xFFFFCC00  }
0x270: {  	[tilespmem:s15], [sflag:$0x5] =	stream.indirect.gather [hbm4b:s4+s10], $0x68, s25, s10, $0xb8;
	[tilespmem:$0x1EE20] =	vst v63  }
0x271: {  	_ =	swait.ge [sflag:s26], $0x3400  }
0x272: {  	[sflag:s26] =	ssyncset.done $0x0  }
0x273: {  	[sflag:s26] =	ssyncadd.s32 $0xFFFFCC00  }
0x274: {  	[spmem:s2] =	stream.indirect.scatter.add.f32 [tilespmem:s17], [sflag:$0x7], $0x68, s28, s10, $0xb8;
	[tilespmem:$0x1EE20] =	vst v63  }
0x275: {  	_ =	swait.ge [sflag:s8], $0x3400  }
0x276: {  	[sflag:s8] =	ssyncset.done $0x0  }
0x277: {  	[sflag:s8] =	ssyncadd.s32 $0xFFFFCC00  }
0x278: {  	[tilespmem:s17], [sflag:$0x6] =	stream.indirect.gather [hbm4b:s4+s10], $0x68, s29, s10, $0xb8;
	[tilespmem:$0x1EE20] =	vst v63  }
0x279: {  	_ =	swait.ge [sflag:s18], $0x3400  }
0x27a: {  	[sflag:s18] =	ssyncset.done $0x0  }
0x27b: {  	[sflag:s18] =	ssyncadd.s32 $0xFFFFCC00  }
0x27c: {  	[spmem:s2] =	stream.indirect.scatter.add.f32 [tilespmem:s11], [sflag:$0x7], $0x68, s30, s10, $0xb8;
	[tilespmem:$0x1EE20] =	vst v63  }
0x27d: {  	_ =	swait.ge [sflag:s8], $0x3400  }
0x27e: {  	[sflag:s8] =	ssyncset.done $0x0  }
0x27f: {  	[sflag:s8] =	ssyncadd.s32 $0xFFFFCC00  }
0x280: {  	[tilespmem:s11], [sflag:$0x3] =	stream.indirect.gather [hbm4b:s4+s10], $0x68, s31, s10, $0xb8;
	[tilespmem:$0x1EE20] =	vst v63  }
0x281: {  	_ =	swait.ge [sflag:s20], $0x3400  }
0x282: {  	[sflag:s20] =	ssyncset.done $0x0  }
0x283: {  	[sflag:s20] =	ssyncadd.s32 $0xFFFFCC00  }
0x284: {  	[spmem:s2] =	stream.indirect.scatter.add.f32 [tilespmem:s13], [sflag:$0x7], $0x68, s12, s10, $0xb8;
	[tilespmem:$0x1EE20] =	vst v63  }
0x285: {  	_ =	swait.ge [sflag:s8], $0x3400  }
0x286: {  	[sflag:s8] =	ssyncset.done $0x0  }
0x287: {  	[sflag:s8] =	ssyncadd.s32 $0xFFFFCC00  }
0x288: {  	[tilespmem:s13], [sflag:$0x4] =	stream.indirect.gather [hbm4b:s4+s10], $0x68, s3, s10, $0xb8;
	[tilespmem:$0x1EE20] =	vst v63  }
0x289: {  	_ =	swait.ge [sflag:s23], $0x3400  }
0x28a: {  	[sflag:s23] =	ssyncset.done $0x0  }
0x28b: {  	[sflag:s23] =	ssyncadd.s32 $0xFFFFCC00  }
0x28c: {  	[spmem:s2] =	stream.indirect.scatter.add.f32 [tilespmem:s15], [sflag:$0x7], $0x68, s16, s10, $0xb8;
	[tilespmem:$0x1EE20] =	vst v63  }
0x28d: {  	_ =	swait.ge [sflag:s8], $0x3400  }
0x28e: {  	[sflag:s8] =	ssyncset.done $0x0  }
0x28f: {  	s16 =	simm.s32 $0xA00;
	[sflag:s8] =	ssyncadd.s32 $0xFFFFCC00  }
0x290: {  	[tilespmem:s15], [sflag:$0x5] =	stream.indirect.gather [hbm4b:s4+s10], $0x68, s16, s10, $0xb8;
	[tilespmem:$0x1EE20] =	vst v63  }
0x291: {  	_ =	swait.ge [sflag:s26], $0x3400  }
0x292: {  	[sflag:s26] =	ssyncset.done $0x0  }
0x293: {  	s21 =	simm.s32 $0x780;
	[sflag:s26] =	ssyncadd.s32 $0xFFFFCC00  }
0x294: {  	[spmem:s2] =	stream.indirect.scatter.add.f32 [tilespmem:s17], [sflag:$0x7], $0x68, s21, s10, $0xb8;
	[tilespmem:$0x1EE20] =	vst v63  }
0x295: {  	_ =	swait.ge [sflag:s8], $0x3400  }
0x296: {  	[sflag:s8] =	ssyncset.done $0x0  }
0x297: {  	s7 =	simm.s32 $0xB00;
	[sflag:s8] =	ssyncadd.s32 $0xFFFFCC00  }
0x298: {  	[tilespmem:s17], [sflag:$0x6] =	stream.indirect.gather [hbm4b:s4+s10], $0x68, s7, s10, $0xb8;
	[tilespmem:$0x1EE20] =	vst v63  }
0x299: {  	_ =	swait.ge [sflag:s18], $0x3400  }
0x29a: {  	[sflag:s18] =	ssyncset.done $0x0  }
0x29b: {  	s12 =	simm.s32 $0x880;
	[sflag:s18] =	ssyncadd.s32 $0xFFFFCC00  }
0x29c: {  	[spmem:s2] =	stream.indirect.scatter.add.f32 [tilespmem:s11], [sflag:$0x7], $0x68, s12, s10, $0xb8;
	[tilespmem:$0x1EE20] =	vst v63  }
0x29d: {  	_ =	swait.ge [sflag:s8], $0x3400  }
0x29e: {  	[sflag:s8] =	ssyncset.done $0x0  }
0x29f: {  	s16 =	simm.s32 $0xC00;
	[sflag:s8] =	ssyncadd.s32 $0xFFFFCC00  }
0x2a0: {  	[tilespmem:s11], [sflag:$0x3] =	stream.indirect.gather [hbm4b:s4+s10], $0x68, s16, s10, $0xb8;
	[tilespmem:$0x1EE20] =	vst v63  }
0x2a1: {  	_ =	swait.ge [sflag:s20], $0x3400  }
0x2a2: {  	[sflag:s20] =	ssyncset.done $0x0  }
0x2a3: {  	s21 =	simm.s32 $0x980;
	[sflag:s20] =	ssyncadd.s32 $0xFFFFCC00  }
0x2a4: {  	[spmem:s2] =	stream.indirect.scatter.add.f32 [tilespmem:s13], [sflag:$0x7], $0x68, s21, s10, $0xb8;
	[tilespmem:$0x1EE20] =	vst v63  }
0x2a5: {  	_ =	swait.ge [sflag:s8], $0x3400  }
0x2a6: {  	[sflag:s8] =	ssyncset.done $0x0  }
0x2a7: {  	s7 =	simm.s32 $0xD00;
	[sflag:s8] =	ssyncadd.s32 $0xFFFFCC00  }
0x2a8: {  	[tilespmem:s13], [sflag:$0x4] =	stream.indirect.gather [hbm4b:s4+s10], $0x68, s7, s10, $0xb8;
	[tilespmem:$0x1EE20] =	vst v63  }
0x2a9: {  	_ =	swait.ge [sflag:s23], $0x3400  }
0x2aa: {  	[sflag:s23] =	ssyncset.done $0x0  }
0x2ab: {  	s12 =	simm.s32 $0xA80;
	[sflag:s23] =	ssyncadd.s32 $0xFFFFCC00  }
0x2ac: {  	[spmem:s2] =	stream.indirect.scatter.add.f32 [tilespmem:s15], [sflag:$0x7], $0x68, s12, s10, $0xb8;
	[tilespmem:$0x1EE20] =	vst v63  }
0x2ad: {  	_ =	swait.ge [sflag:s8], $0x3400  }
0x2ae: {  	[sflag:s8] =	ssyncset.done $0x0  }
0x2af: {  	s16 =	simm.s32 $0xE00;
	[sflag:s8] =	ssyncadd.s32 $0xFFFFCC00  }
0x2b0: {  	[tilespmem:s15], [sflag:$0x5] =	stream.indirect.gather [hbm4b:s4+s10], $0x68, s16, s10, $0xb8;
	[tilespmem:$0x1EE20] =	vst v63  }
0x2b1: {  	_ =	swait.ge [sflag:s26], $0x3400  }
0x2b2: {  	[sflag:s26] =	ssyncset.done $0x0  }
0x2b3: {  	s21 =	simm.s32 $0xB80;
	[sflag:s26] =	ssyncadd.s32 $0xFFFFCC00  }
0x2b4: {  	[spmem:s2] =	stream.indirect.scatter.add.f32 [tilespmem:s17], [sflag:$0x7], $0x68, s21, s10, $0xb8;
	[tilespmem:$0x1EE20] =	vst v63  }
0x2b5: {  	_ =	swait.ge [sflag:s8], $0x3400  }
0x2b6: {  	[sflag:s8] =	ssyncset.done $0x0  }
0x2b7: {  	s7 =	simm.s32 $0xF00;
	[sflag:s8] =	ssyncadd.s32 $0xFFFFCC00  }
0x2b8: {  	[tilespmem:s17], [sflag:$0x6] =	stream.indirect.gather [hbm4b:s4+s10], $0x68, s7, s10, $0xb8;
	[tilespmem:$0x1EE20] =	vst v63  }
0x2b9: {  	_ =	swait.ge [sflag:s18], $0x3400  }
0x2ba: {  	[sflag:s18] =	ssyncset.done $0x0  }
0x2bb: {  	s12 =	simm.s32 $0xC80;
	[sflag:s18] =	ssyncadd.s32 $0xFFFFCC00  }
0x2bc: {  	[spmem:s2] =	stream.indirect.scatter.add.f32 [tilespmem:s11], [sflag:$0x7], $0x68, s12, s10, $0xb8;
	[tilespmem:$0x1EE20] =	vst v63  }
0x2bd: {  	_ =	swait.ge [sflag:s8], $0x3400  }
0x2be: {  	[sflag:s8] =	ssyncset.done $0x0  }
0x2bf: {  	[sflag:s8] =	ssyncadd.s32 $0xFFFFCC00  }
0x2c0: {  	_ =	swait.ge [sflag:s20], $0x3400  }
0x2c1: {  	[sflag:s20] =	ssyncset.done $0x0  }
0x2c2: {  	s16 =	simm.s32 $0xD80;
	[sflag:s20] =	ssyncadd.s32 $0xFFFFCC00  }
0x2c3: {  	[spmem:s2] =	stream.indirect.scatter.add.f32 [tilespmem:s13], [sflag:$0x7], $0x68, s16, s10, $0xb8;
	[tilespmem:$0x1EE20] =	vst v63  }
0x2c4: {  	_ =	swait.ge [sflag:s8], $0x3400  }
0x2c5: {  	[sflag:s8] =	ssyncset.done $0x0  }
0x2c6: {  	[sflag:s8] =	ssyncadd.s32 $0xFFFFCC00  }
0x2c7: {  	_ =	swait.ge [sflag:s23], $0x3400  }
0x2c8: {  	[sflag:s23] =	ssyncset.done $0x0  }
0x2c9: {  	s21 =	simm.s32 $0xE80;
	[sflag:s23] =	ssyncadd.s32 $0xFFFFCC00  }
0x2ca: {  	[spmem:s2] =	stream.indirect.scatter.add.f32 [tilespmem:s15], [sflag:$0x7], $0x68, s21, s10, $0xb8;
	[tilespmem:$0x1EE20] =	vst v63  }
0x2cb: {  	_ =	swait.ge [sflag:s8], $0x3400  }
0x2cc: {  	[sflag:s8] =	ssyncset.done $0x0  }
0x2cd: {  	[sflag:s8] =	ssyncadd.s32 $0xFFFFCC00  }
0x2ce: {  	_ =	swait.ge [sflag:s26], $0x3400  }
0x2cf: {  	[sflag:s26] =	ssyncset.done $0x0  }
0x2d0: {  	s7 =	simm.s32 $0xF80;
	[sflag:s26] =	ssyncadd.s32 $0xFFFFCC00  }
0x2d1: {  	[spmem:s2] =	stream.indirect.scatter.add.f32 [tilespmem:s17], [sflag:$0x7], $0x68, s7, s10, $0xb8;
	[tilespmem:$0x1EE20] =	vst v63  }
0x2d2: {  	_ =	swait.ge [sflag:s8], $0x3400  }
0x2d3: {  	[sflag:s8] =	ssyncset.done $0x0  }
0x2d4: {  	[sflag:s8] =	ssyncadd.s32 $0xFFFFCC00  }
0x2d5: {  	_ =	swait.ge [sflag:s6], $0x1000  }
0x2d6: {  	[sflag:s6] =	ssyncset.done $0x0  }
0x2d7: {  	s12 =	rddreg [dreg:$0xc];
	[sflag:s6] =	ssyncadd.s32 $0xFFFFF000  }
0x2d8: {  	[tilespmem:s1], [sflag:$0x1] =	stream.linear.gather [hbm4b:s12+s1], $0x1000, $0x38;
	[tilespmem:$0x1EE20] =	vst v63  }
0x2d9: {  	s0 =	simm.s32 $0x1000  }
0x2da: {  	[tilespmem:s11], [sflag:$0x3] =	stream.indirect.gather [hbm4b:s4+s10], $0x68, s0, s10, $0xb8;
	[tilespmem:$0x1EE20] =	vst v63  }
0x2db: {  	s16 =	simm.s32 $0x1100  }
0x2dc: {  	[tilespmem:s13], [sflag:$0x4] =	stream.indirect.gather [hbm4b:s4+s10], $0x68, s16, s10, $0xb8;
	[tilespmem:$0x1EE20] =	vst v63  }
0x2dd: {  	s21 =	simm.s32 $0x1200  }
0x2de: {  	[tilespmem:s15], [sflag:$0x5] =	stream.indirect.gather [hbm4b:s4+s10], $0x68, s21, s10, $0xb8;
	[tilespmem:$0x1EE20] =	vst v63  }
0x2df: {  	s7 =	simm.s32 $0x1300  }
0x2e0: {  	[tilespmem:s17], [sflag:$0x6] =	stream.indirect.gather [hbm4b:s4+s10], $0x68, s7, s10, $0xb8;
	[tilespmem:$0x1EE20] =	vst v63  }
0x2e1: {  	_ =	swait.ge [sflag:s18], $0x3400  }
0x2e2: {  	[sflag:s18] =	ssyncset.done $0x0  }
0x2e3: {  	s12 =	simm.s32 $0x1080;
	[sflag:s18] =	ssyncadd.s32 $0xFFFFCC00  }
0x2e4: {  	[spmem:s2] =	stream.indirect.scatter.add.f32 [tilespmem:s11], [sflag:$0x7], $0x68, s12, s10, $0xb8;
	[tilespmem:$0x1EE20] =	vst v63  }
0x2e5: {  	_ =	swait.ge [sflag:s8], $0x3400  }
0x2e6: {  	[sflag:s8] =	ssyncset.done $0x0  }
0x2e7: {  	s16 =	simm.s32 $0x1400;
	[sflag:s8] =	ssyncadd.s32 $0xFFFFCC00  }
0x2e8: {  	[tilespmem:s11], [sflag:$0x3] =	stream.indirect.gather [hbm4b:s4+s10], $0x68, s16, s10, $0xb8;
	[tilespmem:$0x1EE20] =	vst v63  }
0x2e9: {  	_ =	swait.ge [sflag:s20], $0x3400  }
0x2ea: {  	[sflag:s20] =	ssyncset.done $0x0  }
0x2eb: {  	s21 =	simm.s32 $0x1180;
	[sflag:s20] =	ssyncadd.s32 $0xFFFFCC00  }
0x2ec: {  	[spmem:s2] =	stream.indirect.scatter.add.f32 [tilespmem:s13], [sflag:$0x7], $0x68, s21, s10, $0xb8;
	[tilespmem:$0x1EE20] =	vst v63  }
0x2ed: {  	_ =	swait.ge [sflag:s8], $0x3400  }
0x2ee: {  	[sflag:s8] =	ssyncset.done $0x0  }
0x2ef: {  	s7 =	simm.s32 $0x1500;
	[sflag:s8] =	ssyncadd.s32 $0xFFFFCC00  }
0x2f0: {  	[tilespmem:s13], [sflag:$0x4] =	stream.indirect.gather [hbm4b:s4+s10], $0x68, s7, s10, $0xb8;
	[tilespmem:$0x1EE20] =	vst v63  }
0x2f1: {  	_ =	swait.ge [sflag:s23], $0x3400  }
0x2f2: {  	[sflag:s23] =	ssyncset.done $0x0  }
0x2f3: {  	s12 =	simm.s32 $0x1280;
	[sflag:s23] =	ssyncadd.s32 $0xFFFFCC00  }
0x2f4: {  	[spmem:s2] =	stream.indirect.scatter.add.f32 [tilespmem:s15], [sflag:$0x7], $0x68, s12, s10, $0xb8;
	[tilespmem:$0x1EE20] =	vst v63  }
0x2f5: {  	_ =	swait.ge [sflag:s8], $0x3400  }
0x2f6: {  	[sflag:s8] =	ssyncset.done $0x0  }
0x2f7: {  	s16 =	simm.s32 $0x1600;
	[sflag:s8] =	ssyncadd.s32 $0xFFFFCC00  }
0x2f8: {  	[tilespmem:s15], [sflag:$0x5] =	stream.indirect.gather [hbm4b:s4+s10], $0x68, s16, s10, $0xb8;
	[tilespmem:$0x1EE20] =	vst v63  }
0x2f9: {  	_ =	swait.ge [sflag:s26], $0x3400  }
0x2fa: {  	[sflag:s26] =	ssyncset.done $0x0  }
0x2fb: {  	s21 =	simm.s32 $0x1380;
	[sflag:s26] =	ssyncadd.s32 $0xFFFFCC00  }
0x2fc: {  	[spmem:s2] =	stream.indirect.scatter.add.f32 [tilespmem:s17], [sflag:$0x7], $0x68, s21, s10, $0xb8;
	[tilespmem:$0x1EE20] =	vst v63  }
0x2fd: {  	_ =	swait.ge [sflag:s8], $0x3400  }
0x2fe: {  	[sflag:s8] =	ssyncset.done $0x0  }
0x2ff: {  	s7 =	simm.s32 $0x1700;
	[sflag:s8] =	ssyncadd.s32 $0xFFFFCC00  }
0x300: {  	[tilespmem:s17], [sflag:$0x6] =	stream.indirect.gather [hbm4b:s4+s10], $0x68, s7, s10, $0xb8;
	[tilespmem:$0x1EE20] =	vst v63  }
0x301: {  	_ =	swait.ge [sflag:s18], $0x3400  }
0x302: {  	[sflag:s18] =	ssyncset.done $0x0  }
0x303: {  	s12 =	simm.s32 $0x1480;
	[sflag:s18] =	ssyncadd.s32 $0xFFFFCC00  }
0x304: {  	[spmem:s2] =	stream.indirect.scatter.add.f32 [tilespmem:s11], [sflag:$0x7], $0x68, s12, s10, $0xb8;
	[tilespmem:$0x1EE20] =	vst v63  }
0x305: {  	_ =	swait.ge [sflag:s8], $0x3400  }
0x306: {  	[sflag:s8] =	ssyncset.done $0x0  }
0x307: {  	s16 =	simm.s32 $0x1800;
	[sflag:s8] =	ssyncadd.s32 $0xFFFFCC00  }
0x308: {  	[tilespmem:s11], [sflag:$0x3] =	stream.indirect.gather [hbm4b:s4+s10], $0x68, s16, s10, $0xb8;
	[tilespmem:$0x1EE20] =	vst v63  }
0x309: {  	_ =	swait.ge [sflag:s20], $0x3400  }
0x30a: {  	[sflag:s20] =	ssyncset.done $0x0  }
0x30b: {  	s21 =	simm.s32 $0x1580;
	[sflag:s20] =	ssyncadd.s32 $0xFFFFCC00  }
0x30c: {  	[spmem:s2] =	stream.indirect.scatter.add.f32 [tilespmem:s13], [sflag:$0x7], $0x68, s21, s10, $0xb8;
	[tilespmem:$0x1EE20] =	vst v63  }
0x30d: {  	_ =	swait.ge [sflag:s8], $0x3400  }
0x30e: {  	[sflag:s8] =	ssyncset.done $0x0  }
0x30f: {  	s7 =	simm.s32 $0x1900;
	[sflag:s8] =	ssyncadd.s32 $0xFFFFCC00  }
0x310: {  	[tilespmem:s13], [sflag:$0x4] =	stream.indirect.gather [hbm4b:s4+s10], $0x68, s7, s10, $0xb8;
	[tilespmem:$0x1EE20] =	vst v63  }
0x311: {  	_ =	swait.ge [sflag:s23], $0x3400  }
0x312: {  	[sflag:s23] =	ssyncset.done $0x0  }
0x313: {  	s12 =	simm.s32 $0x1680;
	[sflag:s23] =	ssyncadd.s32 $0xFFFFCC00  }
0x314: {  	[spmem:s2] =	stream.indirect.scatter.add.f32 [tilespmem:s15], [sflag:$0x7], $0x68, s12, s10, $0xb8;
	[tilespmem:$0x1EE20] =	vst v63  }
0x315: {  	_ =	swait.ge [sflag:s8], $0x3400  }
0x316: {  	[sflag:s8] =	ssyncset.done $0x0  }
0x317: {  	s16 =	simm.s32 $0x1A00;
	[sflag:s8] =	ssyncadd.s32 $0xFFFFCC00  }
0x318: {  	[tilespmem:s15], [sflag:$0x5] =	stream.indirect.gather [hbm4b:s4+s10], $0x68, s16, s10, $0xb8;
	[tilespmem:$0x1EE20] =	vst v63  }
0x319: {  	_ =	swait.ge [sflag:s26], $0x3400  }
0x31a: {  	[sflag:s26] =	ssyncset.done $0x0  }
0x31b: {  	s21 =	simm.s32 $0x1780;
	[sflag:s26] =	ssyncadd.s32 $0xFFFFCC00  }
0x31c: {  	[spmem:s2] =	stream.indirect.scatter.add.f32 [tilespmem:s17], [sflag:$0x7], $0x68, s21, s10, $0xb8;
	[tilespmem:$0x1EE20] =	vst v63  }
0x31d: {  	_ =	swait.ge [sflag:s8], $0x3400  }
0x31e: {  	[sflag:s8] =	ssyncset.done $0x0  }
0x31f: {  	s7 =	simm.s32 $0x1B00;
	[sflag:s8] =	ssyncadd.s32 $0xFFFFCC00  }
0x320: {  	[tilespmem:s17], [sflag:$0x6] =	stream.indirect.gather [hbm4b:s4+s10], $0x68, s7, s10, $0xb8;
	[tilespmem:$0x1EE20] =	vst v63  }
0x321: {  	_ =	swait.ge [sflag:s18], $0x3400  }
0x322: {  	[sflag:s18] =	ssyncset.done $0x0  }
0x323: {  	s12 =	simm.s32 $0x1880;
	[sflag:s18] =	ssyncadd.s32 $0xFFFFCC00  }
0x324: {  	[spmem:s2] =	stream.indirect.scatter.add.f32 [tilespmem:s11], [sflag:$0x7], $0x68, s12, s10, $0xb8;
	[tilespmem:$0x1EE20] =	vst v63  }
0x325: {  	_ =	swait.ge [sflag:s8], $0x3400  }
0x326: {  	[sflag:s8] =	ssyncset.done $0x0  }
0x327: {  	s16 =	simm.s32 $0x1C00;
	[sflag:s8] =	ssyncadd.s32 $0xFFFFCC00  }
0x328: {  	[tilespmem:s11], [sflag:$0x3] =	stream.indirect.gather [hbm4b:s4+s10], $0x68, s16, s10, $0xb8;
	[tilespmem:$0x1EE20] =	vst v63  }
0x329: {  	_ =	swait.ge [sflag:s20], $0x3400  }
0x32a: {  	[sflag:s20] =	ssyncset.done $0x0  }
0x32b: {  	s21 =	simm.s32 $0x1980;
	[sflag:s20] =	ssyncadd.s32 $0xFFFFCC00  }
0x32c: {  	[spmem:s2] =	stream.indirect.scatter.add.f32 [tilespmem:s13], [sflag:$0x7], $0x68, s21, s10, $0xb8;
	[tilespmem:$0x1EE20] =	vst v63  }
0x32d: {  	_ =	swait.ge [sflag:s8], $0x3400  }
0x32e: {  	[sflag:s8] =	ssyncset.done $0x0  }
0x32f: {  	s7 =	simm.s32 $0x1D00;
	[sflag:s8] =	ssyncadd.s32 $0xFFFFCC00  }
0x330: {  	[tilespmem:s13], [sflag:$0x4] =	stream.indirect.gather [hbm4b:s4+s10], $0x68, s7, s10, $0xb8;
	[tilespmem:$0x1EE20] =	vst v63  }
0x331: {  	_ =	swait.ge [sflag:s23], $0x3400  }
0x332: {  	[sflag:s23] =	ssyncset.done $0x0  }
0x333: {  	s12 =	simm.s32 $0x1A80;
	[sflag:s23] =	ssyncadd.s32 $0xFFFFCC00  }
0x334: {  	[spmem:s2] =	stream.indirect.scatter.add.f32 [tilespmem:s15], [sflag:$0x7], $0x68, s12, s10, $0xb8;
	[tilespmem:$0x1EE20] =	vst v63  }
0x335: {  	_ =	swait.ge [sflag:s8], $0x3400  }
0x336: {  	[sflag:s8] =	ssyncset.done $0x0  }
0x337: {  	s16 =	simm.s32 $0x1E00;
	[sflag:s8] =	ssyncadd.s32 $0xFFFFCC00  }
0x338: {  	[tilespmem:s15], [sflag:$0x5] =	stream.indirect.gather [hbm4b:s4+s10], $0x68, s16, s10, $0xb8;
	[tilespmem:$0x1EE20] =	vst v63  }
0x339: {  	_ =	swait.ge [sflag:s26], $0x3400  }
0x33a: {  	[sflag:s26] =	ssyncset.done $0x0  }
0x33b: {  	s21 =	simm.s32 $0x1B80;
	[sflag:s26] =	ssyncadd.s32 $0xFFFFCC00  }
0x33c: {  	[spmem:s2] =	stream.indirect.scatter.add.f32 [tilespmem:s17], [sflag:$0x7], $0x68, s21, s10, $0xb8;
	[tilespmem:$0x1EE20] =	vst v63  }
0x33d: {  	_ =	swait.ge [sflag:s8], $0x3400  }
0x33e: {  	[sflag:s8] =	ssyncset.done $0x0  }
0x33f: {  	s7 =	simm.s32 $0x1F00;
	[sflag:s8] =	ssyncadd.s32 $0xFFFFCC00  }
0x340: {  	[tilespmem:s17], [sflag:$0x6] =	stream.indirect.gather [hbm4b:s4+s10], $0x68, s7, s10, $0xb8;
	[tilespmem:$0x1EE20] =	vst v63  }
0x341: {  	_ =	swait.ge [sflag:s18], $0x3400  }
0x342: {  	[sflag:s18] =	ssyncset.done $0x0  }
0x343: {  	s12 =	simm.s32 $0x1C80;
	[sflag:s18] =	ssyncadd.s32 $0xFFFFCC00  }
0x344: {  	[spmem:s2] =	stream.indirect.scatter.add.f32 [tilespmem:s11], [sflag:$0x7], $0x68, s12, s10, $0xb8;
	[tilespmem:$0x1EE20] =	vst v63  }
0x345: {  	_ =	swait.ge [sflag:s8], $0x3400  }
0x346: {  	[sflag:s8] =	ssyncset.done $0x0  }
0x347: {  	[sflag:s8] =	ssyncadd.s32 $0xFFFFCC00  }
0x348: {  	_ =	swait.ge [sflag:s20], $0x3400  }
0x349: {  	[sflag:s20] =	ssyncset.done $0x0  }
0x34a: {  	s16 =	simm.s32 $0x1D80;
	[sflag:s20] =	ssyncadd.s32 $0xFFFFCC00  }
0x34b: {  	[spmem:s2] =	stream.indirect.scatter.add.f32 [tilespmem:s13], [sflag:$0x7], $0x68, s16, s10, $0xb8;
	[tilespmem:$0x1EE20] =	vst v63  }
0x34c: {  	_ =	swait.ge [sflag:s8], $0x3400  }
0x34d: {  	[sflag:s8] =	ssyncset.done $0x0  }
0x34e: {  	[sflag:s8] =	ssyncadd.s32 $0xFFFFCC00  }
0x34f: {  	_ =	swait.ge [sflag:s23], $0x3400  }
0x350: {  	[sflag:s23] =	ssyncset.done $0x0  }
0x351: {  	s21 =	simm.s32 $0x1E80;
	[sflag:s23] =	ssyncadd.s32 $0xFFFFCC00  }
0x352: {  	[spmem:s2] =	stream.indirect.scatter.add.f32 [tilespmem:s15], [sflag:$0x7], $0x68, s21, s10, $0xb8;
	[tilespmem:$0x1EE20] =	vst v63  }
0x353: {  	_ =	swait.ge [sflag:s8], $0x3400  }
0x354: {  	[sflag:s8] =	ssyncset.done $0x0  }
0x355: {  	[sflag:s8] =	ssyncadd.s32 $0xFFFFCC00  }
0x356: {  	_ =	swait.ge [sflag:s26], $0x3400  }
0x357: {  	[sflag:s26] =	ssyncset.done $0x0  }
0x358: {  	s7 =	simm.s32 $0x1F80;
	[sflag:s26] =	ssyncadd.s32 $0xFFFFCC00  }
0x359: {  	[spmem:s2] =	stream.indirect.scatter.add.f32 [tilespmem:s17], [sflag:$0x7], $0x68, s7, s10, $0xb8;
	[tilespmem:$0x1EE20] =	vst v63  }
0x35a: {  	_ =	swait.ge [sflag:s8], $0x3400  }
0x35b: {  	[sflag:s8] =	ssyncset.done $0x0  }
0x35c: {  	[sflag:s8] =	ssyncadd.s32 $0xFFFFCC00  }
0x35d: {  	_ =	swait.ge [sflag:s5], $0x1000  }
0x35e: {  	[sflag:s5] =	ssyncset.done $0x0  }
0x35f: {  	s12 =	rddreg [dreg:$0xd];
	[sflag:s5] =	ssyncadd.s32 $0xFFFFF000  }
0x360: {  	[tilespmem:s0], [sflag:$0x2] =	stream.linear.gather [hbm4b:s12+s1], $0x1000, $0x38;
	[tilespmem:$0x1EE20] =	vst v63  }
0x361: {  	_ = 	snop  }
0x362: {  	[tilespmem:s11], [sflag:$0x3] =	stream.indirect.gather [hbm4b:s4+s10], $0x68, s1, s10, $0xb8;
	[tilespmem:$0x1EE20] =	vst v63  }
0x363: {  	s16 =	simm.s32 $0x100  }
0x364: {  	[tilespmem:s13], [sflag:$0x4] =	stream.indirect.gather [hbm4b:s4+s10], $0x68, s16, s10, $0xb8;
	[tilespmem:$0x1EE20] =	vst v63  }
0x365: {  	s14 =	simm.s32 $0x200  }
0x366: {  	[tilespmem:s15], [sflag:$0x5] =	stream.indirect.gather [hbm4b:s4+s10], $0x68, s14, s10, $0xb8;
	[tilespmem:$0x1EE20] =	vst v63  }
0x367: {  	s9 =	simm.s32 $0x300  }
0x368: {  	[tilespmem:s17], [sflag:$0x6] =	stream.indirect.gather [hbm4b:s4+s10], $0x68, s9, s10, $0xb8;
	[tilespmem:$0x1EE20] =	vst v63  }
0x369: {  	_ =	swait.ge [sflag:s18], $0x3400  }
0x36a: {  	[sflag:s18] =	ssyncset.done $0x0  }
0x36b: {  	[sflag:s18] =	ssyncadd.s32 $0xFFFFCC00  }
0x36c: {  	[spmem:s2] =	stream.indirect.scatter.add.f32 [tilespmem:s11], [sflag:$0x7], $0x68, s10, s10, $0xb8;
	[tilespmem:$0x1EE20] =	vst v63  }
0x36d: {  	_ =	swait.ge [sflag:s8], $0x3400  }
0x36e: {  	[sflag:s8] =	ssyncset.done $0x0  }
0x36f: {  	s21 =	simm.s32 $0x400;
	[sflag:s8] =	ssyncadd.s32 $0xFFFFCC00  }
0x370: {  	[tilespmem:s11], [sflag:$0x3] =	stream.indirect.gather [hbm4b:s4+s10], $0x68, s21, s10, $0xb8;
	[tilespmem:$0x1EE20] =	vst v63  }
0x371: {  	_ =	swait.ge [sflag:s20], $0x3400  }
0x372: {  	[sflag:s20] =	ssyncset.done $0x0  }
0x373: {  	s19 =	simm.s32 $0x180;
	[sflag:s20] =	ssyncadd.s32 $0xFFFFCC00  }
0x374: {  	[spmem:s2] =	stream.indirect.scatter.add.f32 [tilespmem:s13], [sflag:$0x7], $0x68, s19, s10, $0xb8;
	[tilespmem:$0x1EE20] =	vst v63  }
0x375: {  	_ =	swait.ge [sflag:s8], $0x3400  }
0x376: {  	[sflag:s8] =	ssyncset.done $0x0  }
0x377: {  	s22 =	simm.s32 $0x500;
	[sflag:s8] =	ssyncadd.s32 $0xFFFFCC00  }
0x378: {  	[tilespmem:s13], [sflag:$0x4] =	stream.indirect.gather [hbm4b:s4+s10], $0x68, s22, s10, $0xb8;
	[tilespmem:$0x1EE20] =	vst v63  }
0x379: {  	_ =	swait.ge [sflag:s23], $0x3400  }
0x37a: {  	[sflag:s23] =	ssyncset.done $0x0  }
0x37b: {  	s24 =	simm.s32 $0x280;
	[sflag:s23] =	ssyncadd.s32 $0xFFFFCC00  }
0x37c: {  	[spmem:s2] =	stream.indirect.scatter.add.f32 [tilespmem:s15], [sflag:$0x7], $0x68, s24, s10, $0xb8;
	[tilespmem:$0x1EE20] =	vst v63  }
0x37d: {  	_ =	swait.ge [sflag:s8], $0x3400  }
0x37e: {  	[sflag:s8] =	ssyncset.done $0x0  }
0x37f: {  	s25 =	simm.s32 $0x600;
	[sflag:s8] =	ssyncadd.s32 $0xFFFFCC00  }
0x380: {  	[tilespmem:s15], [sflag:$0x5] =	stream.indirect.gather [hbm4b:s4+s10], $0x68, s25, s10, $0xb8;
	[tilespmem:$0x1EE20] =	vst v63  }
0x381: {  	_ =	swait.ge [sflag:s26], $0x3400  }
0x382: {  	[sflag:s26] =	ssyncset.done $0x0  }
0x383: {  	s28 =	simm.s32 $0x380;
	[sflag:s26] =	ssyncadd.s32 $0xFFFFCC00  }
0x384: {  	[spmem:s2] =	stream.indirect.scatter.add.f32 [tilespmem:s17], [sflag:$0x7], $0x68, s28, s10, $0xb8;
	[tilespmem:$0x1EE20] =	vst v63  }
0x385: {  	_ =	swait.ge [sflag:s8], $0x3400  }
0x386: {  	[sflag:s8] =	ssyncset.done $0x0  }
0x387: {  	s29 =	simm.s32 $0x700;
	[sflag:s8] =	ssyncadd.s32 $0xFFFFCC00  }
0x388: {  	[tilespmem:s17], [sflag:$0x6] =	stream.indirect.gather [hbm4b:s4+s10], $0x68, s29, s10, $0xb8;
	[tilespmem:$0x1EE20] =	vst v63  }
0x389: {  	_ =	swait.ge [sflag:s18], $0x3400  }
0x38a: {  	[sflag:s18] =	ssyncset.done $0x0  }
0x38b: {  	s30 =	simm.s32 $0x480;
	[sflag:s18] =	ssyncadd.s32 $0xFFFFCC00  }
0x38c: {  	[spmem:s2] =	stream.indirect.scatter.add.f32 [tilespmem:s11], [sflag:$0x7], $0x68, s30, s10, $0xb8;
	[tilespmem:$0x1EE20] =	vst v63  }
0x38d: {  	_ =	swait.ge [sflag:s8], $0x3400  }
0x38e: {  	[sflag:s8] =	ssyncset.done $0x0  }
0x38f: {  	s31 =	simm.s32 $0x800;
	[sflag:s8] =	ssyncadd.s32 $0xFFFFCC00  }
0x390: {  	[tilespmem:s11], [sflag:$0x3] =	stream.indirect.gather [hbm4b:s4+s10], $0x68, s31, s10, $0xb8;
	[tilespmem:$0x1EE20] =	vst v63  }
0x391: {  	_ =	swait.ge [sflag:s20], $0x3400  }
0x392: {  	[sflag:s20] =	ssyncset.done $0x0  }
0x393: {  	s28 =	simm.s32 $0x580;
	[sflag:s20] =	ssyncadd.s32 $0xFFFFCC00  }
0x394: {  	[spmem:s2] =	stream.indirect.scatter.add.f32 [tilespmem:s13], [sflag:$0x7], $0x68, s28, s10, $0xb8;
	[tilespmem:$0x1EE20] =	vst v63  }
0x395: {  	_ =	swait.ge [sflag:s8], $0x3400  }
0x396: {  	[sflag:s8] =	ssyncset.done $0x0  }
0x397: {  	s29 =	simm.s32 $0x900;
	[sflag:s8] =	ssyncadd.s32 $0xFFFFCC00  }
0x398: {  	[tilespmem:s13], [sflag:$0x4] =	stream.indirect.gather [hbm4b:s4+s10], $0x68, s29, s10, $0xb8;
	[tilespmem:$0x1EE20] =	vst v63  }
0x399: {  	_ =	swait.ge [sflag:s23], $0x3400  }
0x39a: {  	[sflag:s23] =	ssyncset.done $0x0  }
0x39b: {  	s30 =	simm.s32 $0x680;
	[sflag:s23] =	ssyncadd.s32 $0xFFFFCC00  }
0x39c: {  	[spmem:s2] =	stream.indirect.scatter.add.f32 [tilespmem:s15], [sflag:$0x7], $0x68, s30, s10, $0xb8;
	[tilespmem:$0x1EE20] =	vst v63  }
0x39d: {  	_ =	swait.ge [sflag:s8], $0x3400  }
0x39e: {  	[sflag:s8] =	ssyncset.done $0x0  }
0x39f: {  	s31 =	simm.s32 $0xA00;
	[sflag:s8] =	ssyncadd.s32 $0xFFFFCC00  }
0x3a0: {  	[tilespmem:s15], [sflag:$0x5] =	stream.indirect.gather [hbm4b:s4+s10], $0x68, s31, s10, $0xb8;
	[tilespmem:$0x1EE20] =	vst v63  }
0x3a1: {  	_ =	swait.ge [sflag:s26], $0x3400  }
0x3a2: {  	[sflag:s26] =	ssyncset.done $0x0  }
0x3a3: {  	s3 =	simm.s32 $0x780;
	[sflag:s26] =	ssyncadd.s32 $0xFFFFCC00  }
0x3a4: {  	[spmem:s2] =	stream.indirect.scatter.add.f32 [tilespmem:s17], [sflag:$0x7], $0x68, s3, s10, $0xb8;
	[tilespmem:$0x1EE20] =	vst v63  }
0x3a5: {  	_ =	swait.ge [sflag:s8], $0x3400  }
0x3a6: {  	[sflag:s8] =	ssyncset.done $0x0  }
0x3a7: {  	s7 =	simm.s32 $0xB00;
	[sflag:s8] =	ssyncadd.s32 $0xFFFFCC00  }
0x3a8: {  	[tilespmem:s17], [sflag:$0x6] =	stream.indirect.gather [hbm4b:s4+s10], $0x68, s7, s10, $0xb8;
	[tilespmem:$0x1EE20] =	vst v63  }
0x3a9: {  	_ =	swait.ge [sflag:s18], $0x3400  }
0x3aa: {  	[sflag:s18] =	ssyncset.done $0x0  }
0x3ab: {  	s9 =	simm.s32 $0x880;
	[sflag:s18] =	ssyncadd.s32 $0xFFFFCC00  }
0x3ac: {  	[spmem:s2] =	stream.indirect.scatter.add.f32 [tilespmem:s11], [sflag:$0x7], $0x68, s9, s10, $0xb8;
	[tilespmem:$0x1EE20] =	vst v63  }
0x3ad: {  	_ =	swait.ge [sflag:s8], $0x3400  }
0x3ae: {  	[sflag:s8] =	ssyncset.done $0x0  }
0x3af: {  	s12 =	simm.s32 $0xC00;
	[sflag:s8] =	ssyncadd.s32 $0xFFFFCC00  }
0x3b0: {  	[tilespmem:s11], [sflag:$0x3] =	stream.indirect.gather [hbm4b:s4+s10], $0x68, s12, s10, $0xb8;
	[tilespmem:$0x1EE20] =	vst v63  }
0x3b1: {  	_ =	swait.ge [sflag:s20], $0x3400  }
0x3b2: {  	[sflag:s20] =	ssyncset.done $0x0  }
0x3b3: {  	s14 =	simm.s32 $0x980;
	[sflag:s20] =	ssyncadd.s32 $0xFFFFCC00  }
0x3b4: {  	[spmem:s2] =	stream.indirect.scatter.add.f32 [tilespmem:s13], [sflag:$0x7], $0x68, s14, s10, $0xb8;
	[tilespmem:$0x1EE20] =	vst v63  }
0x3b5: {  	_ =	swait.ge [sflag:s8], $0x3400  }
0x3b6: {  	[sflag:s8] =	ssyncset.done $0x0  }
0x3b7: {  	s16 =	simm.s32 $0xD00;
	[sflag:s8] =	ssyncadd.s32 $0xFFFFCC00  }
0x3b8: {  	[tilespmem:s13], [sflag:$0x4] =	stream.indirect.gather [hbm4b:s4+s10], $0x68, s16, s10, $0xb8;
	[tilespmem:$0x1EE20] =	vst v63  }
0x3b9: {  	_ =	swait.ge [sflag:s23], $0x3400  }
0x3ba: {  	[sflag:s23] =	ssyncset.done $0x0  }
0x3bb: {  	s19 =	simm.s32 $0xA80;
	[sflag:s23] =	ssyncadd.s32 $0xFFFFCC00  }
0x3bc: {  	[spmem:s2] =	stream.indirect.scatter.add.f32 [tilespmem:s15], [sflag:$0x7], $0x68, s19, s10, $0xb8;
	[tilespmem:$0x1EE20] =	vst v63  }
0x3bd: {  	_ =	swait.ge [sflag:s8], $0x3400  }
0x3be: {  	[sflag:s8] =	ssyncset.done $0x0  }
0x3bf: {  	s22 =	simm.s32 $0xE00;
	[sflag:s8] =	ssyncadd.s32 $0xFFFFCC00  }
0x3c0: {  	[tilespmem:s15], [sflag:$0x5] =	stream.indirect.gather [hbm4b:s4+s10], $0x68, s22, s10, $0xb8;
	[tilespmem:$0x1EE20] =	vst v63  }
0x3c1: {  	_ =	swait.ge [sflag:s26], $0x3400  }
0x3c2: {  	[sflag:s26] =	ssyncset.done $0x0  }
0x3c3: {  	s24 =	simm.s32 $0xB80;
	[sflag:s26] =	ssyncadd.s32 $0xFFFFCC00  }
0x3c4: {  	[spmem:s2] =	stream.indirect.scatter.add.f32 [tilespmem:s17], [sflag:$0x7], $0x68, s24, s10, $0xb8;
	[tilespmem:$0x1EE20] =	vst v63  }
0x3c5: {  	_ =	swait.ge [sflag:s8], $0x3400  }
0x3c6: {  	[sflag:s8] =	ssyncset.done $0x0  }
0x3c7: {  	s25 =	simm.s32 $0xF00;
	[sflag:s8] =	ssyncadd.s32 $0xFFFFCC00  }
0x3c8: {  	[tilespmem:s17], [sflag:$0x6] =	stream.indirect.gather [hbm4b:s4+s10], $0x68, s25, s10, $0xb8;
	[tilespmem:$0x1EE20] =	vst v63  }
0x3c9: {  	_ =	swait.ge [sflag:s18], $0x3400  }
0x3ca: {  	[sflag:s18] =	ssyncset.done $0x0  }
0x3cb: {  	s28 =	simm.s32 $0xC80;
	[sflag:s18] =	ssyncadd.s32 $0xFFFFCC00  }
0x3cc: {  	[spmem:s2] =	stream.indirect.scatter.add.f32 [tilespmem:s11], [sflag:$0x7], $0x68, s28, s10, $0xb8;
	[tilespmem:$0x1EE20] =	vst v63  }
0x3cd: {  	_ =	swait.ge [sflag:s8], $0x3400  }
0x3ce: {  	[sflag:s8] =	ssyncset.done $0x0  }
0x3cf: {  	[sflag:s8] =	ssyncadd.s32 $0xFFFFCC00  }
0x3d0: {  	_ =	swait.ge [sflag:s20], $0x3400  }
0x3d1: {  	[sflag:s20] =	ssyncset.done $0x0  }
0x3d2: {  	s29 =	simm.s32 $0xD80;
	[sflag:s20] =	ssyncadd.s32 $0xFFFFCC00  }
0x3d3: {  	[spmem:s2] =	stream.indirect.scatter.add.f32 [tilespmem:s13], [sflag:$0x7], $0x68, s29, s10, $0xb8;
	[tilespmem:$0x1EE20] =	vst v63  }
0x3d4: {  	_ =	swait.ge [sflag:s8], $0x3400  }
0x3d5: {  	[sflag:s8] =	ssyncset.done $0x0  }
0x3d6: {  	[sflag:s8] =	ssyncadd.s32 $0xFFFFCC00  }
0x3d7: {  	_ =	swait.ge [sflag:s23], $0x3400  }
0x3d8: {  	[sflag:s23] =	ssyncset.done $0x0  }
0x3d9: {  	s30 =	simm.s32 $0xE80;
	[sflag:s23] =	ssyncadd.s32 $0xFFFFCC00  }
0x3da: {  	[spmem:s2] =	stream.indirect.scatter.add.f32 [tilespmem:s15], [sflag:$0x7], $0x68, s30, s10, $0xb8;
	[tilespmem:$0x1EE20] =	vst v63  }
0x3db: {  	_ =	swait.ge [sflag:s8], $0x3400  }
0x3dc: {  	[sflag:s8] =	ssyncset.done $0x0  }
0x3dd: {  	[sflag:s8] =	ssyncadd.s32 $0xFFFFCC00  }
0x3de: {  	_ =	swait.ge [sflag:s26], $0x3400  }
0x3df: {  	[sflag:s26] =	ssyncset.done $0x0  }
0x3e0: {  	s31 =	simm.s32 $0xF80;
	[sflag:s26] =	ssyncadd.s32 $0xFFFFCC00  }
0x3e1: {  	[spmem:s2] =	stream.indirect.scatter.add.f32 [tilespmem:s17], [sflag:$0x7], $0x68, s31, s10, $0xb8;
	[tilespmem:$0x1EE20] =	vst v63  }
0x3e2: {  	_ =	swait.ge [sflag:s8], $0x3400  }
0x3e3: {  	[sflag:s8] =	ssyncset.done $0x0  }
0x3e4: {  	[sflag:s8] =	ssyncadd.s32 $0xFFFFCC00  }
0x3e5: {  	_ =	swait.ge [sflag:s6], $0x1000  }
0x3e6: {  	[sflag:s6] =	ssyncset.done $0x0  }
0x3e7: {  	s3 =	rddreg [dreg:$0xe];
	[sflag:s6] =	ssyncadd.s32 $0xFFFFF000  }
0x3e8: {  	[tilespmem:s1], [sflag:$0x1] =	stream.linear.gather [hbm4b:s3+s1], $0x1000, $0x38;
	[tilespmem:$0x1EE20] =	vst v63  }
0x3e9: {  	_ = 	snop  }
0x3ea: {  	[tilespmem:s11], [sflag:$0x3] =	stream.indirect.gather [hbm4b:s4+s10], $0x68, s0, s10, $0xb8;
	[tilespmem:$0x1EE20] =	vst v63  }
0x3eb: {  	s7 =	simm.s32 $0x1100  }
0x3ec: {  	[tilespmem:s13], [sflag:$0x4] =	stream.indirect.gather [hbm4b:s4+s10], $0x68, s7, s10, $0xb8;
	[tilespmem:$0x1EE20] =	vst v63  }
0x3ed: {  	s9 =	simm.s32 $0x1200  }
0x3ee: {  	[tilespmem:s15], [sflag:$0x5] =	stream.indirect.gather [hbm4b:s4+s10], $0x68, s9, s10, $0xb8;
	[tilespmem:$0x1EE20] =	vst v63  }
0x3ef: {  	s12 =	simm.s32 $0x1300  }
0x3f0: {  	[tilespmem:s17], [sflag:$0x6] =	stream.indirect.gather [hbm4b:s4+s10], $0x68, s12, s10, $0xb8;
	[tilespmem:$0x1EE20] =	vst v63  }
0x3f1: {  	_ =	swait.ge [sflag:s18], $0x3400  }
0x3f2: {  	[sflag:s18] =	ssyncset.done $0x0  }
0x3f3: {  	s14 =	simm.s32 $0x1080;
	[sflag:s18] =	ssyncadd.s32 $0xFFFFCC00  }
0x3f4: {  	[spmem:s2] =	stream.indirect.scatter.add.f32 [tilespmem:s11], [sflag:$0x7], $0x68, s14, s10, $0xb8;
	[tilespmem:$0x1EE20] =	vst v63  }
0x3f5: {  	_ =	swait.ge [sflag:s8], $0x3400  }
0x3f6: {  	[sflag:s8] =	ssyncset.done $0x0  }
0x3f7: {  	s16 =	simm.s32 $0x1400;
	[sflag:s8] =	ssyncadd.s32 $0xFFFFCC00  }
0x3f8: {  	[tilespmem:s11], [sflag:$0x3] =	stream.indirect.gather [hbm4b:s4+s10], $0x68, s16, s10, $0xb8;
	[tilespmem:$0x1EE20] =	vst v63  }
0x3f9: {  	_ =	swait.ge [sflag:s20], $0x3400  }
0x3fa: {  	[sflag:s20] =	ssyncset.done $0x0  }
0x3fb: {  	s19 =	simm.s32 $0x1180;
	[sflag:s20] =	ssyncadd.s32 $0xFFFFCC00  }
0x3fc: {  	[spmem:s2] =	stream.indirect.scatter.add.f32 [tilespmem:s13], [sflag:$0x7], $0x68, s19, s10, $0xb8;
	[tilespmem:$0x1EE20] =	vst v63  }
0x3fd: {  	_ =	swait.ge [sflag:s8], $0x3400  }
0x3fe: {  	[sflag:s8] =	ssyncset.done $0x0  }
0x3ff: {  	s21 =	simm.s32 $0x1500;
	[sflag:s8] =	ssyncadd.s32 $0xFFFFCC00  }
0x400: {  	[tilespmem:s13], [sflag:$0x4] =	stream.indirect.gather [hbm4b:s4+s10], $0x68, s21, s10, $0xb8;
	[tilespmem:$0x1EE20] =	vst v63  }
0x401: {  	_ =	swait.ge [sflag:s23], $0x3400  }
0x402: {  	[sflag:s23] =	ssyncset.done $0x0  }
0x403: {  	s22 =	simm.s32 $0x1280;
	[sflag:s23] =	ssyncadd.s32 $0xFFFFCC00  }
0x404: {  	[spmem:s2] =	stream.indirect.scatter.add.f32 [tilespmem:s15], [sflag:$0x7], $0x68, s22, s10, $0xb8;
	[tilespmem:$0x1EE20] =	vst v63  }
0x405: {  	_ =	swait.ge [sflag:s8], $0x3400  }
0x406: {  	[sflag:s8] =	ssyncset.done $0x0  }
0x407: {  	s24 =	simm.s32 $0x1600;
	[sflag:s8] =	ssyncadd.s32 $0xFFFFCC00  }
0x408: {  	[tilespmem:s15], [sflag:$0x5] =	stream.indirect.gather [hbm4b:s4+s10], $0x68, s24, s10, $0xb8;
	[tilespmem:$0x1EE20] =	vst v63  }
0x409: {  	_ =	swait.ge [sflag:s26], $0x3400  }
0x40a: {  	[sflag:s26] =	ssyncset.done $0x0  }
0x40b: {  	s25 =	simm.s32 $0x1380;
	[sflag:s26] =	ssyncadd.s32 $0xFFFFCC00  }
0x40c: {  	[spmem:s2] =	stream.indirect.scatter.add.f32 [tilespmem:s17], [sflag:$0x7], $0x68, s25, s10, $0xb8;
	[tilespmem:$0x1EE20] =	vst v63  }
0x40d: {  	_ =	swait.ge [sflag:s8], $0x3400  }
0x40e: {  	[sflag:s8] =	ssyncset.done $0x0  }
0x40f: {  	s28 =	simm.s32 $0x1700;
	[sflag:s8] =	ssyncadd.s32 $0xFFFFCC00  }
0x410: {  	[tilespmem:s17], [sflag:$0x6] =	stream.indirect.gather [hbm4b:s4+s10], $0x68, s28, s10, $0xb8;
	[tilespmem:$0x1EE20] =	vst v63  }
0x411: {  	_ =	swait.ge [sflag:s18], $0x3400  }
0x412: {  	[sflag:s18] =	ssyncset.done $0x0  }
0x413: {  	s29 =	simm.s32 $0x1480;
	[sflag:s18] =	ssyncadd.s32 $0xFFFFCC00  }
0x414: {  	[spmem:s2] =	stream.indirect.scatter.add.f32 [tilespmem:s11], [sflag:$0x7], $0x68, s29, s10, $0xb8;
	[tilespmem:$0x1EE20] =	vst v63  }
0x415: {  	_ =	swait.ge [sflag:s8], $0x3400  }
0x416: {  	[sflag:s8] =	ssyncset.done $0x0  }
0x417: {  	s30 =	simm.s32 $0x1800;
	[sflag:s8] =	ssyncadd.s32 $0xFFFFCC00  }
0x418: {  	[tilespmem:s11], [sflag:$0x3] =	stream.indirect.gather [hbm4b:s4+s10], $0x68, s30, s10, $0xb8;
	[tilespmem:$0x1EE20] =	vst v63  }
0x419: {  	_ =	swait.ge [sflag:s20], $0x3400  }
0x41a: {  	[sflag:s20] =	ssyncset.done $0x0  }
0x41b: {  	s31 =	simm.s32 $0x1580;
	[sflag:s20] =	ssyncadd.s32 $0xFFFFCC00  }
0x41c: {  	[spmem:s2] =	stream.indirect.scatter.add.f32 [tilespmem:s13], [sflag:$0x7], $0x68, s31, s10, $0xb8;
	[tilespmem:$0x1EE20] =	vst v63  }
0x41d: {  	_ =	swait.ge [sflag:s8], $0x3400  }
0x41e: {  	[sflag:s8] =	ssyncset.done $0x0  }
0x41f: {  	s21 =	simm.s32 $0x1900;
	[sflag:s8] =	ssyncadd.s32 $0xFFFFCC00  }
0x420: {  	[tilespmem:s13], [sflag:$0x4] =	stream.indirect.gather [hbm4b:s4+s10], $0x68, s21, s10, $0xb8;
	[tilespmem:$0x1EE20] =	vst v63  }
0x421: {  	_ =	swait.ge [sflag:s23], $0x3400  }
0x422: {  	[sflag:s23] =	ssyncset.done $0x0  }
0x423: {  	s21 =	simm.s32 $0x1680;
	[sflag:s23] =	ssyncadd.s32 $0xFFFFCC00  }
0x424: {  	[spmem:s2] =	stream.indirect.scatter.add.f32 [tilespmem:s15], [sflag:$0x7], $0x68, s21, s10, $0xb8;
	[tilespmem:$0x1EE20] =	vst v63  }
0x425: {  	_ =	swait.ge [sflag:s8], $0x3400  }
0x426: {  	[sflag:s8] =	ssyncset.done $0x0  }
0x427: {  	s21 =	simm.s32 $0x1A00;
	[sflag:s8] =	ssyncadd.s32 $0xFFFFCC00  }
0x428: {  	[tilespmem:s15], [sflag:$0x5] =	stream.indirect.gather [hbm4b:s4+s10], $0x68, s21, s10, $0xb8;
	[tilespmem:$0x1EE20] =	vst v63  }
0x429: {  	_ =	swait.ge [sflag:s26], $0x3400  }
0x42a: {  	[sflag:s26] =	ssyncset.done $0x0  }
0x42b: {  	s21 =	simm.s32 $0x1780;
	[sflag:s26] =	ssyncadd.s32 $0xFFFFCC00  }
0x42c: {  	[spmem:s2] =	stream.indirect.scatter.add.f32 [tilespmem:s17], [sflag:$0x7], $0x68, s21, s10, $0xb8;
	[tilespmem:$0x1EE20] =	vst v63  }
0x42d: {  	_ =	swait.ge [sflag:s8], $0x3400  }
0x42e: {  	[sflag:s8] =	ssyncset.done $0x0  }
0x42f: {  	s21 =	simm.s32 $0x1B00;
	[sflag:s8] =	ssyncadd.s32 $0xFFFFCC00  }
0x430: {  	[tilespmem:s17], [sflag:$0x6] =	stream.indirect.gather [hbm4b:s4+s10], $0x68, s21, s10, $0xb8;
	[tilespmem:$0x1EE20] =	vst v63  }
0x431: {  	_ =	swait.ge [sflag:s18], $0x3400  }
0x432: {  	[sflag:s18] =	ssyncset.done $0x0  }
0x433: {  	s21 =	simm.s32 $0x1880;
	[sflag:s18] =	ssyncadd.s32 $0xFFFFCC00  }
0x434: {  	[spmem:s2] =	stream.indirect.scatter.add.f32 [tilespmem:s11], [sflag:$0x7], $0x68, s21, s10, $0xb8;
	[tilespmem:$0x1EE20] =	vst v63  }
0x435: {  	_ =	swait.ge [sflag:s8], $0x3400  }
0x436: {  	[sflag:s8] =	ssyncset.done $0x0  }
0x437: {  	s21 =	simm.s32 $0x1C00;
	[sflag:s8] =	ssyncadd.s32 $0xFFFFCC00  }
0x438: {  	[tilespmem:s11], [sflag:$0x3] =	stream.indirect.gather [hbm4b:s4+s10], $0x68, s21, s10, $0xb8;
	[tilespmem:$0x1EE20] =	vst v63  }
0x439: {  	_ =	swait.ge [sflag:s20], $0x3400  }
0x43a: {  	[sflag:s20] =	ssyncset.done $0x0  }
0x43b: {  	s21 =	simm.s32 $0x1980;
	[sflag:s20] =	ssyncadd.s32 $0xFFFFCC00  }
0x43c: {  	[spmem:s2] =	stream.indirect.scatter.add.f32 [tilespmem:s13], [sflag:$0x7], $0x68, s21, s10, $0xb8;
	[tilespmem:$0x1EE20] =	vst v63  }
0x43d: {  	_ =	swait.ge [sflag:s8], $0x3400  }
0x43e: {  	[sflag:s8] =	ssyncset.done $0x0  }
0x43f: {  	s21 =	simm.s32 $0x1D00;
	[sflag:s8] =	ssyncadd.s32 $0xFFFFCC00  }
0x440: {  	[tilespmem:s13], [sflag:$0x4] =	stream.indirect.gather [hbm4b:s4+s10], $0x68, s21, s10, $0xb8;
	[tilespmem:$0x1EE20] =	vst v63  }
0x441: {  	_ =	swait.ge [sflag:s23], $0x3400  }
0x442: {  	[sflag:s23] =	ssyncset.done $0x0  }
0x443: {  	s21 =	simm.s32 $0x1A80;
	[sflag:s23] =	ssyncadd.s32 $0xFFFFCC00  }
0x444: {  	[spmem:s2] =	stream.indirect.scatter.add.f32 [tilespmem:s15], [sflag:$0x7], $0x68, s21, s10, $0xb8;
	[tilespmem:$0x1EE20] =	vst v63  }
0x445: {  	_ =	swait.ge [sflag:s8], $0x3400  }
0x446: {  	[sflag:s8] =	ssyncset.done $0x0  }
0x447: {  	s21 =	simm.s32 $0x1E00;
	[sflag:s8] =	ssyncadd.s32 $0xFFFFCC00  }
0x448: {  	[tilespmem:s15], [sflag:$0x5] =	stream.indirect.gather [hbm4b:s4+s10], $0x68, s21, s10, $0xb8;
	[tilespmem:$0x1EE20] =	vst v63  }
0x449: {  	_ =	swait.ge [sflag:s26], $0x3400  }
0x44a: {  	[sflag:s26] =	ssyncset.done $0x0  }
0x44b: {  	s21 =	simm.s32 $0x1B80;
	[sflag:s26] =	ssyncadd.s32 $0xFFFFCC00  }
0x44c: {  	[spmem:s2] =	stream.indirect.scatter.add.f32 [tilespmem:s17], [sflag:$0x7], $0x68, s21, s10, $0xb8;
	[tilespmem:$0x1EE20] =	vst v63  }
0x44d: {  	_ =	swait.ge [sflag:s8], $0x3400  }
0x44e: {  	[sflag:s8] =	ssyncset.done $0x0  }
0x44f: {  	s21 =	simm.s32 $0x1F00;
	[sflag:s8] =	ssyncadd.s32 $0xFFFFCC00  }
0x450: {  	[tilespmem:s17], [sflag:$0x6] =	stream.indirect.gather [hbm4b:s4+s10], $0x68, s21, s10, $0xb8;
	[tilespmem:$0x1EE20] =	vst v63  }
0x451: {  	_ =	swait.ge [sflag:s18], $0x3400  }
0x452: {  	[sflag:s18] =	ssyncset.done $0x0  }
0x453: {  	s21 =	simm.s32 $0x1C80;
	[sflag:s18] =	ssyncadd.s32 $0xFFFFCC00  }
0x454: {  	[spmem:s2] =	stream.indirect.scatter.add.f32 [tilespmem:s11], [sflag:$0x7], $0x68, s21, s10, $0xb8;
	[tilespmem:$0x1EE20] =	vst v63  }
0x455: {  	_ =	swait.ge [sflag:s8], $0x3400  }
0x456: {  	[sflag:s8] =	ssyncset.done $0x0  }
0x457: {  	[sflag:s8] =	ssyncadd.s32 $0xFFFFCC00  }
0x458: {  	_ =	swait.ge [sflag:s20], $0x3400  }
0x459: {  	[sflag:s20] =	ssyncset.done $0x0  }
0x45a: {  	s21 =	simm.s32 $0x1D80;
	[sflag:s20] =	ssyncadd.s32 $0xFFFFCC00  }
0x45b: {  	[spmem:s2] =	stream.indirect.scatter.add.f32 [tilespmem:s13], [sflag:$0x7], $0x68, s21, s10, $0xb8;
	[tilespmem:$0x1EE20] =	vst v63  }
0x45c: {  	_ =	swait.ge [sflag:s8], $0x3400  }
0x45d: {  	[sflag:s8] =	ssyncset.done $0x0  }
0x45e: {  	[sflag:s8] =	ssyncadd.s32 $0xFFFFCC00  }
0x45f: {  	_ =	swait.ge [sflag:s23], $0x3400  }
0x460: {  	[sflag:s23] =	ssyncset.done $0x0  }
0x461: {  	s21 =	simm.s32 $0x1E80;
	[sflag:s23] =	ssyncadd.s32 $0xFFFFCC00  }
0x462: {  	[spmem:s2] =	stream.indirect.scatter.add.f32 [tilespmem:s15], [sflag:$0x7], $0x68, s21, s10, $0xb8;
	[tilespmem:$0x1EE20] =	vst v63  }
0x463: {  	_ =	swait.ge [sflag:s8], $0x3400  }
0x464: {  	[sflag:s8] =	ssyncset.done $0x0  }
0x465: {  	[sflag:s8] =	ssyncadd.s32 $0xFFFFCC00  }
0x466: {  	_ =	swait.ge [sflag:s26], $0x3400  }
0x467: {  	[sflag:s26] =	ssyncset.done $0x0  }
0x468: {  	s21 =	simm.s32 $0x1F80;
	[sflag:s26] =	ssyncadd.s32 $0xFFFFCC00  }
0x469: {  	[spmem:s2] =	stream.indirect.scatter.add.f32 [tilespmem:s17], [sflag:$0x7], $0x68, s21, s10, $0xb8;
	[tilespmem:$0x1EE20] =	vst v63  }
0x46a: {  	_ =	swait.ge [sflag:s8], $0x3400  }
0x46b: {  	[sflag:s8] =	ssyncset.done $0x0  }
0x46c: {  	[sflag:s8] =	ssyncadd.s32 $0xFFFFCC00  }
0x46d: {  	_ =	swait.ge [sflag:s5], $0x1000  }
0x46e: {  	[sflag:s5] =	ssyncset.done $0x0  }
0x46f: {  	s21 =	rddreg [dreg:$0xf];
	[sflag:s5] =	ssyncadd.s32 $0xFFFFF000  }
0x470: {  	[tilespmem:s0], [sflag:$0x2] =	stream.linear.gather [hbm4b:s21+s1], $0x1000, $0x38;
	[tilespmem:$0x1EE20] =	vst v63  }
0x471: {  	_ = 	snop  }
0x472: {  	[tilespmem:s11], [sflag:$0x3] =	stream.indirect.gather [hbm4b:s4+s10], $0x68, s1, s10, $0xb8;
	[tilespmem:$0x1EE20] =	vst v63  }
0x473: {  	s21 =	simm.s32 $0x100  }
0x474: {  	[tilespmem:s13], [sflag:$0x4] =	stream.indirect.gather [hbm4b:s4+s10], $0x68, s21, s10, $0xb8;
	[tilespmem:$0x1EE20] =	vst v63  }
0x475: {  	s21 =	simm.s32 $0x200  }
0x476: {  	[tilespmem:s15], [sflag:$0x5] =	stream.indirect.gather [hbm4b:s4+s10], $0x68, s21, s10, $0xb8;
	[tilespmem:$0x1EE20] =	vst v63  }
0x477: {  	s21 =	simm.s32 $0x300  }
0x478: {  	[tilespmem:s17], [sflag:$0x6] =	stream.indirect.gather [hbm4b:s4+s10], $0x68, s21, s10, $0xb8;
	[tilespmem:$0x1EE20] =	vst v63  }
0x479: {  	_ =	swait.ge [sflag:s18], $0x3400  }
0x47a: {  	[sflag:s18] =	ssyncset.done $0x0  }
0x47b: {  	[sflag:s18] =	ssyncadd.s32 $0xFFFFCC00  }
0x47c: {  	[spmem:s2] =	stream.indirect.scatter.add.f32 [tilespmem:s11], [sflag:$0x7], $0x68, s10, s10, $0xb8;
	[tilespmem:$0x1EE20] =	vst v63  }
0x47d: {  	_ =	swait.ge [sflag:s8], $0x3400  }
0x47e: {  	[sflag:s8] =	ssyncset.done $0x0  }
0x47f: {  	s21 =	simm.s32 $0x400;
	[sflag:s8] =	ssyncadd.s32 $0xFFFFCC00  }
0x480: {  	[tilespmem:s11], [sflag:$0x3] =	stream.indirect.gather [hbm4b:s4+s10], $0x68, s21, s10, $0xb8;
	[tilespmem:$0x1EE20] =	vst v63  }
0x481: {  	_ =	swait.ge [sflag:s20], $0x3400  }
0x482: {  	[sflag:s20] =	ssyncset.done $0x0  }
0x483: {  	s21 =	simm.s32 $0x180;
	[sflag:s20] =	ssyncadd.s32 $0xFFFFCC00  }
0x484: {  	[spmem:s2] =	stream.indirect.scatter.add.f32 [tilespmem:s13], [sflag:$0x7], $0x68, s21, s10, $0xb8;
	[tilespmem:$0x1EE20] =	vst v63  }
0x485: {  	_ =	swait.ge [sflag:s8], $0x3400  }
0x486: {  	[sflag:s8] =	ssyncset.done $0x0  }
0x487: {  	s21 =	simm.s32 $0x500;
	[sflag:s8] =	ssyncadd.s32 $0xFFFFCC00  }
0x488: {  	[tilespmem:s13], [sflag:$0x4] =	stream.indirect.gather [hbm4b:s4+s10], $0x68, s21, s10, $0xb8;
	[tilespmem:$0x1EE20] =	vst v63  }
0x489: {  	_ =	swait.ge [sflag:s23], $0x3400  }
0x48a: {  	[sflag:s23] =	ssyncset.done $0x0  }
0x48b: {  	s21 =	simm.s32 $0x280;
	[sflag:s23] =	ssyncadd.s32 $0xFFFFCC00  }
0x48c: {  	[spmem:s2] =	stream.indirect.scatter.add.f32 [tilespmem:s15], [sflag:$0x7], $0x68, s21, s10, $0xb8;
	[tilespmem:$0x1EE20] =	vst v63  }
0x48d: {  	_ =	swait.ge [sflag:s8], $0x3400  }
0x48e: {  	[sflag:s8] =	ssyncset.done $0x0  }
0x48f: {  	s21 =	simm.s32 $0x600;
	[sflag:s8] =	ssyncadd.s32 $0xFFFFCC00  }
0x490: {  	[tilespmem:s15], [sflag:$0x5] =	stream.indirect.gather [hbm4b:s4+s10], $0x68, s21, s10, $0xb8;
	[tilespmem:$0x1EE20] =	vst v63  }
0x491: {  	_ =	swait.ge [sflag:s26], $0x3400  }
0x492: {  	[sflag:s26] =	ssyncset.done $0x0  }
0x493: {  	s21 =	simm.s32 $0x380;
	[sflag:s26] =	ssyncadd.s32 $0xFFFFCC00  }
0x494: {  	[spmem:s2] =	stream.indirect.scatter.add.f32 [tilespmem:s17], [sflag:$0x7], $0x68, s21, s10, $0xb8;
	[tilespmem:$0x1EE20] =	vst v63  }
0x495: {  	_ =	swait.ge [sflag:s8], $0x3400  }
0x496: {  	[sflag:s8] =	ssyncset.done $0x0  }
0x497: {  	s21 =	simm.s32 $0x700;
	[sflag:s8] =	ssyncadd.s32 $0xFFFFCC00  }
0x498: {  	[tilespmem:s17], [sflag:$0x6] =	stream.indirect.gather [hbm4b:s4+s10], $0x68, s21, s10, $0xb8;
	[tilespmem:$0x1EE20] =	vst v63  }
0x499: {  	_ =	swait.ge [sflag:s18], $0x3400  }
0x49a: {  	[sflag:s18] =	ssyncset.done $0x0  }
0x49b: {  	s21 =	simm.s32 $0x480;
	[sflag:s18] =	ssyncadd.s32 $0xFFFFCC00  }
0x49c: {  	[spmem:s2] =	stream.indirect.scatter.add.f32 [tilespmem:s11], [sflag:$0x7], $0x68, s21, s10, $0xb8;
	[tilespmem:$0x1EE20] =	vst v63  }
0x49d: {  	_ =	swait.ge [sflag:s8], $0x3400  }
0x49e: {  	[sflag:s8] =	ssyncset.done $0x0  }
0x49f: {  	s21 =	simm.s32 $0x800;
	[sflag:s8] =	ssyncadd.s32 $0xFFFFCC00  }
0x4a0: {  	[tilespmem:s11], [sflag:$0x3] =	stream.indirect.gather [hbm4b:s4+s10], $0x68, s21, s10, $0xb8;
	[tilespmem:$0x1EE20] =	vst v63  }
0x4a1: {  	_ =	swait.ge [sflag:s20], $0x3400  }
0x4a2: {  	[sflag:s20] =	ssyncset.done $0x0  }
0x4a3: {  	s21 =	simm.s32 $0x580;
	[sflag:s20] =	ssyncadd.s32 $0xFFFFCC00  }
0x4a4: {  	[spmem:s2] =	stream.indirect.scatter.add.f32 [tilespmem:s13], [sflag:$0x7], $0x68, s21, s10, $0xb8;
	[tilespmem:$0x1EE20] =	vst v63  }
0x4a5: {  	_ =	swait.ge [sflag:s8], $0x3400  }
0x4a6: {  	[sflag:s8] =	ssyncset.done $0x0  }
0x4a7: {  	s21 =	simm.s32 $0x900;
	[sflag:s8] =	ssyncadd.s32 $0xFFFFCC00  }
0x4a8: {  	[tilespmem:s13], [sflag:$0x4] =	stream.indirect.gather [hbm4b:s4+s10], $0x68, s21, s10, $0xb8;
	[tilespmem:$0x1EE20] =	vst v63  }
0x4a9: {  	_ =	swait.ge [sflag:s23], $0x3400  }
0x4aa: {  	[sflag:s23] =	ssyncset.done $0x0  }
0x4ab: {  	s21 =	simm.s32 $0x680;
	[sflag:s23] =	ssyncadd.s32 $0xFFFFCC00  }
0x4ac: {  	[spmem:s2] =	stream.indirect.scatter.add.f32 [tilespmem:s15], [sflag:$0x7], $0x68, s21, s10, $0xb8;
	[tilespmem:$0x1EE20] =	vst v63  }
0x4ad: {  	_ =	swait.ge [sflag:s8], $0x3400  }
0x4ae: {  	[sflag:s8] =	ssyncset.done $0x0  }
0x4af: {  	s21 =	simm.s32 $0xA00;
	[sflag:s8] =	ssyncadd.s32 $0xFFFFCC00  }
0x4b0: {  	[tilespmem:s15], [sflag:$0x5] =	stream.indirect.gather [hbm4b:s4+s10], $0x68, s21, s10, $0xb8;
	[tilespmem:$0x1EE20] =	vst v63  }
0x4b1: {  	_ =	swait.ge [sflag:s26], $0x3400  }
0x4b2: {  	[sflag:s26] =	ssyncset.done $0x0  }
0x4b3: {  	s21 =	simm.s32 $0x780;
	[sflag:s26] =	ssyncadd.s32 $0xFFFFCC00  }
0x4b4: {  	[spmem:s2] =	stream.indirect.scatter.add.f32 [tilespmem:s17], [sflag:$0x7], $0x68, s21, s10, $0xb8;
	[tilespmem:$0x1EE20] =	vst v63  }
0x4b5: {  	_ =	swait.ge [sflag:s8], $0x3400  }
0x4b6: {  	[sflag:s8] =	ssyncset.done $0x0  }
0x4b7: {  	s21 =	simm.s32 $0xB00;
	[sflag:s8] =	ssyncadd.s32 $0xFFFFCC00  }
0x4b8: {  	[tilespmem:s17], [sflag:$0x6] =	stream.indirect.gather [hbm4b:s4+s10], $0x68, s21, s10, $0xb8;
	[tilespmem:$0x1EE20] =	vst v63  }
0x4b9: {  	_ =	swait.ge [sflag:s18], $0x3400  }
0x4ba: {  	[sflag:s18] =	ssyncset.done $0x0  }
0x4bb: {  	s21 =	simm.s32 $0x880;
	[sflag:s18] =	ssyncadd.s32 $0xFFFFCC00  }
0x4bc: {  	[spmem:s2] =	stream.indirect.scatter.add.f32 [tilespmem:s11], [sflag:$0x7], $0x68, s21, s10, $0xb8;
	[tilespmem:$0x1EE20] =	vst v63  }
0x4bd: {  	_ =	swait.ge [sflag:s8], $0x3400  }
0x4be: {  	[sflag:s8] =	ssyncset.done $0x0  }
0x4bf: {  	s21 =	simm.s32 $0xC00;
	[sflag:s8] =	ssyncadd.s32 $0xFFFFCC00  }
0x4c0: {  	[tilespmem:s11], [sflag:$0x3] =	stream.indirect.gather [hbm4b:s4+s10], $0x68, s21, s10, $0xb8;
	[tilespmem:$0x1EE20] =	vst v63  }
0x4c1: {  	_ =	swait.ge [sflag:s20], $0x3400  }
0x4c2: {  	[sflag:s20] =	ssyncset.done $0x0  }
0x4c3: {  	s21 =	simm.s32 $0x980;
	[sflag:s20] =	ssyncadd.s32 $0xFFFFCC00  }
0x4c4: {  	[spmem:s2] =	stream.indirect.scatter.add.f32 [tilespmem:s13], [sflag:$0x7], $0x68, s21, s10, $0xb8;
	[tilespmem:$0x1EE20] =	vst v63  }
0x4c5: {  	_ =	swait.ge [sflag:s8], $0x3400  }
0x4c6: {  	[sflag:s8] =	ssyncset.done $0x0  }
0x4c7: {  	s21 =	simm.s32 $0xD00;
	[sflag:s8] =	ssyncadd.s32 $0xFFFFCC00  }
0x4c8: {  	[tilespmem:s13], [sflag:$0x4] =	stream.indirect.gather [hbm4b:s4+s10], $0x68, s21, s10, $0xb8;
	[tilespmem:$0x1EE20] =	vst v63  }
0x4c9: {  	_ =	swait.ge [sflag:s23], $0x3400  }
0x4ca: {  	[sflag:s23] =	ssyncset.done $0x0  }
0x4cb: {  	s21 =	simm.s32 $0xA80;
	[sflag:s23] =	ssyncadd.s32 $0xFFFFCC00  }
0x4cc: {  	[spmem:s2] =	stream.indirect.scatter.add.f32 [tilespmem:s15], [sflag:$0x7], $0x68, s21, s10, $0xb8;
	[tilespmem:$0x1EE20] =	vst v63  }
0x4cd: {  	_ =	swait.ge [sflag:s8], $0x3400  }
0x4ce: {  	[sflag:s8] =	ssyncset.done $0x0  }
0x4cf: {  	s21 =	simm.s32 $0xE00;
	[sflag:s8] =	ssyncadd.s32 $0xFFFFCC00  }
0x4d0: {  	[tilespmem:s15], [sflag:$0x5] =	stream.indirect.gather [hbm4b:s4+s10], $0x68, s21, s10, $0xb8;
	[tilespmem:$0x1EE20] =	vst v63  }
0x4d1: {  	_ =	swait.ge [sflag:s26], $0x3400  }
0x4d2: {  	[sflag:s26] =	ssyncset.done $0x0  }
0x4d3: {  	s21 =	simm.s32 $0xB80;
	[sflag:s26] =	ssyncadd.s32 $0xFFFFCC00  }
0x4d4: {  	[spmem:s2] =	stream.indirect.scatter.add.f32 [tilespmem:s17], [sflag:$0x7], $0x68, s21, s10, $0xb8;
	[tilespmem:$0x1EE20] =	vst v63  }
0x4d5: {  	_ =	swait.ge [sflag:s8], $0x3400  }
0x4d6: {  	[sflag:s8] =	ssyncset.done $0x0  }
0x4d7: {  	s21 =	simm.s32 $0xF00;
	[sflag:s8] =	ssyncadd.s32 $0xFFFFCC00  }
0x4d8: {  	[tilespmem:s17], [sflag:$0x6] =	stream.indirect.gather [hbm4b:s4+s10], $0x68, s21, s10, $0xb8;
	[tilespmem:$0x1EE20] =	vst v63  }
0x4d9: {  	_ =	swait.ge [sflag:s18], $0x3400  }
0x4da: {  	[sflag:s18] =	ssyncset.done $0x0  }
0x4db: {  	s21 =	simm.s32 $0xC80;
	[sflag:s18] =	ssyncadd.s32 $0xFFFFCC00  }
0x4dc: {  	[spmem:s2] =	stream.indirect.scatter.add.f32 [tilespmem:s11], [sflag:$0x7], $0x68, s21, s10, $0xb8;
	[tilespmem:$0x1EE20] =	vst v63  }
0x4dd: {  	_ =	swait.ge [sflag:s8], $0x3400  }
0x4de: {  	[sflag:s8] =	ssyncset.done $0x0  }
0x4df: {  	[sflag:s8] =	ssyncadd.s32 $0xFFFFCC00  }
0x4e0: {  	_ =	swait.ge [sflag:s20], $0x3400  }
0x4e1: {  	[sflag:s20] =	ssyncset.done $0x0  }
0x4e2: {  	s21 =	simm.s32 $0xD80;
	[sflag:s20] =	ssyncadd.s32 $0xFFFFCC00  }
0x4e3: {  	[spmem:s2] =	stream.indirect.scatter.add.f32 [tilespmem:s13], [sflag:$0x7], $0x68, s21, s10, $0xb8;
	[tilespmem:$0x1EE20] =	vst v63  }
0x4e4: {  	_ =	swait.ge [sflag:s8], $0x3400  }
0x4e5: {  	[sflag:s8] =	ssyncset.done $0x0  }
0x4e6: {  	[sflag:s8] =	ssyncadd.s32 $0xFFFFCC00  }
0x4e7: {  	_ =	swait.ge [sflag:s23], $0x3400  }
0x4e8: {  	[sflag:s23] =	ssyncset.done $0x0  }
0x4e9: {  	s21 =	simm.s32 $0xE80;
	[sflag:s23] =	ssyncadd.s32 $0xFFFFCC00  }
0x4ea: {  	[spmem:s2] =	stream.indirect.scatter.add.f32 [tilespmem:s15], [sflag:$0x7], $0x68, s21, s10, $0xb8;
	[tilespmem:$0x1EE20] =	vst v63  }
0x4eb: {  	_ =	swait.ge [sflag:s8], $0x3400  }
0x4ec: {  	[sflag:s8] =	ssyncset.done $0x0  }
0x4ed: {  	[sflag:s8] =	ssyncadd.s32 $0xFFFFCC00  }
0x4ee: {  	_ =	swait.ge [sflag:s26], $0x3400  }
0x4ef: {  	[sflag:s26] =	ssyncset.done $0x0  }
0x4f0: {  	s21 =	simm.s32 $0xF80;
	[sflag:s26] =	ssyncadd.s32 $0xFFFFCC00  }
0x4f1: {  	[spmem:s2] =	stream.indirect.scatter.add.f32 [tilespmem:s17], [sflag:$0x7], $0x68, s21, s10, $0xb8;
	[tilespmem:$0x1EE20] =	vst v63  }
0x4f2: {  	_ =	swait.ge [sflag:s8], $0x3400  }
0x4f3: {  	[sflag:s8] =	ssyncset.done $0x0  }
0x4f4: {  	[sflag:s8] =	ssyncadd.s32 $0xFFFFCC00  }
0x4f5: {  	_ =	swait.ge [sflag:s6], $0x1000  }
0x4f6: {  	[sflag:s6] =	ssyncset.done $0x0  }
0x4f7: {  	[sflag:s6] =	ssyncadd.s32 $0xFFFFF000  }
0x4f8: {  	[tilespmem:s11], [sflag:$0x3] =	stream.indirect.gather [hbm4b:s4+s10], $0x68, s0, s10, $0xb8;
	[tilespmem:$0x1EE20] =	vst v63  }
0x4f9: {  	s3 =	simm.s32 $0x1100  }
0x4fa: {  	[tilespmem:s13], [sflag:$0x4] =	stream.indirect.gather [hbm4b:s4+s10], $0x68, s3, s10, $0xb8;
	[tilespmem:$0x1EE20] =	vst v63  }
0x4fb: {  	s7 =	simm.s32 $0x1200  }
0x4fc: {  	[tilespmem:s15], [sflag:$0x5] =	stream.indirect.gather [hbm4b:s4+s10], $0x68, s7, s10, $0xb8;
	[tilespmem:$0x1EE20] =	vst v63  }
0x4fd: {  	s9 =	simm.s32 $0x1300  }
0x4fe: {  	[tilespmem:s17], [sflag:$0x6] =	stream.indirect.gather [hbm4b:s4+s10], $0x68, s9, s10, $0xb8;
	[tilespmem:$0x1EE20] =	vst v63  }
0x4ff: {  	_ =	swait.ge [sflag:s18], $0x3400  }
0x500: {  	[sflag:s18] =	ssyncset.done $0x0  }
0x501: {  	s12 =	simm.s32 $0x1080;
	[sflag:s18] =	ssyncadd.s32 $0xFFFFCC00  }
0x502: {  	[spmem:s2] =	stream.indirect.scatter.add.f32 [tilespmem:s11], [sflag:$0x7], $0x68, s12, s10, $0xb8;
	[tilespmem:$0x1EE20] =	vst v63  }
0x503: {  	_ =	swait.ge [sflag:s8], $0x3400  }
0x504: {  	[sflag:s8] =	ssyncset.done $0x0  }
0x505: {  	s14 =	simm.s32 $0x1400;
	[sflag:s8] =	ssyncadd.s32 $0xFFFFCC00  }
0x506: {  	[tilespmem:s11], [sflag:$0x3] =	stream.indirect.gather [hbm4b:s4+s10], $0x68, s14, s10, $0xb8;
	[tilespmem:$0x1EE20] =	vst v63  }
0x507: {  	_ =	swait.ge [sflag:s20], $0x3400  }
0x508: {  	[sflag:s20] =	ssyncset.done $0x0  }
0x509: {  	s16 =	simm.s32 $0x1180;
	[sflag:s20] =	ssyncadd.s32 $0xFFFFCC00  }
0x50a: {  	[spmem:s2] =	stream.indirect.scatter.add.f32 [tilespmem:s13], [sflag:$0x7], $0x68, s16, s10, $0xb8;
	[tilespmem:$0x1EE20] =	vst v63  }
0x50b: {  	_ =	swait.ge [sflag:s8], $0x3400  }
0x50c: {  	[sflag:s8] =	ssyncset.done $0x0  }
0x50d: {  	s19 =	simm.s32 $0x1500;
	[sflag:s8] =	ssyncadd.s32 $0xFFFFCC00  }
0x50e: {  	[tilespmem:s13], [sflag:$0x4] =	stream.indirect.gather [hbm4b:s4+s10], $0x68, s19, s10, $0xb8;
	[tilespmem:$0x1EE20] =	vst v63  }
0x50f: {  	_ =	swait.ge [sflag:s23], $0x3400  }
0x510: {  	[sflag:s23] =	ssyncset.done $0x0  }
0x511: {  	s22 =	simm.s32 $0x1280;
	[sflag:s23] =	ssyncadd.s32 $0xFFFFCC00  }
0x512: {  	[spmem:s2] =	stream.indirect.scatter.add.f32 [tilespmem:s15], [sflag:$0x7], $0x68, s22, s10, $0xb8;
	[tilespmem:$0x1EE20] =	vst v63  }
0x513: {  	_ =	swait.ge [sflag:s8], $0x3400  }
0x514: {  	[sflag:s8] =	ssyncset.done $0x0  }
0x515: {  	s24 =	simm.s32 $0x1600;
	[sflag:s8] =	ssyncadd.s32 $0xFFFFCC00  }
0x516: {  	[tilespmem:s15], [sflag:$0x5] =	stream.indirect.gather [hbm4b:s4+s10], $0x68, s24, s10, $0xb8;
	[tilespmem:$0x1EE20] =	vst v63  }
0x517: {  	_ =	swait.ge [sflag:s26], $0x3400  }
0x518: {  	[sflag:s26] =	ssyncset.done $0x0  }
0x519: {  	s25 =	simm.s32 $0x1380;
	[sflag:s26] =	ssyncadd.s32 $0xFFFFCC00  }
0x51a: {  	[spmem:s2] =	stream.indirect.scatter.add.f32 [tilespmem:s17], [sflag:$0x7], $0x68, s25, s10, $0xb8;
	[tilespmem:$0x1EE20] =	vst v63  }
0x51b: {  	_ =	swait.ge [sflag:s8], $0x3400  }
0x51c: {  	[sflag:s8] =	ssyncset.done $0x0  }
0x51d: {  	s28 =	simm.s32 $0x1700;
	[sflag:s8] =	ssyncadd.s32 $0xFFFFCC00  }
0x51e: {  	[tilespmem:s17], [sflag:$0x6] =	stream.indirect.gather [hbm4b:s4+s10], $0x68, s28, s10, $0xb8;
	[tilespmem:$0x1EE20] =	vst v63  }
0x51f: {  	_ =	swait.ge [sflag:s18], $0x3400  }
0x520: {  	[sflag:s18] =	ssyncset.done $0x0  }
0x521: {  	s29 =	simm.s32 $0x1480;
	[sflag:s18] =	ssyncadd.s32 $0xFFFFCC00  }
0x522: {  	[spmem:s2] =	stream.indirect.scatter.add.f32 [tilespmem:s11], [sflag:$0x7], $0x68, s29, s10, $0xb8;
	[tilespmem:$0x1EE20] =	vst v63  }
0x523: {  	_ =	swait.ge [sflag:s8], $0x3400  }
0x524: {  	[sflag:s8] =	ssyncset.done $0x0  }
0x525: {  	s30 =	simm.s32 $0x1800;
	[sflag:s8] =	ssyncadd.s32 $0xFFFFCC00  }
0x526: {  	[tilespmem:s11], [sflag:$0x3] =	stream.indirect.gather [hbm4b:s4+s10], $0x68, s30, s10, $0xb8;
	[tilespmem:$0x1EE20] =	vst v63  }
0x527: {  	_ =	swait.ge [sflag:s20], $0x3400  }
0x528: {  	[sflag:s20] =	ssyncset.done $0x0  }
0x529: {  	s31 =	simm.s32 $0x1580;
	[sflag:s20] =	ssyncadd.s32 $0xFFFFCC00  }
0x52a: {  	[spmem:s2] =	stream.indirect.scatter.add.f32 [tilespmem:s13], [sflag:$0x7], $0x68, s31, s10, $0xb8;
	[tilespmem:$0x1EE20] =	vst v63  }
0x52b: {  	_ =	swait.ge [sflag:s8], $0x3400  }
0x52c: {  	[sflag:s8] =	ssyncset.done $0x0  }
0x52d: {  	s31 =	simm.s32 $0x1900;
	[sflag:s8] =	ssyncadd.s32 $0xFFFFCC00  }
0x52e: {  	[tilespmem:s13], [sflag:$0x4] =	stream.indirect.gather [hbm4b:s4+s10], $0x68, s31, s10, $0xb8;
	[tilespmem:$0x1EE20] =	vst v63  }
0x52f: {  	_ =	swait.ge [sflag:s23], $0x3400  }
0x530: {  	[sflag:s23] =	ssyncset.done $0x0  }
0x531: {  	s1 =	simm.s32 $0x1680;
	[sflag:s23] =	ssyncadd.s32 $0xFFFFCC00  }
0x532: {  	[spmem:s2] =	stream.indirect.scatter.add.f32 [tilespmem:s15], [sflag:$0x7], $0x68, s1, s10, $0xb8;
	[tilespmem:$0x1EE20] =	vst v63  }
0x533: {  	_ =	swait.ge [sflag:s8], $0x3400  }
0x534: {  	[sflag:s8] =	ssyncset.done $0x0  }
0x535: {  	s3 =	simm.s32 $0x1A00;
	[sflag:s8] =	ssyncadd.s32 $0xFFFFCC00  }
0x536: {  	[tilespmem:s15], [sflag:$0x5] =	stream.indirect.gather [hbm4b:s4+s10], $0x68, s3, s10, $0xb8;
	[tilespmem:$0x1EE20] =	vst v63  }
0x537: {  	_ =	swait.ge [sflag:s26], $0x3400  }
0x538: {  	[sflag:s26] =	ssyncset.done $0x0  }
0x539: {  	s7 =	simm.s32 $0x1780;
	[sflag:s26] =	ssyncadd.s32 $0xFFFFCC00  }
0x53a: {  	[spmem:s2] =	stream.indirect.scatter.add.f32 [tilespmem:s17], [sflag:$0x7], $0x68, s7, s10, $0xb8;
	[tilespmem:$0x1EE20] =	vst v63  }
0x53b: {  	_ =	swait.ge [sflag:s8], $0x3400  }
0x53c: {  	[sflag:s8] =	ssyncset.done $0x0  }
0x53d: {  	s9 =	simm.s32 $0x1B00;
	[sflag:s8] =	ssyncadd.s32 $0xFFFFCC00  }
0x53e: {  	[tilespmem:s17], [sflag:$0x6] =	stream.indirect.gather [hbm4b:s4+s10], $0x68, s9, s10, $0xb8;
	[tilespmem:$0x1EE20] =	vst v63  }
0x53f: {  	_ =	swait.ge [sflag:s18], $0x3400  }
0x540: {  	[sflag:s18] =	ssyncset.done $0x0  }
0x541: {  	s12 =	simm.s32 $0x1880;
	[sflag:s18] =	ssyncadd.s32 $0xFFFFCC00  }
0x542: {  	[spmem:s2] =	stream.indirect.scatter.add.f32 [tilespmem:s11], [sflag:$0x7], $0x68, s12, s10, $0xb8;
	[tilespmem:$0x1EE20] =	vst v63  }
0x543: {  	_ =	swait.ge [sflag:s8], $0x3400  }
0x544: {  	[sflag:s8] =	ssyncset.done $0x0  }
0x545: {  	s14 =	simm.s32 $0x1C00;
	[sflag:s8] =	ssyncadd.s32 $0xFFFFCC00  }
0x546: {  	[tilespmem:s11], [sflag:$0x3] =	stream.indirect.gather [hbm4b:s4+s10], $0x68, s14, s10, $0xb8;
	[tilespmem:$0x1EE20] =	vst v63  }
0x547: {  	_ =	swait.ge [sflag:s20], $0x3400  }
0x548: {  	[sflag:s20] =	ssyncset.done $0x0  }
0x549: {  	s16 =	simm.s32 $0x1980;
	[sflag:s20] =	ssyncadd.s32 $0xFFFFCC00  }
0x54a: {  	[spmem:s2] =	stream.indirect.scatter.add.f32 [tilespmem:s13], [sflag:$0x7], $0x68, s16, s10, $0xb8;
	[tilespmem:$0x1EE20] =	vst v63  }
0x54b: {  	_ =	swait.ge [sflag:s8], $0x3400  }
0x54c: {  	[sflag:s8] =	ssyncset.done $0x0  }
0x54d: {  	s19 =	simm.s32 $0x1D00;
	[sflag:s8] =	ssyncadd.s32 $0xFFFFCC00  }
0x54e: {  	[tilespmem:s13], [sflag:$0x4] =	stream.indirect.gather [hbm4b:s4+s10], $0x68, s19, s10, $0xb8;
	[tilespmem:$0x1EE20] =	vst v63  }
0x54f: {  	_ =	swait.ge [sflag:s23], $0x3400  }
0x550: {  	[sflag:s23] =	ssyncset.done $0x0  }
0x551: {  	s21 =	simm.s32 $0x1A80;
	[sflag:s23] =	ssyncadd.s32 $0xFFFFCC00  }
0x552: {  	[spmem:s2] =	stream.indirect.scatter.add.f32 [tilespmem:s15], [sflag:$0x7], $0x68, s21, s10, $0xb8;
	[tilespmem:$0x1EE20] =	vst v63  }
0x553: {  	_ =	swait.ge [sflag:s8], $0x3400  }
0x554: {  	[sflag:s8] =	ssyncset.done $0x0  }
0x555: {  	s22 =	simm.s32 $0x1E00;
	[sflag:s8] =	ssyncadd.s32 $0xFFFFCC00  }
0x556: {  	[tilespmem:s15], [sflag:$0x5] =	stream.indirect.gather [hbm4b:s4+s10], $0x68, s22, s10, $0xb8;
	[tilespmem:$0x1EE20] =	vst v63  }
0x557: {  	_ =	swait.ge [sflag:s26], $0x3400  }
0x558: {  	[sflag:s26] =	ssyncset.done $0x0  }
0x559: {  	s24 =	simm.s32 $0x1B80;
	[sflag:s26] =	ssyncadd.s32 $0xFFFFCC00  }
0x55a: {  	[spmem:s2] =	stream.indirect.scatter.add.f32 [tilespmem:s17], [sflag:$0x7], $0x68, s24, s10, $0xb8;
	[tilespmem:$0x1EE20] =	vst v63  }
0x55b: {  	_ =	swait.ge [sflag:s8], $0x3400  }
0x55c: {  	[sflag:s8] =	ssyncset.done $0x0  }
0x55d: {  	s25 =	simm.s32 $0x1F00;
	[sflag:s8] =	ssyncadd.s32 $0xFFFFCC00  }
0x55e: {  	[tilespmem:s17], [sflag:$0x6] =	stream.indirect.gather [hbm4b:s4+s10], $0x68, s25, s10, $0xb8;
	[tilespmem:$0x1EE20] =	vst v63  }
0x55f: {  	_ =	swait.ge [sflag:s18], $0x3400  }
0x560: {  	[sflag:s18] =	ssyncset.done $0x0  }
0x561: {  	s28 =	simm.s32 $0x1C80;
	[sflag:s18] =	ssyncadd.s32 $0xFFFFCC00  }
0x562: {  	[spmem:s2] =	stream.indirect.scatter.add.f32 [tilespmem:s11], [sflag:$0x7], $0x68, s28, s10, $0xb8;
	[tilespmem:$0x1EE20] =	vst v63  }
0x563: {  	_ =	swait.ge [sflag:s8], $0x3400  }
0x564: {  	[sflag:s8] =	ssyncset.done $0x0  }
0x565: {  	[sflag:s8] =	ssyncadd.s32 $0xFFFFCC00  }
0x566: {  	_ =	swait.ge [sflag:s20], $0x3400  }
0x567: {  	[sflag:s20] =	ssyncset.done $0x0  }
0x568: {  	s29 =	simm.s32 $0x1D80;
	[sflag:s20] =	ssyncadd.s32 $0xFFFFCC00  }
0x569: {  	[spmem:s2] =	stream.indirect.scatter.add.f32 [tilespmem:s13], [sflag:$0x7], $0x68, s29, s10, $0xb8;
	[tilespmem:$0x1EE20] =	vst v63  }
0x56a: {  	_ =	swait.ge [sflag:s8], $0x3400  }
0x56b: {  	[sflag:s8] =	ssyncset.done $0x0  }
0x56c: {  	[sflag:s8] =	ssyncadd.s32 $0xFFFFCC00  }
0x56d: {  	_ =	swait.ge [sflag:s23], $0x3400  }
0x56e: {  	[sflag:s23] =	ssyncset.done $0x0  }
0x56f: {  	s30 =	simm.s32 $0x1E80;
	[sflag:s23] =	ssyncadd.s32 $0xFFFFCC00  }
0x570: {  	[spmem:s2] =	stream.indirect.scatter.add.f32 [tilespmem:s15], [sflag:$0x7], $0x68, s30, s10, $0xb8;
	[tilespmem:$0x1EE20] =	vst v63  }
0x571: {  	_ =	swait.ge [sflag:s8], $0x3400  }
0x572: {  	[sflag:s8] =	ssyncset.done $0x0  }
0x573: {  	[sflag:s8] =	ssyncadd.s32 $0xFFFFCC00  }
0x574: {  	_ =	swait.ge [sflag:s26], $0x3400  }
0x575: {  	[sflag:s26] =	ssyncset.done $0x0  }
0x576: {  	s31 =	simm.s32 $0x1F80;
	[sflag:s26] =	ssyncadd.s32 $0xFFFFCC00  }
0x577: {  	[spmem:s2] =	stream.indirect.scatter.add.f32 [tilespmem:s17], [sflag:$0x7], $0x68, s31, s10, $0xb8;
	[tilespmem:$0x1EE20] =	vst v63  }
0x578: {  	_ =	swait.ge [sflag:s8], $0x3400  }
0x579: {  	[sflag:s8] =	ssyncset.done $0x0  }
0x57a: {  	[sflag:s8] =	ssyncadd.s32 $0xFFFFCC00  }
0x57b: {  	[bflag:$0x0] =	sbarrier.arrive $0xFFFF  }
0x57c: {  	s21 =	rddreg [dreg:$0x11]  }
0x57d: {  	s1 =	simm.s32 @p0 $0x1FC7;
	s0 =	rddreg [dreg:$0x12]  }
0x57e: {  	[hbm:s21], [sflag:s1] =	dma.local @p0 [spmem:s0], $0x1AD0  }
0x57f: {  	s0 =	simm.s32 @p0 $0x7  }
0x580: {  	_ =	swait.ge @p0 [sflag:s0], $0x1AD0  }
0x581: {  	s21 =	rddreg [dreg:$0x10]  }
0x582: {  	[sflag:s0] =	ssyncset.done @p0 $0x0;
	s1 =	rddreg [dreg:$0x14]  }
0x583: {  	[sflag:s0] =	ssyncadd.s32 @p0 $0xFFFFE530;
	s0 =	rddreg [dreg:$0x13]  }
0x584: {  	[hbm:s21], [sflag:s0] =	dma.local @!p0 [spmem:s1], $0x2018  }
0x585: {  	s1 =	rddreg [dreg:$0x15]  }
0x586: {  	s1 =	sadd.s32 $0xFFFFFFFF, s1  }
0x587: {  	p1 =	sne.s32 s1, $0x0  }
.Ltmp0:
0x588: {  	_ = 	snop;
	(pc) =	sbr.rel @p1 .LBB2_1-.Ltmp0, $4  }
0x589: {  	s0 =	simm.s32 @!p0 $0x7  }
0x58a: {  	_ =	swait.ge @!p0 [sflag:s0], $0x2018  }
0x58b: {  	[sflag:s0] =	ssyncset.done @!p0 $0x0;
	s0 =	simm.s32 @!p0 $0x7  }
0x58c: {  	[sflag:s0] =	ssyncadd.s32 @!p0 $0xFFFFDFE8  }
0x58d: {  	_ =	sfence.sel $0x180000  }
0x58e: {  	[bflag:$0x0] =	sbarrier.arrive $0xFFFF  }
0x58f: {  	_ =	strace $0x90000047  }
0x590: {  	s0 =	stileid.u32;
	[bflag:$0x2] =	sbarrier.arrive $0xFFFF  }
0x591: {  	p0 =	sne.s32 s0, $0x0;
	s0 =	rddreg [dreg:$0x2]  }
0x592: {  	s0 =	sadd.s32 @!p0 $0x100000, s0  }
0x593: {  	[sflag:s0] =	ssyncadd.tile.s32 @!p0 $0x1;
	_ =	shalt  }
.Lfunc_end2:
_tile_overlayer_lowered:
.L_overlay_start_2:
0x594: {  	(tag) =	ssettag $0x2  }
0x595: {  	s0 =	rddreg [dreg:$0x0];
	s2 =	stileid.u32  }
0x596: {  	s1 =	rddreg [dreg:$0x1];
	p0 =	sne.s32 s2, $0x0  }
0x597: {  	s3 =	rddreg [dreg:$0x2];
	[bflag:$0x3] =	sbarrier.arrive $0xFFFF;
	s2 =	simm.s32 @!p0 $0x1C07  }
0x598: {  	[timem:s3], [sflag:s2] =	dma.local @!p0 [hbm:s0], s1  }
0x599: {  	s0 =	simm.s32 @!p0 $0x7  }
0x59a: {  	_ =	swait.ge @!p0 [sflag:s0], s1  }
0x59b: {  	s1 =	ssub.s32 @!p0 $0x0, s1;
	[sflag:s0] =	ssyncset.done @!p0 $0x0  }
0x59c: {  	[sflag:s0] =	ssyncadd.s32 @!p0 s1  }
0x59d: {  	[bflag:$0x3] =	sbarrier.arrive $0xFFFF  }
0x59e: {  	_ =	shalt  }

</sc_bundles>
